<compile_context>
chip_gen: v7x
topology: tpu7x:2x2x1
jax: 0.10.2.dev20260603
libtpu: 0.0.44.dev20260713+nightly
codegen_flags: <defaults>
</compile_context>

<pallas_src>
import functools
import math

import jax
import jax.numpy as jnp
from jax import lax
from jax.experimental import pallas as pl
from jax.experimental.pallas import tpu as pltpu
from jax.experimental.pallas import tpu_sc as plsc

VOCAB = 1000000
MAX_POS = 512
HIDDEN = 64
BATCH = 4096
SEQ = 50

NC = 2
NS = 16
NW = NC * NS
LANES = 16

TOTAL_ROWS = BATCH * SEQ
ROWS_PER_W = TOTAL_ROWS // NW
SEQS_PER_CHUNK = 16
CHUNK = SEQS_PER_CHUNK * SEQ
NCHUNK = ROWS_PER_W // CHUNK
VPR = HIDDEN // LANES
SEQ_PAD = 56


def _emb_kernel(ids_hbm, table_hbm, pos_hbm, out_hbm,
                idx_v, rows_v, pos_v, sem):
    wid = lax.axis_index("s") * NC + lax.axis_index("c")
    wbase = wid * ROWS_PER_W

    pltpu.sync_copy(pos_hbm.at[pl.ds(0, SEQ_PAD)], pos_v)
    scale = jnp.float32(1.0 / math.sqrt(HIDDEN))

    def _scale_row(r, _):
        for q in range(VPR):
            pos_v[r, pl.ds(q * LANES, LANES)] = (
                pos_v[r, pl.ds(q * LANES, LANES)] * scale)
        return 0

    lax.fori_loop(0, SEQ, _scale_row, 0)

    def _chunk(c, _):
        base = wbase + c * CHUNK
        pltpu.sync_copy(ids_hbm.at[pl.ds(base, CHUNK)], idx_v)
        pltpu.async_copy(table_hbm.at[idx_v], rows_v, sem).wait()

        def _seq(s, _):
            row0 = s * SEQ
            for r in range(SEQ):
                for q in range(VPR):
                    sl = pl.ds(q * LANES, LANES)
                    rows_v[row0 + r, sl] = rows_v[row0 + r, sl] + pos_v[r, sl]
            return 0

        lax.fori_loop(0, SEQS_PER_CHUNK, _seq, 0)
        pltpu.sync_copy(rows_v, out_hbm.at[pl.ds(base, CHUNK)])
        return 0

    lax.fori_loop(0, NCHUNK, _chunk, 0)


@jax.jit
def _emb(ids_flat, ids_table, pos_table):
    mesh = plsc.VectorSubcoreMesh(core_axis_name="c", subcore_axis_name="s")
    f = pl.kernel(
        _emb_kernel,
        out_type=jax.ShapeDtypeStruct((TOTAL_ROWS, HIDDEN), jnp.float32),
        mesh=mesh,
        scratch_types=[
            pltpu.VMEM((CHUNK,), jnp.int32),
            pltpu.VMEM((CHUNK, HIDDEN), jnp.float32),
            pltpu.VMEM((SEQ_PAD, HIDDEN), jnp.float32),
            pltpu.SemaphoreType.DMA,
        ],
        compiler_params=pltpu.CompilerParams(use_tc_tiling_on_sc=False),
    )
    return f(ids_flat, ids_table, pos_table)


def kernel(input_ids, ids_table, pos_table):
    ids_flat = input_ids.reshape(-1)
    out = _emb(ids_flat, ids_table, pos_table)
    return out.reshape(BATCH, SEQ, HIDDEN)

# --- scband reference (transcript-rebuilt; emitter-appended) ---
"""Pipeline reference for scband-embeddings-48627619725321 (READ-ONLY COPY).

The authoritative reference and input builder live on the scoring server;
editing this copy changes nothing except your own understanding.
"""

import math
import jax, jax.numpy as jnp
import numpy as np

VOCAB = 1000000
MAX_POS = 512
HIDDEN = 64
PAD_ID = 0
BATCH = 4096
SEQ = 50


def setup_inputs(seed: int = 0) -> dict:
    key = jax.random.key(seed)
    k1, k2, k3 = jax.random.split(key, 3)
    input_ids = jax.random.randint(k1, (BATCH, SEQ), 0, VOCAB, dtype=jnp.int32)
    ids_table = jax.random.normal(k2, (VOCAB, HIDDEN), dtype=jnp.float32)
    # nn.Embedding zero-initializes the padding_idx row
    ids_table = ids_table.at[PAD_ID].set(0.0)
    pos_table = jax.random.normal(k3, (MAX_POS, HIDDEN), dtype=jnp.float32)
    return {"input_ids": input_ids, "ids_table": ids_table, "pos_table": pos_table}


def reference(input_ids, ids_table, pos_table):
    scaling = math.sqrt(HIDDEN)
    # embedding lookup with padding_idx semantics (pad row is zero)
    ids_emb = jnp.take(ids_table, input_ids, axis=0)
    ids_emb = ids_emb * (input_ids != PAD_ID)[..., None].astype(ids_table.dtype)
    pos_idx = jnp.arange(input_ids.shape[-1])[None, :]
    pos_emb = jnp.take(pos_table, pos_idx, axis=0) / scaling
    return ids_emb + pos_emb

if __name__ == "__main__":
    import jax
    _d = setup_inputs()
    print(jax.jit(kernel)(*tuple(_d.values())))

</pallas_src>

<mosaic_0001>
#map = affine_map<(d0, d1) -> (0)>
#map1 = affine_map<(d0, d1) -> (0, 0)>
module attributes {stable_mosaic.version = 14 : i64} {
  func.func @_emb_kernel(%arg0: i32, %arg1: i32, %arg2: memref<204800xi32, #tpu.memory_space<hbm>>, %arg3: memref<1000000x64xf32, #tpu.memory_space<hbm>>, %arg4: memref<512x64xf32, #tpu.memory_space<hbm>>, %arg5: memref<204800x64xf32, #tpu.memory_space<hbm>>, %arg6: memref<800xi32, #tpu.memory_space<vmem>>, %arg7: memref<800x64xf32, #tpu.memory_space<vmem>>, %arg8: memref<56x64xf32, #tpu.memory_space<vmem>>, %arg9: memref<!tpu.dma_semaphore, #tpu.memory_space<semaphore_mem>>) attributes {dimension_semantics = [#tpu.dimension_semantics<core_parallel>, #tpu.dimension_semantics<subcore_parallel>], iteration_bounds = array<i64: 2, 16>, scalar_prefetch = 0 : i64, scratch_operands = 4 : i64, tpu.core_type = #tpu.core_type<sc_vector_subcore>, window_params = [{transform_indices = #map}, {transform_indices = #map1}, {transform_indices = #map1}, {transform_indices = #map1}]} {
    %mul3A = arith.constant 2 : i32
    %mul3A_0 = arith.muli %arg1, %mul3A : i32
    %add3A = arith.addi %mul3A_0, %arg0 : i32
    %mul3A_1 = arith.constant 6400 : i32
    %mul3A_2 = arith.muli %add3A, %mul3A_1 : i32
    "tpu.region"() ({
      %run_scoped3A = tpu.sem_alloc : memref<!tpu.dma_semaphore, #tpu.memory_space<semaphore_mem>>
      %dma_start3A = arith.constant 0 : i32
      %dma_start3A_17 = arith.constant 0 : i32
      %dma_start3A_18 = tpu.memref_slice %arg4[%dma_start3A, %dma_start3A_17] : memref<512x64xf32, #tpu.memory_space<hbm>> -> memref<56x64xf32, #tpu.memory_space<hbm>>
      %dma_start3A_19 = arith.constant 0 : i32
      %dma_start3A_20 = arith.constant 0 : i32
      %dma_start3A_21 = tpu.memref_slice %arg4[%dma_start3A_19, %dma_start3A_20] : memref<512x64xf32, #tpu.memory_space<hbm>> -> memref<56x64xf32, #tpu.memory_space<hbm>>
      tpu.enqueue_dma source(%dma_start3A_21 : memref<56x64xf32, #tpu.memory_space<hbm>>) target(%arg8 : memref<56x64xf32, #tpu.memory_space<vmem>>) target_semaphore(%run_scoped3A : memref<!tpu.dma_semaphore, #tpu.memory_space<semaphore_mem>>)
      %dma_wait3A = arith.constant 0 : i32
      %dma_wait3A_22 = arith.constant 0 : i32
      %dma_wait3A_23 = tpu.memref_slice %arg4[%dma_wait3A, %dma_wait3A_22] : memref<512x64xf32, #tpu.memory_space<hbm>> -> memref<56x64xf32, #tpu.memory_space<hbm>>
      %dma_wait3A_24 = arith.constant 0 : i32
      %dma_wait3A_25 = arith.constant 0 : i32
      %dma_wait3A_26 = tpu.memref_slice %arg4[%dma_wait3A_24, %dma_wait3A_25] : memref<512x64xf32, #tpu.memory_space<hbm>> -> memref<56x64xf32, #tpu.memory_space<hbm>>
      tpu.wait_dma2 semaphore(%run_scoped3A : memref<!tpu.dma_semaphore, #tpu.memory_space<semaphore_mem>>) src(%dma_wait3A_26 : memref<56x64xf32, #tpu.memory_space<hbm>>) dst(%arg8 : memref<56x64xf32, #tpu.memory_space<vmem>>)
      tpu.yield
    }) : () -> ()
    %scan3A = arith.constant 1.250000e-01 : f32
    %scan3A_3 = arith.constant 0 : i32
    %scan3A_4 = arith.constant 0 : i32
    %scan3A_5 = arith.constant 50 : i32
    %scan3A_6 = arith.addi %scan3A_4, %scan3A_5 : i32
    %scan3A_7 = arith.constant 1 : i32
    %scan3A_8 = scf.for %scan3A_17 = %scan3A_4 to %scan3A_6 step %scan3A_7 iter_args(%scan3A_18 = %scan3A_3) -> (i32)  : i32 {
      %get3A = arith.index_cast %scan3A_17 : i32 to index
      %get3A_19 = arith.constant 0 : index
      %get3A_20 = tpu.vector_load %arg8[%get3A, %get3A_19] {strides = array<i32>} : memref<56x64xf32, #tpu.memory_space<vmem>>, vector<1x16xf32>,
      %get3A_21 = vector.shape_cast %get3A_20 : vector<1x16xf32> to vector<16xf32>
      %mul3A_22 = vector.broadcast %scan3A : f32 to vector<16xf32>
      %mul3A_23 = arith.mulf %get3A_21, %mul3A_22 : vector<16xf32>
      %swap3A = arith.index_cast %scan3A_17 : i32 to index
      %swap3A_24 = arith.constant 0 : index
      %swap3A_25 = tpu.vector_load %arg8[%swap3A, %swap3A_24] {strides = array<i32>} : memref<56x64xf32, #tpu.memory_space<vmem>>, vector<1x16xf32>,
      %swap3A_26 = vector.shape_cast %swap3A_25 : vector<1x16xf32> to vector<16xf32>
      %swap3A_27 = vector.shape_cast %mul3A_23 : vector<16xf32> to vector<1x16xf32>
      tpu.vector_store %arg8[%swap3A, %swap3A_24], %swap3A_27 {strides = array<i32>} : memref<56x64xf32, #tpu.memory_space<vmem>>, vector<1x16xf32>,
      %get3A_28 = arith.index_cast %scan3A_17 : i32 to index
      %get3A_29 = arith.constant 16 : index
      %get3A_30 = tpu.vector_load %arg8[%get3A_28, %get3A_29] {strides = array<i32>} : memref<56x64xf32, #tpu.memory_space<vmem>>, vector<1x16xf32>,
      %get3A_31 = vector.shape_cast %get3A_30 : vector<1x16xf32> to vector<16xf32>
      %mul3A_32 = vector.broadcast %scan3A : f32 to vector<16xf32>
      %mul3A_33 = arith.mulf %get3A_31, %mul3A_32 : vector<16xf32>
      %swap3A_34 = arith.index_cast %scan3A_17 : i32 to index
      %swap3A_35 = arith.constant 16 : index
      %swap3A_36 = tpu.vector_load %arg8[%swap3A_34, %swap3A_35] {strides = array<i32>} : memref<56x64xf32, #tpu.memory_space<vmem>>, vector<1x16xf32>,
      %swap3A_37 = vector.shape_cast %swap3A_36 : vector<1x16xf32> to vector<16xf32>
      %swap3A_38 = vector.shape_cast %mul3A_33 : vector<16xf32> to vector<1x16xf32>
      tpu.vector_store %arg8[%swap3A_34, %swap3A_35], %swap3A_38 {strides = array<i32>} : memref<56x64xf32, #tpu.memory_space<vmem>>, vector<1x16xf32>,
      %get3A_39 = arith.index_cast %scan3A_17 : i32 to index
      %get3A_40 = arith.constant 32 : index
      %get3A_41 = tpu.vector_load %arg8[%get3A_39, %get3A_40] {strides = array<i32>} : memref<56x64xf32, #tpu.memory_space<vmem>>, vector<1x16xf32>,
      %get3A_42 = vector.shape_cast %get3A_41 : vector<1x16xf32> to vector<16xf32>
      %mul3A_43 = vector.broadcast %scan3A : f32 to vector<16xf32>
      %mul3A_44 = arith.mulf %get3A_42, %mul3A_43 : vector<16xf32>
      %swap3A_45 = arith.index_cast %scan3A_17 : i32 to index
      %swap3A_46 = arith.constant 32 : index
      %swap3A_47 = tpu.vector_load %arg8[%swap3A_45, %swap3A_46] {strides = array<i32>} : memref<56x64xf32, #tpu.memory_space<vmem>>, vector<1x16xf32>,
      %swap3A_48 = vector.shape_cast %swap3A_47 : vector<1x16xf32> to vector<16xf32>
      %swap3A_49 = vector.shape_cast %mul3A_44 : vector<16xf32> to vector<1x16xf32>
      tpu.vector_store %arg8[%swap3A_45, %swap3A_46], %swap3A_49 {strides = array<i32>} : memref<56x64xf32, #tpu.memory_space<vmem>>, vector<1x16xf32>,
      %get3A_50 = arith.index_cast %scan3A_17 : i32 to index
      %get3A_51 = arith.constant 48 : index
      %get3A_52 = tpu.vector_load %arg8[%get3A_50, %get3A_51] {strides = array<i32>} : memref<56x64xf32, #tpu.memory_space<vmem>>, vector<1x16xf32>,
      %get3A_53 = vector.shape_cast %get3A_52 : vector<1x16xf32> to vector<16xf32>
      %mul3A_54 = vector.broadcast %scan3A : f32 to vector<16xf32>
      %mul3A_55 = arith.mulf %get3A_53, %mul3A_54 : vector<16xf32>
      %swap3A_56 = arith.index_cast %scan3A_17 : i32 to index
      %swap3A_57 = arith.constant 48 : index
      %swap3A_58 = tpu.vector_load %arg8[%swap3A_56, %swap3A_57] {strides = array<i32>} : memref<56x64xf32, #tpu.memory_space<vmem>>, vector<1x16xf32>,
      %swap3A_59 = vector.shape_cast %swap3A_58 : vector<1x16xf32> to vector<16xf32>
      %swap3A_60 = vector.shape_cast %mul3A_55 : vector<16xf32> to vector<1x16xf32>
      tpu.vector_store %arg8[%swap3A_56, %swap3A_57], %swap3A_60 {strides = array<i32>} : memref<56x64xf32, #tpu.memory_space<vmem>>, vector<1x16xf32>,
      %scan3A_61 = arith.constant 0 : i32
      scf.yield %scan3A_61 : i32
    }
    %scan3A_9 = arith.constant 50 : i32
    %scan3A_10 = arith.constant 0 : i32
    %scan3A_11 = arith.constant 0 : i32
    %scan3A_12 = arith.constant 8 : i32
    %scan3A_13 = arith.addi %scan3A_11, %scan3A_12 : i32
    %scan3A_14 = arith.constant 1 : i32
    %scan3A_15 = scf.for %scan3A_17 = %scan3A_11 to %scan3A_13 step %scan3A_14 iter_args(%scan3A_18 = %scan3A_10) -> (i32)  : i32 {
      %mul3A_19 = arith.constant 800 : i32
      %mul3A_20 = arith.muli %scan3A_17, %mul3A_19 : i32
      %add3A_21 = arith.addi %mul3A_2, %mul3A_20 : i32
      "tpu.region"() ({
        %run_scoped3A = tpu.sem_alloc : memref<!tpu.dma_semaphore, #tpu.memory_space<semaphore_mem>>
        %dma_start3A_34 = tpu.memref_slice %arg2[%add3A_21] : memref<204800xi32, #tpu.memory_space<hbm>> -> memref<800xi32, #tpu.memory_space<hbm>>
        %dma_start3A_35 = tpu.memref_slice %arg2[%add3A_21] : memref<204800xi32, #tpu.memory_space<hbm>> -> memref<800xi32, #tpu.memory_space<hbm>>
        tpu.enqueue_dma source(%dma_start3A_35 : memref<800xi32, #tpu.memory_space<hbm>>) target(%arg6 : memref<800xi32, #tpu.memory_space<vmem>>) target_semaphore(%run_scoped3A : memref<!tpu.dma_semaphore, #tpu.memory_space<semaphore_mem>>)
        %dma_wait3A_36 = tpu.memref_slice %arg2[%add3A_21] : memref<204800xi32, #tpu.memory_space<hbm>> -> memref<800xi32, #tpu.memory_space<hbm>>
        %dma_wait3A_37 = tpu.memref_slice %arg2[%add3A_21] : memref<204800xi32, #tpu.memory_space<hbm>> -> memref<800xi32, #tpu.memory_space<hbm>>
        tpu.wait_dma2 semaphore(%run_scoped3A : memref<!tpu.dma_semaphore, #tpu.memory_space<semaphore_mem>>) src(%dma_wait3A_37 : memref<800xi32, #tpu.memory_space<hbm>>) dst(%arg6 : memref<800xi32, #tpu.memory_space<vmem>>)
        tpu.yield
      }) : () -> ()
      %dma_start3A = arith.constant 0 : i32
      %dma_start3A_22 = arith.constant 0 : i32
      %dma_start3A_23 = tpu.memref_slice %arg3[%dma_start3A, %dma_start3A_22] : memref<1000000x64xf32, #tpu.memory_space<hbm>> -> memref<1000000x64xf32, #tpu.memory_space<hbm>>
      tpu.enqueue_indirect_dma source(%dma_start3A_23 : memref<1000000x64xf32, #tpu.memory_space<hbm>>) target(%arg7 : memref<800x64xf32, #tpu.memory_space<vmem>>) offsets(%arg6 : memref<800xi32, #tpu.memory_space<vmem>>) semaphore(%arg9 : memref<!tpu.dma_semaphore, #tpu.memory_space<semaphore_mem>>)
      %dma_wait3A = arith.constant 0 : i32
      %dma_wait3A_24 = arith.constant 0 : i32
      %dma_wait3A_25 = tpu.memref_slice %arg3[%dma_wait3A, %dma_wait3A_24] : memref<1000000x64xf32, #tpu.memory_space<hbm>> -> memref<1000000x64xf32, #tpu.memory_space<hbm>>
      tpu.wait_indirect_dma semaphore(%arg9 : memref<!tpu.dma_semaphore, #tpu.memory_space<semaphore_mem>>) src(%dma_wait3A_25 : memref<1000000x64xf32, #tpu.memory_space<hbm>>) dst(%arg7 : memref<800x64xf32, #tpu.memory_space<vmem>>)
      %scan3A_26 = arith.constant 0 : i32
      %scan3A_27 = arith.constant 0 : i32
      %scan3A_28 = arith.constant 16 : i32
      %scan3A_29 = arith.addi %scan3A_27, %scan3A_28 : i32
      %scan3A_30 = arith.constant 1 : i32
      %scan3A_31 = scf.for %scan3A_34 = %scan3A_27 to %scan3A_29 step %scan3A_30 iter_args(%scan3A_35 = %scan3A_26) -> (i32)  : i32 {
        %mul3A_36 = arith.constant 50 : i32
        %mul3A_37 = arith.muli %scan3A_34, %mul3A_36 : i32
        %add3A_38 = arith.constant 0 : i32
        %add3A_39 = arith.addi %mul3A_37, %add3A_38 : i32
        %get3A = arith.index_cast %add3A_39 : i32 to index
        %get3A_40 = arith.constant 0 : index
        %get3A_41 = tpu.vector_load %arg7[%get3A, %get3A_40] {strides = array<i32>} : memref<800x64xf32, #tpu.memory_space<vmem>>, vector<1x16xf32>,
        %get3A_42 = vector.shape_cast %get3A_41 : vector<1x16xf32> to vector<16xf32>
        %get3A_43 = arith.constant 0 : i32
        %get3A_44 = arith.index_cast %get3A_43 : i32 to index
        %get3A_45 = arith.constant 0 : index
        %get3A_46 = tpu.vector_load %arg8[%get3A_44, %get3A_45] {strides = array<i32>} : memref<56x64xf32, #tpu.memory_space<vmem>>, vector<1x16xf32>,
        %get3A_47 = vector.shape_cast %get3A_46 : vector<1x16xf32> to vector<16xf32>
        %add3A_48 = arith.addf %get3A_42, %get3A_47 : vector<16xf32>
        %add3A_49 = arith.constant 0 : i32
        %add3A_50 = arith.addi %mul3A_37, %add3A_49 : i32
        %swap3A = arith.index_cast %add3A_50 : i32 to index
        %swap3A_51 = arith.constant 0 : index
        %swap3A_52 = tpu.vector_load %arg7[%swap3A, %swap3A_51] {strides = array<i32>} : memref<800x64xf32, #tpu.memory_space<vmem>>, vector<1x16xf32>,
        %swap3A_53 = vector.shape_cast %swap3A_52 : vector<1x16xf32> to vector<16xf32>
        %swap3A_54 = vector.shape_cast %add3A_48 : vector<16xf32> to vector<1x16xf32>
        tpu.vector_store %arg7[%swap3A, %swap3A_51], %swap3A_54 {strides = array<i32>} : memref<800x64xf32, #tpu.memory_space<vmem>>, vector<1x16xf32>,
        %add3A_55 = arith.constant 0 : i32
        %add3A_56 = arith.addi %mul3A_37, %add3A_55 : i32
        %get3A_57 = arith.index_cast %add3A_56 : i32 to index
        %get3A_58 = arith.constant 16 : index
        %get3A_59 = tpu.vector_load %arg7[%get3A_57, %get3A_58] {strides = array<i32>} : memref<800x64xf32, #tpu.memory_space<vmem>>, vector<1x16xf32>,
        %get3A_60 = vector.shape_cast %get3A_59 : vector<1x16xf32> to vector<16xf32>
        %get3A_61 = arith.constant 0 : i32
        %get3A_62 = arith.index_cast %get3A_61 : i32 to index
        %get3A_63 = arith.constant 16 : index
        %get3A_64 = tpu.vector_load %arg8[%get3A_62, %get3A_63] {strides = array<i32>} : memref<56x64xf32, #tpu.memory_space<vmem>>, vector<1x16xf32>,
        %get3A_65 = vector.shape_cast %get3A_64 : vector<1x16xf32> to vector<16xf32>
        %add3A_66 = arith.addf %get3A_60, %get3A_65 : vector<16xf32>
        %add3A_67 = arith.constant 0 : i32
        %add3A_68 = arith.addi %mul3A_37, %add3A_67 : i32
        %swap3A_69 = arith.index_cast %add3A_68 : i32 to index
        %swap3A_70 = arith.constant 16 : index
        %swap3A_71 = tpu.vector_load %arg7[%swap3A_69, %swap3A_70] {strides = array<i32>} : memref<800x64xf32, #tpu.memory_space<vmem>>, vector<1x16xf32>,
        %swap3A_72 = vector.shape_cast %swap3A_71 : vector<1x16xf32> to vector<16xf32>
        %swap3A_73 = vector.shape_cast %add3A_66 : vector<16xf32> to vector<1x16xf32>
        tpu.vector_store %arg7[%swap3A_69, %swap3A_70], %swap3A_73 {strides = array<i32>} : memref<800x64xf32, #tpu.memory_space<vmem>>, vector<1x16xf32>,
        %add3A_74 = arith.constant 0 : i32
        %add3A_75 = arith.addi %mul3A_37, %add3A_74 : i32
        %get3A_76 = arith.index_cast %add3A_75 : i32 to index
        %get3A_77 = arith.constant 32 : index
        %get3A_78 = tpu.vector_load %arg7[%get3A_76, %get3A_77] {strides = array<i32>} : memref<800x64xf32, #tpu.memory_space<vmem>>, vector<1x16xf32>,
        %get3A_79 = vector.shape_cast %get3A_78 : vector<1x16xf32> to vector<16xf32>
        %get3A_80 = arith.constant 0 : i32
        %get3A_81 = arith.index_cast %get3A_80 : i32 to index
        %get3A_82 = arith.constant 32 : index
        %get3A_83 = tpu.vector_load %arg8[%get3A_81, %get3A_82] {strides = array<i32>} : memref<56x64xf32, #tpu.memory_space<vmem>>, vector<1x16xf32>,
        %get3A_84 = vector.shape_cast %get3A_83 : vector<1x16xf32> to vector<16xf32>
        %add3A_85 = arith.addf %get3A_79, %get3A_84 : vector<16xf32>
        %add3A_86 = arith.constant 0 : i32
        %add3A_87 = arith.addi %mul3A_37, %add3A_86 : i32
        %swap3A_88 = arith.index_cast %add3A_87 : i32 to index
        %swap3A_89 = arith.constant 32 : index
        %swap3A_90 = tpu.vector_load %arg7[%swap3A_88, %swap3A_89] {strides = array<i32>} : memref<800x64xf32, #tpu.memory_space<vmem>>, vector<1x16xf32>,
        %swap3A_91 = vector.shape_cast %swap3A_90 : vector<1x16xf32> to vector<16xf32>
        %swap3A_92 = vector.shape_cast %add3A_85 : vector<16xf32> to vector<1x16xf32>
        tpu.vector_store %arg7[%swap3A_88, %swap3A_89], %swap3A_92 {strides = array<i32>} : memref<800x64xf32, #tpu.memory_space<vmem>>, vector<1x16xf32>,
        %add3A_93 = arith.constant 0 : i32
        %add3A_94 = arith.addi %mul3A_37, %add3A_93 : i32
        %get3A_95 = arith.index_cast %add3A_94 : i32 to index
        %get3A_96 = arith.constant 48 : index
        %get3A_97 = tpu.vector_load %arg7[%get3A_95, %get3A_96] {strides = array<i32>} : memref<800x64xf32, #tpu.memory_space<vmem>>, vector<1x16xf32>,
        %get3A_98 = vector.shape_cast %get3A_97 : vector<1x16xf32> to vector<16xf32>
        %get3A_99 = arith.constant 0 : i32
        %get3A_100 = arith.index_cast %get3A_99 : i32 to index
        %get3A_101 = arith.constant 48 : index
        %get3A_102 = tpu.vector_load %arg8[%get3A_100, %get3A_101] {strides = array<i32>} : memref<56x64xf32, #tpu.memory_space<vmem>>, vector<1x16xf32>,
        %get3A_103 = vector.shape_cast %get3A_102 : vector<1x16xf32> to vector<16xf32>
        %add3A_104 = arith.addf %get3A_98, %get3A_103 : vector<16xf32>
        %add3A_105 = arith.constant 0 : i32
        %add3A_106 = arith.addi %mul3A_37, %add3A_105 : i32
        %swap3A_107 = arith.index_cast %add3A_106 : i32 to index
        %swap3A_108 = arith.constant 48 : index
        %swap3A_109 = tpu.vector_load %arg7[%swap3A_107, %swap3A_108] {strides = array<i32>} : memref<800x64xf32, #tpu.memory_space<vmem>>, vector<1x16xf32>,
        %swap3A_110 = vector.shape_cast %swap3A_109 : vector<1x16xf32> to vector<16xf32>
        %swap3A_111 = vector.shape_cast %add3A_104 : vector<16xf32> to vector<1x16xf32>
        tpu.vector_store %arg7[%swap3A_107, %swap3A_108], %swap3A_111 {strides = array<i32>} : memref<800x64xf32, #tpu.memory_space<vmem>>, vector<1x16xf32>,
        %add3A_112 = arith.constant 1 : i32
        %add3A_113 = arith.addi %mul3A_37, %add3A_112 : i32
        %get3A_114 = arith.index_cast %add3A_113 : i32 to index
        %get3A_115 = arith.constant 0 : index
        %get3A_116 = tpu.vector_load %arg7[%get3A_114, %get3A_115] {strides = array<i32>} : memref<800x64xf32, #tpu.memory_space<vmem>>, vector<1x16xf32>,
        %get3A_117 = vector.shape_cast %get3A_116 : vector<1x16xf32> to vector<16xf32>
        %get3A_118 = arith.constant 1 : i32
        %get3A_119 = arith.index_cast %get3A_118 : i32 to index
        %get3A_120 = arith.constant 0 : index
        %get3A_121 = tpu.vector_load %arg8[%get3A_119, %get3A_120] {strides = array<i32>} : memref<56x64xf32, #tpu.memory_space<vmem>>, vector<1x16xf32>,
        %get3A_122 = vector.shape_cast %get3A_121 : vector<1x16xf32> to vector<16xf32>
        %add3A_123 = arith.addf %get3A_117, %get3A_122 : vector<16xf32>
        %add3A_124 = arith.constant 1 : i32
        %add3A_125 = arith.addi %mul3A_37, %add3A_124 : i32
        %swap3A_126 = arith.index_cast %add3A_125 : i32 to index
        %swap3A_127 = arith.constant 0 : index
        %swap3A_128 = tpu.vector_load %arg7[%swap3A_126, %swap3A_127] {strides = array<i32>} : memref<800x64xf32, #tpu.memory_space<vmem>>, vector<1x16xf32>,
        %swap3A_129 = vector.shape_cast %swap3A_128 : vector<1x16xf32> to vector<16xf32>
        %swap3A_130 = vector.shape_cast %add3A_123 : vector<16xf32> to vector<1x16xf32>
        tpu.vector_store %arg7[%swap3A_126, %swap3A_127], %swap3A_130 {strides = array<i32>} : memref<800x64xf32, #tpu.memory_space<vmem>>, vector<1x16xf32>,
        %add3A_131 = arith.constant 1 : i32
        %add3A_132 = arith.addi %mul3A_37, %add3A_131 : i32
        %get3A_133 = arith.index_cast %add3A_132 : i32 to index
        %get3A_134 = arith.constant 16 : index
        %get3A_135 = tpu.vector_load %arg7[%get3A_133, %get3A_134] {strides = array<i32>} : memref<800x64xf32, #tpu.memory_space<vmem>>, vector<1x16xf32>,
        %get3A_136 = vector.shape_cast %get3A_135 : vector<1x16xf32> to vector<16xf32>
        %get3A_137 = arith.constant 1 : i32
        %get3A_138 = arith.index_cast %get3A_137 : i32 to index
        %get3A_139 = arith.constant 16 : index
        %get3A_140 = tpu.vector_load %arg8[%get3A_138, %get3A_139] {strides = array<i32>} : memref<56x64xf32, #tpu.memory_space<vmem>>, vector<1x16xf32>,
        %get3A_141 = vector.shape_cast %get3A_140 : vector<1x16xf32> to vector<16xf32>
        %add3A_142 = arith.addf %get3A_136, %get3A_141 : vector<16xf32>
        %add3A_143 = arith.constant 1 : i32
        %add3A_144 = arith.addi %mul3A_37, %add3A_143 : i32
        %swap3A_145 = arith.index_cast %add3A_144 : i32 to index
        %swap3A_146 = arith.constant 16 : index
        %swap3A_147 = tpu.vector_load %arg7[%swap3A_145, %swap3A_146] {strides = array<i32>} : memref<800x64xf32, #tpu.memory_space<vmem>>, vector<1x16xf32>,
        %swap3A_148 = vector.shape_cast %swap3A_147 : vector<1x16xf32> to vector<16xf32>
        %swap3A_149 = vector.shape_cast %add3A_142 : vector<16xf32> to vector<1x16xf32>
        tpu.vector_store %arg7[%swap3A_145, %swap3A_146], %swap3A_149 {strides = array<i32>} : memref<800x64xf32, #tpu.memory_space<vmem>>, vector<1x16xf32>,
        %add3A_150 = arith.constant 1 : i32
        %add3A_151 = arith.addi %mul3A_37, %add3A_150 : i32
        %get3A_152 = arith.index_cast %add3A_151 : i32 to index
        %get3A_153 = arith.constant 32 : index
        %get3A_154 = tpu.vector_load %arg7[%get3A_152, %get3A_153] {strides = array<i32>} : memref<800x64xf32, #tpu.memory_space<vmem>>, vector<1x16xf32>,
        %get3A_155 = vector.shape_cast %get3A_154 : vector<1x16xf32> to vector<16xf32>
        %get3A_156 = arith.constant 1 : i32
        %get3A_157 = arith.index_cast %get3A_156 : i32 to index
        %get3A_158 = arith.constant 32 : index
        %get3A_159 = tpu.vector_load %arg8[%get3A_157, %get3A_158] {strides = array<i32>} : memref<56x64xf32, #tpu.memory_space<vmem>>, vector<1x16xf32>,
        %get3A_160 = vector.shape_cast %get3A_159 : vector<1x16xf32> to vector<16xf32>
        %add3A_161 = arith.addf %get3A_155, %get3A_160 : vector<16xf32>
        %add3A_162 = arith.constant 1 : i32
        %add3A_163 = arith.addi %mul3A_37, %add3A_162 : i32
        %swap3A_164 = arith.index_cast %add3A_163 : i32 to index
        %swap3A_165 = arith.constant 32 : index
        %swap3A_166 = tpu.vector_load %arg7[%swap3A_164, %swap3A_165] {strides = array<i32>} : memref<800x64xf32, #tpu.memory_space<vmem>>, vector<1x16xf32>,
        %swap3A_167 = vector.shape_cast %swap3A_166 : vector<1x16xf32> to vector<16xf32>
        %swap3A_168 = vector.shape_cast %add3A_161 : vector<16xf32> to vector<1x16xf32>
        tpu.vector_store %arg7[%swap3A_164, %swap3A_165], %swap3A_168 {strides = array<i32>} : memref<800x64xf32, #tpu.memory_space<vmem>>, vector<1x16xf32>,
        %add3A_169 = arith.constant 1 : i32
        %add3A_170 = arith.addi %mul3A_37, %add3A_169 : i32
        %get3A_171 = arith.index_cast %add3A_170 : i32 to index
        %get3A_172 = arith.constant 48 : index
        %get3A_173 = tpu.vector_load %arg7[%get3A_171, %get3A_172] {strides = array<i32>} : memref<800x64xf32, #tpu.memory_space<vmem>>, vector<1x16xf32>,
        %get3A_174 = vector.shape_cast %get3A_173 : vector<1x16xf32> to vector<16xf32>
        %get3A_175 = arith.constant 1 : i32
        %get3A_176 = arith.index_cast %get3A_175 : i32 to index
        %get3A_177 = arith.constant 48 : index
        %get3A_178 = tpu.vector_load %arg8[%get3A_176, %get3A_177] {strides = array<i32>} : memref<56x64xf32, #tpu.memory_space<vmem>>, vector<1x16xf32>,
        %get3A_179 = vector.shape_cast %get3A_178 : vector<1x16xf32> to vector<16xf32>
        %add3A_180 = arith.addf %get3A_174, %get3A_179 : vector<16xf32>
        %add3A_181 = arith.constant 1 : i32
        %add3A_182 = arith.addi %mul3A_37, %add3A_181 : i32
        %swap3A_183 = arith.index_cast %add3A_182 : i32 to index
        %swap3A_184 = arith.constant 48 : index
        %swap3A_185 = tpu.vector_load %arg7[%swap3A_183, %swap3A_184] {strides = array<i32>} : memref<800x64xf32, #tpu.memory_space<vmem>>, vector<1x16xf32>,
        %swap3A_186 = vector.shape_cast %swap3A_185 : vector<1x16xf32> to vector<16xf32>
        %swap3A_187 = vector.shape_cast %add3A_180 : vector<16xf32> to vector<1x16xf32>
        tpu.vector_store %arg7[%swap3A_183, %swap3A_184], %swap3A_187 {strides = array<i32>} : memref<800x64xf32, #tpu.memory_space<vmem>>, vector<1x16xf32>,
        %add3A_188 = arith.constant 2 : i32
        %add3A_189 = arith.addi %mul3A_37, %add3A_188 : i32
        %get3A_190 = arith.index_cast %add3A_189 : i32 to index
        %get3A_191 = arith.constant 0 : index
        %get3A_192 = tpu.vector_load %arg7[%get3A_190, %get3A_191] {strides = array<i32>} : memref<800x64xf32, #tpu.memory_space<vmem>>, vector<1x16xf32>,
        %get3A_193 = vector.shape_cast %get3A_192 : vector<1x16xf32> to vector<16xf32>
        %get3A_194 = arith.constant 2 : i32
        %get3A_195 = arith.index_cast %get3A_194 : i32 to index
        %get3A_196 = arith.constant 0 : index
        %get3A_197 = tpu.vector_load %arg8[%get3A_195, %get3A_196] {strides = array<i32>} : memref<56x64xf32, #tpu.memory_space<vmem>>, vector<1x16xf32>,
        %get3A_198 = vector.shape_cast %get3A_197 : vector<1x16xf32> to vector<16xf32>
        %add3A_199 = arith.addf %get3A_193, %get3A_198 : vector<16xf32>
        %add3A_200 = arith.constant 2 : i32
        %add3A_201 = arith.addi %mul3A_37, %add3A_200 : i32
        %swap3A_202 = arith.index_cast %add3A_201 : i32 to index
        %swap3A_203 = arith.constant 0 : index
        %swap3A_204 = tpu.vector_load %arg7[%swap3A_202, %swap3A_203] {strides = array<i32>} : memref<800x64xf32, #tpu.memory_space<vmem>>, vector<1x16xf32>,
        %swap3A_205 = vector.shape_cast %swap3A_204 : vector<1x16xf32> to vector<16xf32>
        %swap3A_206 = vector.shape_cast %add3A_199 : vector<16xf32> to vector<1x16xf32>
        tpu.vector_store %arg7[%swap3A_202, %swap3A_203], %swap3A_206 {strides = array<i32>} : memref<800x64xf32, #tpu.memory_space<vmem>>, vector<1x16xf32>,
        %add3A_207 = arith.constant 2 : i32
        %add3A_208 = arith.addi %mul3A_37, %add3A_207 : i32
        %get3A_209 = arith.index_cast %add3A_208 : i32 to index
        %get3A_210 = arith.constant 16 : index
        %get3A_211 = tpu.vector_load %arg7[%get3A_209, %get3A_210] {strides = array<i32>} : memref<800x64xf32, #tpu.memory_space<vmem>>, vector<1x16xf32>,
        %get3A_212 = vector.shape_cast %get3A_211 : vector<1x16xf32> to vector<16xf32>
        %get3A_213 = arith.constant 2 : i32
        %get3A_214 = arith.index_cast %get3A_213 : i32 to index
        %get3A_215 = arith.constant 16 : index
        %get3A_216 = tpu.vector_load %arg8[%get3A_214, %get3A_215] {strides = array<i32>} : memref<56x64xf32, #tpu.memory_space<vmem>>, vector<1x16xf32>,
        %get3A_217 = vector.shape_cast %get3A_216 : vector<1x16xf32> to vector<16xf32>
        %add3A_218 = arith.addf %get3A_212, %get3A_217 : vector<16xf32>
        %add3A_219 = arith.constant 2 : i32
        %add3A_220 = arith.addi %mul3A_37, %add3A_219 : i32
        %swap3A_221 = arith.index_cast %add3A_220 : i32 to index
        %swap3A_222 = arith.constant 16 : index
        %swap3A_223 = tpu.vector_load %arg7[%swap3A_221, %swap3A_222] {strides = array<i32>} : memref<800x64xf32, #tpu.memory_space<vmem>>, vector<1x16xf32>,
        %swap3A_224 = vector.shape_cast %swap3A_223 : vector<1x16xf32> to vector<16xf32>
        %swap3A_225 = vector.shape_cast %add3A_218 : vector<16xf32> to vector<1x16xf32>
        tpu.vector_store %arg7[%swap3A_221, %swap3A_222], %swap3A_225 {strides = array<i32>} : memref<800x64xf32, #tpu.memory_space<vmem>>, vector<1x16xf32>,
        %add3A_226 = arith.constant 2 : i32
        %add3A_227 = arith.addi %mul3A_37, %add3A_226 : i32
        %get3A_228 = arith.index_cast %add3A_227 : i32 to index
        %get3A_229 = arith.constant 32 : index
        %get3A_230 = tpu.vector_load %arg7[%get3A_228, %get3A_229] {strides = array<i32>} : memref<800x64xf32, #tpu.memory_space<vmem>>, vector<1x16xf32>,
        %get3A_231 = vector.shape_cast %get3A_230 : vector<1x16xf32> to vector<16xf32>
        %get3A_232 = arith.constant 2 : i32
        %get3A_233 = arith.index_cast %get3A_232 : i32 to index
        %get3A_234 = arith.constant 32 : index
        %get3A_235 = tpu.vector_load %arg8[%get3A_233, %get3A_234] {strides = array<i32>} : memref<56x64xf32, #tpu.memory_space<vmem>>, vector<1x16xf32>,
        %get3A_236 = vector.shape_cast %get3A_235 : vector<1x16xf32> to vector<16xf32>
        %add3A_237 = arith.addf %get3A_231, %get3A_236 : vector<16xf32>
        %add3A_238 = arith.constant 2 : i32
        %add3A_239 = arith.addi %mul3A_37, %add3A_238 : i32
        %swap3A_240 = arith.index_cast %add3A_239 : i32 to index
        %swap3A_241 = arith.constant 32 : index
        %swap3A_242 = tpu.vector_load %arg7[%swap3A_240, %swap3A_241] {strides = array<i32>} : memref<800x64xf32, #tpu.memory_space<vmem>>, vector<1x16xf32>,
        %swap3A_243 = vector.shape_cast %swap3A_242 : vector<1x16xf32> to vector<16xf32>
        %swap3A_244 = vector.shape_cast %add3A_237 : vector<16xf32> to vector<1x16xf32>
        tpu.vector_store %arg7[%swap3A_240, %swap3A_241], %swap3A_244 {strides = array<i32>} : memref<800x64xf32, #tpu.memory_space<vmem>>, vector<1x16xf32>,
        %add3A_245 = arith.constant 2 : i32
        %add3A_246 = arith.addi %mul3A_37, %add3A_245 : i32
        %get3A_247 = arith.index_cast %add3A_246 : i32 to index
        %get3A_248 = arith.constant 48 : index
        %get3A_249 = tpu.vector_load %arg7[%get3A_247, %get3A_248] {strides = array<i32>} : memref<800x64xf32, #tpu.memory_space<vmem>>, vector<1x16xf32>,
        %get3A_250 = vector.shape_cast %get3A_249 : vector<1x16xf32> to vector<16xf32>
        %get3A_251 = arith.constant 2 : i32
        %get3A_252 = arith.index_cast %get3A_251 : i32 to index
        %get3A_253 = arith.constant 48 : index
        %get3A_254 = tpu.vector_load %arg8[%get3A_252, %get3A_253] {strides = array<i32>} : memref<56x64xf32, #tpu.memory_space<vmem>>, vector<1x16xf32>,
        %get3A_255 = vector.shape_cast %get3A_254 : vector<1x16xf32> to vector<16xf32>
        %add3A_256 = arith.addf %get3A_250, %get3A_255 : vector<16xf32>
        %add3A_257 = arith.constant 2 : i32
        %add3A_258 = arith.addi %mul3A_37, %add3A_257 : i32
        %swap3A_259 = arith.index_cast %add3A_258 : i32 to index
        %swap3A_260 = arith.constant 48 : index
        %swap3A_261 = tpu.vector_load %arg7[%swap3A_259, %swap3A_260] {strides = array<i32>} : memref<800x64xf32, #tpu.memory_space<vmem>>, vector<1x16xf32>,
        %swap3A_262 = vector.shape_cast %swap3A_261 : vector<1x16xf32> to vector<16xf32>
        %swap3A_263 = vector.shape_cast %add3A_256 : vector<16xf32> to vector<1x16xf32>
        tpu.vector_store %arg7[%swap3A_259, %swap3A_260], %swap3A_263 {strides = array<i32>} : memref<800x64xf32, #tpu.memory_space<vmem>>, vector<1x16xf32>,
        %add3A_264 = arith.constant 3 : i32
        %add3A_265 = arith.addi %mul3A_37, %add3A_264 : i32
        %get3A_266 = arith.index_cast %add3A_265 : i32 to index
        %get3A_267 = arith.constant 0 : index
        %get3A_268 = tpu.vector_load %arg7[%get3A_266, %get3A_267] {strides = array<i32>} : memref<800x64xf32, #tpu.memory_space<vmem>>, vector<1x16xf32>,
        %get3A_269 = vector.shape_cast %get3A_268 : vector<1x16xf32> to vector<16xf32>
        %get3A_270 = arith.constant 3 : i32
        %get3A_271 = arith.index_cast %get3A_270 : i32 to index
        %get3A_272 = arith.constant 0 : index
        %get3A_273 = tpu.vector_load %arg8[%get3A_271, %get3A_272] {strides = array<i32>} : memref<56x64xf32, #tpu.memory_space<vmem>>, vector<1x16xf32>,
        %get3A_274 = vector.shape_cast %get3A_273 : vector<1x16xf32> to vector<16xf32>
        %add3A_275 = arith.addf %get3A_269, %get3A_274 : vector<16xf32>
        %add3A_276 = arith.constant 3 : i32
        %add3A_277 = arith.addi %mul3A_37, %add3A_276 : i32
        %swap3A_278 = arith.index_cast %add3A_277 : i32 to index
        %swap3A_279 = arith.constant 0 : index
        %swap3A_280 = tpu.vector_load %arg7[%swap3A_278, %swap3A_279] {strides = array<i32>} : memref<800x64xf32, #tpu.memory_space<vmem>>, vector<1x16xf32>,
        %swap3A_281 = vector.shape_cast %swap3A_280 : vector<1x16xf32> to vector<16xf32>
        %swap3A_282 = vector.shape_cast %add3A_275 : vector<16xf32> to vector<1x16xf32>
        tpu.vector_store %arg7[%swap3A_278, %swap3A_279], %swap3A_282 {strides = array<i32>} : memref<800x64xf32, #tpu.memory_space<vmem>>, vector<1x16xf32>,
        %add3A_283 = arith.constant 3 : i32
        %add3A_284 = arith.addi %mul3A_37, %add3A_283 : i32
        %get3A_285 = arith.index_cast %add3A_284 : i32 to index
        %get3A_286 = arith.constant 16 : index
        %get3A_287 = tpu.vector_load %arg7[%get3A_285, %get3A_286] {strides = array<i32>} : memref<800x64xf32, #tpu.memory_space<vmem>>, vector<1x16xf32>,
        %get3A_288 = vector.shape_cast %get3A_287 : vector<1x16xf32> to vector<16xf32>
        %get3A_289 = arith.constant 3 : i32
        %get3A_290 = arith.index_cast %get3A_289 : i32 to index
        %get3A_291 = arith.constant 16 : index
        %get3A_292 = tpu.vector_load %arg8[%get3A_290, %get3A_291] {strides = array<i32>} : memref<56x64xf32, #tpu.memory_space<vmem>>, vector<1x16xf32>,
        %get3A_293 = vector.shape_cast %get3A_292 : vector<1x16xf32> to vector<16xf32>
        %add3A_294 = arith.addf %get3A_288, %get3A_293 : vector<16xf32>
        %add3A_295 = arith.constant 3 : i32
        %add3A_296 = arith.addi %mul3A_37, %add3A_295 : i32
        %swap3A_297 = arith.index_cast %add3A_296 : i32 to index
        %swap3A_298 = arith.constant 16 : index
        %swap3A_299 = tpu.vector_load %arg7[%swap3A_297, %swap3A_298] {strides = array<i32>} : memref<800x64xf32, #tpu.memory_space<vmem>>, vector<1x16xf32>,
        %swap3A_300 = vector.shape_cast %swap3A_299 : vector<1x16xf32> to vector<16xf32>
        %swap3A_301 = vector.shape_cast %add3A_294 : vector<16xf32> to vector<1x16xf32>
        tpu.vector_store %arg7[%swap3A_297, %swap3A_298], %swap3A_301 {strides = array<i32>} : memref<800x64xf32, #tpu.memory_space<vmem>>, vector<1x16xf32>,
        %add3A_302 = arith.constant 3 : i32
        %add3A_303 = arith.addi %mul3A_37, %add3A_302 : i32
        %get3A_304 = arith.index_cast %add3A_303 : i32 to index
        %get3A_305 = arith.constant 32 : index
        %get3A_306 = tpu.vector_load %arg7[%get3A_304, %get3A_305] {strides = array<i32>} : memref<800x64xf32, #tpu.memory_space<vmem>>, vector<1x16xf32>,
        %get3A_307 = vector.shape_cast %get3A_306 : vector<1x16xf32> to vector<16xf32>
        %get3A_308 = arith.constant 3 : i32
        %get3A_309 = arith.index_cast %get3A_308 : i32 to index
        %get3A_310 = arith.constant 32 : index
        %get3A_311 = tpu.vector_load %arg8[%get3A_309, %get3A_310] {strides = array<i32>} : memref<56x64xf32, #tpu.memory_space<vmem>>, vector<1x16xf32>,
        %get3A_312 = vector.shape_cast %get3A_311 : vector<1x16xf32> to vector<16xf32>
        %add3A_313 = arith.addf %get3A_307, %get3A_312 : vector<16xf32>
        %add3A_314 = arith.constant 3 : i32
        %add3A_315 = arith.addi %mul3A_37, %add3A_314 : i32
        %swap3A_316 = arith.index_cast %add3A_315 : i32 to index
        %swap3A_317 = arith.constant 32 : index
        %swap3A_318 = tpu.vector_load %arg7[%swap3A_316, %swap3A_317] {strides = array<i32>} : memref<800x64xf32, #tpu.memory_space<vmem>>, vector<1x16xf32>,
        %swap3A_319 = vector.shape_cast %swap3A_318 : vector<1x16xf32> to vector<16xf32>
        %swap3A_320 = vector.shape_cast %add3A_313 : vector<16xf32> to vector<1x16xf32>
        tpu.vector_store %arg7[%swap3A_316, %swap3A_317], %swap3A_320 {strides = array<i32>} : memref<800x64xf32, #tpu.memory_space<vmem>>, vector<1x16xf32>,
        %add3A_321 = arith.constant 3 : i32
        %add3A_322 = arith.addi %mul3A_37, %add3A_321 : i32
        %get3A_323 = arith.index_cast %add3A_322 : i32 to index
        %get3A_324 = arith.constant 48 : index
        %get3A_325 = tpu.vector_load %arg7[%get3A_323, %get3A_324] {strides = array<i32>} : memref<800x64xf32, #tpu.memory_space<vmem>>, vector<1x16xf32>,
        %get3A_326 = vector.shape_cast %get3A_325 : vector<1x16xf32> to vector<16xf32>
        %get3A_327 = arith.constant 3 : i32
        %get3A_328 = arith.index_cast %get3A_327 : i32 to index
        %get3A_329 = arith.constant 48 : index
        %get3A_330 = tpu.vector_load %arg8[%get3A_328, %get3A_329] {strides = array<i32>} : memref<56x64xf32, #tpu.memory_space<vmem>>, vector<1x16xf32>,
        %get3A_331 = vector.shape_cast %get3A_330 : vector<1x16xf32> to vector<16xf32>
        %add3A_332 = arith.addf %get3A_326, %get3A_331 : vector<16xf32>
        %add3A_333 = arith.constant 3 : i32
        %add3A_334 = arith.addi %mul3A_37, %add3A_333 : i32
        %swap3A_335 = arith.index_cast %add3A_334 : i32 to index
        %swap3A_336 = arith.constant 48 : index
        %swap3A_337 = tpu.vector_load %arg7[%swap3A_335, %swap3A_336] {strides = array<i32>} : memref<800x64xf32, #tpu.memory_space<vmem>>, vector<1x16xf32>,
        %swap3A_338 = vector.shape_cast %swap3A_337 : vector<1x16xf32> to vector<16xf32>
        %swap3A_339 = vector.shape_cast %add3A_332 : vector<16xf32> to vector<1x16xf32>
        tpu.vector_store %arg7[%swap3A_335, %swap3A_336], %swap3A_339 {strides = array<i32>} : memref<800x64xf32, #tpu.memory_space<vmem>>, vector<1x16xf32>,
        %add3A_340 = arith.constant 4 : i32
        %add3A_341 = arith.addi %mul3A_37, %add3A_340 : i32
        %get3A_342 = arith.index_cast %add3A_341 : i32 to index
        %get3A_343 = arith.constant 0 : index
        %get3A_344 = tpu.vector_load %arg7[%get3A_342, %get3A_343] {strides = array<i32>} : memref<800x64xf32, #tpu.memory_space<vmem>>, vector<1x16xf32>,
        %get3A_345 = vector.shape_cast %get3A_344 : vector<1x16xf32> to vector<16xf32>
        %get3A_346 = arith.constant 4 : i32
        %get3A_347 = arith.index_cast %get3A_346 : i32 to index
        %get3A_348 = arith.constant 0 : index
        %get3A_349 = tpu.vector_load %arg8[%get3A_347, %get3A_348] {strides = array<i32>} : memref<56x64xf32, #tpu.memory_space<vmem>>, vector<1x16xf32>,
        %get3A_350 = vector.shape_cast %get3A_349 : vector<1x16xf32> to vector<16xf32>
        %add3A_351 = arith.addf %get3A_345, %get3A_350 : vector<16xf32>
        %add3A_352 = arith.constant 4 : i32
        %add3A_353 = arith.addi %mul3A_37, %add3A_352 : i32
        %swap3A_354 = arith.index_cast %add3A_353 : i32 to index
        %swap3A_355 = arith.constant 0 : index
        %swap3A_356 = tpu.vector_load %arg7[%swap3A_354, %swap3A_355] {strides = array<i32>} : memref<800x64xf32, #tpu.memory_space<vmem>>, vector<1x16xf32>,
        %swap3A_357 = vector.shape_cast %swap3A_356 : vector<1x16xf32> to vector<16xf32>
        %swap3A_358 = vector.shape_cast %add3A_351 : vector<16xf32> to vector<1x16xf32>
        tpu.vector_store %arg7[%swap3A_354, %swap3A_355], %swap3A_358 {strides = array<i32>} : memref<800x64xf32, #tpu.memory_space<vmem>>, vector<1x16xf32>,
        %add3A_359 = arith.constant 4 : i32
        %add3A_360 = arith.addi %mul3A_37, %add3A_359 : i32
        %get3A_361 = arith.index_cast %add3A_360 : i32 to index
        %get3A_362 = arith.constant 16 : index
        %get3A_363 = tpu.vector_load %arg7[%get3A_361, %get3A_362] {strides = array<i32>} : memref<800x64xf32, #tpu.memory_space<vmem>>, vector<1x16xf32>,
        %get3A_364 = vector.shape_cast %get3A_363 : vector<1x16xf32> to vector<16xf32>
        %get3A_365 = arith.constant 4 : i32
        %get3A_366 = arith.index_cast %get3A_365 : i32 to index
        %get3A_367 = arith.constant 16 : index
        %get3A_368 = tpu.vector_load %arg8[%get3A_366, %get3A_367] {strides = array<i32>} : memref<56x64xf32, #tpu.memory_space<vmem>>, vector<1x16xf32>,
        %get3A_369 = vector.shape_cast %get3A_368 : vector<1x16xf32> to vector<16xf32>
        %add3A_370 = arith.addf %get3A_364, %get3A_369 : vector<16xf32>
        %add3A_371 = arith.constant 4 : i32
        %add3A_372 = arith.addi %mul3A_37, %add3A_371 : i32
        %swap3A_373 = arith.index_cast %add3A_372 : i32 to index
        %swap3A_374 = arith.constant 16 : index
        %swap3A_375 = tpu.vector_load %arg7[%swap3A_373, %swap3A_374] {strides = array<i32>} : memref<800x64xf32, #tpu.memory_space<vmem>>, vector<1x16xf32>,
        %swap3A_376 = vector.shape_cast %swap3A_375 : vector<1x16xf32> to vector<16xf32>
        %swap3A_377 = vector.shape_cast %add3A_370 : vector<16xf32> to vector<1x16xf32>
        tpu.vector_store %arg7[%swap3A_373, %swap3A_374], %swap3A_377 {strides = array<i32>} : memref<800x64xf32, #tpu.memory_space<vmem>>, vector<1x16xf32>,
        %add3A_378 = arith.constant 4 : i32
        %add3A_379 = arith.addi %mul3A_37, %add3A_378 : i32
        %get3A_380 = arith.index_cast %add3A_379 : i32 to index
        %get3A_381 = arith.constant 32 : index
        %get3A_382 = tpu.vector_load %arg7[%get3A_380, %get3A_381] {strides = array<i32>} : memref<800x64xf32, #tpu.memory_space<vmem>>, vector<1x16xf32>,
        %get3A_383 = vector.shape_cast %get3A_382 : vector<1x16xf32> to vector<16xf32>
        %get3A_384 = arith.constant 4 : i32
        %get3A_385 = arith.index_cast %get3A_384 : i32 to index
        %get3A_386 = arith.constant 32 : index
        %get3A_387 = tpu.vector_load %arg8[%get3A_385, %get3A_386] {strides = array<i32>} : memref<56x64xf32, #tpu.memory_space<vmem>>, vector<1x16xf32>,
        %get3A_388 = vector.shape_cast %get3A_387 : vector<1x16xf32> to vector<16xf32>
        %add3A_389 = arith.addf %get3A_383, %get3A_388 : vector<16xf32>
        %add3A_390 = arith.constant 4 : i32
        %add3A_391 = arith.addi %mul3A_37, %add3A_390 : i32
        %swap3A_392 = arith.index_cast %add3A_391 : i32 to index
        %swap3A_393 = arith.constant 32 : index
        %swap3A_394 = tpu.vector_load %arg7[%swap3A_392, %swap3A_393] {strides = array<i32>} : memref<800x64xf32, #tpu.memory_space<vmem>>, vector<1x16xf32>,
        %swap3A_395 = vector.shape_cast %swap3A_394 : vector<1x16xf32> to vector<16xf32>
        %swap3A_396 = vector.shape_cast %add3A_389 : vector<16xf32> to vector<1x16xf32>
        tpu.vector_store %arg7[%swap3A_392, %swap3A_393], %swap3A_396 {strides = array<i32>} : memref<800x64xf32, #tpu.memory_space<vmem>>, vector<1x16xf32>,
        %add3A_397 = arith.constant 4 : i32
        %add3A_398 = arith.addi %mul3A_37, %add3A_397 : i32
        %get3A_399 = arith.index_cast %add3A_398 : i32 to index
        %get3A_400 = arith.constant 48 : index
        %get3A_401 = tpu.vector_load %arg7[%get3A_399, %get3A_400] {strides = array<i32>} : memref<800x64xf32, #tpu.memory_space<vmem>>, vector<1x16xf32>,
        %get3A_402 = vector.shape_cast %get3A_401 : vector<1x16xf32> to vector<16xf32>
        %get3A_403 = arith.constant 4 : i32
        %get3A_404 = arith.index_cast %get3A_403 : i32 to index
        %get3A_405 = arith.constant 48 : index
        %get3A_406 = tpu.vector_load %arg8[%get3A_404, %get3A_405] {strides = array<i32>} : memref<56x64xf32, #tpu.memory_space<vmem>>, vector<1x16xf32>,
        %get3A_407 = vector.shape_cast %get3A_406 : vector<1x16xf32> to vector<16xf32>
        %add3A_408 = arith.addf %get3A_402, %get3A_407 : vector<16xf32>
        %add3A_409 = arith.constant 4 : i32
        %add3A_410 = arith.addi %mul3A_37, %add3A_409 : i32
        %swap3A_411 = arith.index_cast %add3A_410 : i32 to index
        %swap3A_412 = arith.constant 48 : index
        %swap3A_413 = tpu.vector_load %arg7[%swap3A_411, %swap3A_412] {strides = array<i32>} : memref<800x64xf32, #tpu.memory_space<vmem>>, vector<1x16xf32>,
        %swap3A_414 = vector.shape_cast %swap3A_413 : vector<1x16xf32> to vector<16xf32>
        %swap3A_415 = vector.shape_cast %add3A_408 : vector<16xf32> to vector<1x16xf32>
        tpu.vector_store %arg7[%swap3A_411, %swap3A_412], %swap3A_415 {strides = array<i32>} : memref<800x64xf32, #tpu.memory_space<vmem>>, vector<1x16xf32>,
        %add3A_416 = arith.constant 5 : i32
        %add3A_417 = arith.addi %mul3A_37, %add3A_416 : i32
        %get3A_418 = arith.index_cast %add3A_417 : i32 to index
        %get3A_419 = arith.constant 0 : index
        %get3A_420 = tpu.vector_load %arg7[%get3A_418, %get3A_419] {strides = array<i32>} : memref<800x64xf32, #tpu.memory_space<vmem>>, vector<1x16xf32>,
        %get3A_421 = vector.shape_cast %get3A_420 : vector<1x16xf32> to vector<16xf32>
        %get3A_422 = arith.constant 5 : i32
        %get3A_423 = arith.index_cast %get3A_422 : i32 to index
        %get3A_424 = arith.constant 0 : index
        %get3A_425 = tpu.vector_load %arg8[%get3A_423, %get3A_424] {strides = array<i32>} : memref<56x64xf32, #tpu.memory_space<vmem>>, vector<1x16xf32>,
        %get3A_426 = vector.shape_cast %get3A_425 : vector<1x16xf32> to vector<16xf32>
        %add3A_427 = arith.addf %get3A_421, %get3A_426 : vector<16xf32>
        %add3A_428 = arith.constant 5 : i32
        %add3A_429 = arith.addi %mul3A_37, %add3A_428 : i32
        %swap3A_430 = arith.index_cast %add3A_429 : i32 to index
        %swap3A_431 = arith.constant 0 : index
        %swap3A_432 = tpu.vector_load %arg7[%swap3A_430, %swap3A_431] {strides = array<i32>} : memref<800x64xf32, #tpu.memory_space<vmem>>, vector<1x16xf32>,
        %swap3A_433 = vector.shape_cast %swap3A_432 : vector<1x16xf32> to vector<16xf32>
        %swap3A_434 = vector.shape_cast %add3A_427 : vector<16xf32> to vector<1x16xf32>
        tpu.vector_store %arg7[%swap3A_430, %swap3A_431], %swap3A_434 {strides = array<i32>} : memref<800x64xf32, #tpu.memory_space<vmem>>, vector<1x16xf32>,
        %add3A_435 = arith.constant 5 : i32
        %add3A_436 = arith.addi %mul3A_37, %add3A_435 : i32
        %get3A_437 = arith.index_cast %add3A_436 : i32 to index
        %get3A_438 = arith.constant 16 : index
        %get3A_439 = tpu.vector_load %arg7[%get3A_437, %get3A_438] {strides = array<i32>} : memref<800x64xf32, #tpu.memory_space<vmem>>, vector<1x16xf32>,
        %get3A_440 = vector.shape_cast %get3A_439 : vector<1x16xf32> to vector<16xf32>
        %get3A_441 = arith.constant 5 : i32
        %get3A_442 = arith.index_cast %get3A_441 : i32 to index
        %get3A_443 = arith.constant 16 : index
        %get3A_444 = tpu.vector_load %arg8[%get3A_442, %get3A_443] {strides = array<i32>} : memref<56x64xf32, #tpu.memory_space<vmem>>, vector<1x16xf32>,
        %get3A_445 = vector.shape_cast %get3A_444 : vector<1x16xf32> to vector<16xf32>
        %add3A_446 = arith.addf %get3A_440, %get3A_445 : vector<16xf32>
        %add3A_447 = arith.constant 5 : i32
        %add3A_448 = arith.addi %mul3A_37, %add3A_447 : i32
        %swap3A_449 = arith.index_cast %add3A_448 : i32 to index
        %swap3A_450 = arith.constant 16 : index
        %swap3A_451 = tpu.vector_load %arg7[%swap3A_449, %swap3A_450] {strides = array<i32>} : memref<800x64xf32, #tpu.memory_space<vmem>>, vector<1x16xf32>,
        %swap3A_452 = vector.shape_cast %swap3A_451 : vector<1x16xf32> to vector<16xf32>
        %swap3A_453 = vector.shape_cast %add3A_446 : vector<16xf32> to vector<1x16xf32>
        tpu.vector_store %arg7[%swap3A_449, %swap3A_450], %swap3A_453 {strides = array<i32>} : memref<800x64xf32, #tpu.memory_space<vmem>>, vector<1x16xf32>,
        %add3A_454 = arith.constant 5 : i32
        %add3A_455 = arith.addi %mul3A_37, %add3A_454 : i32
        %get3A_456 = arith.index_cast %add3A_455 : i32 to index
        %get3A_457 = arith.constant 32 : index
        %get3A_458 = tpu.vector_load %arg7[%get3A_456, %get3A_457] {strides = array<i32>} : memref<800x64xf32, #tpu.memory_space<vmem>>, vector<1x16xf32>,
        %get3A_459 = vector.shape_cast %get3A_458 : vector<1x16xf32> to vector<16xf32>
        %get3A_460 = arith.constant 5 : i32
        %get3A_461 = arith.index_cast %get3A_460 : i32 to index
        %get3A_462 = arith.constant 32 : index
        %get3A_463 = tpu.vector_load %arg8[%get3A_461, %get3A_462] {strides = array<i32>} : memref<56x64xf32, #tpu.memory_space<vmem>>, vector<1x16xf32>,
        %get3A_464 = vector.shape_cast %get3A_463 : vector<1x16xf32> to vector<16xf32>
        %add3A_465 = arith.addf %get3A_459, %get3A_464 : vector<16xf32>
        %add3A_466 = arith.constant 5 : i32
        %add3A_467 = arith.addi %mul3A_37, %add3A_466 : i32
        %swap3A_468 = arith.index_cast %add3A_467 : i32 to index
        %swap3A_469 = arith.constant 32 : index
        %swap3A_470 = tpu.vector_load %arg7[%swap3A_468, %swap3A_469] {strides = array<i32>} : memref<800x64xf32, #tpu.memory_space<vmem>>, vector<1x16xf32>,
        %swap3A_471 = vector.shape_cast %swap3A_470 : vector<1x16xf32> to vector<16xf32>
        %swap3A_472 = vector.shape_cast %add3A_465 : vector<16xf32> to vector<1x16xf32>
        tpu.vector_store %arg7[%swap3A_468, %swap3A_469], %swap3A_472 {strides = array<i32>} : memref<800x64xf32, #tpu.memory_space<vmem>>, vector<1x16xf32>,
        %add3A_473 = arith.constant 5 : i32
        %add3A_474 = arith.addi %mul3A_37, %add3A_473 : i32
        %get3A_475 = arith.index_cast %add3A_474 : i32 to index
        %get3A_476 = arith.constant 48 : index
        %get3A_477 = tpu.vector_load %arg7[%get3A_475, %get3A_476] {strides = array<i32>} : memref<800x64xf32, #tpu.memory_space<vmem>>, vector<1x16xf32>,
        %get3A_478 = vector.shape_cast %get3A_477 : vector<1x16xf32> to vector<16xf32>
        %get3A_479 = arith.constant 5 : i32
        %get3A_480 = arith.index_cast %get3A_479 : i32 to index
        %get3A_481 = arith.constant 48 : index
        %get3A_482 = tpu.vector_load %arg8[%get3A_480, %get3A_481] {strides = array<i32>} : memref<56x64xf32, #tpu.memory_space<vmem>>, vector<1x16xf32>,
        %get3A_483 = vector.shape_cast %get3A_482 : vector<1x16xf32> to vector<16xf32>
        %add3A_484 = arith.addf %get3A_478, %get3A_483 : vector<16xf32>
        %add3A_485 = arith.constant 5 : i32
        %add3A_486 = arith.addi %mul3A_37, %add3A_485 : i32
        %swap3A_487 = arith.index_cast %add3A_486 : i32 to index
        %swap3A_488 = arith.constant 48 : index
        %swap3A_489 = tpu.vector_load %arg7[%swap3A_487, %swap3A_488] {strides = array<i32>} : memref<800x64xf32, #tpu.memory_space<vmem>>, vector<1x16xf32>,
        %swap3A_490 = vector.shape_cast %swap3A_489 : vector<1x16xf32> to vector<16xf32>
        %swap3A_491 = vector.shape_cast %add3A_484 : vector<16xf32> to vector<1x16xf32>
        tpu.vector_store %arg7[%swap3A_487, %swap3A_488], %swap3A_491 {strides = array<i32>} : memref<800x64xf32, #tpu.memory_space<vmem>>, vector<1x16xf32>,
        %add3A_492 = arith.constant 6 : i32
        %add3A_493 = arith.addi %mul3A_37, %add3A_492 : i32
        %get3A_494 = arith.index_cast %add3A_493 : i32 to index
        %get3A_495 = arith.constant 0 : index
        %get3A_496 = tpu.vector_load %arg7[%get3A_494, %get3A_495] {strides = array<i32>} : memref<800x64xf32, #tpu.memory_space<vmem>>, vector<1x16xf32>,
        %get3A_497 = vector.shape_cast %get3A_496 : vector<1x16xf32> to vector<16xf32>
        %get3A_498 = arith.constant 6 : i32
        %get3A_499 = arith.index_cast %get3A_498 : i32 to index
        %get3A_500 = arith.constant 0 : index
        %get3A_501 = tpu.vector_load %arg8[%get3A_499, %get3A_500] {strides = array<i32>} : memref<56x64xf32, #tpu.memory_space<vmem>>, vector<1x16xf32>,
        %get3A_502 = vector.shape_cast %get3A_501 : vector<1x16xf32> to vector<16xf32>
        %add3A_503 = arith.addf %get3A_497, %get3A_502 : vector<16xf32>
        %add3A_504 = arith.constant 6 : i32
        %add3A_505 = arith.addi %mul3A_37, %add3A_504 : i32
        %swap3A_506 = arith.index_cast %add3A_505 : i32 to index
        %swap3A_507 = arith.constant 0 : index
        %swap3A_508 = tpu.vector_load %arg7[%swap3A_506, %swap3A_507] {strides = array<i32>} : memref<800x64xf32, #tpu.memory_space<vmem>>, vector<1x16xf32>,
        %swap3A_509 = vector.shape_cast %swap3A_508 : vector<1x16xf32> to vector<16xf32>
        %swap3A_510 = vector.shape_cast %add3A_503 : vector<16xf32> to vector<1x16xf32>
        tpu.vector_store %arg7[%swap3A_506, %swap3A_507], %swap3A_510 {strides = array<i32>} : memref<800x64xf32, #tpu.memory_space<vmem>>, vector<1x16xf32>,
        %add3A_511 = arith.constant 6 : i32
        %add3A_512 = arith.addi %mul3A_37, %add3A_511 : i32
        %get3A_513 = arith.index_cast %add3A_512 : i32 to index
        %get3A_514 = arith.constant 16 : index
        %get3A_515 = tpu.vector_load %arg7[%get3A_513, %get3A_514] {strides = array<i32>} : memref<800x64xf32, #tpu.memory_space<vmem>>, vector<1x16xf32>,
        %get3A_516 = vector.shape_cast %get3A_515 : vector<1x16xf32> to vector<16xf32>
        %get3A_517 = arith.constant 6 : i32
        %get3A_518 = arith.index_cast %get3A_517 : i32 to index
        %get3A_519 = arith.constant 16 : index
        %get3A_520 = tpu.vector_load %arg8[%get3A_518, %get3A_519] {strides = array<i32>} : memref<56x64xf32, #tpu.memory_space<vmem>>, vector<1x16xf32>,
        %get3A_521 = vector.shape_cast %get3A_520 : vector<1x16xf32> to vector<16xf32>
        %add3A_522 = arith.addf %get3A_516, %get3A_521 : vector<16xf32>
        %add3A_523 = arith.constant 6 : i32
        %add3A_524 = arith.addi %mul3A_37, %add3A_523 : i32
        %swap3A_525 = arith.index_cast %add3A_524 : i32 to index
        %swap3A_526 = arith.constant 16 : index
        %swap3A_527 = tpu.vector_load %arg7[%swap3A_525, %swap3A_526] {strides = array<i32>} : memref<800x64xf32, #tpu.memory_space<vmem>>, vector<1x16xf32>,
        %swap3A_528 = vector.shape_cast %swap3A_527 : vector<1x16xf32> to vector<16xf32>
        %swap3A_529 = vector.shape_cast %add3A_522 : vector<16xf32> to vector<1x16xf32>
        tpu.vector_store %arg7[%swap3A_525, %swap3A_526], %swap3A_529 {strides = array<i32>} : memref<800x64xf32, #tpu.memory_space<vmem>>, vector<1x16xf32>,
        %add3A_530 = arith.constant 6 : i32
        %add3A_531 = arith.addi %mul3A_37, %add3A_530 : i32
        %get3A_532 = arith.index_cast %add3A_531 : i32 to index
        %get3A_533 = arith.constant 32 : index
        %get3A_534 = tpu.vector_load %arg7[%get3A_532, %get3A_533] {strides = array<i32>} : memref<800x64xf32, #tpu.memory_space<vmem>>, vector<1x16xf32>,
        %get3A_535 = vector.shape_cast %get3A_534 : vector<1x16xf32> to vector<16xf32>
        %get3A_536 = arith.constant 6 : i32
        %get3A_537 = arith.index_cast %get3A_536 : i32 to index
        %get3A_538 = arith.constant 32 : index
        %get3A_539 = tpu.vector_load %arg8[%get3A_537, %get3A_538] {strides = array<i32>} : memref<56x64xf32, #tpu.memory_space<vmem>>, vector<1x16xf32>,
        %get3A_540 = vector.shape_cast %get3A_539 : vector<1x16xf32> to vector<16xf32>
        %add3A_541 = arith.addf %get3A_535, %get3A_540 : vector<16xf32>
        %add3A_542 = arith.constant 6 : i32
        %add3A_543 = arith.addi %mul3A_37, %add3A_542 : i32
        %swap3A_544 = arith.index_cast %add3A_543 : i32 to index
        %swap3A_545 = arith.constant 32 : index
        %swap3A_546 = tpu.vector_load %arg7[%swap3A_544, %swap3A_545] {strides = array<i32>} : memref<800x64xf32, #tpu.memory_space<vmem>>, vector<1x16xf32>,
        %swap3A_547 = vector.shape_cast %swap3A_546 : vector<1x16xf32> to vector<16xf32>
        %swap3A_548 = vector.shape_cast %add3A_541 : vector<16xf32> to vector<1x16xf32>
        tpu.vector_store %arg7[%swap3A_544, %swap3A_545], %swap3A_548 {strides = array<i32>} : memref<800x64xf32, #tpu.memory_space<vmem>>, vector<1x16xf32>,
        %add3A_549 = arith.constant 6 : i32
        %add3A_550 = arith.addi %mul3A_37, %add3A_549 : i32
        %get3A_551 = arith.index_cast %add3A_550 : i32 to index
        %get3A_552 = arith.constant 48 : index
        %get3A_553 = tpu.vector_load %arg7[%get3A_551, %get3A_552] {strides = array<i32>} : memref<800x64xf32, #tpu.memory_space<vmem>>, vector<1x16xf32>,
        %get3A_554 = vector.shape_cast %get3A_553 : vector<1x16xf32> to vector<16xf32>
        %get3A_555 = arith.constant 6 : i32
        %get3A_556 = arith.index_cast %get3A_555 : i32 to index
        %get3A_557 = arith.constant 48 : index
        %get3A_558 = tpu.vector_load %arg8[%get3A_556, %get3A_557] {strides = array<i32>} : memref<56x64xf32, #tpu.memory_space<vmem>>, vector<1x16xf32>,
        %get3A_559 = vector.shape_cast %get3A_558 : vector<1x16xf32> to vector<16xf32>
        %add3A_560 = arith.addf %get3A_554, %get3A_559 : vector<16xf32>
        %add3A_561 = arith.constant 6 : i32
        %add3A_562 = arith.addi %mul3A_37, %add3A_561 : i32
        %swap3A_563 = arith.index_cast %add3A_562 : i32 to index
        %swap3A_564 = arith.constant 48 : index
        %swap3A_565 = tpu.vector_load %arg7[%swap3A_563, %swap3A_564] {strides = array<i32>} : memref<800x64xf32, #tpu.memory_space<vmem>>, vector<1x16xf32>,
        %swap3A_566 = vector.shape_cast %swap3A_565 : vector<1x16xf32> to vector<16xf32>
        %swap3A_567 = vector.shape_cast %add3A_560 : vector<16xf32> to vector<1x16xf32>
        tpu.vector_store %arg7[%swap3A_563, %swap3A_564], %swap3A_567 {strides = array<i32>} : memref<800x64xf32, #tpu.memory_space<vmem>>, vector<1x16xf32>,
        %add3A_568 = arith.constant 7 : i32
        %add3A_569 = arith.addi %mul3A_37, %add3A_568 : i32
        %get3A_570 = arith.index_cast %add3A_569 : i32 to index
        %get3A_571 = arith.constant 0 : index
        %get3A_572 = tpu.vector_load %arg7[%get3A_570, %get3A_571] {strides = array<i32>} : memref<800x64xf32, #tpu.memory_space<vmem>>, vector<1x16xf32>,
        %get3A_573 = vector.shape_cast %get3A_572 : vector<1x16xf32> to vector<16xf32>
        %get3A_574 = arith.constant 7 : i32
        %get3A_575 = arith.index_cast %get3A_574 : i32 to index
        %get3A_576 = arith.constant 0 : index
        %get3A_577 = tpu.vector_load %arg8[%get3A_575, %get3A_576] {strides = array<i32>} : memref<56x64xf32, #tpu.memory_space<vmem>>, vector<1x16xf32>,
        %get3A_578 = vector.shape_cast %get3A_577 : vector<1x16xf32> to vector<16xf32>
        %add3A_579 = arith.addf %get3A_573, %get3A_578 : vector<16xf32>
        %add3A_580 = arith.constant 7 : i32
        %add3A_581 = arith.addi %mul3A_37, %add3A_580 : i32
        %swap3A_582 = arith.index_cast %add3A_581 : i32 to index
        %swap3A_583 = arith.constant 0 : index
        %swap3A_584 = tpu.vector_load %arg7[%swap3A_582, %swap3A_583] {strides = array<i32>} : memref<800x64xf32, #tpu.memory_space<vmem>>, vector<1x16xf32>,
        %swap3A_585 = vector.shape_cast %swap3A_584 : vector<1x16xf32> to vector<16xf32>
        %swap3A_586 = vector.shape_cast %add3A_579 : vector<16xf32> to vector<1x16xf32>
        tpu.vector_store %arg7[%swap3A_582, %swap3A_583], %swap3A_586 {strides = array<i32>} : memref<800x64xf32, #tpu.memory_space<vmem>>, vector<1x16xf32>,
        %add3A_587 = arith.constant 7 : i32
        %add3A_588 = arith.addi %mul3A_37, %add3A_587 : i32
        %get3A_589 = arith.index_cast %add3A_588 : i32 to index
        %get3A_590 = arith.constant 16 : index
        %get3A_591 = tpu.vector_load %arg7[%get3A_589, %get3A_590] {strides = array<i32>} : memref<800x64xf32, #tpu.memory_space<vmem>>, vector<1x16xf32>,
        %get3A_592 = vector.shape_cast %get3A_591 : vector<1x16xf32> to vector<16xf32>
        %get3A_593 = arith.constant 7 : i32
        %get3A_594 = arith.index_cast %get3A_593 : i32 to index
        %get3A_595 = arith.constant 16 : index
        %get3A_596 = tpu.vector_load %arg8[%get3A_594, %get3A_595] {strides = array<i32>} : memref<56x64xf32, #tpu.memory_space<vmem>>, vector<1x16xf32>,
        %get3A_597 = vector.shape_cast %get3A_596 : vector<1x16xf32> to vector<16xf32>
        %add3A_598 = arith.addf %get3A_592, %get3A_597 : vector<16xf32>
        %add3A_599 = arith.constant 7 : i32
        %add3A_600 = arith.addi %mul3A_37, %add3A_599 : i32
        %swap3A_601 = arith.index_cast %add3A_600 : i32 to index
        %swap3A_602 = arith.constant 16 : index
        %swap3A_603 = tpu.vector_load %arg7[%swap3A_601, %swap3A_602] {strides = array<i32>} : memref<800x64xf32, #tpu.memory_space<vmem>>, vector<1x16xf32>,
        %swap3A_604 = vector.shape_cast %swap3A_603 : vector<1x16xf32> to vector<16xf32>
        %swap3A_605 = vector.shape_cast %add3A_598 : vector<16xf32> to vector<1x16xf32>
        tpu.vector_store %arg7[%swap3A_601, %swap3A_602], %swap3A_605 {strides = array<i32>} : memref<800x64xf32, #tpu.memory_space<vmem>>, vector<1x16xf32>,
        %add3A_606 = arith.constant 7 : i32
        %add3A_607 = arith.addi %mul3A_37, %add3A_606 : i32
        %get3A_608 = arith.index_cast %add3A_607 : i32 to index
        %get3A_609 = arith.constant 32 : index
        %get3A_610 = tpu.vector_load %arg7[%get3A_608, %get3A_609] {strides = array<i32>} : memref<800x64xf32, #tpu.memory_space<vmem>>, vector<1x16xf32>,
        %get3A_611 = vector.shape_cast %get3A_610 : vector<1x16xf32> to vector<16xf32>
        %get3A_612 = arith.constant 7 : i32
        %get3A_613 = arith.index_cast %get3A_612 : i32 to index
        %get3A_614 = arith.constant 32 : index
        %get3A_615 = tpu.vector_load %arg8[%get3A_613, %get3A_614] {strides = array<i32>} : memref<56x64xf32, #tpu.memory_space<vmem>>, vector<1x16xf32>,
        %get3A_616 = vector.shape_cast %get3A_615 : vector<1x16xf32> to vector<16xf32>
        %add3A_617 = arith.addf %get3A_611, %get3A_616 : vector<16xf32>
        %add3A_618 = arith.constant 7 : i32
        %add3A_619 = arith.addi %mul3A_37, %add3A_618 : i32
        %swap3A_620 = arith.index_cast %add3A_619 : i32 to index
        %swap3A_621 = arith.constant 32 : index
        %swap3A_622 = tpu.vector_load %arg7[%swap3A_620, %swap3A_621] {strides = array<i32>} : memref<800x64xf32, #tpu.memory_space<vmem>>, vector<1x16xf32>,
        %swap3A_623 = vector.shape_cast %swap3A_622 : vector<1x16xf32> to vector<16xf32>
        %swap3A_624 = vector.shape_cast %add3A_617 : vector<16xf32> to vector<1x16xf32>
        tpu.vector_store %arg7[%swap3A_620, %swap3A_621], %swap3A_624 {strides = array<i32>} : memref<800x64xf32, #tpu.memory_space<vmem>>, vector<1x16xf32>,
        %add3A_625 = arith.constant 7 : i32
        %add3A_626 = arith.addi %mul3A_37, %add3A_625 : i32
        %get3A_627 = arith.index_cast %add3A_626 : i32 to index
        %get3A_628 = arith.constant 48 : index
        %get3A_629 = tpu.vector_load %arg7[%get3A_627, %get3A_628] {strides = array<i32>} : memref<800x64xf32, #tpu.memory_space<vmem>>, vector<1x16xf32>,
        %get3A_630 = vector.shape_cast %get3A_629 : vector<1x16xf32> to vector<16xf32>
        %get3A_631 = arith.constant 7 : i32
        %get3A_632 = arith.index_cast %get3A_631 : i32 to index
        %get3A_633 = arith.constant 48 : index
        %get3A_634 = tpu.vector_load %arg8[%get3A_632, %get3A_633] {strides = array<i32>} : memref<56x64xf32, #tpu.memory_space<vmem>>, vector<1x16xf32>,
        %get3A_635 = vector.shape_cast %get3A_634 : vector<1x16xf32> to vector<16xf32>
        %add3A_636 = arith.addf %get3A_630, %get3A_635 : vector<16xf32>
        %add3A_637 = arith.constant 7 : i32
        %add3A_638 = arith.addi %mul3A_37, %add3A_637 : i32
        %swap3A_639 = arith.index_cast %add3A_638 : i32 to index
        %swap3A_640 = arith.constant 48 : index
        %swap3A_641 = tpu.vector_load %arg7[%swap3A_639, %swap3A_640] {strides = array<i32>} : memref<800x64xf32, #tpu.memory_space<vmem>>, vector<1x16xf32>,
        %swap3A_642 = vector.shape_cast %swap3A_641 : vector<1x16xf32> to vector<16xf32>
        %swap3A_643 = vector.shape_cast %add3A_636 : vector<16xf32> to vector<1x16xf32>
        tpu.vector_store %arg7[%swap3A_639, %swap3A_640], %swap3A_643 {strides = array<i32>} : memref<800x64xf32, #tpu.memory_space<vmem>>, vector<1x16xf32>,
        %add3A_644 = arith.constant 8 : i32
        %add3A_645 = arith.addi %mul3A_37, %add3A_644 : i32
        %get3A_646 = arith.index_cast %add3A_645 : i32 to index
        %get3A_647 = arith.constant 0 : index
        %get3A_648 = tpu.vector_load %arg7[%get3A_646, %get3A_647] {strides = array<i32>} : memref<800x64xf32, #tpu.memory_space<vmem>>, vector<1x16xf32>,
        %get3A_649 = vector.shape_cast %get3A_648 : vector<1x16xf32> to vector<16xf32>
        %get3A_650 = arith.constant 8 : i32
        %get3A_651 = arith.index_cast %get3A_650 : i32 to index
        %get3A_652 = arith.constant 0 : index
        %get3A_653 = tpu.vector_load %arg8[%get3A_651, %get3A_652] {strides = array<i32>} : memref<56x64xf32, #tpu.memory_space<vmem>>, vector<1x16xf32>,
        %get3A_654 = vector.shape_cast %get3A_653 : vector<1x16xf32> to vector<16xf32>
        %add3A_655 = arith.addf %get3A_649, %get3A_654 : vector<16xf32>
        %add3A_656 = arith.constant 8 : i32
        %add3A_657 = arith.addi %mul3A_37, %add3A_656 : i32
        %swap3A_658 = arith.index_cast %add3A_657 : i32 to index
        %swap3A_659 = arith.constant 0 : index
        %swap3A_660 = tpu.vector_load %arg7[%swap3A_658, %swap3A_659] {strides = array<i32>} : memref<800x64xf32, #tpu.memory_space<vmem>>, vector<1x16xf32>,
        %swap3A_661 = vector.shape_cast %swap3A_660 : vector<1x16xf32> to vector<16xf32>
        %swap3A_662 = vector.shape_cast %add3A_655 : vector<16xf32> to vector<1x16xf32>
        tpu.vector_store %arg7[%swap3A_658, %swap3A_659], %swap3A_662 {strides = array<i32>} : memref<800x64xf32, #tpu.memory_space<vmem>>, vector<1x16xf32>,
        %add3A_663 = arith.constant 8 : i32
        %add3A_664 = arith.addi %mul3A_37, %add3A_663 : i32
        %get3A_665 = arith.index_cast %add3A_664 : i32 to index
        %get3A_666 = arith.constant 16 : index
        %get3A_667 = tpu.vector_load %arg7[%get3A_665, %get3A_666] {strides = array<i32>} : memref<800x64xf32, #tpu.memory_space<vmem>>, vector<1x16xf32>,
        %get3A_668 = vector.shape_cast %get3A_667 : vector<1x16xf32> to vector<16xf32>
        %get3A_669 = arith.constant 8 : i32
        %get3A_670 = arith.index_cast %get3A_669 : i32 to index
        %get3A_671 = arith.constant 16 : index
        %get3A_672 = tpu.vector_load %arg8[%get3A_670, %get3A_671] {strides = array<i32>} : memref<56x64xf32, #tpu.memory_space<vmem>>, vector<1x16xf32>,
        %get3A_673 = vector.shape_cast %get3A_672 : vector<1x16xf32> to vector<16xf32>
        %add3A_674 = arith.addf %get3A_668, %get3A_673 : vector<16xf32>
        %add3A_675 = arith.constant 8 : i32
        %add3A_676 = arith.addi %mul3A_37, %add3A_675 : i32
        %swap3A_677 = arith.index_cast %add3A_676 : i32 to index
        %swap3A_678 = arith.constant 16 : index
        %swap3A_679 = tpu.vector_load %arg7[%swap3A_677, %swap3A_678] {strides = array<i32>} : memref<800x64xf32, #tpu.memory_space<vmem>>, vector<1x16xf32>,
        %swap3A_680 = vector.shape_cast %swap3A_679 : vector<1x16xf32> to vector<16xf32>
        %swap3A_681 = vector.shape_cast %add3A_674 : vector<16xf32> to vector<1x16xf32>
        tpu.vector_store %arg7[%swap3A_677, %swap3A_678], %swap3A_681 {strides = array<i32>} : memref<800x64xf32, #tpu.memory_space<vmem>>, vector<1x16xf32>,
        %add3A_682 = arith.constant 8 : i32
        %add3A_683 = arith.addi %mul3A_37, %add3A_682 : i32
        %get3A_684 = arith.index_cast %add3A_683 : i32 to index
        %get3A_685 = arith.constant 32 : index
        %get3A_686 = tpu.vector_load %arg7[%get3A_684, %get3A_685] {strides = array<i32>} : memref<800x64xf32, #tpu.memory_space<vmem>>, vector<1x16xf32>,
        %get3A_687 = vector.shape_cast %get3A_686 : vector<1x16xf32> to vector<16xf32>
        %get3A_688 = arith.constant 8 : i32
        %get3A_689 = arith.index_cast %get3A_688 : i32 to index
        %get3A_690 = arith.constant 32 : index
        %get3A_691 = tpu.vector_load %arg8[%get3A_689, %get3A_690] {strides = array<i32>} : memref<56x64xf32, #tpu.memory_space<vmem>>, vector<1x16xf32>,
        %get3A_692 = vector.shape_cast %get3A_691 : vector<1x16xf32> to vector<16xf32>
        %add3A_693 = arith.addf %get3A_687, %get3A_692 : vector<16xf32>
        %add3A_694 = arith.constant 8 : i32
        %add3A_695 = arith.addi %mul3A_37, %add3A_694 : i32
        %swap3A_696 = arith.index_cast %add3A_695 : i32 to index
        %swap3A_697 = arith.constant 32 : index
        %swap3A_698 = tpu.vector_load %arg7[%swap3A_696, %swap3A_697] {strides = array<i32>} : memref<800x64xf32, #tpu.memory_space<vmem>>, vector<1x16xf32>,
        %swap3A_699 = vector.shape_cast %swap3A_698 : vector<1x16xf32> to vector<16xf32>
        %swap3A_700 = vector.shape_cast %add3A_693 : vector<16xf32> to vector<1x16xf32>
        tpu.vector_store %arg7[%swap3A_696, %swap3A_697], %swap3A_700 {strides = array<i32>} : memref<800x64xf32, #tpu.memory_space<vmem>>, vector<1x16xf32>,
        %add3A_701 = arith.constant 8 : i32
        %add3A_702 = arith.addi %mul3A_37, %add3A_701 : i32
        %get3A_703 = arith.index_cast %add3A_702 : i32 to index
        %get3A_704 = arith.constant 48 : index
        %get3A_705 = tpu.vector_load %arg7[%get3A_703, %get3A_704] {strides = array<i32>} : memref<800x64xf32, #tpu.memory_space<vmem>>, vector<1x16xf32>,
        %get3A_706 = vector.shape_cast %get3A_705 : vector<1x16xf32> to vector<16xf32>
        %get3A_707 = arith.constant 8 : i32
        %get3A_708 = arith.index_cast %get3A_707 : i32 to index
        %get3A_709 = arith.constant 48 : index
        %get3A_710 = tpu.vector_load %arg8[%get3A_708, %get3A_709] {strides = array<i32>} : memref<56x64xf32, #tpu.memory_space<vmem>>, vector<1x16xf32>,
        %get3A_711 = vector.shape_cast %get3A_710 : vector<1x16xf32> to vector<16xf32>
        %add3A_712 = arith.addf %get3A_706, %get3A_711 : vector<16xf32>
        %add3A_713 = arith.constant 8 : i32
        %add3A_714 = arith.addi %mul3A_37, %add3A_713 : i32
        %swap3A_715 = arith.index_cast %add3A_714 : i32 to index
        %swap3A_716 = arith.constant 48 : index
        %swap3A_717 = tpu.vector_load %arg7[%swap3A_715, %swap3A_716] {strides = array<i32>} : memref<800x64xf32, #tpu.memory_space<vmem>>, vector<1x16xf32>,
        %swap3A_718 = vector.shape_cast %swap3A_717 : vector<1x16xf32> to vector<16xf32>
        %swap3A_719 = vector.shape_cast %add3A_712 : vector<16xf32> to vector<1x16xf32>
        tpu.vector_store %arg7[%swap3A_715, %swap3A_716], %swap3A_719 {strides = array<i32>} : memref<800x64xf32, #tpu.memory_space<vmem>>, vector<1x16xf32>,
        %add3A_720 = arith.constant 9 : i32
        %add3A_721 = arith.addi %mul3A_37, %add3A_720 : i32
        %get3A_722 = arith.index_cast %add3A_721 : i32 to index
        %get3A_723 = arith.constant 0 : index
        %get3A_724 = tpu.vector_load %arg7[%get3A_722, %get3A_723] {strides = array<i32>} : memref<800x64xf32, #tpu.memory_space<vmem>>, vector<1x16xf32>,
        %get3A_725 = vector.shape_cast %get3A_724 : vector<1x16xf32> to vector<16xf32>
        %get3A_726 = arith.constant 9 : i32
        %get3A_727 = arith.index_cast %get3A_726 : i32 to index
        %get3A_728 = arith.constant 0 : index
        %get3A_729 = tpu.vector_load %arg8[%get3A_727, %get3A_728] {strides = array<i32>} : memref<56x64xf32, #tpu.memory_space<vmem>>, vector<1x16xf32>,
        %get3A_730 = vector.shape_cast %get3A_729 : vector<1x16xf32> to vector<16xf32>
        %add3A_731 = arith.addf %get3A_725, %get3A_730 : vector<16xf32>
        %add3A_732 = arith.constant 9 : i32
        %add3A_733 = arith.addi %mul3A_37, %add3A_732 : i32
        %swap3A_734 = arith.index_cast %add3A_733 : i32 to index
        %swap3A_735 = arith.constant 0 : index
        %swap3A_736 = tpu.vector_load %arg7[%swap3A_734, %swap3A_735] {strides = array<i32>} : memref<800x64xf32, #tpu.memory_space<vmem>>, vector<1x16xf32>,
        %swap3A_737 = vector.shape_cast %swap3A_736 : vector<1x16xf32> to vector<16xf32>
        %swap3A_738 = vector.shape_cast %add3A_731 : vector<16xf32> to vector<1x16xf32>
        tpu.vector_store %arg7[%swap3A_734, %swap3A_735], %swap3A_738 {strides = array<i32>} : memref<800x64xf32, #tpu.memory_space<vmem>>, vector<1x16xf32>,
        %add3A_739 = arith.constant 9 : i32
        %add3A_740 = arith.addi %mul3A_37, %add3A_739 : i32
        %get3A_741 = arith.index_cast %add3A_740 : i32 to index
        %get3A_742 = arith.constant 16 : index
        %get3A_743 = tpu.vector_load %arg7[%get3A_741, %get3A_742] {strides = array<i32>} : memref<800x64xf32, #tpu.memory_space<vmem>>, vector<1x16xf32>,
        %get3A_744 = vector.shape_cast %get3A_743 : vector<1x16xf32> to vector<16xf32>
        %get3A_745 = arith.constant 9 : i32
        %get3A_746 = arith.index_cast %get3A_745 : i32 to index
        %get3A_747 = arith.constant 16 : index
        %get3A_748 = tpu.vector_load %arg8[%get3A_746, %get3A_747] {strides = array<i32>} : memref<56x64xf32, #tpu.memory_space<vmem>>, vector<1x16xf32>,
        %get3A_749 = vector.shape_cast %get3A_748 : vector<1x16xf32> to vector<16xf32>
        %add3A_750 = arith.addf %get3A_744, %get3A_749 : vector<16xf32>
        %add3A_751 = arith.constant 9 : i32
        %add3A_752 = arith.addi %mul3A_37, %add3A_751 : i32
        %swap3A_753 = arith.index_cast %add3A_752 : i32 to index
        %swap3A_754 = arith.constant 16 : index
        %swap3A_755 = tpu.vector_load %arg7[%swap3A_753, %swap3A_754] {strides = array<i32>} : memref<800x64xf32, #tpu.memory_space<vmem>>, vector<1x16xf32>,
        %swap3A_756 = vector.shape_cast %swap3A_755 : vector<1x16xf32> to vector<16xf32>
        %swap3A_757 = vector.shape_cast %add3A_750 : vector<16xf32> to vector<1x16xf32>
        tpu.vector_store %arg7[%swap3A_753, %swap3A_754], %swap3A_757 {strides = array<i32>} : memref<800x64xf32, #tpu.memory_space<vmem>>, vector<1x16xf32>,
        %add3A_758 = arith.constant 9 : i32
        %add3A_759 = arith.addi %mul3A_37, %add3A_758 : i32
        %get3A_760 = arith.index_cast %add3A_759 : i32 to index
        %get3A_761 = arith.constant 32 : index
        %get3A_762 = tpu.vector_load %arg7[%get3A_760, %get3A_761] {strides = array<i32>} : memref<800x64xf32, #tpu.memory_space<vmem>>, vector<1x16xf32>,
        %get3A_763 = vector.shape_cast %get3A_762 : vector<1x16xf32> to vector<16xf32>
        %get3A_764 = arith.constant 9 : i32
        %get3A_765 = arith.index_cast %get3A_764 : i32 to index
        %get3A_766 = arith.constant 32 : index
        %get3A_767 = tpu.vector_load %arg8[%get3A_765, %get3A_766] {strides = array<i32>} : memref<56x64xf32, #tpu.memory_space<vmem>>, vector<1x16xf32>,
        %get3A_768 = vector.shape_cast %get3A_767 : vector<1x16xf32> to vector<16xf32>
        %add3A_769 = arith.addf %get3A_763, %get3A_768 : vector<16xf32>
        %add3A_770 = arith.constant 9 : i32
        %add3A_771 = arith.addi %mul3A_37, %add3A_770 : i32
        %swap3A_772 = arith.index_cast %add3A_771 : i32 to index
        %swap3A_773 = arith.constant 32 : index
        %swap3A_774 = tpu.vector_load %arg7[%swap3A_772, %swap3A_773] {strides = array<i32>} : memref<800x64xf32, #tpu.memory_space<vmem>>, vector<1x16xf32>,
        %swap3A_775 = vector.shape_cast %swap3A_774 : vector<1x16xf32> to vector<16xf32>
        %swap3A_776 = vector.shape_cast %add3A_769 : vector<16xf32> to vector<1x16xf32>
        tpu.vector_store %arg7[%swap3A_772, %swap3A_773], %swap3A_776 {strides = array<i32>} : memref<800x64xf32, #tpu.memory_space<vmem>>, vector<1x16xf32>,
        %add3A_777 = arith.constant 9 : i32
        %add3A_778 = arith.addi %mul3A_37, %add3A_777 : i32
        %get3A_779 = arith.index_cast %add3A_778 : i32 to index
        %get3A_780 = arith.constant 48 : index
        %get3A_781 = tpu.vector_load %arg7[%get3A_779, %get3A_780] {strides = array<i32>} : memref<800x64xf32, #tpu.memory_space<vmem>>, vector<1x16xf32>,
        %get3A_782 = vector.shape_cast %get3A_781 : vector<1x16xf32> to vector<16xf32>
        %get3A_783 = arith.constant 9 : i32
        %get3A_784 = arith.index_cast %get3A_783 : i32 to index
        %get3A_785 = arith.constant 48 : index
        %get3A_786 = tpu.vector_load %arg8[%get3A_784, %get3A_785] {strides = array<i32>} : memref<56x64xf32, #tpu.memory_space<vmem>>, vector<1x16xf32>,
        %get3A_787 = vector.shape_cast %get3A_786 : vector<1x16xf32> to vector<16xf32>
        %add3A_788 = arith.addf %get3A_782, %get3A_787 : vector<16xf32>
        %add3A_789 = arith.constant 9 : i32
        %add3A_790 = arith.addi %mul3A_37, %add3A_789 : i32
        %swap3A_791 = arith.index_cast %add3A_790 : i32 to index
        %swap3A_792 = arith.constant 48 : index
        %swap3A_793 = tpu.vector_load %arg7[%swap3A_791, %swap3A_792] {strides = array<i32>} : memref<800x64xf32, #tpu.memory_space<vmem>>, vector<1x16xf32>,
        %swap3A_794 = vector.shape_cast %swap3A_793 : vector<1x16xf32> to vector<16xf32>
        %swap3A_795 = vector.shape_cast %add3A_788 : vector<16xf32> to vector<1x16xf32>
        tpu.vector_store %arg7[%swap3A_791, %swap3A_792], %swap3A_795 {strides = array<i32>} : memref<800x64xf32, #tpu.memory_space<vmem>>, vector<1x16xf32>,
        %add3A_796 = arith.constant 10 : i32
        %add3A_797 = arith.addi %mul3A_37, %add3A_796 : i32
        %get3A_798 = arith.index_cast %add3A_797 : i32 to index
        %get3A_799 = arith.constant 0 : index
        %get3A_800 = tpu.vector_load %arg7[%get3A_798, %get3A_799] {strides = array<i32>} : memref<800x64xf32, #tpu.memory_space<vmem>>, vector<1x16xf32>,
        %get3A_801 = vector.shape_cast %get3A_800 : vector<1x16xf32> to vector<16xf32>
        %get3A_802 = arith.constant 10 : i32
        %get3A_803 = arith.index_cast %get3A_802 : i32 to index
        %get3A_804 = arith.constant 0 : index
        %get3A_805 = tpu.vector_load %arg8[%get3A_803, %get3A_804] {strides = array<i32>} : memref<56x64xf32, #tpu.memory_space<vmem>>, vector<1x16xf32>,
        %get3A_806 = vector.shape_cast %get3A_805 : vector<1x16xf32> to vector<16xf32>
        %add3A_807 = arith.addf %get3A_801, %get3A_806 : vector<16xf32>
        %add3A_808 = arith.constant 10 : i32
        %add3A_809 = arith.addi %mul3A_37, %add3A_808 : i32
        %swap3A_810 = arith.index_cast %add3A_809 : i32 to index
        %swap3A_811 = arith.constant 0 : index
        %swap3A_812 = tpu.vector_load %arg7[%swap3A_810, %swap3A_811] {strides = array<i32>} : memref<800x64xf32, #tpu.memory_space<vmem>>, vector<1x16xf32>,
        %swap3A_813 = vector.shape_cast %swap3A_812 : vector<1x16xf32> to vector<16xf32>
        %swap3A_814 = vector.shape_cast %add3A_807 : vector<16xf32> to vector<1x16xf32>
        tpu.vector_store %arg7[%swap3A_810, %swap3A_811], %swap3A_814 {strides = array<i32>} : memref<800x64xf32, #tpu.memory_space<vmem>>, vector<1x16xf32>,
        %add3A_815 = arith.constant 10 : i32
        %add3A_816 = arith.addi %mul3A_37, %add3A_815 : i32
        %get3A_817 = arith.index_cast %add3A_816 : i32 to index
        %get3A_818 = arith.constant 16 : index
        %get3A_819 = tpu.vector_load %arg7[%get3A_817, %get3A_818] {strides = array<i32>} : memref<800x64xf32, #tpu.memory_space<vmem>>, vector<1x16xf32>,
        %get3A_820 = vector.shape_cast %get3A_819 : vector<1x16xf32> to vector<16xf32>
        %get3A_821 = arith.constant 10 : i32
        %get3A_822 = arith.index_cast %get3A_821 : i32 to index
        %get3A_823 = arith.constant 16 : index
        %get3A_824 = tpu.vector_load %arg8[%get3A_822, %get3A_823] {strides = array<i32>} : memref<56x64xf32, #tpu.memory_space<vmem>>, vector<1x16xf32>,
        %get3A_825 = vector.shape_cast %get3A_824 : vector<1x16xf32> to vector<16xf32>
        %add3A_826 = arith.addf %get3A_820, %get3A_825 : vector<16xf32>
        %add3A_827 = arith.constant 10 : i32
        %add3A_828 = arith.addi %mul3A_37, %add3A_827 : i32
        %swap3A_829 = arith.index_cast %add3A_828 : i32 to index
        %swap3A_830 = arith.constant 16 : index
        %swap3A_831 = tpu.vector_load %arg7[%swap3A_829, %swap3A_830] {strides = array<i32>} : memref<800x64xf32, #tpu.memory_space<vmem>>, vector<1x16xf32>,
        %swap3A_832 = vector.shape_cast %swap3A_831 : vector<1x16xf32> to vector<16xf32>
        %swap3A_833 = vector.shape_cast %add3A_826 : vector<16xf32> to vector<1x16xf32>
        tpu.vector_store %arg7[%swap3A_829, %swap3A_830], %swap3A_833 {strides = array<i32>} : memref<800x64xf32, #tpu.memory_space<vmem>>, vector<1x16xf32>,
        %add3A_834 = arith.constant 10 : i32
        %add3A_835 = arith.addi %mul3A_37, %add3A_834 : i32
        %get3A_836 = arith.index_cast %add3A_835 : i32 to index
        %get3A_837 = arith.constant 32 : index
        %get3A_838 = tpu.vector_load %arg7[%get3A_836, %get3A_837] {strides = array<i32>} : memref<800x64xf32, #tpu.memory_space<vmem>>, vector<1x16xf32>,
        %get3A_839 = vector.shape_cast %get3A_838 : vector<1x16xf32> to vector<16xf32>
        %get3A_840 = arith.constant 10 : i32
        %get3A_841 = arith.index_cast %get3A_840 : i32 to index
        %get3A_842 = arith.constant 32 : index
        %get3A_843 = tpu.vector_load %arg8[%get3A_841, %get3A_842] {strides = array<i32>} : memref<56x64xf32, #tpu.memory_space<vmem>>, vector<1x16xf32>,
        %get3A_844 = vector.shape_cast %get3A_843 : vector<1x16xf32> to vector<16xf32>
        %add3A_845 = arith.addf %get3A_839, %get3A_844 : vector<16xf32>
        %add3A_846 = arith.constant 10 : i32
        %add3A_847 = arith.addi %mul3A_37, %add3A_846 : i32
        %swap3A_848 = arith.index_cast %add3A_847 : i32 to index
        %swap3A_849 = arith.constant 32 : index
        %swap3A_850 = tpu.vector_load %arg7[%swap3A_848, %swap3A_849] {strides = array<i32>} : memref<800x64xf32, #tpu.memory_space<vmem>>, vector<1x16xf32>,
        %swap3A_851 = vector.shape_cast %swap3A_850 : vector<1x16xf32> to vector<16xf32>
        %swap3A_852 = vector.shape_cast %add3A_845 : vector<16xf32> to vector<1x16xf32>
        tpu.vector_store %arg7[%swap3A_848, %swap3A_849], %swap3A_852 {strides = array<i32>} : memref<800x64xf32, #tpu.memory_space<vmem>>, vector<1x16xf32>,
        %add3A_853 = arith.constant 10 : i32
        %add3A_854 = arith.addi %mul3A_37, %add3A_853 : i32
        %get3A_855 = arith.index_cast %add3A_854 : i32 to index
        %get3A_856 = arith.constant 48 : index
        %get3A_857 = tpu.vector_load %arg7[%get3A_855, %get3A_856] {strides = array<i32>} : memref<800x64xf32, #tpu.memory_space<vmem>>, vector<1x16xf32>,
        %get3A_858 = vector.shape_cast %get3A_857 : vector<1x16xf32> to vector<16xf32>
        %get3A_859 = arith.constant 10 : i32
        %get3A_860 = arith.index_cast %get3A_859 : i32 to index
        %get3A_861 = arith.constant 48 : index
        %get3A_862 = tpu.vector_load %arg8[%get3A_860, %get3A_861] {strides = array<i32>} : memref<56x64xf32, #tpu.memory_space<vmem>>, vector<1x16xf32>,
        %get3A_863 = vector.shape_cast %get3A_862 : vector<1x16xf32> to vector<16xf32>
        %add3A_864 = arith.addf %get3A_858, %get3A_863 : vector<16xf32>
        %add3A_865 = arith.constant 10 : i32
        %add3A_866 = arith.addi %mul3A_37, %add3A_865 : i32
        %swap3A_867 = arith.index_cast %add3A_866 : i32 to index
        %swap3A_868 = arith.constant 48 : index
        %swap3A_869 = tpu.vector_load %arg7[%swap3A_867, %swap3A_868] {strides = array<i32>} : memref<800x64xf32, #tpu.memory_space<vmem>>, vector<1x16xf32>,
        %swap3A_870 = vector.shape_cast %swap3A_869 : vector<1x16xf32> to vector<16xf32>
        %swap3A_871 = vector.shape_cast %add3A_864 : vector<16xf32> to vector<1x16xf32>
        tpu.vector_store %arg7[%swap3A_867, %swap3A_868], %swap3A_871 {strides = array<i32>} : memref<800x64xf32, #tpu.memory_space<vmem>>, vector<1x16xf32>,
        %add3A_872 = arith.constant 11 : i32
        %add3A_873 = arith.addi %mul3A_37, %add3A_872 : i32
        %get3A_874 = arith.index_cast %add3A_873 : i32 to index
        %get3A_875 = arith.constant 0 : index
        %get3A_876 = tpu.vector_load %arg7[%get3A_874, %get3A_875] {strides = array<i32>} : memref<800x64xf32, #tpu.memory_space<vmem>>, vector<1x16xf32>,
        %get3A_877 = vector.shape_cast %get3A_876 : vector<1x16xf32> to vector<16xf32>
        %get3A_878 = arith.constant 11 : i32
        %get3A_879 = arith.index_cast %get3A_878 : i32 to index
        %get3A_880 = arith.constant 0 : index
        %get3A_881 = tpu.vector_load %arg8[%get3A_879, %get3A_880] {strides = array<i32>} : memref<56x64xf32, #tpu.memory_space<vmem>>, vector<1x16xf32>,
        %get3A_882 = vector.shape_cast %get3A_881 : vector<1x16xf32> to vector<16xf32>
        %add3A_883 = arith.addf %get3A_877, %get3A_882 : vector<16xf32>
        %add3A_884 = arith.constant 11 : i32
        %add3A_885 = arith.addi %mul3A_37, %add3A_884 : i32
        %swap3A_886 = arith.index_cast %add3A_885 : i32 to index
        %swap3A_887 = arith.constant 0 : index
        %swap3A_888 = tpu.vector_load %arg7[%swap3A_886, %swap3A_887] {strides = array<i32>} : memref<800x64xf32, #tpu.memory_space<vmem>>, vector<1x16xf32>,
        %swap3A_889 = vector.shape_cast %swap3A_888 : vector<1x16xf32> to vector<16xf32>
        %swap3A_890 = vector.shape_cast %add3A_883 : vector<16xf32> to vector<1x16xf32>
        tpu.vector_store %arg7[%swap3A_886, %swap3A_887], %swap3A_890 {strides = array<i32>} : memref<800x64xf32, #tpu.memory_space<vmem>>, vector<1x16xf32>,
        %add3A_891 = arith.constant 11 : i32
        %add3A_892 = arith.addi %mul3A_37, %add3A_891 : i32
        %get3A_893 = arith.index_cast %add3A_892 : i32 to index
        %get3A_894 = arith.constant 16 : index
        %get3A_895 = tpu.vector_load %arg7[%get3A_893, %get3A_894] {strides = array<i32>} : memref<800x64xf32, #tpu.memory_space<vmem>>, vector<1x16xf32>,
        %get3A_896 = vector.shape_cast %get3A_895 : vector<1x16xf32> to vector<16xf32>
        %get3A_897 = arith.constant 11 : i32
        %get3A_898 = arith.index_cast %get3A_897 : i32 to index
        %get3A_899 = arith.constant 16 : index
        %get3A_900 = tpu.vector_load %arg8[%get3A_898, %get3A_899] {strides = array<i32>} : memref<56x64xf32, #tpu.memory_space<vmem>>, vector<1x16xf32>,
        %get3A_901 = vector.shape_cast %get3A_900 : vector<1x16xf32> to vector<16xf32>
        %add3A_902 = arith.addf %get3A_896, %get3A_901 : vector<16xf32>
        %add3A_903 = arith.constant 11 : i32
        %add3A_904 = arith.addi %mul3A_37, %add3A_903 : i32
        %swap3A_905 = arith.index_cast %add3A_904 : i32 to index
        %swap3A_906 = arith.constant 16 : index
        %swap3A_907 = tpu.vector_load %arg7[%swap3A_905, %swap3A_906] {strides = array<i32>} : memref<800x64xf32, #tpu.memory_space<vmem>>, vector<1x16xf32>,
        %swap3A_908 = vector.shape_cast %swap3A_907 : vector<1x16xf32> to vector<16xf32>
        %swap3A_909 = vector.shape_cast %add3A_902 : vector<16xf32> to vector<1x16xf32>
        tpu.vector_store %arg7[%swap3A_905, %swap3A_906], %swap3A_909 {strides = array<i32>} : memref<800x64xf32, #tpu.memory_space<vmem>>, vector<1x16xf32>,
        %add3A_910 = arith.constant 11 : i32
        %add3A_911 = arith.addi %mul3A_37, %add3A_910 : i32
        %get3A_912 = arith.index_cast %add3A_911 : i32 to index
        %get3A_913 = arith.constant 32 : index
        %get3A_914 = tpu.vector_load %arg7[%get3A_912, %get3A_913] {strides = array<i32>} : memref<800x64xf32, #tpu.memory_space<vmem>>, vector<1x16xf32>,
        %get3A_915 = vector.shape_cast %get3A_914 : vector<1x16xf32> to vector<16xf32>
        %get3A_916 = arith.constant 11 : i32
        %get3A_917 = arith.index_cast %get3A_916 : i32 to index
        %get3A_918 = arith.constant 32 : index
        %get3A_919 = tpu.vector_load %arg8[%get3A_917, %get3A_918] {strides = array<i32>} : memref<56x64xf32, #tpu.memory_space<vmem>>, vector<1x16xf32>,
        %get3A_920 = vector.shape_cast %get3A_919 : vector<1x16xf32> to vector<16xf32>
        %add3A_921 = arith.addf %get3A_915, %get3A_920 : vector<16xf32>
        %add3A_922 = arith.constant 11 : i32
        %add3A_923 = arith.addi %mul3A_37, %add3A_922 : i32
        %swap3A_924 = arith.index_cast %add3A_923 : i32 to index
        %swap3A_925 = arith.constant 32 : index
        %swap3A_926 = tpu.vector_load %arg7[%swap3A_924, %swap3A_925] {strides = array<i32>} : memref<800x64xf32, #tpu.memory_space<vmem>>, vector<1x16xf32>,
        %swap3A_927 = vector.shape_cast %swap3A_926 : vector<1x16xf32> to vector<16xf32>
        %swap3A_928 = vector.shape_cast %add3A_921 : vector<16xf32> to vector<1x16xf32>
        tpu.vector_store %arg7[%swap3A_924, %swap3A_925], %swap3A_928 {strides = array<i32>} : memref<800x64xf32, #tpu.memory_space<vmem>>, vector<1x16xf32>,
        %add3A_929 = arith.constant 11 : i32
        %add3A_930 = arith.addi %mul3A_37, %add3A_929 : i32
        %get3A_931 = arith.index_cast %add3A_930 : i32 to index
        %get3A_932 = arith.constant 48 : index
        %get3A_933 = tpu.vector_load %arg7[%get3A_931, %get3A_932] {strides = array<i32>} : memref<800x64xf32, #tpu.memory_space<vmem>>, vector<1x16xf32>,
        %get3A_934 = vector.shape_cast %get3A_933 : vector<1x16xf32> to vector<16xf32>
        %get3A_935 = arith.constant 11 : i32
        %get3A_936 = arith.index_cast %get3A_935 : i32 to index
        %get3A_937 = arith.constant 48 : index
        %get3A_938 = tpu.vector_load %arg8[%get3A_936, %get3A_937] {strides = array<i32>} : memref<56x64xf32, #tpu.memory_space<vmem>>, vector<1x16xf32>,
        %get3A_939 = vector.shape_cast %get3A_938 : vector<1x16xf32> to vector<16xf32>
        %add3A_940 = arith.addf %get3A_934, %get3A_939 : vector<16xf32>
        %add3A_941 = arith.constant 11 : i32
        %add3A_942 = arith.addi %mul3A_37, %add3A_941 : i32
        %swap3A_943 = arith.index_cast %add3A_942 : i32 to index
        %swap3A_944 = arith.constant 48 : index
        %swap3A_945 = tpu.vector_load %arg7[%swap3A_943, %swap3A_944] {strides = array<i32>} : memref<800x64xf32, #tpu.memory_space<vmem>>, vector<1x16xf32>,
        %swap3A_946 = vector.shape_cast %swap3A_945 : vector<1x16xf32> to vector<16xf32>
        %swap3A_947 = vector.shape_cast %add3A_940 : vector<16xf32> to vector<1x16xf32>
        tpu.vector_store %arg7[%swap3A_943, %swap3A_944], %swap3A_947 {strides = array<i32>} : memref<800x64xf32, #tpu.memory_space<vmem>>, vector<1x16xf32>,
        %add3A_948 = arith.constant 12 : i32
        %add3A_949 = arith.addi %mul3A_37, %add3A_948 : i32
        %get3A_950 = arith.index_cast %add3A_949 : i32 to index
        %get3A_951 = arith.constant 0 : index
        %get3A_952 = tpu.vector_load %arg7[%get3A_950, %get3A_951] {strides = array<i32>} : memref<800x64xf32, #tpu.memory_space<vmem>>, vector<1x16xf32>,
        %get3A_953 = vector.shape_cast %get3A_952 : vector<1x16xf32> to vector<16xf32>
        %get3A_954 = arith.constant 12 : i32
        %get3A_955 = arith.index_cast %get3A_954 : i32 to index
        %get3A_956 = arith.constant 0 : index
        %get3A_957 = tpu.vector_load %arg8[%get3A_955, %get3A_956] {strides = array<i32>} : memref<56x64xf32, #tpu.memory_space<vmem>>, vector<1x16xf32>,
        %get3A_958 = vector.shape_cast %get3A_957 : vector<1x16xf32> to vector<16xf32>
        %add3A_959 = arith.addf %get3A_953, %get3A_958 : vector<16xf32>
        %add3A_960 = arith.constant 12 : i32
        %add3A_961 = arith.addi %mul3A_37, %add3A_960 : i32
        %swap3A_962 = arith.index_cast %add3A_961 : i32 to index
        %swap3A_963 = arith.constant 0 : index
        %swap3A_964 = tpu.vector_load %arg7[%swap3A_962, %swap3A_963] {strides = array<i32>} : memref<800x64xf32, #tpu.memory_space<vmem>>, vector<1x16xf32>,
        %swap3A_965 = vector.shape_cast %swap3A_964 : vector<1x16xf32> to vector<16xf32>
        %swap3A_966 = vector.shape_cast %add3A_959 : vector<16xf32> to vector<1x16xf32>
        tpu.vector_store %arg7[%swap3A_962, %swap3A_963], %swap3A_966 {strides = array<i32>} : memref<800x64xf32, #tpu.memory_space<vmem>>, vector<1x16xf32>,
        %add3A_967 = arith.constant 12 : i32
        %add3A_968 = arith.addi %mul3A_37, %add3A_967 : i32
        %get3A_969 = arith.index_cast %add3A_968 : i32 to index
        %get3A_970 = arith.constant 16 : index
        %get3A_971 = tpu.vector_load %arg7[%get3A_969, %get3A_970] {strides = array<i32>} : memref<800x64xf32, #tpu.memory_space<vmem>>, vector<1x16xf32>,
        %get3A_972 = vector.shape_cast %get3A_971 : vector<1x16xf32> to vector<16xf32>
        %get3A_973 = arith.constant 12 : i32
        %get3A_974 = arith.index_cast %get3A_973 : i32 to index
        %get3A_975 = arith.constant 16 : index
        %get3A_976 = tpu.vector_load %arg8[%get3A_974, %get3A_975] {strides = array<i32>} : memref<56x64xf32, #tpu.memory_space<vmem>>, vector<1x16xf32>,
        %get3A_977 = vector.shape_cast %get3A_976 : vector<1x16xf32> to vector<16xf32>
        %add3A_978 = arith.addf %get3A_972, %get3A_977 : vector<16xf32>
        %add3A_979 = arith.constant 12 : i32
        %add3A_980 = arith.addi %mul3A_37, %add3A_979 : i32
        %swap3A_981 = arith.index_cast %add3A_980 : i32 to index
        %swap3A_982 = arith.constant 16 : index
        %swap3A_983 = tpu.vector_load %arg7[%swap3A_981, %swap3A_982] {strides = array<i32>} : memref<800x64xf32, #tpu.memory_space<vmem>>, vector<1x16xf32>,
        %swap3A_984 = vector.shape_cast %swap3A_983 : vector<1x16xf32> to vector<16xf32>
        %swap3A_985 = vector.shape_cast %add3A_978 : vector<16xf32> to vector<1x16xf32>
        tpu.vector_store %arg7[%swap3A_981, %swap3A_982], %swap3A_985 {strides = array<i32>} : memref<800x64xf32, #tpu.memory_space<vmem>>, vector<1x16xf32>,
        %add3A_986 = arith.constant 12 : i32
        %add3A_987 = arith.addi %mul3A_37, %add3A_986 : i32
        %get3A_988 = arith.index_cast %add3A_987 : i32 to index
        %get3A_989 = arith.constant 32 : index
        %get3A_990 = tpu.vector_load %arg7[%get3A_988, %get3A_989] {strides = array<i32>} : memref<800x64xf32, #tpu.memory_space<vmem>>, vector<1x16xf32>,
        %get3A_991 = vector.shape_cast %get3A_990 : vector<1x16xf32> to vector<16xf32>
        %get3A_992 = arith.constant 12 : i32
        %get3A_993 = arith.index_cast %get3A_992 : i32 to index
        %get3A_994 = arith.constant 32 : index
        %get3A_995 = tpu.vector_load %arg8[%get3A_993, %get3A_994] {strides = array<i32>} : memref<56x64xf32, #tpu.memory_space<vmem>>, vector<1x16xf32>,
        %get3A_996 = vector.shape_cast %get3A_995 : vector<1x16xf32> to vector<16xf32>
        %add3A_997 = arith.addf %get3A_991, %get3A_996 : vector<16xf32>
        %add3A_998 = arith.constant 12 : i32
        %add3A_999 = arith.addi %mul3A_37, %add3A_998 : i32
        %swap3A_1000 = arith.index_cast %add3A_999 : i32 to index
        %swap3A_1001 = arith.constant 32 : index
        %swap3A_1002 = tpu.vector_load %arg7[%swap3A_1000, %swap3A_1001] {strides = array<i32>} : memref<800x64xf32, #tpu.memory_space<vmem>>, vector<1x16xf32>,
        %swap3A_1003 = vector.shape_cast %swap3A_1002 : vector<1x16xf32> to vector<16xf32>
        %swap3A_1004 = vector.shape_cast %add3A_997 : vector<16xf32> to vector<1x16xf32>
        tpu.vector_store %arg7[%swap3A_1000, %swap3A_1001], %swap3A_1004 {strides = array<i32>} : memref<800x64xf32, #tpu.memory_space<vmem>>, vector<1x16xf32>,
        %add3A_1005 = arith.constant 12 : i32
        %add3A_1006 = arith.addi %mul3A_37, %add3A_1005 : i32
        %get3A_1007 = arith.index_cast %add3A_1006 : i32 to index
        %get3A_1008 = arith.constant 48 : index
        %get3A_1009 = tpu.vector_load %arg7[%get3A_1007, %get3A_1008] {strides = array<i32>} : memref<800x64xf32, #tpu.memory_space<vmem>>, vector<1x16xf32>,
        %get3A_1010 = vector.shape_cast %get3A_1009 : vector<1x16xf32> to vector<16xf32>
        %get3A_1011 = arith.constant 12 : i32
        %get3A_1012 = arith.index_cast %get3A_1011 : i32 to index
        %get3A_1013 = arith.constant 48 : index
        %get3A_1014 = tpu.vector_load %arg8[%get3A_1012, %get3A_1013] {strides = array<i32>} : memref<56x64xf32, #tpu.memory_space<vmem>>, vector<1x16xf32>,
        %get3A_1015 = vector.shape_cast %get3A_1014 : vector<1x16xf32> to vector<16xf32>
        %add3A_1016 = arith.addf %get3A_1010, %get3A_1015 : vector<16xf32>
        %add3A_1017 = arith.constant 12 : i32
        %add3A_1018 = arith.addi %mul3A_37, %add3A_1017 : i32
        %swap3A_1019 = arith.index_cast %add3A_1018 : i32 to index
        %swap3A_1020 = arith.constant 48 : index
        %swap3A_1021 = tpu.vector_load %arg7[%swap3A_1019, %swap3A_1020] {strides = array<i32>} : memref<800x64xf32, #tpu.memory_space<vmem>>, vector<1x16xf32>,
        %swap3A_1022 = vector.shape_cast %swap3A_1021 : vector<1x16xf32> to vector<16xf32>
        %swap3A_1023 = vector.shape_cast %add3A_1016 : vector<16xf32> to vector<1x16xf32>
        tpu.vector_store %arg7[%swap3A_1019, %swap3A_1020], %swap3A_1023 {strides = array<i32>} : memref<800x64xf32, #tpu.memory_space<vmem>>, vector<1x16xf32>,
        %add3A_1024 = arith.constant 13 : i32
        %add3A_1025 = arith.addi %mul3A_37, %add3A_1024 : i32
        %get3A_1026 = arith.index_cast %add3A_1025 : i32 to index
        %get3A_1027 = arith.constant 0 : index
        %get3A_1028 = tpu.vector_load %arg7[%get3A_1026, %get3A_1027] {strides = array<i32>} : memref<800x64xf32, #tpu.memory_space<vmem>>, vector<1x16xf32>,
        %get3A_1029 = vector.shape_cast %get3A_1028 : vector<1x16xf32> to vector<16xf32>
        %get3A_1030 = arith.constant 13 : i32
        %get3A_1031 = arith.index_cast %get3A_1030 : i32 to index
        %get3A_1032 = arith.constant 0 : index
        %get3A_1033 = tpu.vector_load %arg8[%get3A_1031, %get3A_1032] {strides = array<i32>} : memref<56x64xf32, #tpu.memory_space<vmem>>, vector<1x16xf32>,
        %get3A_1034 = vector.shape_cast %get3A_1033 : vector<1x16xf32> to vector<16xf32>
        %add3A_1035 = arith.addf %get3A_1029, %get3A_1034 : vector<16xf32>
        %add3A_1036 = arith.constant 13 : i32
        %add3A_1037 = arith.addi %mul3A_37, %add3A_1036 : i32
        %swap3A_1038 = arith.index_cast %add3A_1037 : i32 to index
        %swap3A_1039 = arith.constant 0 : index
        %swap3A_1040 = tpu.vector_load %arg7[%swap3A_1038, %swap3A_1039] {strides = array<i32>} : memref<800x64xf32, #tpu.memory_space<vmem>>, vector<1x16xf32>,
        %swap3A_1041 = vector.shape_cast %swap3A_1040 : vector<1x16xf32> to vector<16xf32>
        %swap3A_1042 = vector.shape_cast %add3A_1035 : vector<16xf32> to vector<1x16xf32>
        tpu.vector_store %arg7[%swap3A_1038, %swap3A_1039], %swap3A_1042 {strides = array<i32>} : memref<800x64xf32, #tpu.memory_space<vmem>>, vector<1x16xf32>,
        %add3A_1043 = arith.constant 13 : i32
        %add3A_1044 = arith.addi %mul3A_37, %add3A_1043 : i32
        %get3A_1045 = arith.index_cast %add3A_1044 : i32 to index
        %get3A_1046 = arith.constant 16 : index
        %get3A_1047 = tpu.vector_load %arg7[%get3A_1045, %get3A_1046] {strides = array<i32>} : memref<800x64xf32, #tpu.memory_space<vmem>>, vector<1x16xf32>,
        %get3A_1048 = vector.shape_cast %get3A_1047 : vector<1x16xf32> to vector<16xf32>
        %get3A_1049 = arith.constant 13 : i32
        %get3A_1050 = arith.index_cast %get3A_1049 : i32 to index
        %get3A_1051 = arith.constant 16 : index
        %get3A_1052 = tpu.vector_load %arg8[%get3A_1050, %get3A_1051] {strides = array<i32>} : memref<56x64xf32, #tpu.memory_space<vmem>>, vector<1x16xf32>,
        %get3A_1053 = vector.shape_cast %get3A_1052 : vector<1x16xf32> to vector<16xf32>
        %add3A_1054 = arith.addf %get3A_1048, %get3A_1053 : vector<16xf32>
        %add3A_1055 = arith.constant 13 : i32
        %add3A_1056 = arith.addi %mul3A_37, %add3A_1055 : i32
        %swap3A_1057 = arith.index_cast %add3A_1056 : i32 to index
        %swap3A_1058 = arith.constant 16 : index
        %swap3A_1059 = tpu.vector_load %arg7[%swap3A_1057, %swap3A_1058] {strides = array<i32>} : memref<800x64xf32, #tpu.memory_space<vmem>>, vector<1x16xf32>,
        %swap3A_1060 = vector.shape_cast %swap3A_1059 : vector<1x16xf32> to vector<16xf32>
        %swap3A_1061 = vector.shape_cast %add3A_1054 : vector<16xf32> to vector<1x16xf32>
        tpu.vector_store %arg7[%swap3A_1057, %swap3A_1058], %swap3A_1061 {strides = array<i32>} : memref<800x64xf32, #tpu.memory_space<vmem>>, vector<1x16xf32>,
        %add3A_1062 = arith.constant 13 : i32
        %add3A_1063 = arith.addi %mul3A_37, %add3A_1062 : i32
        %get3A_1064 = arith.index_cast %add3A_1063 : i32 to index
        %get3A_1065 = arith.constant 32 : index
        %get3A_1066 = tpu.vector_load %arg7[%get3A_1064, %get3A_1065] {strides = array<i32>} : memref<800x64xf32, #tpu.memory_space<vmem>>, vector<1x16xf32>,
        %get3A_1067 = vector.shape_cast %get3A_1066 : vector<1x16xf32> to vector<16xf32>
        %get3A_1068 = arith.constant 13 : i32
        %get3A_1069 = arith.index_cast %get3A_1068 : i32 to index
        %get3A_1070 = arith.constant 32 : index
        %get3A_1071 = tpu.vector_load %arg8[%get3A_1069, %get3A_1070] {strides = array<i32>} : memref<56x64xf32, #tpu.memory_space<vmem>>, vector<1x16xf32>,
        %get3A_1072 = vector.shape_cast %get3A_1071 : vector<1x16xf32> to vector<16xf32>
        %add3A_1073 = arith.addf %get3A_1067, %get3A_1072 : vector<16xf32>
        %add3A_1074 = arith.constant 13 : i32
        %add3A_1075 = arith.addi %mul3A_37, %add3A_1074 : i32
        %swap3A_1076 = arith.index_cast %add3A_1075 : i32 to index
        %swap3A_1077 = arith.constant 32 : index
        %swap3A_1078 = tpu.vector_load %arg7[%swap3A_1076, %swap3A_1077] {strides = array<i32>} : memref<800x64xf32, #tpu.memory_space<vmem>>, vector<1x16xf32>,
        %swap3A_1079 = vector.shape_cast %swap3A_1078 : vector<1x16xf32> to vector<16xf32>
        %swap3A_1080 = vector.shape_cast %add3A_1073 : vector<16xf32> to vector<1x16xf32>
        tpu.vector_store %arg7[%swap3A_1076, %swap3A_1077], %swap3A_1080 {strides = array<i32>} : memref<800x64xf32, #tpu.memory_space<vmem>>, vector<1x16xf32>,
        %add3A_1081 = arith.constant 13 : i32
        %add3A_1082 = arith.addi %mul3A_37, %add3A_1081 : i32
        %get3A_1083 = arith.index_cast %add3A_1082 : i32 to index
        %get3A_1084 = arith.constant 48 : index
        %get3A_1085 = tpu.vector_load %arg7[%get3A_1083, %get3A_1084] {strides = array<i32>} : memref<800x64xf32, #tpu.memory_space<vmem>>, vector<1x16xf32>,
        %get3A_1086 = vector.shape_cast %get3A_1085 : vector<1x16xf32> to vector<16xf32>
        %get3A_1087 = arith.constant 13 : i32
        %get3A_1088 = arith.index_cast %get3A_1087 : i32 to index
        %get3A_1089 = arith.constant 48 : index
        %get3A_1090 = tpu.vector_load %arg8[%get3A_1088, %get3A_1089] {strides = array<i32>} : memref<56x64xf32, #tpu.memory_space<vmem>>, vector<1x16xf32>,
        %get3A_1091 = vector.shape_cast %get3A_1090 : vector<1x16xf32> to vector<16xf32>
        %add3A_1092 = arith.addf %get3A_1086, %get3A_1091 : vector<16xf32>
        %add3A_1093 = arith.constant 13 : i32
        %add3A_1094 = arith.addi %mul3A_37, %add3A_1093 : i32
        %swap3A_1095 = arith.index_cast %add3A_1094 : i32 to index
        %swap3A_1096 = arith.constant 48 : index
        %swap3A_1097 = tpu.vector_load %arg7[%swap3A_1095, %swap3A_1096] {strides = array<i32>} : memref<800x64xf32, #tpu.memory_space<vmem>>, vector<1x16xf32>,
        %swap3A_1098 = vector.shape_cast %swap3A_1097 : vector<1x16xf32> to vector<16xf32>
        %swap3A_1099 = vector.shape_cast %add3A_1092 : vector<16xf32> to vector<1x16xf32>
        tpu.vector_store %arg7[%swap3A_1095, %swap3A_1096], %swap3A_1099 {strides = array<i32>} : memref<800x64xf32, #tpu.memory_space<vmem>>, vector<1x16xf32>,
        %add3A_1100 = arith.constant 14 : i32
        %add3A_1101 = arith.addi %mul3A_37, %add3A_1100 : i32
        %get3A_1102 = arith.index_cast %add3A_1101 : i32 to index
        %get3A_1103 = arith.constant 0 : index
        %get3A_1104 = tpu.vector_load %arg7[%get3A_1102, %get3A_1103] {strides = array<i32>} : memref<800x64xf32, #tpu.memory_space<vmem>>, vector<1x16xf32>,
        %get3A_1105 = vector.shape_cast %get3A_1104 : vector<1x16xf32> to vector<16xf32>
        %get3A_1106 = arith.constant 14 : i32
        %get3A_1107 = arith.index_cast %get3A_1106 : i32 to index
        %get3A_1108 = arith.constant 0 : index
        %get3A_1109 = tpu.vector_load %arg8[%get3A_1107, %get3A_1108] {strides = array<i32>} : memref<56x64xf32, #tpu.memory_space<vmem>>, vector<1x16xf32>,
        %get3A_1110 = vector.shape_cast %get3A_1109 : vector<1x16xf32> to vector<16xf32>
        %add3A_1111 = arith.addf %get3A_1105, %get3A_1110 : vector<16xf32>
        %add3A_1112 = arith.constant 14 : i32
        %add3A_1113 = arith.addi %mul3A_37, %add3A_1112 : i32
        %swap3A_1114 = arith.index_cast %add3A_1113 : i32 to index
        %swap3A_1115 = arith.constant 0 : index
        %swap3A_1116 = tpu.vector_load %arg7[%swap3A_1114, %swap3A_1115] {strides = array<i32>} : memref<800x64xf32, #tpu.memory_space<vmem>>, vector<1x16xf32>,
        %swap3A_1117 = vector.shape_cast %swap3A_1116 : vector<1x16xf32> to vector<16xf32>
        %swap3A_1118 = vector.shape_cast %add3A_1111 : vector<16xf32> to vector<1x16xf32>
        tpu.vector_store %arg7[%swap3A_1114, %swap3A_1115], %swap3A_1118 {strides = array<i32>} : memref<800x64xf32, #tpu.memory_space<vmem>>, vector<1x16xf32>,
        %add3A_1119 = arith.constant 14 : i32
        %add3A_1120 = arith.addi %mul3A_37, %add3A_1119 : i32
        %get3A_1121 = arith.index_cast %add3A_1120 : i32 to index
        %get3A_1122 = arith.constant 16 : index
        %get3A_1123 = tpu.vector_load %arg7[%get3A_1121, %get3A_1122] {strides = array<i32>} : memref<800x64xf32, #tpu.memory_space<vmem>>, vector<1x16xf32>,
        %get3A_1124 = vector.shape_cast %get3A_1123 : vector<1x16xf32> to vector<16xf32>
        %get3A_1125 = arith.constant 14 : i32
        %get3A_1126 = arith.index_cast %get3A_1125 : i32 to index
        %get3A_1127 = arith.constant 16 : index
        %get3A_1128 = tpu.vector_load %arg8[%get3A_1126, %get3A_1127] {strides = array<i32>} : memref<56x64xf32, #tpu.memory_space<vmem>>, vector<1x16xf32>,
        %get3A_1129 = vector.shape_cast %get3A_1128 : vector<1x16xf32> to vector<16xf32>
        %add3A_1130 = arith.addf %get3A_1124, %get3A_1129 : vector<16xf32>
        %add3A_1131 = arith.constant 14 : i32
        %add3A_1132 = arith.addi %mul3A_37, %add3A_1131 : i32
        %swap3A_1133 = arith.index_cast %add3A_1132 : i32 to index
        %swap3A_1134 = arith.constant 16 : index
        %swap3A_1135 = tpu.vector_load %arg7[%swap3A_1133, %swap3A_1134] {strides = array<i32>} : memref<800x64xf32, #tpu.memory_space<vmem>>, vector<1x16xf32>,
        %swap3A_1136 = vector.shape_cast %swap3A_1135 : vector<1x16xf32> to vector<16xf32>
        %swap3A_1137 = vector.shape_cast %add3A_1130 : vector<16xf32> to vector<1x16xf32>
        tpu.vector_store %arg7[%swap3A_1133, %swap3A_1134], %swap3A_1137 {strides = array<i32>} : memref<800x64xf32, #tpu.memory_space<vmem>>, vector<1x16xf32>,
        %add3A_1138 = arith.constant 14 : i32
        %add3A_1139 = arith.addi %mul3A_37, %add3A_1138 : i32
        %get3A_1140 = arith.index_cast %add3A_1139 : i32 to index
        %get3A_1141 = arith.constant 32 : index
        %get3A_1142 = tpu.vector_load %arg7[%get3A_1140, %get3A_1141] {strides = array<i32>} : memref<800x64xf32, #tpu.memory_space<vmem>>, vector<1x16xf32>,
        %get3A_1143 = vector.shape_cast %get3A_1142 : vector<1x16xf32> to vector<16xf32>
        %get3A_1144 = arith.constant 14 : i32
        %get3A_1145 = arith.index_cast %get3A_1144 : i32 to index
        %get3A_1146 = arith.constant 32 : index
        %get3A_1147 = tpu.vector_load %arg8[%get3A_1145, %get3A_1146] {strides = array<i32>} : memref<56x64xf32, #tpu.memory_space<vmem>>, vector<1x16xf32>,
        %get3A_1148 = vector.shape_cast %get3A_1147 : vector<1x16xf32> to vector<16xf32>
        %add3A_1149 = arith.addf %get3A_1143, %get3A_1148 : vector<16xf32>
        %add3A_1150 = arith.constant 14 : i32
        %add3A_1151 = arith.addi %mul3A_37, %add3A_1150 : i32
        %swap3A_1152 = arith.index_cast %add3A_1151 : i32 to index
        %swap3A_1153 = arith.constant 32 : index
        %swap3A_1154 = tpu.vector_load %arg7[%swap3A_1152, %swap3A_1153] {strides = array<i32>} : memref<800x64xf32, #tpu.memory_space<vmem>>, vector<1x16xf32>,
        %swap3A_1155 = vector.shape_cast %swap3A_1154 : vector<1x16xf32> to vector<16xf32>
        %swap3A_1156 = vector.shape_cast %add3A_1149 : vector<16xf32> to vector<1x16xf32>
        tpu.vector_store %arg7[%swap3A_1152, %swap3A_1153], %swap3A_1156 {strides = array<i32>} : memref<800x64xf32, #tpu.memory_space<vmem>>, vector<1x16xf32>,
        %add3A_1157 = arith.constant 14 : i32
        %add3A_1158 = arith.addi %mul3A_37, %add3A_1157 : i32
        %get3A_1159 = arith.index_cast %add3A_1158 : i32 to index
        %get3A_1160 = arith.constant 48 : index
        %get3A_1161 = tpu.vector_load %arg7[%get3A_1159, %get3A_1160] {strides = array<i32>} : memref<800x64xf32, #tpu.memory_space<vmem>>, vector<1x16xf32>,
        %get3A_1162 = vector.shape_cast %get3A_1161 : vector<1x16xf32> to vector<16xf32>
        %get3A_1163 = arith.constant 14 : i32
        %get3A_1164 = arith.index_cast %get3A_1163 : i32 to index
        %get3A_1165 = arith.constant 48 : index
        %get3A_1166 = tpu.vector_load %arg8[%get3A_1164, %get3A_1165] {strides = array<i32>} : memref<56x64xf32, #tpu.memory_space<vmem>>, vector<1x16xf32>,
        %get3A_1167 = vector.shape_cast %get3A_1166 : vector<1x16xf32> to vector<16xf32>
        %add3A_1168 = arith.addf %get3A_1162, %get3A_1167 : vector<16xf32>
        %add3A_1169 = arith.constant 14 : i32
        %add3A_1170 = arith.addi %mul3A_37, %add3A_1169 : i32
        %swap3A_1171 = arith.index_cast %add3A_1170 : i32 to index
        %swap3A_1172 = arith.constant 48 : index
        %swap3A_1173 = tpu.vector_load %arg7[%swap3A_1171, %swap3A_1172] {strides = array<i32>} : memref<800x64xf32, #tpu.memory_space<vmem>>, vector<1x16xf32>,
        %swap3A_1174 = vector.shape_cast %swap3A_1173 : vector<1x16xf32> to vector<16xf32>
        %swap3A_1175 = vector.shape_cast %add3A_1168 : vector<16xf32> to vector<1x16xf32>
        tpu.vector_store %arg7[%swap3A_1171, %swap3A_1172], %swap3A_1175 {strides = array<i32>} : memref<800x64xf32, #tpu.memory_space<vmem>>, vector<1x16xf32>,
        %add3A_1176 = arith.constant 15 : i32
        %add3A_1177 = arith.addi %mul3A_37, %add3A_1176 : i32
        %get3A_1178 = arith.index_cast %add3A_1177 : i32 to index
        %get3A_1179 = arith.constant 0 : index
        %get3A_1180 = tpu.vector_load %arg7[%get3A_1178, %get3A_1179] {strides = array<i32>} : memref<800x64xf32, #tpu.memory_space<vmem>>, vector<1x16xf32>,
        %get3A_1181 = vector.shape_cast %get3A_1180 : vector<1x16xf32> to vector<16xf32>
        %get3A_1182 = arith.constant 15 : i32
        %get3A_1183 = arith.index_cast %get3A_1182 : i32 to index
        %get3A_1184 = arith.constant 0 : index
        %get3A_1185 = tpu.vector_load %arg8[%get3A_1183, %get3A_1184] {strides = array<i32>} : memref<56x64xf32, #tpu.memory_space<vmem>>, vector<1x16xf32>,
        %get3A_1186 = vector.shape_cast %get3A_1185 : vector<1x16xf32> to vector<16xf32>
        %add3A_1187 = arith.addf %get3A_1181, %get3A_1186 : vector<16xf32>
        %add3A_1188 = arith.constant 15 : i32
        %add3A_1189 = arith.addi %mul3A_37, %add3A_1188 : i32
        %swap3A_1190 = arith.index_cast %add3A_1189 : i32 to index
        %swap3A_1191 = arith.constant 0 : index
        %swap3A_1192 = tpu.vector_load %arg7[%swap3A_1190, %swap3A_1191] {strides = array<i32>} : memref<800x64xf32, #tpu.memory_space<vmem>>, vector<1x16xf32>,
        %swap3A_1193 = vector.shape_cast %swap3A_1192 : vector<1x16xf32> to vector<16xf32>
        %swap3A_1194 = vector.shape_cast %add3A_1187 : vector<16xf32> to vector<1x16xf32>
        tpu.vector_store %arg7[%swap3A_1190, %swap3A_1191], %swap3A_1194 {strides = array<i32>} : memref<800x64xf32, #tpu.memory_space<vmem>>, vector<1x16xf32>,
        %add3A_1195 = arith.constant 15 : i32
        %add3A_1196 = arith.addi %mul3A_37, %add3A_1195 : i32
        %get3A_1197 = arith.index_cast %add3A_1196 : i32 to index
        %get3A_1198 = arith.constant 16 : index
        %get3A_1199 = tpu.vector_load %arg7[%get3A_1197, %get3A_1198] {strides = array<i32>} : memref<800x64xf32, #tpu.memory_space<vmem>>, vector<1x16xf32>,
        %get3A_1200 = vector.shape_cast %get3A_1199 : vector<1x16xf32> to vector<16xf32>
        %get3A_1201 = arith.constant 15 : i32
        %get3A_1202 = arith.index_cast %get3A_1201 : i32 to index
        %get3A_1203 = arith.constant 16 : index
        %get3A_1204 = tpu.vector_load %arg8[%get3A_1202, %get3A_1203] {strides = array<i32>} : memref<56x64xf32, #tpu.memory_space<vmem>>, vector<1x16xf32>,
        %get3A_1205 = vector.shape_cast %get3A_1204 : vector<1x16xf32> to vector<16xf32>
        %add3A_1206 = arith.addf %get3A_1200, %get3A_1205 : vector<16xf32>
        %add3A_1207 = arith.constant 15 : i32
        %add3A_1208 = arith.addi %mul3A_37, %add3A_1207 : i32
        %swap3A_1209 = arith.index_cast %add3A_1208 : i32 to index
        %swap3A_1210 = arith.constant 16 : index
        %swap3A_1211 = tpu.vector_load %arg7[%swap3A_1209, %swap3A_1210] {strides = array<i32>} : memref<800x64xf32, #tpu.memory_space<vmem>>, vector<1x16xf32>,
        %swap3A_1212 = vector.shape_cast %swap3A_1211 : vector<1x16xf32> to vector<16xf32>
        %swap3A_1213 = vector.shape_cast %add3A_1206 : vector<16xf32> to vector<1x16xf32>
        tpu.vector_store %arg7[%swap3A_1209, %swap3A_1210], %swap3A_1213 {strides = array<i32>} : memref<800x64xf32, #tpu.memory_space<vmem>>, vector<1x16xf32>,
        %add3A_1214 = arith.constant 15 : i32
        %add3A_1215 = arith.addi %mul3A_37, %add3A_1214 : i32
        %get3A_1216 = arith.index_cast %add3A_1215 : i32 to index
        %get3A_1217 = arith.constant 32 : index
        %get3A_1218 = tpu.vector_load %arg7[%get3A_1216, %get3A_1217] {strides = array<i32>} : memref<800x64xf32, #tpu.memory_space<vmem>>, vector<1x16xf32>,
        %get3A_1219 = vector.shape_cast %get3A_1218 : vector<1x16xf32> to vector<16xf32>
        %get3A_1220 = arith.constant 15 : i32
        %get3A_1221 = arith.index_cast %get3A_1220 : i32 to index
        %get3A_1222 = arith.constant 32 : index
        %get3A_1223 = tpu.vector_load %arg8[%get3A_1221, %get3A_1222] {strides = array<i32>} : memref<56x64xf32, #tpu.memory_space<vmem>>, vector<1x16xf32>,
        %get3A_1224 = vector.shape_cast %get3A_1223 : vector<1x16xf32> to vector<16xf32>
        %add3A_1225 = arith.addf %get3A_1219, %get3A_1224 : vector<16xf32>
        %add3A_1226 = arith.constant 15 : i32
        %add3A_1227 = arith.addi %mul3A_37, %add3A_1226 : i32
        %swap3A_1228 = arith.index_cast %add3A_1227 : i32 to index
        %swap3A_1229 = arith.constant 32 : index
        %swap3A_1230 = tpu.vector_load %arg7[%swap3A_1228, %swap3A_1229] {strides = array<i32>} : memref<800x64xf32, #tpu.memory_space<vmem>>, vector<1x16xf32>,
        %swap3A_1231 = vector.shape_cast %swap3A_1230 : vector<1x16xf32> to vector<16xf32>
        %swap3A_1232 = vector.shape_cast %add3A_1225 : vector<16xf32> to vector<1x16xf32>
        tpu.vector_store %arg7[%swap3A_1228, %swap3A_1229], %swap3A_1232 {strides = array<i32>} : memref<800x64xf32, #tpu.memory_space<vmem>>, vector<1x16xf32>,
        %add3A_1233 = arith.constant 15 : i32
        %add3A_1234 = arith.addi %mul3A_37, %add3A_1233 : i32
        %get3A_1235 = arith.index_cast %add3A_1234 : i32 to index
        %get3A_1236 = arith.constant 48 : index
        %get3A_1237 = tpu.vector_load %arg7[%get3A_1235, %get3A_1236] {strides = array<i32>} : memref<800x64xf32, #tpu.memory_space<vmem>>, vector<1x16xf32>,
        %get3A_1238 = vector.shape_cast %get3A_1237 : vector<1x16xf32> to vector<16xf32>
        %get3A_1239 = arith.constant 15 : i32
        %get3A_1240 = arith.index_cast %get3A_1239 : i32 to index
        %get3A_1241 = arith.constant 48 : index
        %get3A_1242 = tpu.vector_load %arg8[%get3A_1240, %get3A_1241] {strides = array<i32>} : memref<56x64xf32, #tpu.memory_space<vmem>>, vector<1x16xf32>,
        %get3A_1243 = vector.shape_cast %get3A_1242 : vector<1x16xf32> to vector<16xf32>
        %add3A_1244 = arith.addf %get3A_1238, %get3A_1243 : vector<16xf32>
        %add3A_1245 = arith.constant 15 : i32
        %add3A_1246 = arith.addi %mul3A_37, %add3A_1245 : i32
        %swap3A_1247 = arith.index_cast %add3A_1246 : i32 to index
        %swap3A_1248 = arith.constant 48 : index
        %swap3A_1249 = tpu.vector_load %arg7[%swap3A_1247, %swap3A_1248] {strides = array<i32>} : memref<800x64xf32, #tpu.memory_space<vmem>>, vector<1x16xf32>,
        %swap3A_1250 = vector.shape_cast %swap3A_1249 : vector<1x16xf32> to vector<16xf32>
        %swap3A_1251 = vector.shape_cast %add3A_1244 : vector<16xf32> to vector<1x16xf32>
        tpu.vector_store %arg7[%swap3A_1247, %swap3A_1248], %swap3A_1251 {strides = array<i32>} : memref<800x64xf32, #tpu.memory_space<vmem>>, vector<1x16xf32>,
        %add3A_1252 = arith.constant 16 : i32
        %add3A_1253 = arith.addi %mul3A_37, %add3A_1252 : i32
        %get3A_1254 = arith.index_cast %add3A_1253 : i32 to index
        %get3A_1255 = arith.constant 0 : index
        %get3A_1256 = tpu.vector_load %arg7[%get3A_1254, %get3A_1255] {strides = array<i32>} : memref<800x64xf32, #tpu.memory_space<vmem>>, vector<1x16xf32>,
        %get3A_1257 = vector.shape_cast %get3A_1256 : vector<1x16xf32> to vector<16xf32>
        %get3A_1258 = arith.constant 16 : i32
        %get3A_1259 = arith.index_cast %get3A_1258 : i32 to index
        %get3A_1260 = arith.constant 0 : index
        %get3A_1261 = tpu.vector_load %arg8[%get3A_1259, %get3A_1260] {strides = array<i32>} : memref<56x64xf32, #tpu.memory_space<vmem>>, vector<1x16xf32>,
        %get3A_1262 = vector.shape_cast %get3A_1261 : vector<1x16xf32> to vector<16xf32>
        %add3A_1263 = arith.addf %get3A_1257, %get3A_1262 : vector<16xf32>
        %add3A_1264 = arith.constant 16 : i32
        %add3A_1265 = arith.addi %mul3A_37, %add3A_1264 : i32
        %swap3A_1266 = arith.index_cast %add3A_1265 : i32 to index
        %swap3A_1267 = arith.constant 0 : index
        %swap3A_1268 = tpu.vector_load %arg7[%swap3A_1266, %swap3A_1267] {strides = array<i32>} : memref<800x64xf32, #tpu.memory_space<vmem>>, vector<1x16xf32>,
        %swap3A_1269 = vector.shape_cast %swap3A_1268 : vector<1x16xf32> to vector<16xf32>
        %swap3A_1270 = vector.shape_cast %add3A_1263 : vector<16xf32> to vector<1x16xf32>
        tpu.vector_store %arg7[%swap3A_1266, %swap3A_1267], %swap3A_1270 {strides = array<i32>} : memref<800x64xf32, #tpu.memory_space<vmem>>, vector<1x16xf32>,
        %add3A_1271 = arith.constant 16 : i32
        %add3A_1272 = arith.addi %mul3A_37, %add3A_1271 : i32
        %get3A_1273 = arith.index_cast %add3A_1272 : i32 to index
        %get3A_1274 = arith.constant 16 : index
        %get3A_1275 = tpu.vector_load %arg7[%get3A_1273, %get3A_1274] {strides = array<i32>} : memref<800x64xf32, #tpu.memory_space<vmem>>, vector<1x16xf32>,
        %get3A_1276 = vector.shape_cast %get3A_1275 : vector<1x16xf32> to vector<16xf32>
        %get3A_1277 = arith.constant 16 : i32
        %get3A_1278 = arith.index_cast %get3A_1277 : i32 to index
        %get3A_1279 = arith.constant 16 : index
        %get3A_1280 = tpu.vector_load %arg8[%get3A_1278, %get3A_1279] {strides = array<i32>} : memref<56x64xf32, #tpu.memory_space<vmem>>, vector<1x16xf32>,
        %get3A_1281 = vector.shape_cast %get3A_1280 : vector<1x16xf32> to vector<16xf32>
        %add3A_1282 = arith.addf %get3A_1276, %get3A_1281 : vector<16xf32>
        %add3A_1283 = arith.constant 16 : i32
        %add3A_1284 = arith.addi %mul3A_37, %add3A_1283 : i32
        %swap3A_1285 = arith.index_cast %add3A_1284 : i32 to index
        %swap3A_1286 = arith.constant 16 : index
        %swap3A_1287 = tpu.vector_load %arg7[%swap3A_1285, %swap3A_1286] {strides = array<i32>} : memref<800x64xf32, #tpu.memory_space<vmem>>, vector<1x16xf32>,
        %swap3A_1288 = vector.shape_cast %swap3A_1287 : vector<1x16xf32> to vector<16xf32>
        %swap3A_1289 = vector.shape_cast %add3A_1282 : vector<16xf32> to vector<1x16xf32>
        tpu.vector_store %arg7[%swap3A_1285, %swap3A_1286], %swap3A_1289 {strides = array<i32>} : memref<800x64xf32, #tpu.memory_space<vmem>>, vector<1x16xf32>,
        %add3A_1290 = arith.constant 16 : i32
        %add3A_1291 = arith.addi %mul3A_37, %add3A_1290 : i32
        %get3A_1292 = arith.index_cast %add3A_1291 : i32 to index
        %get3A_1293 = arith.constant 32 : index
        %get3A_1294 = tpu.vector_load %arg7[%get3A_1292, %get3A_1293] {strides = array<i32>} : memref<800x64xf32, #tpu.memory_space<vmem>>, vector<1x16xf32>,
        %get3A_1295 = vector.shape_cast %get3A_1294 : vector<1x16xf32> to vector<16xf32>
        %get3A_1296 = arith.constant 16 : i32
        %get3A_1297 = arith.index_cast %get3A_1296 : i32 to index
        %get3A_1298 = arith.constant 32 : index
        %get3A_1299 = tpu.vector_load %arg8[%get3A_1297, %get3A_1298] {strides = array<i32>} : memref<56x64xf32, #tpu.memory_space<vmem>>, vector<1x16xf32>,
        %get3A_1300 = vector.shape_cast %get3A_1299 : vector<1x16xf32> to vector<16xf32>
        %add3A_1301 = arith.addf %get3A_1295, %get3A_1300 : vector<16xf32>
        %add3A_1302 = arith.constant 16 : i32
        %add3A_1303 = arith.addi %mul3A_37, %add3A_1302 : i32
        %swap3A_1304 = arith.index_cast %add3A_1303 : i32 to index
        %swap3A_1305 = arith.constant 32 : index
        %swap3A_1306 = tpu.vector_load %arg7[%swap3A_1304, %swap3A_1305] {strides = array<i32>} : memref<800x64xf32, #tpu.memory_space<vmem>>, vector<1x16xf32>,
        %swap3A_1307 = vector.shape_cast %swap3A_1306 : vector<1x16xf32> to vector<16xf32>
        %swap3A_1308 = vector.shape_cast %add3A_1301 : vector<16xf32> to vector<1x16xf32>
        tpu.vector_store %arg7[%swap3A_1304, %swap3A_1305], %swap3A_1308 {strides = array<i32>} : memref<800x64xf32, #tpu.memory_space<vmem>>, vector<1x16xf32>,
        %add3A_1309 = arith.constant 16 : i32
        %add3A_1310 = arith.addi %mul3A_37, %add3A_1309 : i32
        %get3A_1311 = arith.index_cast %add3A_1310 : i32 to index
        %get3A_1312 = arith.constant 48 : index
        %get3A_1313 = tpu.vector_load %arg7[%get3A_1311, %get3A_1312] {strides = array<i32>} : memref<800x64xf32, #tpu.memory_space<vmem>>, vector<1x16xf32>,
        %get3A_1314 = vector.shape_cast %get3A_1313 : vector<1x16xf32> to vector<16xf32>
        %get3A_1315 = arith.constant 16 : i32
        %get3A_1316 = arith.index_cast %get3A_1315 : i32 to index
        %get3A_1317 = arith.constant 48 : index
        %get3A_1318 = tpu.vector_load %arg8[%get3A_1316, %get3A_1317] {strides = array<i32>} : memref<56x64xf32, #tpu.memory_space<vmem>>, vector<1x16xf32>,
        %get3A_1319 = vector.shape_cast %get3A_1318 : vector<1x16xf32> to vector<16xf32>
        %add3A_1320 = arith.addf %get3A_1314, %get3A_1319 : vector<16xf32>
        %add3A_1321 = arith.constant 16 : i32
        %add3A_1322 = arith.addi %mul3A_37, %add3A_1321 : i32
        %swap3A_1323 = arith.index_cast %add3A_1322 : i32 to index
        %swap3A_1324 = arith.constant 48 : index
        %swap3A_1325 = tpu.vector_load %arg7[%swap3A_1323, %swap3A_1324] {strides = array<i32>} : memref<800x64xf32, #tpu.memory_space<vmem>>, vector<1x16xf32>,
        %swap3A_1326 = vector.shape_cast %swap3A_1325 : vector<1x16xf32> to vector<16xf32>
        %swap3A_1327 = vector.shape_cast %add3A_1320 : vector<16xf32> to vector<1x16xf32>
        tpu.vector_store %arg7[%swap3A_1323, %swap3A_1324], %swap3A_1327 {strides = array<i32>} : memref<800x64xf32, #tpu.memory_space<vmem>>, vector<1x16xf32>,
        %add3A_1328 = arith.constant 17 : i32
        %add3A_1329 = arith.addi %mul3A_37, %add3A_1328 : i32
        %get3A_1330 = arith.index_cast %add3A_1329 : i32 to index
        %get3A_1331 = arith.constant 0 : index
        %get3A_1332 = tpu.vector_load %arg7[%get3A_1330, %get3A_1331] {strides = array<i32>} : memref<800x64xf32, #tpu.memory_space<vmem>>, vector<1x16xf32>,
        %get3A_1333 = vector.shape_cast %get3A_1332 : vector<1x16xf32> to vector<16xf32>
        %get3A_1334 = arith.constant 17 : i32
        %get3A_1335 = arith.index_cast %get3A_1334 : i32 to index
        %get3A_1336 = arith.constant 0 : index
        %get3A_1337 = tpu.vector_load %arg8[%get3A_1335, %get3A_1336] {strides = array<i32>} : memref<56x64xf32, #tpu.memory_space<vmem>>, vector<1x16xf32>,
        %get3A_1338 = vector.shape_cast %get3A_1337 : vector<1x16xf32> to vector<16xf32>
        %add3A_1339 = arith.addf %get3A_1333, %get3A_1338 : vector<16xf32>
        %add3A_1340 = arith.constant 17 : i32
        %add3A_1341 = arith.addi %mul3A_37, %add3A_1340 : i32
        %swap3A_1342 = arith.index_cast %add3A_1341 : i32 to index
        %swap3A_1343 = arith.constant 0 : index
        %swap3A_1344 = tpu.vector_load %arg7[%swap3A_1342, %swap3A_1343] {strides = array<i32>} : memref<800x64xf32, #tpu.memory_space<vmem>>, vector<1x16xf32>,
        %swap3A_1345 = vector.shape_cast %swap3A_1344 : vector<1x16xf32> to vector<16xf32>
        %swap3A_1346 = vector.shape_cast %add3A_1339 : vector<16xf32> to vector<1x16xf32>
        tpu.vector_store %arg7[%swap3A_1342, %swap3A_1343], %swap3A_1346 {strides = array<i32>} : memref<800x64xf32, #tpu.memory_space<vmem>>, vector<1x16xf32>,
        %add3A_1347 = arith.constant 17 : i32
        %add3A_1348 = arith.addi %mul3A_37, %add3A_1347 : i32
        %get3A_1349 = arith.index_cast %add3A_1348 : i32 to index
        %get3A_1350 = arith.constant 16 : index
        %get3A_1351 = tpu.vector_load %arg7[%get3A_1349, %get3A_1350] {strides = array<i32>} : memref<800x64xf32, #tpu.memory_space<vmem>>, vector<1x16xf32>,
        %get3A_1352 = vector.shape_cast %get3A_1351 : vector<1x16xf32> to vector<16xf32>
        %get3A_1353 = arith.constant 17 : i32
        %get3A_1354 = arith.index_cast %get3A_1353 : i32 to index
        %get3A_1355 = arith.constant 16 : index
        %get3A_1356 = tpu.vector_load %arg8[%get3A_1354, %get3A_1355] {strides = array<i32>} : memref<56x64xf32, #tpu.memory_space<vmem>>, vector<1x16xf32>,
        %get3A_1357 = vector.shape_cast %get3A_1356 : vector<1x16xf32> to vector<16xf32>
        %add3A_1358 = arith.addf %get3A_1352, %get3A_1357 : vector<16xf32>
        %add3A_1359 = arith.constant 17 : i32
        %add3A_1360 = arith.addi %mul3A_37, %add3A_1359 : i32
        %swap3A_1361 = arith.index_cast %add3A_1360 : i32 to index
        %swap3A_1362 = arith.constant 16 : index
        %swap3A_1363 = tpu.vector_load %arg7[%swap3A_1361, %swap3A_1362] {strides = array<i32>} : memref<800x64xf32, #tpu.memory_space<vmem>>, vector<1x16xf32>,
        %swap3A_1364 = vector.shape_cast %swap3A_1363 : vector<1x16xf32> to vector<16xf32>
        %swap3A_1365 = vector.shape_cast %add3A_1358 : vector<16xf32> to vector<1x16xf32>
        tpu.vector_store %arg7[%swap3A_1361, %swap3A_1362], %swap3A_1365 {strides = array<i32>} : memref<800x64xf32, #tpu.memory_space<vmem>>, vector<1x16xf32>,
        %add3A_1366 = arith.constant 17 : i32
        %add3A_1367 = arith.addi %mul3A_37, %add3A_1366 : i32
        %get3A_1368 = arith.index_cast %add3A_1367 : i32 to index
        %get3A_1369 = arith.constant 32 : index
        %get3A_1370 = tpu.vector_load %arg7[%get3A_1368, %get3A_1369] {strides = array<i32>} : memref<800x64xf32, #tpu.memory_space<vmem>>, vector<1x16xf32>,
        %get3A_1371 = vector.shape_cast %get3A_1370 : vector<1x16xf32> to vector<16xf32>
        %get3A_1372 = arith.constant 17 : i32
        %get3A_1373 = arith.index_cast %get3A_1372 : i32 to index
        %get3A_1374 = arith.constant 32 : index
        %get3A_1375 = tpu.vector_load %arg8[%get3A_1373, %get3A_1374] {strides = array<i32>} : memref<56x64xf32, #tpu.memory_space<vmem>>, vector<1x16xf32>,
        %get3A_1376 = vector.shape_cast %get3A_1375 : vector<1x16xf32> to vector<16xf32>
        %add3A_1377 = arith.addf %get3A_1371, %get3A_1376 : vector<16xf32>
        %add3A_1378 = arith.constant 17 : i32
        %add3A_1379 = arith.addi %mul3A_37, %add3A_1378 : i32
        %swap3A_1380 = arith.index_cast %add3A_1379 : i32 to index
        %swap3A_1381 = arith.constant 32 : index
        %swap3A_1382 = tpu.vector_load %arg7[%swap3A_1380, %swap3A_1381] {strides = array<i32>} : memref<800x64xf32, #tpu.memory_space<vmem>>, vector<1x16xf32>,
        %swap3A_1383 = vector.shape_cast %swap3A_1382 : vector<1x16xf32> to vector<16xf32>
        %swap3A_1384 = vector.shape_cast %add3A_1377 : vector<16xf32> to vector<1x16xf32>
        tpu.vector_store %arg7[%swap3A_1380, %swap3A_1381], %swap3A_1384 {strides = array<i32>} : memref<800x64xf32, #tpu.memory_space<vmem>>, vector<1x16xf32>,
        %add3A_1385 = arith.constant 17 : i32
        %add3A_1386 = arith.addi %mul3A_37, %add3A_1385 : i32
        %get3A_1387 = arith.index_cast %add3A_1386 : i32 to index
        %get3A_1388 = arith.constant 48 : index
        %get3A_1389 = tpu.vector_load %arg7[%get3A_1387, %get3A_1388] {strides = array<i32>} : memref<800x64xf32, #tpu.memory_space<vmem>>, vector<1x16xf32>,
        %get3A_1390 = vector.shape_cast %get3A_1389 : vector<1x16xf32> to vector<16xf32>
        %get3A_1391 = arith.constant 17 : i32
        %get3A_1392 = arith.index_cast %get3A_1391 : i32 to index
        %get3A_1393 = arith.constant 48 : index
        %get3A_1394 = tpu.vector_load %arg8[%get3A_1392, %get3A_1393] {strides = array<i32>} : memref<56x64xf32, #tpu.memory_space<vmem>>, vector<1x16xf32>,
        %get3A_1395 = vector.shape_cast %get3A_1394 : vector<1x16xf32> to vector<16xf32>
        %add3A_1396 = arith.addf %get3A_1390, %get3A_1395 : vector<16xf32>
        %add3A_1397 = arith.constant 17 : i32
        %add3A_1398 = arith.addi %mul3A_37, %add3A_1397 : i32
        %swap3A_1399 = arith.index_cast %add3A_1398 : i32 to index
        %swap3A_1400 = arith.constant 48 : index
        %swap3A_1401 = tpu.vector_load %arg7[%swap3A_1399, %swap3A_1400] {strides = array<i32>} : memref<800x64xf32, #tpu.memory_space<vmem>>, vector<1x16xf32>,
        %swap3A_1402 = vector.shape_cast %swap3A_1401 : vector<1x16xf32> to vector<16xf32>
        %swap3A_1403 = vector.shape_cast %add3A_1396 : vector<16xf32> to vector<1x16xf32>
        tpu.vector_store %arg7[%swap3A_1399, %swap3A_1400], %swap3A_1403 {strides = array<i32>} : memref<800x64xf32, #tpu.memory_space<vmem>>, vector<1x16xf32>,
        %add3A_1404 = arith.constant 18 : i32
        %add3A_1405 = arith.addi %mul3A_37, %add3A_1404 : i32
        %get3A_1406 = arith.index_cast %add3A_1405 : i32 to index
        %get3A_1407 = arith.constant 0 : index
        %get3A_1408 = tpu.vector_load %arg7[%get3A_1406, %get3A_1407] {strides = array<i32>} : memref<800x64xf32, #tpu.memory_space<vmem>>, vector<1x16xf32>,
        %get3A_1409 = vector.shape_cast %get3A_1408 : vector<1x16xf32> to vector<16xf32>
        %get3A_1410 = arith.constant 18 : i32
        %get3A_1411 = arith.index_cast %get3A_1410 : i32 to index
        %get3A_1412 = arith.constant 0 : index
        %get3A_1413 = tpu.vector_load %arg8[%get3A_1411, %get3A_1412] {strides = array<i32>} : memref<56x64xf32, #tpu.memory_space<vmem>>, vector<1x16xf32>,
        %get3A_1414 = vector.shape_cast %get3A_1413 : vector<1x16xf32> to vector<16xf32>
        %add3A_1415 = arith.addf %get3A_1409, %get3A_1414 : vector<16xf32>
        %add3A_1416 = arith.constant 18 : i32
        %add3A_1417 = arith.addi %mul3A_37, %add3A_1416 : i32
        %swap3A_1418 = arith.index_cast %add3A_1417 : i32 to index
        %swap3A_1419 = arith.constant 0 : index
        %swap3A_1420 = tpu.vector_load %arg7[%swap3A_1418, %swap3A_1419] {strides = array<i32>} : memref<800x64xf32, #tpu.memory_space<vmem>>, vector<1x16xf32>,
        %swap3A_1421 = vector.shape_cast %swap3A_1420 : vector<1x16xf32> to vector<16xf32>
        %swap3A_1422 = vector.shape_cast %add3A_1415 : vector<16xf32> to vector<1x16xf32>
        tpu.vector_store %arg7[%swap3A_1418, %swap3A_1419], %swap3A_1422 {strides = array<i32>} : memref<800x64xf32, #tpu.memory_space<vmem>>, vector<1x16xf32>,
        %add3A_1423 = arith.constant 18 : i32
        %add3A_1424 = arith.addi %mul3A_37, %add3A_1423 : i32
        %get3A_1425 = arith.index_cast %add3A_1424 : i32 to index
        %get3A_1426 = arith.constant 16 : index
        %get3A_1427 = tpu.vector_load %arg7[%get3A_1425, %get3A_1426] {strides = array<i32>} : memref<800x64xf32, #tpu.memory_space<vmem>>, vector<1x16xf32>,
        %get3A_1428 = vector.shape_cast %get3A_1427 : vector<1x16xf32> to vector<16xf32>
        %get3A_1429 = arith.constant 18 : i32
        %get3A_1430 = arith.index_cast %get3A_1429 : i32 to index
        %get3A_1431 = arith.constant 16 : index
        %get3A_1432 = tpu.vector_load %arg8[%get3A_1430, %get3A_1431] {strides = array<i32>} : memref<56x64xf32, #tpu.memory_space<vmem>>, vector<1x16xf32>,
        %get3A_1433 = vector.shape_cast %get3A_1432 : vector<1x16xf32> to vector<16xf32>
        %add3A_1434 = arith.addf %get3A_1428, %get3A_1433 : vector<16xf32>
        %add3A_1435 = arith.constant 18 : i32
        %add3A_1436 = arith.addi %mul3A_37, %add3A_1435 : i32
        %swap3A_1437 = arith.index_cast %add3A_1436 : i32 to index
        %swap3A_1438 = arith.constant 16 : index
        %swap3A_1439 = tpu.vector_load %arg7[%swap3A_1437, %swap3A_1438] {strides = array<i32>} : memref<800x64xf32, #tpu.memory_space<vmem>>, vector<1x16xf32>,
        %swap3A_1440 = vector.shape_cast %swap3A_1439 : vector<1x16xf32> to vector<16xf32>
        %swap3A_1441 = vector.shape_cast %add3A_1434 : vector<16xf32> to vector<1x16xf32>
        tpu.vector_store %arg7[%swap3A_1437, %swap3A_1438], %swap3A_1441 {strides = array<i32>} : memref<800x64xf32, #tpu.memory_space<vmem>>, vector<1x16xf32>,
        %add3A_1442 = arith.constant 18 : i32
        %add3A_1443 = arith.addi %mul3A_37, %add3A_1442 : i32
        %get3A_1444 = arith.index_cast %add3A_1443 : i32 to index
        %get3A_1445 = arith.constant 32 : index
        %get3A_1446 = tpu.vector_load %arg7[%get3A_1444, %get3A_1445] {strides = array<i32>} : memref<800x64xf32, #tpu.memory_space<vmem>>, vector<1x16xf32>,
        %get3A_1447 = vector.shape_cast %get3A_1446 : vector<1x16xf32> to vector<16xf32>
        %get3A_1448 = arith.constant 18 : i32
        %get3A_1449 = arith.index_cast %get3A_1448 : i32 to index
        %get3A_1450 = arith.constant 32 : index
        %get3A_1451 = tpu.vector_load %arg8[%get3A_1449, %get3A_1450] {strides = array<i32>} : memref<56x64xf32, #tpu.memory_space<vmem>>, vector<1x16xf32>,
        %get3A_1452 = vector.shape_cast %get3A_1451 : vector<1x16xf32> to vector<16xf32>
        %add3A_1453 = arith.addf %get3A_1447, %get3A_1452 : vector<16xf32>
        %add3A_1454 = arith.constant 18 : i32
        %add3A_1455 = arith.addi %mul3A_37, %add3A_1454 : i32
        %swap3A_1456 = arith.index_cast %add3A_1455 : i32 to index
        %swap3A_1457 = arith.constant 32 : index
        %swap3A_1458 = tpu.vector_load %arg7[%swap3A_1456, %swap3A_1457] {strides = array<i32>} : memref<800x64xf32, #tpu.memory_space<vmem>>, vector<1x16xf32>,
        %swap3A_1459 = vector.shape_cast %swap3A_1458 : vector<1x16xf32> to vector<16xf32>
        %swap3A_1460 = vector.shape_cast %add3A_1453 : vector<16xf32> to vector<1x16xf32>
        tpu.vector_store %arg7[%swap3A_1456, %swap3A_1457], %swap3A_1460 {strides = array<i32>} : memref<800x64xf32, #tpu.memory_space<vmem>>, vector<1x16xf32>,
        %add3A_1461 = arith.constant 18 : i32
        %add3A_1462 = arith.addi %mul3A_37, %add3A_1461 : i32
        %get3A_1463 = arith.index_cast %add3A_1462 : i32 to index
        %get3A_1464 = arith.constant 48 : index
        %get3A_1465 = tpu.vector_load %arg7[%get3A_1463, %get3A_1464] {strides = array<i32>} : memref<800x64xf32, #tpu.memory_space<vmem>>, vector<1x16xf32>,
        %get3A_1466 = vector.shape_cast %get3A_1465 : vector<1x16xf32> to vector<16xf32>
        %get3A_1467 = arith.constant 18 : i32
        %get3A_1468 = arith.index_cast %get3A_1467 : i32 to index
        %get3A_1469 = arith.constant 48 : index
        %get3A_1470 = tpu.vector_load %arg8[%get3A_1468, %get3A_1469] {strides = array<i32>} : memref<56x64xf32, #tpu.memory_space<vmem>>, vector<1x16xf32>,
        %get3A_1471 = vector.shape_cast %get3A_1470 : vector<1x16xf32> to vector<16xf32>
        %add3A_1472 = arith.addf %get3A_1466, %get3A_1471 : vector<16xf32>
        %add3A_1473 = arith.constant 18 : i32
        %add3A_1474 = arith.addi %mul3A_37, %add3A_1473 : i32
        %swap3A_1475 = arith.index_cast %add3A_1474 : i32 to index
        %swap3A_1476 = arith.constant 48 : index
        %swap3A_1477 = tpu.vector_load %arg7[%swap3A_1475, %swap3A_1476] {strides = array<i32>} : memref<800x64xf32, #tpu.memory_space<vmem>>, vector<1x16xf32>,
        %swap3A_1478 = vector.shape_cast %swap3A_1477 : vector<1x16xf32> to vector<16xf32>
        %swap3A_1479 = vector.shape_cast %add3A_1472 : vector<16xf32> to vector<1x16xf32>
        tpu.vector_store %arg7[%swap3A_1475, %swap3A_1476], %swap3A_1479 {strides = array<i32>} : memref<800x64xf32, #tpu.memory_space<vmem>>, vector<1x16xf32>,
        %add3A_1480 = arith.constant 19 : i32
        %add3A_1481 = arith.addi %mul3A_37, %add3A_1480 : i32
        %get3A_1482 = arith.index_cast %add3A_1481 : i32 to index
        %get3A_1483 = arith.constant 0 : index
        %get3A_1484 = tpu.vector_load %arg7[%get3A_1482, %get3A_1483] {strides = array<i32>} : memref<800x64xf32, #tpu.memory_space<vmem>>, vector<1x16xf32>,
        %get3A_1485 = vector.shape_cast %get3A_1484 : vector<1x16xf32> to vector<16xf32>
        %get3A_1486 = arith.constant 19 : i32
        %get3A_1487 = arith.index_cast %get3A_1486 : i32 to index
        %get3A_1488 = arith.constant 0 : index
        %get3A_1489 = tpu.vector_load %arg8[%get3A_1487, %get3A_1488] {strides = array<i32>} : memref<56x64xf32, #tpu.memory_space<vmem>>, vector<1x16xf32>,
        %get3A_1490 = vector.shape_cast %get3A_1489 : vector<1x16xf32> to vector<16xf32>
        %add3A_1491 = arith.addf %get3A_1485, %get3A_1490 : vector<16xf32>
        %add3A_1492 = arith.constant 19 : i32
        %add3A_1493 = arith.addi %mul3A_37, %add3A_1492 : i32
        %swap3A_1494 = arith.index_cast %add3A_1493 : i32 to index
        %swap3A_1495 = arith.constant 0 : index
        %swap3A_1496 = tpu.vector_load %arg7[%swap3A_1494, %swap3A_1495] {strides = array<i32>} : memref<800x64xf32, #tpu.memory_space<vmem>>, vector<1x16xf32>,
        %swap3A_1497 = vector.shape_cast %swap3A_1496 : vector<1x16xf32> to vector<16xf32>
        %swap3A_1498 = vector.shape_cast %add3A_1491 : vector<16xf32> to vector<1x16xf32>
        tpu.vector_store %arg7[%swap3A_1494, %swap3A_1495], %swap3A_1498 {strides = array<i32>} : memref<800x64xf32, #tpu.memory_space<vmem>>, vector<1x16xf32>,
        %add3A_1499 = arith.constant 19 : i32
        %add3A_1500 = arith.addi %mul3A_37, %add3A_1499 : i32
        %get3A_1501 = arith.index_cast %add3A_1500 : i32 to index
        %get3A_1502 = arith.constant 16 : index
        %get3A_1503 = tpu.vector_load %arg7[%get3A_1501, %get3A_1502] {strides = array<i32>} : memref<800x64xf32, #tpu.memory_space<vmem>>, vector<1x16xf32>,
        %get3A_1504 = vector.shape_cast %get3A_1503 : vector<1x16xf32> to vector<16xf32>
        %get3A_1505 = arith.constant 19 : i32
        %get3A_1506 = arith.index_cast %get3A_1505 : i32 to index
        %get3A_1507 = arith.constant 16 : index
        %get3A_1508 = tpu.vector_load %arg8[%get3A_1506, %get3A_1507] {strides = array<i32>} : memref<56x64xf32, #tpu.memory_space<vmem>>, vector<1x16xf32>,
        %get3A_1509 = vector.shape_cast %get3A_1508 : vector<1x16xf32> to vector<16xf32>
        %add3A_1510 = arith.addf %get3A_1504, %get3A_1509 : vector<16xf32>
        %add3A_1511 = arith.constant 19 : i32
        %add3A_1512 = arith.addi %mul3A_37, %add3A_1511 : i32
        %swap3A_1513 = arith.index_cast %add3A_1512 : i32 to index
        %swap3A_1514 = arith.constant 16 : index
        %swap3A_1515 = tpu.vector_load %arg7[%swap3A_1513, %swap3A_1514] {strides = array<i32>} : memref<800x64xf32, #tpu.memory_space<vmem>>, vector<1x16xf32>,
        %swap3A_1516 = vector.shape_cast %swap3A_1515 : vector<1x16xf32> to vector<16xf32>
        %swap3A_1517 = vector.shape_cast %add3A_1510 : vector<16xf32> to vector<1x16xf32>
        tpu.vector_store %arg7[%swap3A_1513, %swap3A_1514], %swap3A_1517 {strides = array<i32>} : memref<800x64xf32, #tpu.memory_space<vmem>>, vector<1x16xf32>,
        %add3A_1518 = arith.constant 19 : i32
        %add3A_1519 = arith.addi %mul3A_37, %add3A_1518 : i32
        %get3A_1520 = arith.index_cast %add3A_1519 : i32 to index
        %get3A_1521 = arith.constant 32 : index
        %get3A_1522 = tpu.vector_load %arg7[%get3A_1520, %get3A_1521] {strides = array<i32>} : memref<800x64xf32, #tpu.memory_space<vmem>>, vector<1x16xf32>,
        %get3A_1523 = vector.shape_cast %get3A_1522 : vector<1x16xf32> to vector<16xf32>
        %get3A_1524 = arith.constant 19 : i32
        %get3A_1525 = arith.index_cast %get3A_1524 : i32 to index
        %get3A_1526 = arith.constant 32 : index
        %get3A_1527 = tpu.vector_load %arg8[%get3A_1525, %get3A_1526] {strides = array<i32>} : memref<56x64xf32, #tpu.memory_space<vmem>>, vector<1x16xf32>,
        %get3A_1528 = vector.shape_cast %get3A_1527 : vector<1x16xf32> to vector<16xf32>
        %add3A_1529 = arith.addf %get3A_1523, %get3A_1528 : vector<16xf32>
        %add3A_1530 = arith.constant 19 : i32
        %add3A_1531 = arith.addi %mul3A_37, %add3A_1530 : i32
        %swap3A_1532 = arith.index_cast %add3A_1531 : i32 to index
        %swap3A_1533 = arith.constant 32 : index
        %swap3A_1534 = tpu.vector_load %arg7[%swap3A_1532, %swap3A_1533] {strides = array<i32>} : memref<800x64xf32, #tpu.memory_space<vmem>>, vector<1x16xf32>,
        %swap3A_1535 = vector.shape_cast %swap3A_1534 : vector<1x16xf32> to vector<16xf32>
        %swap3A_1536 = vector.shape_cast %add3A_1529 : vector<16xf32> to vector<1x16xf32>
        tpu.vector_store %arg7[%swap3A_1532, %swap3A_1533], %swap3A_1536 {strides = array<i32>} : memref<800x64xf32, #tpu.memory_space<vmem>>, vector<1x16xf32>,
        %add3A_1537 = arith.constant 19 : i32
        %add3A_1538 = arith.addi %mul3A_37, %add3A_1537 : i32
        %get3A_1539 = arith.index_cast %add3A_1538 : i32 to index
        %get3A_1540 = arith.constant 48 : index
        %get3A_1541 = tpu.vector_load %arg7[%get3A_1539, %get3A_1540] {strides = array<i32>} : memref<800x64xf32, #tpu.memory_space<vmem>>, vector<1x16xf32>,
        %get3A_1542 = vector.shape_cast %get3A_1541 : vector<1x16xf32> to vector<16xf32>
        %get3A_1543 = arith.constant 19 : i32
        %get3A_1544 = arith.index_cast %get3A_1543 : i32 to index
        %get3A_1545 = arith.constant 48 : index
        %get3A_1546 = tpu.vector_load %arg8[%get3A_1544, %get3A_1545] {strides = array<i32>} : memref<56x64xf32, #tpu.memory_space<vmem>>, vector<1x16xf32>,
        %get3A_1547 = vector.shape_cast %get3A_1546 : vector<1x16xf32> to vector<16xf32>
        %add3A_1548 = arith.addf %get3A_1542, %get3A_1547 : vector<16xf32>
        %add3A_1549 = arith.constant 19 : i32
        %add3A_1550 = arith.addi %mul3A_37, %add3A_1549 : i32
        %swap3A_1551 = arith.index_cast %add3A_1550 : i32 to index
        %swap3A_1552 = arith.constant 48 : index
        %swap3A_1553 = tpu.vector_load %arg7[%swap3A_1551, %swap3A_1552] {strides = array<i32>} : memref<800x64xf32, #tpu.memory_space<vmem>>, vector<1x16xf32>,
        %swap3A_1554 = vector.shape_cast %swap3A_1553 : vector<1x16xf32> to vector<16xf32>
        %swap3A_1555 = vector.shape_cast %add3A_1548 : vector<16xf32> to vector<1x16xf32>
        tpu.vector_store %arg7[%swap3A_1551, %swap3A_1552], %swap3A_1555 {strides = array<i32>} : memref<800x64xf32, #tpu.memory_space<vmem>>, vector<1x16xf32>,
        %add3A_1556 = arith.constant 20 : i32
        %add3A_1557 = arith.addi %mul3A_37, %add3A_1556 : i32
        %get3A_1558 = arith.index_cast %add3A_1557 : i32 to index
        %get3A_1559 = arith.constant 0 : index
        %get3A_1560 = tpu.vector_load %arg7[%get3A_1558, %get3A_1559] {strides = array<i32>} : memref<800x64xf32, #tpu.memory_space<vmem>>, vector<1x16xf32>,
        %get3A_1561 = vector.shape_cast %get3A_1560 : vector<1x16xf32> to vector<16xf32>
        %get3A_1562 = arith.constant 20 : i32
        %get3A_1563 = arith.index_cast %get3A_1562 : i32 to index
        %get3A_1564 = arith.constant 0 : index
        %get3A_1565 = tpu.vector_load %arg8[%get3A_1563, %get3A_1564] {strides = array<i32>} : memref<56x64xf32, #tpu.memory_space<vmem>>, vector<1x16xf32>,
        %get3A_1566 = vector.shape_cast %get3A_1565 : vector<1x16xf32> to vector<16xf32>
        %add3A_1567 = arith.addf %get3A_1561, %get3A_1566 : vector<16xf32>
        %add3A_1568 = arith.constant 20 : i32
        %add3A_1569 = arith.addi %mul3A_37, %add3A_1568 : i32
        %swap3A_1570 = arith.index_cast %add3A_1569 : i32 to index
        %swap3A_1571 = arith.constant 0 : index
        %swap3A_1572 = tpu.vector_load %arg7[%swap3A_1570, %swap3A_1571] {strides = array<i32>} : memref<800x64xf32, #tpu.memory_space<vmem>>, vector<1x16xf32>,
        %swap3A_1573 = vector.shape_cast %swap3A_1572 : vector<1x16xf32> to vector<16xf32>
        %swap3A_1574 = vector.shape_cast %add3A_1567 : vector<16xf32> to vector<1x16xf32>
        tpu.vector_store %arg7[%swap3A_1570, %swap3A_1571], %swap3A_1574 {strides = array<i32>} : memref<800x64xf32, #tpu.memory_space<vmem>>, vector<1x16xf32>,
        %add3A_1575 = arith.constant 20 : i32
        %add3A_1576 = arith.addi %mul3A_37, %add3A_1575 : i32
        %get3A_1577 = arith.index_cast %add3A_1576 : i32 to index
        %get3A_1578 = arith.constant 16 : index
        %get3A_1579 = tpu.vector_load %arg7[%get3A_1577, %get3A_1578] {strides = array<i32>} : memref<800x64xf32, #tpu.memory_space<vmem>>, vector<1x16xf32>,
        %get3A_1580 = vector.shape_cast %get3A_1579 : vector<1x16xf32> to vector<16xf32>
        %get3A_1581 = arith.constant 20 : i32
        %get3A_1582 = arith.index_cast %get3A_1581 : i32 to index
        %get3A_1583 = arith.constant 16 : index
        %get3A_1584 = tpu.vector_load %arg8[%get3A_1582, %get3A_1583] {strides = array<i32>} : memref<56x64xf32, #tpu.memory_space<vmem>>, vector<1x16xf32>,
        %get3A_1585 = vector.shape_cast %get3A_1584 : vector<1x16xf32> to vector<16xf32>
        %add3A_1586 = arith.addf %get3A_1580, %get3A_1585 : vector<16xf32>
        %add3A_1587 = arith.constant 20 : i32
        %add3A_1588 = arith.addi %mul3A_37, %add3A_1587 : i32
        %swap3A_1589 = arith.index_cast %add3A_1588 : i32 to index
        %swap3A_1590 = arith.constant 16 : index
        %swap3A_1591 = tpu.vector_load %arg7[%swap3A_1589, %swap3A_1590] {strides = array<i32>} : memref<800x64xf32, #tpu.memory_space<vmem>>, vector<1x16xf32>,
        %swap3A_1592 = vector.shape_cast %swap3A_1591 : vector<1x16xf32> to vector<16xf32>
        %swap3A_1593 = vector.shape_cast %add3A_1586 : vector<16xf32> to vector<1x16xf32>
        tpu.vector_store %arg7[%swap3A_1589, %swap3A_1590], %swap3A_1593 {strides = array<i32>} : memref<800x64xf32, #tpu.memory_space<vmem>>, vector<1x16xf32>,
        %add3A_1594 = arith.constant 20 : i32
        %add3A_1595 = arith.addi %mul3A_37, %add3A_1594 : i32
        %get3A_1596 = arith.index_cast %add3A_1595 : i32 to index
        %get3A_1597 = arith.constant 32 : index
        %get3A_1598 = tpu.vector_load %arg7[%get3A_1596, %get3A_1597] {strides = array<i32>} : memref<800x64xf32, #tpu.memory_space<vmem>>, vector<1x16xf32>,
        %get3A_1599 = vector.shape_cast %get3A_1598 : vector<1x16xf32> to vector<16xf32>
        %get3A_1600 = arith.constant 20 : i32
        %get3A_1601 = arith.index_cast %get3A_1600 : i32 to index
        %get3A_1602 = arith.constant 32 : index
        %get3A_1603 = tpu.vector_load %arg8[%get3A_1601, %get3A_1602] {strides = array<i32>} : memref<56x64xf32, #tpu.memory_space<vmem>>, vector<1x16xf32>,
        %get3A_1604 = vector.shape_cast %get3A_1603 : vector<1x16xf32> to vector<16xf32>
        %add3A_1605 = arith.addf %get3A_1599, %get3A_1604 : vector<16xf32>
        %add3A_1606 = arith.constant 20 : i32
        %add3A_1607 = arith.addi %mul3A_37, %add3A_1606 : i32
        %swap3A_1608 = arith.index_cast %add3A_1607 : i32 to index
        %swap3A_1609 = arith.constant 32 : index
        %swap3A_1610 = tpu.vector_load %arg7[%swap3A_1608, %swap3A_1609] {strides = array<i32>} : memref<800x64xf32, #tpu.memory_space<vmem>>, vector<1x16xf32>,
        %swap3A_1611 = vector.shape_cast %swap3A_1610 : vector<1x16xf32> to vector<16xf32>
        %swap3A_1612 = vector.shape_cast %add3A_1605 : vector<16xf32> to vector<1x16xf32>
        tpu.vector_store %arg7[%swap3A_1608, %swap3A_1609], %swap3A_1612 {strides = array<i32>} : memref<800x64xf32, #tpu.memory_space<vmem>>, vector<1x16xf32>,
        %add3A_1613 = arith.constant 20 : i32
        %add3A_1614 = arith.addi %mul3A_37, %add3A_1613 : i32
        %get3A_1615 = arith.index_cast %add3A_1614 : i32 to index
        %get3A_1616 = arith.constant 48 : index
        %get3A_1617 = tpu.vector_load %arg7[%get3A_1615, %get3A_1616] {strides = array<i32>} : memref<800x64xf32, #tpu.memory_space<vmem>>, vector<1x16xf32>,
        %get3A_1618 = vector.shape_cast %get3A_1617 : vector<1x16xf32> to vector<16xf32>
        %get3A_1619 = arith.constant 20 : i32
        %get3A_1620 = arith.index_cast %get3A_1619 : i32 to index
        %get3A_1621 = arith.constant 48 : index
        %get3A_1622 = tpu.vector_load %arg8[%get3A_1620, %get3A_1621] {strides = array<i32>} : memref<56x64xf32, #tpu.memory_space<vmem>>, vector<1x16xf32>,
        %get3A_1623 = vector.shape_cast %get3A_1622 : vector<1x16xf32> to vector<16xf32>
        %add3A_1624 = arith.addf %get3A_1618, %get3A_1623 : vector<16xf32>
        %add3A_1625 = arith.constant 20 : i32
        %add3A_1626 = arith.addi %mul3A_37, %add3A_1625 : i32
        %swap3A_1627 = arith.index_cast %add3A_1626 : i32 to index
        %swap3A_1628 = arith.constant 48 : index
        %swap3A_1629 = tpu.vector_load %arg7[%swap3A_1627, %swap3A_1628] {strides = array<i32>} : memref<800x64xf32, #tpu.memory_space<vmem>>, vector<1x16xf32>,
        %swap3A_1630 = vector.shape_cast %swap3A_1629 : vector<1x16xf32> to vector<16xf32>
        %swap3A_1631 = vector.shape_cast %add3A_1624 : vector<16xf32> to vector<1x16xf32>
        tpu.vector_store %arg7[%swap3A_1627, %swap3A_1628], %swap3A_1631 {strides = array<i32>} : memref<800x64xf32, #tpu.memory_space<vmem>>, vector<1x16xf32>,
        %add3A_1632 = arith.constant 21 : i32
        %add3A_1633 = arith.addi %mul3A_37, %add3A_1632 : i32
        %get3A_1634 = arith.index_cast %add3A_1633 : i32 to index
        %get3A_1635 = arith.constant 0 : index
        %get3A_1636 = tpu.vector_load %arg7[%get3A_1634, %get3A_1635] {strides = array<i32>} : memref<800x64xf32, #tpu.memory_space<vmem>>, vector<1x16xf32>,
        %get3A_1637 = vector.shape_cast %get3A_1636 : vector<1x16xf32> to vector<16xf32>
        %get3A_1638 = arith.constant 21 : i32
        %get3A_1639 = arith.index_cast %get3A_1638 : i32 to index
        %get3A_1640 = arith.constant 0 : index
        %get3A_1641 = tpu.vector_load %arg8[%get3A_1639, %get3A_1640] {strides = array<i32>} : memref<56x64xf32, #tpu.memory_space<vmem>>, vector<1x16xf32>,
        %get3A_1642 = vector.shape_cast %get3A_1641 : vector<1x16xf32> to vector<16xf32>
        %add3A_1643 = arith.addf %get3A_1637, %get3A_1642 : vector<16xf32>
        %add3A_1644 = arith.constant 21 : i32
        %add3A_1645 = arith.addi %mul3A_37, %add3A_1644 : i32
        %swap3A_1646 = arith.index_cast %add3A_1645 : i32 to index
        %swap3A_1647 = arith.constant 0 : index
        %swap3A_1648 = tpu.vector_load %arg7[%swap3A_1646, %swap3A_1647] {strides = array<i32>} : memref<800x64xf32, #tpu.memory_space<vmem>>, vector<1x16xf32>,
        %swap3A_1649 = vector.shape_cast %swap3A_1648 : vector<1x16xf32> to vector<16xf32>
        %swap3A_1650 = vector.shape_cast %add3A_1643 : vector<16xf32> to vector<1x16xf32>
        tpu.vector_store %arg7[%swap3A_1646, %swap3A_1647], %swap3A_1650 {strides = array<i32>} : memref<800x64xf32, #tpu.memory_space<vmem>>, vector<1x16xf32>,
        %add3A_1651 = arith.constant 21 : i32
        %add3A_1652 = arith.addi %mul3A_37, %add3A_1651 : i32
        %get3A_1653 = arith.index_cast %add3A_1652 : i32 to index
        %get3A_1654 = arith.constant 16 : index
        %get3A_1655 = tpu.vector_load %arg7[%get3A_1653, %get3A_1654] {strides = array<i32>} : memref<800x64xf32, #tpu.memory_space<vmem>>, vector<1x16xf32>,
        %get3A_1656 = vector.shape_cast %get3A_1655 : vector<1x16xf32> to vector<16xf32>
        %get3A_1657 = arith.constant 21 : i32
        %get3A_1658 = arith.index_cast %get3A_1657 : i32 to index
        %get3A_1659 = arith.constant 16 : index
        %get3A_1660 = tpu.vector_load %arg8[%get3A_1658, %get3A_1659] {strides = array<i32>} : memref<56x64xf32, #tpu.memory_space<vmem>>, vector<1x16xf32>,
        %get3A_1661 = vector.shape_cast %get3A_1660 : vector<1x16xf32> to vector<16xf32>
        %add3A_1662 = arith.addf %get3A_1656, %get3A_1661 : vector<16xf32>
        %add3A_1663 = arith.constant 21 : i32
        %add3A_1664 = arith.addi %mul3A_37, %add3A_1663 : i32
        %swap3A_1665 = arith.index_cast %add3A_1664 : i32 to index
        %swap3A_1666 = arith.constant 16 : index
        %swap3A_1667 = tpu.vector_load %arg7[%swap3A_1665, %swap3A_1666] {strides = array<i32>} : memref<800x64xf32, #tpu.memory_space<vmem>>, vector<1x16xf32>,
        %swap3A_1668 = vector.shape_cast %swap3A_1667 : vector<1x16xf32> to vector<16xf32>
        %swap3A_1669 = vector.shape_cast %add3A_1662 : vector<16xf32> to vector<1x16xf32>
        tpu.vector_store %arg7[%swap3A_1665, %swap3A_1666], %swap3A_1669 {strides = array<i32>} : memref<800x64xf32, #tpu.memory_space<vmem>>, vector<1x16xf32>,
        %add3A_1670 = arith.constant 21 : i32
        %add3A_1671 = arith.addi %mul3A_37, %add3A_1670 : i32
        %get3A_1672 = arith.index_cast %add3A_1671 : i32 to index
        %get3A_1673 = arith.constant 32 : index
        %get3A_1674 = tpu.vector_load %arg7[%get3A_1672, %get3A_1673] {strides = array<i32>} : memref<800x64xf32, #tpu.memory_space<vmem>>, vector<1x16xf32>,
        %get3A_1675 = vector.shape_cast %get3A_1674 : vector<1x16xf32> to vector<16xf32>
        %get3A_1676 = arith.constant 21 : i32
        %get3A_1677 = arith.index_cast %get3A_1676 : i32 to index
        %get3A_1678 = arith.constant 32 : index
        %get3A_1679 = tpu.vector_load %arg8[%get3A_1677, %get3A_1678] {strides = array<i32>} : memref<56x64xf32, #tpu.memory_space<vmem>>, vector<1x16xf32>,
        %get3A_1680 = vector.shape_cast %get3A_1679 : vector<1x16xf32> to vector<16xf32>
        %add3A_1681 = arith.addf %get3A_1675, %get3A_1680 : vector<16xf32>
        %add3A_1682 = arith.constant 21 : i32
        %add3A_1683 = arith.addi %mul3A_37, %add3A_1682 : i32
        %swap3A_1684 = arith.index_cast %add3A_1683 : i32 to index
        %swap3A_1685 = arith.constant 32 : index
        %swap3A_1686 = tpu.vector_load %arg7[%swap3A_1684, %swap3A_1685] {strides = array<i32>} : memref<800x64xf32, #tpu.memory_space<vmem>>, vector<1x16xf32>,
        %swap3A_1687 = vector.shape_cast %swap3A_1686 : vector<1x16xf32> to vector<16xf32>
        %swap3A_1688 = vector.shape_cast %add3A_1681 : vector<16xf32> to vector<1x16xf32>
        tpu.vector_store %arg7[%swap3A_1684, %swap3A_1685], %swap3A_1688 {strides = array<i32>} : memref<800x64xf32, #tpu.memory_space<vmem>>, vector<1x16xf32>,
        %add3A_1689 = arith.constant 21 : i32
        %add3A_1690 = arith.addi %mul3A_37, %add3A_1689 : i32
        %get3A_1691 = arith.index_cast %add3A_1690 : i32 to index
        %get3A_1692 = arith.constant 48 : index
        %get3A_1693 = tpu.vector_load %arg7[%get3A_1691, %get3A_1692] {strides = array<i32>} : memref<800x64xf32, #tpu.memory_space<vmem>>, vector<1x16xf32>,
        %get3A_1694 = vector.shape_cast %get3A_1693 : vector<1x16xf32> to vector<16xf32>
        %get3A_1695 = arith.constant 21 : i32
        %get3A_1696 = arith.index_cast %get3A_1695 : i32 to index
        %get3A_1697 = arith.constant 48 : index
        %get3A_1698 = tpu.vector_load %arg8[%get3A_1696, %get3A_1697] {strides = array<i32>} : memref<56x64xf32, #tpu.memory_space<vmem>>, vector<1x16xf32>,
        %get3A_1699 = vector.shape_cast %get3A_1698 : vector<1x16xf32> to vector<16xf32>
        %add3A_1700 = arith.addf %get3A_1694, %get3A_1699 : vector<16xf32>
        %add3A_1701 = arith.constant 21 : i32
        %add3A_1702 = arith.addi %mul3A_37, %add3A_1701 : i32
        %swap3A_1703 = arith.index_cast %add3A_1702 : i32 to index
        %swap3A_1704 = arith.constant 48 : index
        %swap3A_1705 = tpu.vector_load %arg7[%swap3A_1703, %swap3A_1704] {strides = array<i32>} : memref<800x64xf32, #tpu.memory_space<vmem>>, vector<1x16xf32>,
        %swap3A_1706 = vector.shape_cast %swap3A_1705 : vector<1x16xf32> to vector<16xf32>
        %swap3A_1707 = vector.shape_cast %add3A_1700 : vector<16xf32> to vector<1x16xf32>
        tpu.vector_store %arg7[%swap3A_1703, %swap3A_1704], %swap3A_1707 {strides = array<i32>} : memref<800x64xf32, #tpu.memory_space<vmem>>, vector<1x16xf32>,
        %add3A_1708 = arith.constant 22 : i32
        %add3A_1709 = arith.addi %mul3A_37, %add3A_1708 : i32
        %get3A_1710 = arith.index_cast %add3A_1709 : i32 to index
        %get3A_1711 = arith.constant 0 : index
        %get3A_1712 = tpu.vector_load %arg7[%get3A_1710, %get3A_1711] {strides = array<i32>} : memref<800x64xf32, #tpu.memory_space<vmem>>, vector<1x16xf32>,
        %get3A_1713 = vector.shape_cast %get3A_1712 : vector<1x16xf32> to vector<16xf32>
        %get3A_1714 = arith.constant 22 : i32
        %get3A_1715 = arith.index_cast %get3A_1714 : i32 to index
        %get3A_1716 = arith.constant 0 : index
        %get3A_1717 = tpu.vector_load %arg8[%get3A_1715, %get3A_1716] {strides = array<i32>} : memref<56x64xf32, #tpu.memory_space<vmem>>, vector<1x16xf32>,
        %get3A_1718 = vector.shape_cast %get3A_1717 : vector<1x16xf32> to vector<16xf32>
        %add3A_1719 = arith.addf %get3A_1713, %get3A_1718 : vector<16xf32>
        %add3A_1720 = arith.constant 22 : i32
        %add3A_1721 = arith.addi %mul3A_37, %add3A_1720 : i32
        %swap3A_1722 = arith.index_cast %add3A_1721 : i32 to index
        %swap3A_1723 = arith.constant 0 : index
        %swap3A_1724 = tpu.vector_load %arg7[%swap3A_1722, %swap3A_1723] {strides = array<i32>} : memref<800x64xf32, #tpu.memory_space<vmem>>, vector<1x16xf32>,
        %swap3A_1725 = vector.shape_cast %swap3A_1724 : vector<1x16xf32> to vector<16xf32>
        %swap3A_1726 = vector.shape_cast %add3A_1719 : vector<16xf32> to vector<1x16xf32>
        tpu.vector_store %arg7[%swap3A_1722, %swap3A_1723], %swap3A_1726 {strides = array<i32>} : memref<800x64xf32, #tpu.memory_space<vmem>>, vector<1x16xf32>,
        %add3A_1727 = arith.constant 22 : i32
        %add3A_1728 = arith.addi %mul3A_37, %add3A_1727 : i32
        %get3A_1729 = arith.index_cast %add3A_1728 : i32 to index
        %get3A_1730 = arith.constant 16 : index
        %get3A_1731 = tpu.vector_load %arg7[%get3A_1729, %get3A_1730] {strides = array<i32>} : memref<800x64xf32, #tpu.memory_space<vmem>>, vector<1x16xf32>,
        %get3A_1732 = vector.shape_cast %get3A_1731 : vector<1x16xf32> to vector<16xf32>
        %get3A_1733 = arith.constant 22 : i32
        %get3A_1734 = arith.index_cast %get3A_1733 : i32 to index
        %get3A_1735 = arith.constant 16 : index
        %get3A_1736 = tpu.vector_load %arg8[%get3A_1734, %get3A_1735] {strides = array<i32>} : memref<56x64xf32, #tpu.memory_space<vmem>>, vector<1x16xf32>,
        %get3A_1737 = vector.shape_cast %get3A_1736 : vector<1x16xf32> to vector<16xf32>
        %add3A_1738 = arith.addf %get3A_1732, %get3A_1737 : vector<16xf32>
        %add3A_1739 = arith.constant 22 : i32
        %add3A_1740 = arith.addi %mul3A_37, %add3A_1739 : i32
        %swap3A_1741 = arith.index_cast %add3A_1740 : i32 to index
        %swap3A_1742 = arith.constant 16 : index
        %swap3A_1743 = tpu.vector_load %arg7[%swap3A_1741, %swap3A_1742] {strides = array<i32>} : memref<800x64xf32, #tpu.memory_space<vmem>>, vector<1x16xf32>,
        %swap3A_1744 = vector.shape_cast %swap3A_1743 : vector<1x16xf32> to vector<16xf32>
        %swap3A_1745 = vector.shape_cast %add3A_1738 : vector<16xf32> to vector<1x16xf32>
        tpu.vector_store %arg7[%swap3A_1741, %swap3A_1742], %swap3A_1745 {strides = array<i32>} : memref<800x64xf32, #tpu.memory_space<vmem>>, vector<1x16xf32>,
        %add3A_1746 = arith.constant 22 : i32
        %add3A_1747 = arith.addi %mul3A_37, %add3A_1746 : i32
        %get3A_1748 = arith.index_cast %add3A_1747 : i32 to index
        %get3A_1749 = arith.constant 32 : index
        %get3A_1750 = tpu.vector_load %arg7[%get3A_1748, %get3A_1749] {strides = array<i32>} : memref<800x64xf32, #tpu.memory_space<vmem>>, vector<1x16xf32>,
        %get3A_1751 = vector.shape_cast %get3A_1750 : vector<1x16xf32> to vector<16xf32>
        %get3A_1752 = arith.constant 22 : i32
        %get3A_1753 = arith.index_cast %get3A_1752 : i32 to index
        %get3A_1754 = arith.constant 32 : index
        %get3A_1755 = tpu.vector_load %arg8[%get3A_1753, %get3A_1754] {strides = array<i32>} : memref<56x64xf32, #tpu.memory_space<vmem>>, vector<1x16xf32>,
        %get3A_1756 = vector.shape_cast %get3A_1755 : vector<1x16xf32> to vector<16xf32>
        %add3A_1757 = arith.addf %get3A_1751, %get3A_1756 : vector<16xf32>
        %add3A_1758 = arith.constant 22 : i32
        %add3A_1759 = arith.addi %mul3A_37, %add3A_1758 : i32
        %swap3A_1760 = arith.index_cast %add3A_1759 : i32 to index
        %swap3A_1761 = arith.constant 32 : index
        %swap3A_1762 = tpu.vector_load %arg7[%swap3A_1760, %swap3A_1761] {strides = array<i32>} : memref<800x64xf32, #tpu.memory_space<vmem>>, vector<1x16xf32>,
        %swap3A_1763 = vector.shape_cast %swap3A_1762 : vector<1x16xf32> to vector<16xf32>
        %swap3A_1764 = vector.shape_cast %add3A_1757 : vector<16xf32> to vector<1x16xf32>
        tpu.vector_store %arg7[%swap3A_1760, %swap3A_1761], %swap3A_1764 {strides = array<i32>} : memref<800x64xf32, #tpu.memory_space<vmem>>, vector<1x16xf32>,
        %add3A_1765 = arith.constant 22 : i32
        %add3A_1766 = arith.addi %mul3A_37, %add3A_1765 : i32
        %get3A_1767 = arith.index_cast %add3A_1766 : i32 to index
        %get3A_1768 = arith.constant 48 : index
        %get3A_1769 = tpu.vector_load %arg7[%get3A_1767, %get3A_1768] {strides = array<i32>} : memref<800x64xf32, #tpu.memory_space<vmem>>, vector<1x16xf32>,
        %get3A_1770 = vector.shape_cast %get3A_1769 : vector<1x16xf32> to vector<16xf32>
        %get3A_1771 = arith.constant 22 : i32
        %get3A_1772 = arith.index_cast %get3A_1771 : i32 to index
        %get3A_1773 = arith.constant 48 : index
        %get3A_1774 = tpu.vector_load %arg8[%get3A_1772, %get3A_1773] {strides = array<i32>} : memref<56x64xf32, #tpu.memory_space<vmem>>, vector<1x16xf32>,
        %get3A_1775 = vector.shape_cast %get3A_1774 : vector<1x16xf32> to vector<16xf32>
        %add3A_1776 = arith.addf %get3A_1770, %get3A_1775 : vector<16xf32>
        %add3A_1777 = arith.constant 22 : i32
        %add3A_1778 = arith.addi %mul3A_37, %add3A_1777 : i32
        %swap3A_1779 = arith.index_cast %add3A_1778 : i32 to index
        %swap3A_1780 = arith.constant 48 : index
        %swap3A_1781 = tpu.vector_load %arg7[%swap3A_1779, %swap3A_1780] {strides = array<i32>} : memref<800x64xf32, #tpu.memory_space<vmem>>, vector<1x16xf32>,
        %swap3A_1782 = vector.shape_cast %swap3A_1781 : vector<1x16xf32> to vector<16xf32>
        %swap3A_1783 = vector.shape_cast %add3A_1776 : vector<16xf32> to vector<1x16xf32>
        tpu.vector_store %arg7[%swap3A_1779, %swap3A_1780], %swap3A_1783 {strides = array<i32>} : memref<800x64xf32, #tpu.memory_space<vmem>>, vector<1x16xf32>,
        %add3A_1784 = arith.constant 23 : i32
        %add3A_1785 = arith.addi %mul3A_37, %add3A_1784 : i32
        %get3A_1786 = arith.index_cast %add3A_1785 : i32 to index
        %get3A_1787 = arith.constant 0 : index
        %get3A_1788 = tpu.vector_load %arg7[%get3A_1786, %get3A_1787] {strides = array<i32>} : memref<800x64xf32, #tpu.memory_space<vmem>>, vector<1x16xf32>,
        %get3A_1789 = vector.shape_cast %get3A_1788 : vector<1x16xf32> to vector<16xf32>
        %get3A_1790 = arith.constant 23 : i32
        %get3A_1791 = arith.index_cast %get3A_1790 : i32 to index
        %get3A_1792 = arith.constant 0 : index
        %get3A_1793 = tpu.vector_load %arg8[%get3A_1791, %get3A_1792] {strides = array<i32>} : memref<56x64xf32, #tpu.memory_space<vmem>>, vector<1x16xf32>,
        %get3A_1794 = vector.shape_cast %get3A_1793 : vector<1x16xf32> to vector<16xf32>
        %add3A_1795 = arith.addf %get3A_1789, %get3A_1794 : vector<16xf32>
        %add3A_1796 = arith.constant 23 : i32
        %add3A_1797 = arith.addi %mul3A_37, %add3A_1796 : i32
        %swap3A_1798 = arith.index_cast %add3A_1797 : i32 to index
        %swap3A_1799 = arith.constant 0 : index
        %swap3A_1800 = tpu.vector_load %arg7[%swap3A_1798, %swap3A_1799] {strides = array<i32>} : memref<800x64xf32, #tpu.memory_space<vmem>>, vector<1x16xf32>,
        %swap3A_1801 = vector.shape_cast %swap3A_1800 : vector<1x16xf32> to vector<16xf32>
        %swap3A_1802 = vector.shape_cast %add3A_1795 : vector<16xf32> to vector<1x16xf32>
        tpu.vector_store %arg7[%swap3A_1798, %swap3A_1799], %swap3A_1802 {strides = array<i32>} : memref<800x64xf32, #tpu.memory_space<vmem>>, vector<1x16xf32>,
        %add3A_1803 = arith.constant 23 : i32
        %add3A_1804 = arith.addi %mul3A_37, %add3A_1803 : i32
        %get3A_1805 = arith.index_cast %add3A_1804 : i32 to index
        %get3A_1806 = arith.constant 16 : index
        %get3A_1807 = tpu.vector_load %arg7[%get3A_1805, %get3A_1806] {strides = array<i32>} : memref<800x64xf32, #tpu.memory_space<vmem>>, vector<1x16xf32>,
        %get3A_1808 = vector.shape_cast %get3A_1807 : vector<1x16xf32> to vector<16xf32>
        %get3A_1809 = arith.constant 23 : i32
        %get3A_1810 = arith.index_cast %get3A_1809 : i32 to index
        %get3A_1811 = arith.constant 16 : index
        %get3A_1812 = tpu.vector_load %arg8[%get3A_1810, %get3A_1811] {strides = array<i32>} : memref<56x64xf32, #tpu.memory_space<vmem>>, vector<1x16xf32>,
        %get3A_1813 = vector.shape_cast %get3A_1812 : vector<1x16xf32> to vector<16xf32>
        %add3A_1814 = arith.addf %get3A_1808, %get3A_1813 : vector<16xf32>
        %add3A_1815 = arith.constant 23 : i32
        %add3A_1816 = arith.addi %mul3A_37, %add3A_1815 : i32
        %swap3A_1817 = arith.index_cast %add3A_1816 : i32 to index
        %swap3A_1818 = arith.constant 16 : index
        %swap3A_1819 = tpu.vector_load %arg7[%swap3A_1817, %swap3A_1818] {strides = array<i32>} : memref<800x64xf32, #tpu.memory_space<vmem>>, vector<1x16xf32>,
        %swap3A_1820 = vector.shape_cast %swap3A_1819 : vector<1x16xf32> to vector<16xf32>
        %swap3A_1821 = vector.shape_cast %add3A_1814 : vector<16xf32> to vector<1x16xf32>
        tpu.vector_store %arg7[%swap3A_1817, %swap3A_1818], %swap3A_1821 {strides = array<i32>} : memref<800x64xf32, #tpu.memory_space<vmem>>, vector<1x16xf32>,
        %add3A_1822 = arith.constant 23 : i32
        %add3A_1823 = arith.addi %mul3A_37, %add3A_1822 : i32
        %get3A_1824 = arith.index_cast %add3A_1823 : i32 to index
        %get3A_1825 = arith.constant 32 : index
        %get3A_1826 = tpu.vector_load %arg7[%get3A_1824, %get3A_1825] {strides = array<i32>} : memref<800x64xf32, #tpu.memory_space<vmem>>, vector<1x16xf32>,
        %get3A_1827 = vector.shape_cast %get3A_1826 : vector<1x16xf32> to vector<16xf32>
        %get3A_1828 = arith.constant 23 : i32
        %get3A_1829 = arith.index_cast %get3A_1828 : i32 to index
        %get3A_1830 = arith.constant 32 : index
        %get3A_1831 = tpu.vector_load %arg8[%get3A_1829, %get3A_1830] {strides = array<i32>} : memref<56x64xf32, #tpu.memory_space<vmem>>, vector<1x16xf32>,
        %get3A_1832 = vector.shape_cast %get3A_1831 : vector<1x16xf32> to vector<16xf32>
        %add3A_1833 = arith.addf %get3A_1827, %get3A_1832 : vector<16xf32>
        %add3A_1834 = arith.constant 23 : i32
        %add3A_1835 = arith.addi %mul3A_37, %add3A_1834 : i32
        %swap3A_1836 = arith.index_cast %add3A_1835 : i32 to index
        %swap3A_1837 = arith.constant 32 : index
        %swap3A_1838 = tpu.vector_load %arg7[%swap3A_1836, %swap3A_1837] {strides = array<i32>} : memref<800x64xf32, #tpu.memory_space<vmem>>, vector<1x16xf32>,
        %swap3A_1839 = vector.shape_cast %swap3A_1838 : vector<1x16xf32> to vector<16xf32>
        %swap3A_1840 = vector.shape_cast %add3A_1833 : vector<16xf32> to vector<1x16xf32>
        tpu.vector_store %arg7[%swap3A_1836, %swap3A_1837], %swap3A_1840 {strides = array<i32>} : memref<800x64xf32, #tpu.memory_space<vmem>>, vector<1x16xf32>,
        %add3A_1841 = arith.constant 23 : i32
        %add3A_1842 = arith.addi %mul3A_37, %add3A_1841 : i32
        %get3A_1843 = arith.index_cast %add3A_1842 : i32 to index
        %get3A_1844 = arith.constant 48 : index
        %get3A_1845 = tpu.vector_load %arg7[%get3A_1843, %get3A_1844] {strides = array<i32>} : memref<800x64xf32, #tpu.memory_space<vmem>>, vector<1x16xf32>,
        %get3A_1846 = vector.shape_cast %get3A_1845 : vector<1x16xf32> to vector<16xf32>
        %get3A_1847 = arith.constant 23 : i32
        %get3A_1848 = arith.index_cast %get3A_1847 : i32 to index
        %get3A_1849 = arith.constant 48 : index
        %get3A_1850 = tpu.vector_load %arg8[%get3A_1848, %get3A_1849] {strides = array<i32>} : memref<56x64xf32, #tpu.memory_space<vmem>>, vector<1x16xf32>,
        %get3A_1851 = vector.shape_cast %get3A_1850 : vector<1x16xf32> to vector<16xf32>
        %add3A_1852 = arith.addf %get3A_1846, %get3A_1851 : vector<16xf32>
        %add3A_1853 = arith.constant 23 : i32
        %add3A_1854 = arith.addi %mul3A_37, %add3A_1853 : i32
        %swap3A_1855 = arith.index_cast %add3A_1854 : i32 to index
        %swap3A_1856 = arith.constant 48 : index
        %swap3A_1857 = tpu.vector_load %arg7[%swap3A_1855, %swap3A_1856] {strides = array<i32>} : memref<800x64xf32, #tpu.memory_space<vmem>>, vector<1x16xf32>,
        %swap3A_1858 = vector.shape_cast %swap3A_1857 : vector<1x16xf32> to vector<16xf32>
        %swap3A_1859 = vector.shape_cast %add3A_1852 : vector<16xf32> to vector<1x16xf32>
        tpu.vector_store %arg7[%swap3A_1855, %swap3A_1856], %swap3A_1859 {strides = array<i32>} : memref<800x64xf32, #tpu.memory_space<vmem>>, vector<1x16xf32>,
        %add3A_1860 = arith.constant 24 : i32
        %add3A_1861 = arith.addi %mul3A_37, %add3A_1860 : i32
        %get3A_1862 = arith.index_cast %add3A_1861 : i32 to index
        %get3A_1863 = arith.constant 0 : index
        %get3A_1864 = tpu.vector_load %arg7[%get3A_1862, %get3A_1863] {strides = array<i32>} : memref<800x64xf32, #tpu.memory_space<vmem>>, vector<1x16xf32>,
        %get3A_1865 = vector.shape_cast %get3A_1864 : vector<1x16xf32> to vector<16xf32>
        %get3A_1866 = arith.constant 24 : i32
        %get3A_1867 = arith.index_cast %get3A_1866 : i32 to index
        %get3A_1868 = arith.constant 0 : index
        %get3A_1869 = tpu.vector_load %arg8[%get3A_1867, %get3A_1868] {strides = array<i32>} : memref<56x64xf32, #tpu.memory_space<vmem>>, vector<1x16xf32>,
        %get3A_1870 = vector.shape_cast %get3A_1869 : vector<1x16xf32> to vector<16xf32>
        %add3A_1871 = arith.addf %get3A_1865, %get3A_1870 : vector<16xf32>
        %add3A_1872 = arith.constant 24 : i32
        %add3A_1873 = arith.addi %mul3A_37, %add3A_1872 : i32
        %swap3A_1874 = arith.index_cast %add3A_1873 : i32 to index
        %swap3A_1875 = arith.constant 0 : index
        %swap3A_1876 = tpu.vector_load %arg7[%swap3A_1874, %swap3A_1875] {strides = array<i32>} : memref<800x64xf32, #tpu.memory_space<vmem>>, vector<1x16xf32>,
        %swap3A_1877 = vector.shape_cast %swap3A_1876 : vector<1x16xf32> to vector<16xf32>
        %swap3A_1878 = vector.shape_cast %add3A_1871 : vector<16xf32> to vector<1x16xf32>
        tpu.vector_store %arg7[%swap3A_1874, %swap3A_1875], %swap3A_1878 {strides = array<i32>} : memref<800x64xf32, #tpu.memory_space<vmem>>, vector<1x16xf32>,
        %add3A_1879 = arith.constant 24 : i32
        %add3A_1880 = arith.addi %mul3A_37, %add3A_1879 : i32
        %get3A_1881 = arith.index_cast %add3A_1880 : i32 to index
        %get3A_1882 = arith.constant 16 : index
        %get3A_1883 = tpu.vector_load %arg7[%get3A_1881, %get3A_1882] {strides = array<i32>} : memref<800x64xf32, #tpu.memory_space<vmem>>, vector<1x16xf32>,
        %get3A_1884 = vector.shape_cast %get3A_1883 : vector<1x16xf32> to vector<16xf32>
        %get3A_1885 = arith.constant 24 : i32
        %get3A_1886 = arith.index_cast %get3A_1885 : i32 to index
        %get3A_1887 = arith.constant 16 : index
        %get3A_1888 = tpu.vector_load %arg8[%get3A_1886, %get3A_1887] {strides = array<i32>} : memref<56x64xf32, #tpu.memory_space<vmem>>, vector<1x16xf32>,
        %get3A_1889 = vector.shape_cast %get3A_1888 : vector<1x16xf32> to vector<16xf32>
        %add3A_1890 = arith.addf %get3A_1884, %get3A_1889 : vector<16xf32>
        %add3A_1891 = arith.constant 24 : i32
        %add3A_1892 = arith.addi %mul3A_37, %add3A_1891 : i32
        %swap3A_1893 = arith.index_cast %add3A_1892 : i32 to index
        %swap3A_1894 = arith.constant 16 : index
        %swap3A_1895 = tpu.vector_load %arg7[%swap3A_1893, %swap3A_1894] {strides = array<i32>} : memref<800x64xf32, #tpu.memory_space<vmem>>, vector<1x16xf32>,
        %swap3A_1896 = vector.shape_cast %swap3A_1895 : vector<1x16xf32> to vector<16xf32>
        %swap3A_1897 = vector.shape_cast %add3A_1890 : vector<16xf32> to vector<1x16xf32>
        tpu.vector_store %arg7[%swap3A_1893, %swap3A_1894], %swap3A_1897 {strides = array<i32>} : memref<800x64xf32, #tpu.memory_space<vmem>>, vector<1x16xf32>,
        %add3A_1898 = arith.constant 24 : i32
        %add3A_1899 = arith.addi %mul3A_37, %add3A_1898 : i32
        %get3A_1900 = arith.index_cast %add3A_1899 : i32 to index
        %get3A_1901 = arith.constant 32 : index
        %get3A_1902 = tpu.vector_load %arg7[%get3A_1900, %get3A_1901] {strides = array<i32>} : memref<800x64xf32, #tpu.memory_space<vmem>>, vector<1x16xf32>,
        %get3A_1903 = vector.shape_cast %get3A_1902 : vector<1x16xf32> to vector<16xf32>
        %get3A_1904 = arith.constant 24 : i32
        %get3A_1905 = arith.index_cast %get3A_1904 : i32 to index
        %get3A_1906 = arith.constant 32 : index
        %get3A_1907 = tpu.vector_load %arg8[%get3A_1905, %get3A_1906] {strides = array<i32>} : memref<56x64xf32, #tpu.memory_space<vmem>>, vector<1x16xf32>,
        %get3A_1908 = vector.shape_cast %get3A_1907 : vector<1x16xf32> to vector<16xf32>
        %add3A_1909 = arith.addf %get3A_1903, %get3A_1908 : vector<16xf32>
        %add3A_1910 = arith.constant 24 : i32
        %add3A_1911 = arith.addi %mul3A_37, %add3A_1910 : i32
        %swap3A_1912 = arith.index_cast %add3A_1911 : i32 to index
        %swap3A_1913 = arith.constant 32 : index
        %swap3A_1914 = tpu.vector_load %arg7[%swap3A_1912, %swap3A_1913] {strides = array<i32>} : memref<800x64xf32, #tpu.memory_space<vmem>>, vector<1x16xf32>,
        %swap3A_1915 = vector.shape_cast %swap3A_1914 : vector<1x16xf32> to vector<16xf32>
        %swap3A_1916 = vector.shape_cast %add3A_1909 : vector<16xf32> to vector<1x16xf32>
        tpu.vector_store %arg7[%swap3A_1912, %swap3A_1913], %swap3A_1916 {strides = array<i32>} : memref<800x64xf32, #tpu.memory_space<vmem>>, vector<1x16xf32>,
        %add3A_1917 = arith.constant 24 : i32
        %add3A_1918 = arith.addi %mul3A_37, %add3A_1917 : i32
        %get3A_1919 = arith.index_cast %add3A_1918 : i32 to index
        %get3A_1920 = arith.constant 48 : index
        %get3A_1921 = tpu.vector_load %arg7[%get3A_1919, %get3A_1920] {strides = array<i32>} : memref<800x64xf32, #tpu.memory_space<vmem>>, vector<1x16xf32>,
        %get3A_1922 = vector.shape_cast %get3A_1921 : vector<1x16xf32> to vector<16xf32>
        %get3A_1923 = arith.constant 24 : i32
        %get3A_1924 = arith.index_cast %get3A_1923 : i32 to index
        %get3A_1925 = arith.constant 48 : index
        %get3A_1926 = tpu.vector_load %arg8[%get3A_1924, %get3A_1925] {strides = array<i32>} : memref<56x64xf32, #tpu.memory_space<vmem>>, vector<1x16xf32>,
        %get3A_1927 = vector.shape_cast %get3A_1926 : vector<1x16xf32> to vector<16xf32>
        %add3A_1928 = arith.addf %get3A_1922, %get3A_1927 : vector<16xf32>
        %add3A_1929 = arith.constant 24 : i32
        %add3A_1930 = arith.addi %mul3A_37, %add3A_1929 : i32
        %swap3A_1931 = arith.index_cast %add3A_1930 : i32 to index
        %swap3A_1932 = arith.constant 48 : index
        %swap3A_1933 = tpu.vector_load %arg7[%swap3A_1931, %swap3A_1932] {strides = array<i32>} : memref<800x64xf32, #tpu.memory_space<vmem>>, vector<1x16xf32>,
        %swap3A_1934 = vector.shape_cast %swap3A_1933 : vector<1x16xf32> to vector<16xf32>
        %swap3A_1935 = vector.shape_cast %add3A_1928 : vector<16xf32> to vector<1x16xf32>
        tpu.vector_store %arg7[%swap3A_1931, %swap3A_1932], %swap3A_1935 {strides = array<i32>} : memref<800x64xf32, #tpu.memory_space<vmem>>, vector<1x16xf32>,
        %add3A_1936 = arith.constant 25 : i32
        %add3A_1937 = arith.addi %mul3A_37, %add3A_1936 : i32
        %get3A_1938 = arith.index_cast %add3A_1937 : i32 to index
        %get3A_1939 = arith.constant 0 : index
        %get3A_1940 = tpu.vector_load %arg7[%get3A_1938, %get3A_1939] {strides = array<i32>} : memref<800x64xf32, #tpu.memory_space<vmem>>, vector<1x16xf32>,
        %get3A_1941 = vector.shape_cast %get3A_1940 : vector<1x16xf32> to vector<16xf32>
        %get3A_1942 = arith.constant 25 : i32
        %get3A_1943 = arith.index_cast %get3A_1942 : i32 to index
        %get3A_1944 = arith.constant 0 : index
        %get3A_1945 = tpu.vector_load %arg8[%get3A_1943, %get3A_1944] {strides = array<i32>} : memref<56x64xf32, #tpu.memory_space<vmem>>, vector<1x16xf32>,
        %get3A_1946 = vector.shape_cast %get3A_1945 : vector<1x16xf32> to vector<16xf32>
        %add3A_1947 = arith.addf %get3A_1941, %get3A_1946 : vector<16xf32>
        %add3A_1948 = arith.constant 25 : i32
        %add3A_1949 = arith.addi %mul3A_37, %add3A_1948 : i32
        %swap3A_1950 = arith.index_cast %add3A_1949 : i32 to index
        %swap3A_1951 = arith.constant 0 : index
        %swap3A_1952 = tpu.vector_load %arg7[%swap3A_1950, %swap3A_1951] {strides = array<i32>} : memref<800x64xf32, #tpu.memory_space<vmem>>, vector<1x16xf32>,
        %swap3A_1953 = vector.shape_cast %swap3A_1952 : vector<1x16xf32> to vector<16xf32>
        %swap3A_1954 = vector.shape_cast %add3A_1947 : vector<16xf32> to vector<1x16xf32>
        tpu.vector_store %arg7[%swap3A_1950, %swap3A_1951], %swap3A_1954 {strides = array<i32>} : memref<800x64xf32, #tpu.memory_space<vmem>>, vector<1x16xf32>,
        %add3A_1955 = arith.constant 25 : i32
        %add3A_1956 = arith.addi %mul3A_37, %add3A_1955 : i32
        %get3A_1957 = arith.index_cast %add3A_1956 : i32 to index
        %get3A_1958 = arith.constant 16 : index
        %get3A_1959 = tpu.vector_load %arg7[%get3A_1957, %get3A_1958] {strides = array<i32>} : memref<800x64xf32, #tpu.memory_space<vmem>>, vector<1x16xf32>,
        %get3A_1960 = vector.shape_cast %get3A_1959 : vector<1x16xf32> to vector<16xf32>
        %get3A_1961 = arith.constant 25 : i32
        %get3A_1962 = arith.index_cast %get3A_1961 : i32 to index
        %get3A_1963 = arith.constant 16 : index
        %get3A_1964 = tpu.vector_load %arg8[%get3A_1962, %get3A_1963] {strides = array<i32>} : memref<56x64xf32, #tpu.memory_space<vmem>>, vector<1x16xf32>,
        %get3A_1965 = vector.shape_cast %get3A_1964 : vector<1x16xf32> to vector<16xf32>
        %add3A_1966 = arith.addf %get3A_1960, %get3A_1965 : vector<16xf32>
        %add3A_1967 = arith.constant 25 : i32
        %add3A_1968 = arith.addi %mul3A_37, %add3A_1967 : i32
        %swap3A_1969 = arith.index_cast %add3A_1968 : i32 to index
        %swap3A_1970 = arith.constant 16 : index
        %swap3A_1971 = tpu.vector_load %arg7[%swap3A_1969, %swap3A_1970] {strides = array<i32>} : memref<800x64xf32, #tpu.memory_space<vmem>>, vector<1x16xf32>,
        %swap3A_1972 = vector.shape_cast %swap3A_1971 : vector<1x16xf32> to vector<16xf32>
        %swap3A_1973 = vector.shape_cast %add3A_1966 : vector<16xf32> to vector<1x16xf32>
        tpu.vector_store %arg7[%swap3A_1969, %swap3A_1970], %swap3A_1973 {strides = array<i32>} : memref<800x64xf32, #tpu.memory_space<vmem>>, vector<1x16xf32>,
        %add3A_1974 = arith.constant 25 : i32
        %add3A_1975 = arith.addi %mul3A_37, %add3A_1974 : i32
        %get3A_1976 = arith.index_cast %add3A_1975 : i32 to index
        %get3A_1977 = arith.constant 32 : index
        %get3A_1978 = tpu.vector_load %arg7[%get3A_1976, %get3A_1977] {strides = array<i32>} : memref<800x64xf32, #tpu.memory_space<vmem>>, vector<1x16xf32>,
        %get3A_1979 = vector.shape_cast %get3A_1978 : vector<1x16xf32> to vector<16xf32>
        %get3A_1980 = arith.constant 25 : i32
        %get3A_1981 = arith.index_cast %get3A_1980 : i32 to index
        %get3A_1982 = arith.constant 32 : index
        %get3A_1983 = tpu.vector_load %arg8[%get3A_1981, %get3A_1982] {strides = array<i32>} : memref<56x64xf32, #tpu.memory_space<vmem>>, vector<1x16xf32>,
        %get3A_1984 = vector.shape_cast %get3A_1983 : vector<1x16xf32> to vector<16xf32>
        %add3A_1985 = arith.addf %get3A_1979, %get3A_1984 : vector<16xf32>
        %add3A_1986 = arith.constant 25 : i32
        %add3A_1987 = arith.addi %mul3A_37, %add3A_1986 : i32
        %swap3A_1988 = arith.index_cast %add3A_1987 : i32 to index
        %swap3A_1989 = arith.constant 32 : index
        %swap3A_1990 = tpu.vector_load %arg7[%swap3A_1988, %swap3A_1989] {strides = array<i32>} : memref<800x64xf32, #tpu.memory_space<vmem>>, vector<1x16xf32>,
        %swap3A_1991 = vector.shape_cast %swap3A_1990 : vector<1x16xf32> to vector<16xf32>
        %swap3A_1992 = vector.shape_cast %add3A_1985 : vector<16xf32> to vector<1x16xf32>
        tpu.vector_store %arg7[%swap3A_1988, %swap3A_1989], %swap3A_1992 {strides = array<i32>} : memref<800x64xf32, #tpu.memory_space<vmem>>, vector<1x16xf32>,
        %add3A_1993 = arith.constant 25 : i32
        %add3A_1994 = arith.addi %mul3A_37, %add3A_1993 : i32
        %get3A_1995 = arith.index_cast %add3A_1994 : i32 to index
        %get3A_1996 = arith.constant 48 : index
        %get3A_1997 = tpu.vector_load %arg7[%get3A_1995, %get3A_1996] {strides = array<i32>} : memref<800x64xf32, #tpu.memory_space<vmem>>, vector<1x16xf32>,
        %get3A_1998 = vector.shape_cast %get3A_1997 : vector<1x16xf32> to vector<16xf32>
        %get3A_1999 = arith.constant 25 : i32
        %get3A_2000 = arith.index_cast %get3A_1999 : i32 to index
        %get3A_2001 = arith.constant 48 : index
        %get3A_2002 = tpu.vector_load %arg8[%get3A_2000, %get3A_2001] {strides = array<i32>} : memref<56x64xf32, #tpu.memory_space<vmem>>, vector<1x16xf32>,
        %get3A_2003 = vector.shape_cast %get3A_2002 : vector<1x16xf32> to vector<16xf32>
        %add3A_2004 = arith.addf %get3A_1998, %get3A_2003 : vector<16xf32>
        %add3A_2005 = arith.constant 25 : i32
        %add3A_2006 = arith.addi %mul3A_37, %add3A_2005 : i32
        %swap3A_2007 = arith.index_cast %add3A_2006 : i32 to index
        %swap3A_2008 = arith.constant 48 : index
        %swap3A_2009 = tpu.vector_load %arg7[%swap3A_2007, %swap3A_2008] {strides = array<i32>} : memref<800x64xf32, #tpu.memory_space<vmem>>, vector<1x16xf32>,
        %swap3A_2010 = vector.shape_cast %swap3A_2009 : vector<1x16xf32> to vector<16xf32>
        %swap3A_2011 = vector.shape_cast %add3A_2004 : vector<16xf32> to vector<1x16xf32>
        tpu.vector_store %arg7[%swap3A_2007, %swap3A_2008], %swap3A_2011 {strides = array<i32>} : memref<800x64xf32, #tpu.memory_space<vmem>>, vector<1x16xf32>,
        %add3A_2012 = arith.constant 26 : i32
        %add3A_2013 = arith.addi %mul3A_37, %add3A_2012 : i32
        %get3A_2014 = arith.index_cast %add3A_2013 : i32 to index
        %get3A_2015 = arith.constant 0 : index
        %get3A_2016 = tpu.vector_load %arg7[%get3A_2014, %get3A_2015] {strides = array<i32>} : memref<800x64xf32, #tpu.memory_space<vmem>>, vector<1x16xf32>,
        %get3A_2017 = vector.shape_cast %get3A_2016 : vector<1x16xf32> to vector<16xf32>
        %get3A_2018 = arith.constant 26 : i32
        %get3A_2019 = arith.index_cast %get3A_2018 : i32 to index
        %get3A_2020 = arith.constant 0 : index
        %get3A_2021 = tpu.vector_load %arg8[%get3A_2019, %get3A_2020] {strides = array<i32>} : memref<56x64xf32, #tpu.memory_space<vmem>>, vector<1x16xf32>,
        %get3A_2022 = vector.shape_cast %get3A_2021 : vector<1x16xf32> to vector<16xf32>
        %add3A_2023 = arith.addf %get3A_2017, %get3A_2022 : vector<16xf32>
        %add3A_2024 = arith.constant 26 : i32
        %add3A_2025 = arith.addi %mul3A_37, %add3A_2024 : i32
        %swap3A_2026 = arith.index_cast %add3A_2025 : i32 to index
        %swap3A_2027 = arith.constant 0 : index
        %swap3A_2028 = tpu.vector_load %arg7[%swap3A_2026, %swap3A_2027] {strides = array<i32>} : memref<800x64xf32, #tpu.memory_space<vmem>>, vector<1x16xf32>,
        %swap3A_2029 = vector.shape_cast %swap3A_2028 : vector<1x16xf32> to vector<16xf32>
        %swap3A_2030 = vector.shape_cast %add3A_2023 : vector<16xf32> to vector<1x16xf32>
        tpu.vector_store %arg7[%swap3A_2026, %swap3A_2027], %swap3A_2030 {strides = array<i32>} : memref<800x64xf32, #tpu.memory_space<vmem>>, vector<1x16xf32>,
        %add3A_2031 = arith.constant 26 : i32
        %add3A_2032 = arith.addi %mul3A_37, %add3A_2031 : i32
        %get3A_2033 = arith.index_cast %add3A_2032 : i32 to index
        %get3A_2034 = arith.constant 16 : index
        %get3A_2035 = tpu.vector_load %arg7[%get3A_2033, %get3A_2034] {strides = array<i32>} : memref<800x64xf32, #tpu.memory_space<vmem>>, vector<1x16xf32>,
        %get3A_2036 = vector.shape_cast %get3A_2035 : vector<1x16xf32> to vector<16xf32>
        %get3A_2037 = arith.constant 26 : i32
        %get3A_2038 = arith.index_cast %get3A_2037 : i32 to index
        %get3A_2039 = arith.constant 16 : index
        %get3A_2040 = tpu.vector_load %arg8[%get3A_2038, %get3A_2039] {strides = array<i32>} : memref<56x64xf32, #tpu.memory_space<vmem>>, vector<1x16xf32>,
        %get3A_2041 = vector.shape_cast %get3A_2040 : vector<1x16xf32> to vector<16xf32>
        %add3A_2042 = arith.addf %get3A_2036, %get3A_2041 : vector<16xf32>
        %add3A_2043 = arith.constant 26 : i32
        %add3A_2044 = arith.addi %mul3A_37, %add3A_2043 : i32
        %swap3A_2045 = arith.index_cast %add3A_2044 : i32 to index
        %swap3A_2046 = arith.constant 16 : index
        %swap3A_2047 = tpu.vector_load %arg7[%swap3A_2045, %swap3A_2046] {strides = array<i32>} : memref<800x64xf32, #tpu.memory_space<vmem>>, vector<1x16xf32>,
        %swap3A_2048 = vector.shape_cast %swap3A_2047 : vector<1x16xf32> to vector<16xf32>
        %swap3A_2049 = vector.shape_cast %add3A_2042 : vector<16xf32> to vector<1x16xf32>
        tpu.vector_store %arg7[%swap3A_2045, %swap3A_2046], %swap3A_2049 {strides = array<i32>} : memref<800x64xf32, #tpu.memory_space<vmem>>, vector<1x16xf32>,
        %add3A_2050 = arith.constant 26 : i32
        %add3A_2051 = arith.addi %mul3A_37, %add3A_2050 : i32
        %get3A_2052 = arith.index_cast %add3A_2051 : i32 to index
        %get3A_2053 = arith.constant 32 : index
        %get3A_2054 = tpu.vector_load %arg7[%get3A_2052, %get3A_2053] {strides = array<i32>} : memref<800x64xf32, #tpu.memory_space<vmem>>, vector<1x16xf32>,
        %get3A_2055 = vector.shape_cast %get3A_2054 : vector<1x16xf32> to vector<16xf32>
        %get3A_2056 = arith.constant 26 : i32
        %get3A_2057 = arith.index_cast %get3A_2056 : i32 to index
        %get3A_2058 = arith.constant 32 : index
        %get3A_2059 = tpu.vector_load %arg8[%get3A_2057, %get3A_2058] {strides = array<i32>} : memref<56x64xf32, #tpu.memory_space<vmem>>, vector<1x16xf32>,
        %get3A_2060 = vector.shape_cast %get3A_2059 : vector<1x16xf32> to vector<16xf32>
        %add3A_2061 = arith.addf %get3A_2055, %get3A_2060 : vector<16xf32>
        %add3A_2062 = arith.constant 26 : i32
        %add3A_2063 = arith.addi %mul3A_37, %add3A_2062 : i32
        %swap3A_2064 = arith.index_cast %add3A_2063 : i32 to index
        %swap3A_2065 = arith.constant 32 : index
        %swap3A_2066 = tpu.vector_load %arg7[%swap3A_2064, %swap3A_2065] {strides = array<i32>} : memref<800x64xf32, #tpu.memory_space<vmem>>, vector<1x16xf32>,
        %swap3A_2067 = vector.shape_cast %swap3A_2066 : vector<1x16xf32> to vector<16xf32>
        %swap3A_2068 = vector.shape_cast %add3A_2061 : vector<16xf32> to vector<1x16xf32>
        tpu.vector_store %arg7[%swap3A_2064, %swap3A_2065], %swap3A_2068 {strides = array<i32>} : memref<800x64xf32, #tpu.memory_space<vmem>>, vector<1x16xf32>,
        %add3A_2069 = arith.constant 26 : i32
        %add3A_2070 = arith.addi %mul3A_37, %add3A_2069 : i32
        %get3A_2071 = arith.index_cast %add3A_2070 : i32 to index
        %get3A_2072 = arith.constant 48 : index
        %get3A_2073 = tpu.vector_load %arg7[%get3A_2071, %get3A_2072] {strides = array<i32>} : memref<800x64xf32, #tpu.memory_space<vmem>>, vector<1x16xf32>,
        %get3A_2074 = vector.shape_cast %get3A_2073 : vector<1x16xf32> to vector<16xf32>
        %get3A_2075 = arith.constant 26 : i32
        %get3A_2076 = arith.index_cast %get3A_2075 : i32 to index
        %get3A_2077 = arith.constant 48 : index
        %get3A_2078 = tpu.vector_load %arg8[%get3A_2076, %get3A_2077] {strides = array<i32>} : memref<56x64xf32, #tpu.memory_space<vmem>>, vector<1x16xf32>,
        %get3A_2079 = vector.shape_cast %get3A_2078 : vector<1x16xf32> to vector<16xf32>
        %add3A_2080 = arith.addf %get3A_2074, %get3A_2079 : vector<16xf32>
        %add3A_2081 = arith.constant 26 : i32
        %add3A_2082 = arith.addi %mul3A_37, %add3A_2081 : i32
        %swap3A_2083 = arith.index_cast %add3A_2082 : i32 to index
        %swap3A_2084 = arith.constant 48 : index
        %swap3A_2085 = tpu.vector_load %arg7[%swap3A_2083, %swap3A_2084] {strides = array<i32>} : memref<800x64xf32, #tpu.memory_space<vmem>>, vector<1x16xf32>,
        %swap3A_2086 = vector.shape_cast %swap3A_2085 : vector<1x16xf32> to vector<16xf32>
        %swap3A_2087 = vector.shape_cast %add3A_2080 : vector<16xf32> to vector<1x16xf32>
        tpu.vector_store %arg7[%swap3A_2083, %swap3A_2084], %swap3A_2087 {strides = array<i32>} : memref<800x64xf32, #tpu.memory_space<vmem>>, vector<1x16xf32>,
        %add3A_2088 = arith.constant 27 : i32
        %add3A_2089 = arith.addi %mul3A_37, %add3A_2088 : i32
        %get3A_2090 = arith.index_cast %add3A_2089 : i32 to index
        %get3A_2091 = arith.constant 0 : index
        %get3A_2092 = tpu.vector_load %arg7[%get3A_2090, %get3A_2091] {strides = array<i32>} : memref<800x64xf32, #tpu.memory_space<vmem>>, vector<1x16xf32>,
        %get3A_2093 = vector.shape_cast %get3A_2092 : vector<1x16xf32> to vector<16xf32>
        %get3A_2094 = arith.constant 27 : i32
        %get3A_2095 = arith.index_cast %get3A_2094 : i32 to index
        %get3A_2096 = arith.constant 0 : index
        %get3A_2097 = tpu.vector_load %arg8[%get3A_2095, %get3A_2096] {strides = array<i32>} : memref<56x64xf32, #tpu.memory_space<vmem>>, vector<1x16xf32>,
        %get3A_2098 = vector.shape_cast %get3A_2097 : vector<1x16xf32> to vector<16xf32>
        %add3A_2099 = arith.addf %get3A_2093, %get3A_2098 : vector<16xf32>
        %add3A_2100 = arith.constant 27 : i32
        %add3A_2101 = arith.addi %mul3A_37, %add3A_2100 : i32
        %swap3A_2102 = arith.index_cast %add3A_2101 : i32 to index
        %swap3A_2103 = arith.constant 0 : index
        %swap3A_2104 = tpu.vector_load %arg7[%swap3A_2102, %swap3A_2103] {strides = array<i32>} : memref<800x64xf32, #tpu.memory_space<vmem>>, vector<1x16xf32>,
        %swap3A_2105 = vector.shape_cast %swap3A_2104 : vector<1x16xf32> to vector<16xf32>
        %swap3A_2106 = vector.shape_cast %add3A_2099 : vector<16xf32> to vector<1x16xf32>
        tpu.vector_store %arg7[%swap3A_2102, %swap3A_2103], %swap3A_2106 {strides = array<i32>} : memref<800x64xf32, #tpu.memory_space<vmem>>, vector<1x16xf32>,
        %add3A_2107 = arith.constant 27 : i32
        %add3A_2108 = arith.addi %mul3A_37, %add3A_2107 : i32
        %get3A_2109 = arith.index_cast %add3A_2108 : i32 to index
        %get3A_2110 = arith.constant 16 : index
        %get3A_2111 = tpu.vector_load %arg7[%get3A_2109, %get3A_2110] {strides = array<i32>} : memref<800x64xf32, #tpu.memory_space<vmem>>, vector<1x16xf32>,
        %get3A_2112 = vector.shape_cast %get3A_2111 : vector<1x16xf32> to vector<16xf32>
        %get3A_2113 = arith.constant 27 : i32
        %get3A_2114 = arith.index_cast %get3A_2113 : i32 to index
        %get3A_2115 = arith.constant 16 : index
        %get3A_2116 = tpu.vector_load %arg8[%get3A_2114, %get3A_2115] {strides = array<i32>} : memref<56x64xf32, #tpu.memory_space<vmem>>, vector<1x16xf32>,
        %get3A_2117 = vector.shape_cast %get3A_2116 : vector<1x16xf32> to vector<16xf32>
        %add3A_2118 = arith.addf %get3A_2112, %get3A_2117 : vector<16xf32>
        %add3A_2119 = arith.constant 27 : i32
        %add3A_2120 = arith.addi %mul3A_37, %add3A_2119 : i32
        %swap3A_2121 = arith.index_cast %add3A_2120 : i32 to index
        %swap3A_2122 = arith.constant 16 : index
        %swap3A_2123 = tpu.vector_load %arg7[%swap3A_2121, %swap3A_2122] {strides = array<i32>} : memref<800x64xf32, #tpu.memory_space<vmem>>, vector<1x16xf32>,
        %swap3A_2124 = vector.shape_cast %swap3A_2123 : vector<1x16xf32> to vector<16xf32>
        %swap3A_2125 = vector.shape_cast %add3A_2118 : vector<16xf32> to vector<1x16xf32>
        tpu.vector_store %arg7[%swap3A_2121, %swap3A_2122], %swap3A_2125 {strides = array<i32>} : memref<800x64xf32, #tpu.memory_space<vmem>>, vector<1x16xf32>,
        %add3A_2126 = arith.constant 27 : i32
        %add3A_2127 = arith.addi %mul3A_37, %add3A_2126 : i32
        %get3A_2128 = arith.index_cast %add3A_2127 : i32 to index
        %get3A_2129 = arith.constant 32 : index
        %get3A_2130 = tpu.vector_load %arg7[%get3A_2128, %get3A_2129] {strides = array<i32>} : memref<800x64xf32, #tpu.memory_space<vmem>>, vector<1x16xf32>,
        %get3A_2131 = vector.shape_cast %get3A_2130 : vector<1x16xf32> to vector<16xf32>
        %get3A_2132 = arith.constant 27 : i32
        %get3A_2133 = arith.index_cast %get3A_2132 : i32 to index
        %get3A_2134 = arith.constant 32 : index
        %get3A_2135 = tpu.vector_load %arg8[%get3A_2133, %get3A_2134] {strides = array<i32>} : memref<56x64xf32, #tpu.memory_space<vmem>>, vector<1x16xf32>,
        %get3A_2136 = vector.shape_cast %get3A_2135 : vector<1x16xf32> to vector<16xf32>
        %add3A_2137 = arith.addf %get3A_2131, %get3A_2136 : vector<16xf32>
        %add3A_2138 = arith.constant 27 : i32
        %add3A_2139 = arith.addi %mul3A_37, %add3A_2138 : i32
        %swap3A_2140 = arith.index_cast %add3A_2139 : i32 to index
        %swap3A_2141 = arith.constant 32 : index
        %swap3A_2142 = tpu.vector_load %arg7[%swap3A_2140, %swap3A_2141] {strides = array<i32>} : memref<800x64xf32, #tpu.memory_space<vmem>>, vector<1x16xf32>,
        %swap3A_2143 = vector.shape_cast %swap3A_2142 : vector<1x16xf32> to vector<16xf32>
        %swap3A_2144 = vector.shape_cast %add3A_2137 : vector<16xf32> to vector<1x16xf32>
        tpu.vector_store %arg7[%swap3A_2140, %swap3A_2141], %swap3A_2144 {strides = array<i32>} : memref<800x64xf32, #tpu.memory_space<vmem>>, vector<1x16xf32>,
        %add3A_2145 = arith.constant 27 : i32
        %add3A_2146 = arith.addi %mul3A_37, %add3A_2145 : i32
        %get3A_2147 = arith.index_cast %add3A_2146 : i32 to index
        %get3A_2148 = arith.constant 48 : index
        %get3A_2149 = tpu.vector_load %arg7[%get3A_2147, %get3A_2148] {strides = array<i32>} : memref<800x64xf32, #tpu.memory_space<vmem>>, vector<1x16xf32>,
        %get3A_2150 = vector.shape_cast %get3A_2149 : vector<1x16xf32> to vector<16xf32>
        %get3A_2151 = arith.constant 27 : i32
        %get3A_2152 = arith.index_cast %get3A_2151 : i32 to index
        %get3A_2153 = arith.constant 48 : index
        %get3A_2154 = tpu.vector_load %arg8[%get3A_2152, %get3A_2153] {strides = array<i32>} : memref<56x64xf32, #tpu.memory_space<vmem>>, vector<1x16xf32>,
        %get3A_2155 = vector.shape_cast %get3A_2154 : vector<1x16xf32> to vector<16xf32>
        %add3A_2156 = arith.addf %get3A_2150, %get3A_2155 : vector<16xf32>
        %add3A_2157 = arith.constant 27 : i32
        %add3A_2158 = arith.addi %mul3A_37, %add3A_2157 : i32
        %swap3A_2159 = arith.index_cast %add3A_2158 : i32 to index
        %swap3A_2160 = arith.constant 48 : index
        %swap3A_2161 = tpu.vector_load %arg7[%swap3A_2159, %swap3A_2160] {strides = array<i32>} : memref<800x64xf32, #tpu.memory_space<vmem>>, vector<1x16xf32>,
        %swap3A_2162 = vector.shape_cast %swap3A_2161 : vector<1x16xf32> to vector<16xf32>
        %swap3A_2163 = vector.shape_cast %add3A_2156 : vector<16xf32> to vector<1x16xf32>
        tpu.vector_store %arg7[%swap3A_2159, %swap3A_2160], %swap3A_2163 {strides = array<i32>} : memref<800x64xf32, #tpu.memory_space<vmem>>, vector<1x16xf32>,
        %add3A_2164 = arith.constant 28 : i32
        %add3A_2165 = arith.addi %mul3A_37, %add3A_2164 : i32
        %get3A_2166 = arith.index_cast %add3A_2165 : i32 to index
        %get3A_2167 = arith.constant 0 : index
        %get3A_2168 = tpu.vector_load %arg7[%get3A_2166, %get3A_2167] {strides = array<i32>} : memref<800x64xf32, #tpu.memory_space<vmem>>, vector<1x16xf32>,
        %get3A_2169 = vector.shape_cast %get3A_2168 : vector<1x16xf32> to vector<16xf32>
        %get3A_2170 = arith.constant 28 : i32
        %get3A_2171 = arith.index_cast %get3A_2170 : i32 to index
        %get3A_2172 = arith.constant 0 : index
        %get3A_2173 = tpu.vector_load %arg8[%get3A_2171, %get3A_2172] {strides = array<i32>} : memref<56x64xf32, #tpu.memory_space<vmem>>, vector<1x16xf32>,
        %get3A_2174 = vector.shape_cast %get3A_2173 : vector<1x16xf32> to vector<16xf32>
        %add3A_2175 = arith.addf %get3A_2169, %get3A_2174 : vector<16xf32>
        %add3A_2176 = arith.constant 28 : i32
        %add3A_2177 = arith.addi %mul3A_37, %add3A_2176 : i32
        %swap3A_2178 = arith.index_cast %add3A_2177 : i32 to index
        %swap3A_2179 = arith.constant 0 : index
        %swap3A_2180 = tpu.vector_load %arg7[%swap3A_2178, %swap3A_2179] {strides = array<i32>} : memref<800x64xf32, #tpu.memory_space<vmem>>, vector<1x16xf32>,
        %swap3A_2181 = vector.shape_cast %swap3A_2180 : vector<1x16xf32> to vector<16xf32>
        %swap3A_2182 = vector.shape_cast %add3A_2175 : vector<16xf32> to vector<1x16xf32>
        tpu.vector_store %arg7[%swap3A_2178, %swap3A_2179], %swap3A_2182 {strides = array<i32>} : memref<800x64xf32, #tpu.memory_space<vmem>>, vector<1x16xf32>,
        %add3A_2183 = arith.constant 28 : i32
        %add3A_2184 = arith.addi %mul3A_37, %add3A_2183 : i32
        %get3A_2185 = arith.index_cast %add3A_2184 : i32 to index
        %get3A_2186 = arith.constant 16 : index
        %get3A_2187 = tpu.vector_load %arg7[%get3A_2185, %get3A_2186] {strides = array<i32>} : memref<800x64xf32, #tpu.memory_space<vmem>>, vector<1x16xf32>,
        %get3A_2188 = vector.shape_cast %get3A_2187 : vector<1x16xf32> to vector<16xf32>
        %get3A_2189 = arith.constant 28 : i32
        %get3A_2190 = arith.index_cast %get3A_2189 : i32 to index
        %get3A_2191 = arith.constant 16 : index
        %get3A_2192 = tpu.vector_load %arg8[%get3A_2190, %get3A_2191] {strides = array<i32>} : memref<56x64xf32, #tpu.memory_space<vmem>>, vector<1x16xf32>,
        %get3A_2193 = vector.shape_cast %get3A_2192 : vector<1x16xf32> to vector<16xf32>
        %add3A_2194 = arith.addf %get3A_2188, %get3A_2193 : vector<16xf32>
        %add3A_2195 = arith.constant 28 : i32
        %add3A_2196 = arith.addi %mul3A_37, %add3A_2195 : i32
        %swap3A_2197 = arith.index_cast %add3A_2196 : i32 to index
        %swap3A_2198 = arith.constant 16 : index
        %swap3A_2199 = tpu.vector_load %arg7[%swap3A_2197, %swap3A_2198] {strides = array<i32>} : memref<800x64xf32, #tpu.memory_space<vmem>>, vector<1x16xf32>,
        %swap3A_2200 = vector.shape_cast %swap3A_2199 : vector<1x16xf32> to vector<16xf32>
        %swap3A_2201 = vector.shape_cast %add3A_2194 : vector<16xf32> to vector<1x16xf32>
        tpu.vector_store %arg7[%swap3A_2197, %swap3A_2198], %swap3A_2201 {strides = array<i32>} : memref<800x64xf32, #tpu.memory_space<vmem>>, vector<1x16xf32>,
        %add3A_2202 = arith.constant 28 : i32
        %add3A_2203 = arith.addi %mul3A_37, %add3A_2202 : i32
        %get3A_2204 = arith.index_cast %add3A_2203 : i32 to index
        %get3A_2205 = arith.constant 32 : index
        %get3A_2206 = tpu.vector_load %arg7[%get3A_2204, %get3A_2205] {strides = array<i32>} : memref<800x64xf32, #tpu.memory_space<vmem>>, vector<1x16xf32>,
        %get3A_2207 = vector.shape_cast %get3A_2206 : vector<1x16xf32> to vector<16xf32>
        %get3A_2208 = arith.constant 28 : i32
        %get3A_2209 = arith.index_cast %get3A_2208 : i32 to index
        %get3A_2210 = arith.constant 32 : index
        %get3A_2211 = tpu.vector_load %arg8[%get3A_2209, %get3A_2210] {strides = array<i32>} : memref<56x64xf32, #tpu.memory_space<vmem>>, vector<1x16xf32>,
        %get3A_2212 = vector.shape_cast %get3A_2211 : vector<1x16xf32> to vector<16xf32>
        %add3A_2213 = arith.addf %get3A_2207, %get3A_2212 : vector<16xf32>
        %add3A_2214 = arith.constant 28 : i32
        %add3A_2215 = arith.addi %mul3A_37, %add3A_2214 : i32
        %swap3A_2216 = arith.index_cast %add3A_2215 : i32 to index
        %swap3A_2217 = arith.constant 32 : index
        %swap3A_2218 = tpu.vector_load %arg7[%swap3A_2216, %swap3A_2217] {strides = array<i32>} : memref<800x64xf32, #tpu.memory_space<vmem>>, vector<1x16xf32>,
        %swap3A_2219 = vector.shape_cast %swap3A_2218 : vector<1x16xf32> to vector<16xf32>
        %swap3A_2220 = vector.shape_cast %add3A_2213 : vector<16xf32> to vector<1x16xf32>
        tpu.vector_store %arg7[%swap3A_2216, %swap3A_2217], %swap3A_2220 {strides = array<i32>} : memref<800x64xf32, #tpu.memory_space<vmem>>, vector<1x16xf32>,
        %add3A_2221 = arith.constant 28 : i32
        %add3A_2222 = arith.addi %mul3A_37, %add3A_2221 : i32
        %get3A_2223 = arith.index_cast %add3A_2222 : i32 to index
        %get3A_2224 = arith.constant 48 : index
        %get3A_2225 = tpu.vector_load %arg7[%get3A_2223, %get3A_2224] {strides = array<i32>} : memref<800x64xf32, #tpu.memory_space<vmem>>, vector<1x16xf32>,
        %get3A_2226 = vector.shape_cast %get3A_2225 : vector<1x16xf32> to vector<16xf32>
        %get3A_2227 = arith.constant 28 : i32
        %get3A_2228 = arith.index_cast %get3A_2227 : i32 to index
        %get3A_2229 = arith.constant 48 : index
        %get3A_2230 = tpu.vector_load %arg8[%get3A_2228, %get3A_2229] {strides = array<i32>} : memref<56x64xf32, #tpu.memory_space<vmem>>, vector<1x16xf32>,
        %get3A_2231 = vector.shape_cast %get3A_2230 : vector<1x16xf32> to vector<16xf32>
        %add3A_2232 = arith.addf %get3A_2226, %get3A_2231 : vector<16xf32>
        %add3A_2233 = arith.constant 28 : i32
        %add3A_2234 = arith.addi %mul3A_37, %add3A_2233 : i32
        %swap3A_2235 = arith.index_cast %add3A_2234 : i32 to index
        %swap3A_2236 = arith.constant 48 : index
        %swap3A_2237 = tpu.vector_load %arg7[%swap3A_2235, %swap3A_2236] {strides = array<i32>} : memref<800x64xf32, #tpu.memory_space<vmem>>, vector<1x16xf32>,
        %swap3A_2238 = vector.shape_cast %swap3A_2237 : vector<1x16xf32> to vector<16xf32>
        %swap3A_2239 = vector.shape_cast %add3A_2232 : vector<16xf32> to vector<1x16xf32>
        tpu.vector_store %arg7[%swap3A_2235, %swap3A_2236], %swap3A_2239 {strides = array<i32>} : memref<800x64xf32, #tpu.memory_space<vmem>>, vector<1x16xf32>,
        %add3A_2240 = arith.constant 29 : i32
        %add3A_2241 = arith.addi %mul3A_37, %add3A_2240 : i32
        %get3A_2242 = arith.index_cast %add3A_2241 : i32 to index
        %get3A_2243 = arith.constant 0 : index
        %get3A_2244 = tpu.vector_load %arg7[%get3A_2242, %get3A_2243] {strides = array<i32>} : memref<800x64xf32, #tpu.memory_space<vmem>>, vector<1x16xf32>,
        %get3A_2245 = vector.shape_cast %get3A_2244 : vector<1x16xf32> to vector<16xf32>
        %get3A_2246 = arith.constant 29 : i32
        %get3A_2247 = arith.index_cast %get3A_2246 : i32 to index
        %get3A_2248 = arith.constant 0 : index
        %get3A_2249 = tpu.vector_load %arg8[%get3A_2247, %get3A_2248] {strides = array<i32>} : memref<56x64xf32, #tpu.memory_space<vmem>>, vector<1x16xf32>,
        %get3A_2250 = vector.shape_cast %get3A_2249 : vector<1x16xf32> to vector<16xf32>
        %add3A_2251 = arith.addf %get3A_2245, %get3A_2250 : vector<16xf32>
        %add3A_2252 = arith.constant 29 : i32
        %add3A_2253 = arith.addi %mul3A_37, %add3A_2252 : i32
        %swap3A_2254 = arith.index_cast %add3A_2253 : i32 to index
        %swap3A_2255 = arith.constant 0 : index
        %swap3A_2256 = tpu.vector_load %arg7[%swap3A_2254, %swap3A_2255] {strides = array<i32>} : memref<800x64xf32, #tpu.memory_space<vmem>>, vector<1x16xf32>,
        %swap3A_2257 = vector.shape_cast %swap3A_2256 : vector<1x16xf32> to vector<16xf32>
        %swap3A_2258 = vector.shape_cast %add3A_2251 : vector<16xf32> to vector<1x16xf32>
        tpu.vector_store %arg7[%swap3A_2254, %swap3A_2255], %swap3A_2258 {strides = array<i32>} : memref<800x64xf32, #tpu.memory_space<vmem>>, vector<1x16xf32>,
        %add3A_2259 = arith.constant 29 : i32
        %add3A_2260 = arith.addi %mul3A_37, %add3A_2259 : i32
        %get3A_2261 = arith.index_cast %add3A_2260 : i32 to index
        %get3A_2262 = arith.constant 16 : index
        %get3A_2263 = tpu.vector_load %arg7[%get3A_2261, %get3A_2262] {strides = array<i32>} : memref<800x64xf32, #tpu.memory_space<vmem>>, vector<1x16xf32>,
        %get3A_2264 = vector.shape_cast %get3A_2263 : vector<1x16xf32> to vector<16xf32>
        %get3A_2265 = arith.constant 29 : i32
        %get3A_2266 = arith.index_cast %get3A_2265 : i32 to index
        %get3A_2267 = arith.constant 16 : index
        %get3A_2268 = tpu.vector_load %arg8[%get3A_2266, %get3A_2267] {strides = array<i32>} : memref<56x64xf32, #tpu.memory_space<vmem>>, vector<1x16xf32>,
        %get3A_2269 = vector.shape_cast %get3A_2268 : vector<1x16xf32> to vector<16xf32>
        %add3A_2270 = arith.addf %get3A_2264, %get3A_2269 : vector<16xf32>
        %add3A_2271 = arith.constant 29 : i32
        %add3A_2272 = arith.addi %mul3A_37, %add3A_2271 : i32
        %swap3A_2273 = arith.index_cast %add3A_2272 : i32 to index
        %swap3A_2274 = arith.constant 16 : index
        %swap3A_2275 = tpu.vector_load %arg7[%swap3A_2273, %swap3A_2274] {strides = array<i32>} : memref<800x64xf32, #tpu.memory_space<vmem>>, vector<1x16xf32>,
        %swap3A_2276 = vector.shape_cast %swap3A_2275 : vector<1x16xf32> to vector<16xf32>
        %swap3A_2277 = vector.shape_cast %add3A_2270 : vector<16xf32> to vector<1x16xf32>
        tpu.vector_store %arg7[%swap3A_2273, %swap3A_2274], %swap3A_2277 {strides = array<i32>} : memref<800x64xf32, #tpu.memory_space<vmem>>, vector<1x16xf32>,
        %add3A_2278 = arith.constant 29 : i32
        %add3A_2279 = arith.addi %mul3A_37, %add3A_2278 : i32
        %get3A_2280 = arith.index_cast %add3A_2279 : i32 to index
        %get3A_2281 = arith.constant 32 : index
        %get3A_2282 = tpu.vector_load %arg7[%get3A_2280, %get3A_2281] {strides = array<i32>} : memref<800x64xf32, #tpu.memory_space<vmem>>, vector<1x16xf32>,
        %get3A_2283 = vector.shape_cast %get3A_2282 : vector<1x16xf32> to vector<16xf32>
        %get3A_2284 = arith.constant 29 : i32
        %get3A_2285 = arith.index_cast %get3A_2284 : i32 to index
        %get3A_2286 = arith.constant 32 : index
        %get3A_2287 = tpu.vector_load %arg8[%get3A_2285, %get3A_2286] {strides = array<i32>} : memref<56x64xf32, #tpu.memory_space<vmem>>, vector<1x16xf32>,
        %get3A_2288 = vector.shape_cast %get3A_2287 : vector<1x16xf32> to vector<16xf32>
        %add3A_2289 = arith.addf %get3A_2283, %get3A_2288 : vector<16xf32>
        %add3A_2290 = arith.constant 29 : i32
        %add3A_2291 = arith.addi %mul3A_37, %add3A_2290 : i32
        %swap3A_2292 = arith.index_cast %add3A_2291 : i32 to index
        %swap3A_2293 = arith.constant 32 : index
        %swap3A_2294 = tpu.vector_load %arg7[%swap3A_2292, %swap3A_2293] {strides = array<i32>} : memref<800x64xf32, #tpu.memory_space<vmem>>, vector<1x16xf32>,
        %swap3A_2295 = vector.shape_cast %swap3A_2294 : vector<1x16xf32> to vector<16xf32>
        %swap3A_2296 = vector.shape_cast %add3A_2289 : vector<16xf32> to vector<1x16xf32>
        tpu.vector_store %arg7[%swap3A_2292, %swap3A_2293], %swap3A_2296 {strides = array<i32>} : memref<800x64xf32, #tpu.memory_space<vmem>>, vector<1x16xf32>,
        %add3A_2297 = arith.constant 29 : i32
        %add3A_2298 = arith.addi %mul3A_37, %add3A_2297 : i32
        %get3A_2299 = arith.index_cast %add3A_2298 : i32 to index
        %get3A_2300 = arith.constant 48 : index
        %get3A_2301 = tpu.vector_load %arg7[%get3A_2299, %get3A_2300] {strides = array<i32>} : memref<800x64xf32, #tpu.memory_space<vmem>>, vector<1x16xf32>,
        %get3A_2302 = vector.shape_cast %get3A_2301 : vector<1x16xf32> to vector<16xf32>
        %get3A_2303 = arith.constant 29 : i32
        %get3A_2304 = arith.index_cast %get3A_2303 : i32 to index
        %get3A_2305 = arith.constant 48 : index
        %get3A_2306 = tpu.vector_load %arg8[%get3A_2304, %get3A_2305] {strides = array<i32>} : memref<56x64xf32, #tpu.memory_space<vmem>>, vector<1x16xf32>,
        %get3A_2307 = vector.shape_cast %get3A_2306 : vector<1x16xf32> to vector<16xf32>
        %add3A_2308 = arith.addf %get3A_2302, %get3A_2307 : vector<16xf32>
        %add3A_2309 = arith.constant 29 : i32
        %add3A_2310 = arith.addi %mul3A_37, %add3A_2309 : i32
        %swap3A_2311 = arith.index_cast %add3A_2310 : i32 to index
        %swap3A_2312 = arith.constant 48 : index
        %swap3A_2313 = tpu.vector_load %arg7[%swap3A_2311, %swap3A_2312] {strides = array<i32>} : memref<800x64xf32, #tpu.memory_space<vmem>>, vector<1x16xf32>,
        %swap3A_2314 = vector.shape_cast %swap3A_2313 : vector<1x16xf32> to vector<16xf32>
        %swap3A_2315 = vector.shape_cast %add3A_2308 : vector<16xf32> to vector<1x16xf32>
        tpu.vector_store %arg7[%swap3A_2311, %swap3A_2312], %swap3A_2315 {strides = array<i32>} : memref<800x64xf32, #tpu.memory_space<vmem>>, vector<1x16xf32>,
        %add3A_2316 = arith.constant 30 : i32
        %add3A_2317 = arith.addi %mul3A_37, %add3A_2316 : i32
        %get3A_2318 = arith.index_cast %add3A_2317 : i32 to index
        %get3A_2319 = arith.constant 0 : index
        %get3A_2320 = tpu.vector_load %arg7[%get3A_2318, %get3A_2319] {strides = array<i32>} : memref<800x64xf32, #tpu.memory_space<vmem>>, vector<1x16xf32>,
        %get3A_2321 = vector.shape_cast %get3A_2320 : vector<1x16xf32> to vector<16xf32>
        %get3A_2322 = arith.constant 30 : i32
        %get3A_2323 = arith.index_cast %get3A_2322 : i32 to index
        %get3A_2324 = arith.constant 0 : index
        %get3A_2325 = tpu.vector_load %arg8[%get3A_2323, %get3A_2324] {strides = array<i32>} : memref<56x64xf32, #tpu.memory_space<vmem>>, vector<1x16xf32>,
        %get3A_2326 = vector.shape_cast %get3A_2325 : vector<1x16xf32> to vector<16xf32>
        %add3A_2327 = arith.addf %get3A_2321, %get3A_2326 : vector<16xf32>
        %add3A_2328 = arith.constant 30 : i32
        %add3A_2329 = arith.addi %mul3A_37, %add3A_2328 : i32
        %swap3A_2330 = arith.index_cast %add3A_2329 : i32 to index
        %swap3A_2331 = arith.constant 0 : index
        %swap3A_2332 = tpu.vector_load %arg7[%swap3A_2330, %swap3A_2331] {strides = array<i32>} : memref<800x64xf32, #tpu.memory_space<vmem>>, vector<1x16xf32>,
        %swap3A_2333 = vector.shape_cast %swap3A_2332 : vector<1x16xf32> to vector<16xf32>
        %swap3A_2334 = vector.shape_cast %add3A_2327 : vector<16xf32> to vector<1x16xf32>
        tpu.vector_store %arg7[%swap3A_2330, %swap3A_2331], %swap3A_2334 {strides = array<i32>} : memref<800x64xf32, #tpu.memory_space<vmem>>, vector<1x16xf32>,
        %add3A_2335 = arith.constant 30 : i32
        %add3A_2336 = arith.addi %mul3A_37, %add3A_2335 : i32
        %get3A_2337 = arith.index_cast %add3A_2336 : i32 to index
        %get3A_2338 = arith.constant 16 : index
        %get3A_2339 = tpu.vector_load %arg7[%get3A_2337, %get3A_2338] {strides = array<i32>} : memref<800x64xf32, #tpu.memory_space<vmem>>, vector<1x16xf32>,
        %get3A_2340 = vector.shape_cast %get3A_2339 : vector<1x16xf32> to vector<16xf32>
        %get3A_2341 = arith.constant 30 : i32
        %get3A_2342 = arith.index_cast %get3A_2341 : i32 to index
        %get3A_2343 = arith.constant 16 : index
        %get3A_2344 = tpu.vector_load %arg8[%get3A_2342, %get3A_2343] {strides = array<i32>} : memref<56x64xf32, #tpu.memory_space<vmem>>, vector<1x16xf32>,
        %get3A_2345 = vector.shape_cast %get3A_2344 : vector<1x16xf32> to vector<16xf32>
        %add3A_2346 = arith.addf %get3A_2340, %get3A_2345 : vector<16xf32>
        %add3A_2347 = arith.constant 30 : i32
        %add3A_2348 = arith.addi %mul3A_37, %add3A_2347 : i32
        %swap3A_2349 = arith.index_cast %add3A_2348 : i32 to index
        %swap3A_2350 = arith.constant 16 : index
        %swap3A_2351 = tpu.vector_load %arg7[%swap3A_2349, %swap3A_2350] {strides = array<i32>} : memref<800x64xf32, #tpu.memory_space<vmem>>, vector<1x16xf32>,
        %swap3A_2352 = vector.shape_cast %swap3A_2351 : vector<1x16xf32> to vector<16xf32>
        %swap3A_2353 = vector.shape_cast %add3A_2346 : vector<16xf32> to vector<1x16xf32>
        tpu.vector_store %arg7[%swap3A_2349, %swap3A_2350], %swap3A_2353 {strides = array<i32>} : memref<800x64xf32, #tpu.memory_space<vmem>>, vector<1x16xf32>,
        %add3A_2354 = arith.constant 30 : i32
        %add3A_2355 = arith.addi %mul3A_37, %add3A_2354 : i32
        %get3A_2356 = arith.index_cast %add3A_2355 : i32 to index
        %get3A_2357 = arith.constant 32 : index
        %get3A_2358 = tpu.vector_load %arg7[%get3A_2356, %get3A_2357] {strides = array<i32>} : memref<800x64xf32, #tpu.memory_space<vmem>>, vector<1x16xf32>,
        %get3A_2359 = vector.shape_cast %get3A_2358 : vector<1x16xf32> to vector<16xf32>
        %get3A_2360 = arith.constant 30 : i32
        %get3A_2361 = arith.index_cast %get3A_2360 : i32 to index
        %get3A_2362 = arith.constant 32 : index
        %get3A_2363 = tpu.vector_load %arg8[%get3A_2361, %get3A_2362] {strides = array<i32>} : memref<56x64xf32, #tpu.memory_space<vmem>>, vector<1x16xf32>,
        %get3A_2364 = vector.shape_cast %get3A_2363 : vector<1x16xf32> to vector<16xf32>
        %add3A_2365 = arith.addf %get3A_2359, %get3A_2364 : vector<16xf32>
        %add3A_2366 = arith.constant 30 : i32
        %add3A_2367 = arith.addi %mul3A_37, %add3A_2366 : i32
        %swap3A_2368 = arith.index_cast %add3A_2367 : i32 to index
        %swap3A_2369 = arith.constant 32 : index
        %swap3A_2370 = tpu.vector_load %arg7[%swap3A_2368, %swap3A_2369] {strides = array<i32>} : memref<800x64xf32, #tpu.memory_space<vmem>>, vector<1x16xf32>,
        %swap3A_2371 = vector.shape_cast %swap3A_2370 : vector<1x16xf32> to vector<16xf32>
        %swap3A_2372 = vector.shape_cast %add3A_2365 : vector<16xf32> to vector<1x16xf32>
        tpu.vector_store %arg7[%swap3A_2368, %swap3A_2369], %swap3A_2372 {strides = array<i32>} : memref<800x64xf32, #tpu.memory_space<vmem>>, vector<1x16xf32>,
        %add3A_2373 = arith.constant 30 : i32
        %add3A_2374 = arith.addi %mul3A_37, %add3A_2373 : i32
        %get3A_2375 = arith.index_cast %add3A_2374 : i32 to index
        %get3A_2376 = arith.constant 48 : index
        %get3A_2377 = tpu.vector_load %arg7[%get3A_2375, %get3A_2376] {strides = array<i32>} : memref<800x64xf32, #tpu.memory_space<vmem>>, vector<1x16xf32>,
        %get3A_2378 = vector.shape_cast %get3A_2377 : vector<1x16xf32> to vector<16xf32>
        %get3A_2379 = arith.constant 30 : i32
        %get3A_2380 = arith.index_cast %get3A_2379 : i32 to index
        %get3A_2381 = arith.constant 48 : index
        %get3A_2382 = tpu.vector_load %arg8[%get3A_2380, %get3A_2381] {strides = array<i32>} : memref<56x64xf32, #tpu.memory_space<vmem>>, vector<1x16xf32>,
        %get3A_2383 = vector.shape_cast %get3A_2382 : vector<1x16xf32> to vector<16xf32>
        %add3A_2384 = arith.addf %get3A_2378, %get3A_2383 : vector<16xf32>
        %add3A_2385 = arith.constant 30 : i32
        %add3A_2386 = arith.addi %mul3A_37, %add3A_2385 : i32
        %swap3A_2387 = arith.index_cast %add3A_2386 : i32 to index
        %swap3A_2388 = arith.constant 48 : index
        %swap3A_2389 = tpu.vector_load %arg7[%swap3A_2387, %swap3A_2388] {strides = array<i32>} : memref<800x64xf32, #tpu.memory_space<vmem>>, vector<1x16xf32>,
        %swap3A_2390 = vector.shape_cast %swap3A_2389 : vector<1x16xf32> to vector<16xf32>
        %swap3A_2391 = vector.shape_cast %add3A_2384 : vector<16xf32> to vector<1x16xf32>
        tpu.vector_store %arg7[%swap3A_2387, %swap3A_2388], %swap3A_2391 {strides = array<i32>} : memref<800x64xf32, #tpu.memory_space<vmem>>, vector<1x16xf32>,
        %add3A_2392 = arith.constant 31 : i32
        %add3A_2393 = arith.addi %mul3A_37, %add3A_2392 : i32
        %get3A_2394 = arith.index_cast %add3A_2393 : i32 to index
        %get3A_2395 = arith.constant 0 : index
        %get3A_2396 = tpu.vector_load %arg7[%get3A_2394, %get3A_2395] {strides = array<i32>} : memref<800x64xf32, #tpu.memory_space<vmem>>, vector<1x16xf32>,
        %get3A_2397 = vector.shape_cast %get3A_2396 : vector<1x16xf32> to vector<16xf32>
        %get3A_2398 = arith.constant 31 : i32
        %get3A_2399 = arith.index_cast %get3A_2398 : i32 to index
        %get3A_2400 = arith.constant 0 : index
        %get3A_2401 = tpu.vector_load %arg8[%get3A_2399, %get3A_2400] {strides = array<i32>} : memref<56x64xf32, #tpu.memory_space<vmem>>, vector<1x16xf32>,
        %get3A_2402 = vector.shape_cast %get3A_2401 : vector<1x16xf32> to vector<16xf32>
        %add3A_2403 = arith.addf %get3A_2397, %get3A_2402 : vector<16xf32>
        %add3A_2404 = arith.constant 31 : i32
        %add3A_2405 = arith.addi %mul3A_37, %add3A_2404 : i32
        %swap3A_2406 = arith.index_cast %add3A_2405 : i32 to index
        %swap3A_2407 = arith.constant 0 : index
        %swap3A_2408 = tpu.vector_load %arg7[%swap3A_2406, %swap3A_2407] {strides = array<i32>} : memref<800x64xf32, #tpu.memory_space<vmem>>, vector<1x16xf32>,
        %swap3A_2409 = vector.shape_cast %swap3A_2408 : vector<1x16xf32> to vector<16xf32>
        %swap3A_2410 = vector.shape_cast %add3A_2403 : vector<16xf32> to vector<1x16xf32>
        tpu.vector_store %arg7[%swap3A_2406, %swap3A_2407], %swap3A_2410 {strides = array<i32>} : memref<800x64xf32, #tpu.memory_space<vmem>>, vector<1x16xf32>,
        %add3A_2411 = arith.constant 31 : i32
        %add3A_2412 = arith.addi %mul3A_37, %add3A_2411 : i32
        %get3A_2413 = arith.index_cast %add3A_2412 : i32 to index
        %get3A_2414 = arith.constant 16 : index
        %get3A_2415 = tpu.vector_load %arg7[%get3A_2413, %get3A_2414] {strides = array<i32>} : memref<800x64xf32, #tpu.memory_space<vmem>>, vector<1x16xf32>,
        %get3A_2416 = vector.shape_cast %get3A_2415 : vector<1x16xf32> to vector<16xf32>
        %get3A_2417 = arith.constant 31 : i32
        %get3A_2418 = arith.index_cast %get3A_2417 : i32 to index
        %get3A_2419 = arith.constant 16 : index
        %get3A_2420 = tpu.vector_load %arg8[%get3A_2418, %get3A_2419] {strides = array<i32>} : memref<56x64xf32, #tpu.memory_space<vmem>>, vector<1x16xf32>,
        %get3A_2421 = vector.shape_cast %get3A_2420 : vector<1x16xf32> to vector<16xf32>
        %add3A_2422 = arith.addf %get3A_2416, %get3A_2421 : vector<16xf32>
        %add3A_2423 = arith.constant 31 : i32
        %add3A_2424 = arith.addi %mul3A_37, %add3A_2423 : i32
        %swap3A_2425 = arith.index_cast %add3A_2424 : i32 to index
        %swap3A_2426 = arith.constant 16 : index
        %swap3A_2427 = tpu.vector_load %arg7[%swap3A_2425, %swap3A_2426] {strides = array<i32>} : memref<800x64xf32, #tpu.memory_space<vmem>>, vector<1x16xf32>,
        %swap3A_2428 = vector.shape_cast %swap3A_2427 : vector<1x16xf32> to vector<16xf32>
        %swap3A_2429 = vector.shape_cast %add3A_2422 : vector<16xf32> to vector<1x16xf32>
        tpu.vector_store %arg7[%swap3A_2425, %swap3A_2426], %swap3A_2429 {strides = array<i32>} : memref<800x64xf32, #tpu.memory_space<vmem>>, vector<1x16xf32>,
        %add3A_2430 = arith.constant 31 : i32
        %add3A_2431 = arith.addi %mul3A_37, %add3A_2430 : i32
        %get3A_2432 = arith.index_cast %add3A_2431 : i32 to index
        %get3A_2433 = arith.constant 32 : index
        %get3A_2434 = tpu.vector_load %arg7[%get3A_2432, %get3A_2433] {strides = array<i32>} : memref<800x64xf32, #tpu.memory_space<vmem>>, vector<1x16xf32>,
        %get3A_2435 = vector.shape_cast %get3A_2434 : vector<1x16xf32> to vector<16xf32>
        %get3A_2436 = arith.constant 31 : i32
        %get3A_2437 = arith.index_cast %get3A_2436 : i32 to index
        %get3A_2438 = arith.constant 32 : index
        %get3A_2439 = tpu.vector_load %arg8[%get3A_2437, %get3A_2438] {strides = array<i32>} : memref<56x64xf32, #tpu.memory_space<vmem>>, vector<1x16xf32>,
        %get3A_2440 = vector.shape_cast %get3A_2439 : vector<1x16xf32> to vector<16xf32>
        %add3A_2441 = arith.addf %get3A_2435, %get3A_2440 : vector<16xf32>
        %add3A_2442 = arith.constant 31 : i32
        %add3A_2443 = arith.addi %mul3A_37, %add3A_2442 : i32
        %swap3A_2444 = arith.index_cast %add3A_2443 : i32 to index
        %swap3A_2445 = arith.constant 32 : index
        %swap3A_2446 = tpu.vector_load %arg7[%swap3A_2444, %swap3A_2445] {strides = array<i32>} : memref<800x64xf32, #tpu.memory_space<vmem>>, vector<1x16xf32>,
        %swap3A_2447 = vector.shape_cast %swap3A_2446 : vector<1x16xf32> to vector<16xf32>
        %swap3A_2448 = vector.shape_cast %add3A_2441 : vector<16xf32> to vector<1x16xf32>
        tpu.vector_store %arg7[%swap3A_2444, %swap3A_2445], %swap3A_2448 {strides = array<i32>} : memref<800x64xf32, #tpu.memory_space<vmem>>, vector<1x16xf32>,
        %add3A_2449 = arith.constant 31 : i32
        %add3A_2450 = arith.addi %mul3A_37, %add3A_2449 : i32
        %get3A_2451 = arith.index_cast %add3A_2450 : i32 to index
        %get3A_2452 = arith.constant 48 : index
        %get3A_2453 = tpu.vector_load %arg7[%get3A_2451, %get3A_2452] {strides = array<i32>} : memref<800x64xf32, #tpu.memory_space<vmem>>, vector<1x16xf32>,
        %get3A_2454 = vector.shape_cast %get3A_2453 : vector<1x16xf32> to vector<16xf32>
        %get3A_2455 = arith.constant 31 : i32
        %get3A_2456 = arith.index_cast %get3A_2455 : i32 to index
        %get3A_2457 = arith.constant 48 : index
        %get3A_2458 = tpu.vector_load %arg8[%get3A_2456, %get3A_2457] {strides = array<i32>} : memref<56x64xf32, #tpu.memory_space<vmem>>, vector<1x16xf32>,
        %get3A_2459 = vector.shape_cast %get3A_2458 : vector<1x16xf32> to vector<16xf32>
        %add3A_2460 = arith.addf %get3A_2454, %get3A_2459 : vector<16xf32>
        %add3A_2461 = arith.constant 31 : i32
        %add3A_2462 = arith.addi %mul3A_37, %add3A_2461 : i32
        %swap3A_2463 = arith.index_cast %add3A_2462 : i32 to index
        %swap3A_2464 = arith.constant 48 : index
        %swap3A_2465 = tpu.vector_load %arg7[%swap3A_2463, %swap3A_2464] {strides = array<i32>} : memref<800x64xf32, #tpu.memory_space<vmem>>, vector<1x16xf32>,
        %swap3A_2466 = vector.shape_cast %swap3A_2465 : vector<1x16xf32> to vector<16xf32>
        %swap3A_2467 = vector.shape_cast %add3A_2460 : vector<16xf32> to vector<1x16xf32>
        tpu.vector_store %arg7[%swap3A_2463, %swap3A_2464], %swap3A_2467 {strides = array<i32>} : memref<800x64xf32, #tpu.memory_space<vmem>>, vector<1x16xf32>,
        %add3A_2468 = arith.constant 32 : i32
        %add3A_2469 = arith.addi %mul3A_37, %add3A_2468 : i32
        %get3A_2470 = arith.index_cast %add3A_2469 : i32 to index
        %get3A_2471 = arith.constant 0 : index
        %get3A_2472 = tpu.vector_load %arg7[%get3A_2470, %get3A_2471] {strides = array<i32>} : memref<800x64xf32, #tpu.memory_space<vmem>>, vector<1x16xf32>,
        %get3A_2473 = vector.shape_cast %get3A_2472 : vector<1x16xf32> to vector<16xf32>
        %get3A_2474 = arith.constant 32 : i32
        %get3A_2475 = arith.index_cast %get3A_2474 : i32 to index
        %get3A_2476 = arith.constant 0 : index
        %get3A_2477 = tpu.vector_load %arg8[%get3A_2475, %get3A_2476] {strides = array<i32>} : memref<56x64xf32, #tpu.memory_space<vmem>>, vector<1x16xf32>,
        %get3A_2478 = vector.shape_cast %get3A_2477 : vector<1x16xf32> to vector<16xf32>
        %add3A_2479 = arith.addf %get3A_2473, %get3A_2478 : vector<16xf32>
        %add3A_2480 = arith.constant 32 : i32
        %add3A_2481 = arith.addi %mul3A_37, %add3A_2480 : i32
        %swap3A_2482 = arith.index_cast %add3A_2481 : i32 to index
        %swap3A_2483 = arith.constant 0 : index
        %swap3A_2484 = tpu.vector_load %arg7[%swap3A_2482, %swap3A_2483] {strides = array<i32>} : memref<800x64xf32, #tpu.memory_space<vmem>>, vector<1x16xf32>,
        %swap3A_2485 = vector.shape_cast %swap3A_2484 : vector<1x16xf32> to vector<16xf32>
        %swap3A_2486 = vector.shape_cast %add3A_2479 : vector<16xf32> to vector<1x16xf32>
        tpu.vector_store %arg7[%swap3A_2482, %swap3A_2483], %swap3A_2486 {strides = array<i32>} : memref<800x64xf32, #tpu.memory_space<vmem>>, vector<1x16xf32>,
        %add3A_2487 = arith.constant 32 : i32
        %add3A_2488 = arith.addi %mul3A_37, %add3A_2487 : i32
        %get3A_2489 = arith.index_cast %add3A_2488 : i32 to index
        %get3A_2490 = arith.constant 16 : index
        %get3A_2491 = tpu.vector_load %arg7[%get3A_2489, %get3A_2490] {strides = array<i32>} : memref<800x64xf32, #tpu.memory_space<vmem>>, vector<1x16xf32>,
        %get3A_2492 = vector.shape_cast %get3A_2491 : vector<1x16xf32> to vector<16xf32>
        %get3A_2493 = arith.constant 32 : i32
        %get3A_2494 = arith.index_cast %get3A_2493 : i32 to index
        %get3A_2495 = arith.constant 16 : index
        %get3A_2496 = tpu.vector_load %arg8[%get3A_2494, %get3A_2495] {strides = array<i32>} : memref<56x64xf32, #tpu.memory_space<vmem>>, vector<1x16xf32>,
        %get3A_2497 = vector.shape_cast %get3A_2496 : vector<1x16xf32> to vector<16xf32>
        %add3A_2498 = arith.addf %get3A_2492, %get3A_2497 : vector<16xf32>
        %add3A_2499 = arith.constant 32 : i32
        %add3A_2500 = arith.addi %mul3A_37, %add3A_2499 : i32
        %swap3A_2501 = arith.index_cast %add3A_2500 : i32 to index
        %swap3A_2502 = arith.constant 16 : index
        %swap3A_2503 = tpu.vector_load %arg7[%swap3A_2501, %swap3A_2502] {strides = array<i32>} : memref<800x64xf32, #tpu.memory_space<vmem>>, vector<1x16xf32>,
        %swap3A_2504 = vector.shape_cast %swap3A_2503 : vector<1x16xf32> to vector<16xf32>
        %swap3A_2505 = vector.shape_cast %add3A_2498 : vector<16xf32> to vector<1x16xf32>
        tpu.vector_store %arg7[%swap3A_2501, %swap3A_2502], %swap3A_2505 {strides = array<i32>} : memref<800x64xf32, #tpu.memory_space<vmem>>, vector<1x16xf32>,
        %add3A_2506 = arith.constant 32 : i32
        %add3A_2507 = arith.addi %mul3A_37, %add3A_2506 : i32
        %get3A_2508 = arith.index_cast %add3A_2507 : i32 to index
        %get3A_2509 = arith.constant 32 : index
        %get3A_2510 = tpu.vector_load %arg7[%get3A_2508, %get3A_2509] {strides = array<i32>} : memref<800x64xf32, #tpu.memory_space<vmem>>, vector<1x16xf32>,
        %get3A_2511 = vector.shape_cast %get3A_2510 : vector<1x16xf32> to vector<16xf32>
        %get3A_2512 = arith.constant 32 : i32
        %get3A_2513 = arith.index_cast %get3A_2512 : i32 to index
        %get3A_2514 = arith.constant 32 : index
        %get3A_2515 = tpu.vector_load %arg8[%get3A_2513, %get3A_2514] {strides = array<i32>} : memref<56x64xf32, #tpu.memory_space<vmem>>, vector<1x16xf32>,
        %get3A_2516 = vector.shape_cast %get3A_2515 : vector<1x16xf32> to vector<16xf32>
        %add3A_2517 = arith.addf %get3A_2511, %get3A_2516 : vector<16xf32>
        %add3A_2518 = arith.constant 32 : i32
        %add3A_2519 = arith.addi %mul3A_37, %add3A_2518 : i32
        %swap3A_2520 = arith.index_cast %add3A_2519 : i32 to index
        %swap3A_2521 = arith.constant 32 : index
        %swap3A_2522 = tpu.vector_load %arg7[%swap3A_2520, %swap3A_2521] {strides = array<i32>} : memref<800x64xf32, #tpu.memory_space<vmem>>, vector<1x16xf32>,
        %swap3A_2523 = vector.shape_cast %swap3A_2522 : vector<1x16xf32> to vector<16xf32>
        %swap3A_2524 = vector.shape_cast %add3A_2517 : vector<16xf32> to vector<1x16xf32>
        tpu.vector_store %arg7[%swap3A_2520, %swap3A_2521], %swap3A_2524 {strides = array<i32>} : memref<800x64xf32, #tpu.memory_space<vmem>>, vector<1x16xf32>,
        %add3A_2525 = arith.constant 32 : i32
        %add3A_2526 = arith.addi %mul3A_37, %add3A_2525 : i32
        %get3A_2527 = arith.index_cast %add3A_2526 : i32 to index
        %get3A_2528 = arith.constant 48 : index
        %get3A_2529 = tpu.vector_load %arg7[%get3A_2527, %get3A_2528] {strides = array<i32>} : memref<800x64xf32, #tpu.memory_space<vmem>>, vector<1x16xf32>,
        %get3A_2530 = vector.shape_cast %get3A_2529 : vector<1x16xf32> to vector<16xf32>
        %get3A_2531 = arith.constant 32 : i32
        %get3A_2532 = arith.index_cast %get3A_2531 : i32 to index
        %get3A_2533 = arith.constant 48 : index
        %get3A_2534 = tpu.vector_load %arg8[%get3A_2532, %get3A_2533] {strides = array<i32>} : memref<56x64xf32, #tpu.memory_space<vmem>>, vector<1x16xf32>,
        %get3A_2535 = vector.shape_cast %get3A_2534 : vector<1x16xf32> to vector<16xf32>
        %add3A_2536 = arith.addf %get3A_2530, %get3A_2535 : vector<16xf32>
        %add3A_2537 = arith.constant 32 : i32
        %add3A_2538 = arith.addi %mul3A_37, %add3A_2537 : i32
        %swap3A_2539 = arith.index_cast %add3A_2538 : i32 to index
        %swap3A_2540 = arith.constant 48 : index
        %swap3A_2541 = tpu.vector_load %arg7[%swap3A_2539, %swap3A_2540] {strides = array<i32>} : memref<800x64xf32, #tpu.memory_space<vmem>>, vector<1x16xf32>,
        %swap3A_2542 = vector.shape_cast %swap3A_2541 : vector<1x16xf32> to vector<16xf32>
        %swap3A_2543 = vector.shape_cast %add3A_2536 : vector<16xf32> to vector<1x16xf32>
        tpu.vector_store %arg7[%swap3A_2539, %swap3A_2540], %swap3A_2543 {strides = array<i32>} : memref<800x64xf32, #tpu.memory_space<vmem>>, vector<1x16xf32>,
        %add3A_2544 = arith.constant 33 : i32
        %add3A_2545 = arith.addi %mul3A_37, %add3A_2544 : i32
        %get3A_2546 = arith.index_cast %add3A_2545 : i32 to index
        %get3A_2547 = arith.constant 0 : index
        %get3A_2548 = tpu.vector_load %arg7[%get3A_2546, %get3A_2547] {strides = array<i32>} : memref<800x64xf32, #tpu.memory_space<vmem>>, vector<1x16xf32>,
        %get3A_2549 = vector.shape_cast %get3A_2548 : vector<1x16xf32> to vector<16xf32>
        %get3A_2550 = arith.constant 33 : i32
        %get3A_2551 = arith.index_cast %get3A_2550 : i32 to index
        %get3A_2552 = arith.constant 0 : index
        %get3A_2553 = tpu.vector_load %arg8[%get3A_2551, %get3A_2552] {strides = array<i32>} : memref<56x64xf32, #tpu.memory_space<vmem>>, vector<1x16xf32>,
        %get3A_2554 = vector.shape_cast %get3A_2553 : vector<1x16xf32> to vector<16xf32>
        %add3A_2555 = arith.addf %get3A_2549, %get3A_2554 : vector<16xf32>
        %add3A_2556 = arith.constant 33 : i32
        %add3A_2557 = arith.addi %mul3A_37, %add3A_2556 : i32
        %swap3A_2558 = arith.index_cast %add3A_2557 : i32 to index
        %swap3A_2559 = arith.constant 0 : index
        %swap3A_2560 = tpu.vector_load %arg7[%swap3A_2558, %swap3A_2559] {strides = array<i32>} : memref<800x64xf32, #tpu.memory_space<vmem>>, vector<1x16xf32>,
        %swap3A_2561 = vector.shape_cast %swap3A_2560 : vector<1x16xf32> to vector<16xf32>
        %swap3A_2562 = vector.shape_cast %add3A_2555 : vector<16xf32> to vector<1x16xf32>
        tpu.vector_store %arg7[%swap3A_2558, %swap3A_2559], %swap3A_2562 {strides = array<i32>} : memref<800x64xf32, #tpu.memory_space<vmem>>, vector<1x16xf32>,
        %add3A_2563 = arith.constant 33 : i32
        %add3A_2564 = arith.addi %mul3A_37, %add3A_2563 : i32
        %get3A_2565 = arith.index_cast %add3A_2564 : i32 to index
        %get3A_2566 = arith.constant 16 : index
        %get3A_2567 = tpu.vector_load %arg7[%get3A_2565, %get3A_2566] {strides = array<i32>} : memref<800x64xf32, #tpu.memory_space<vmem>>, vector<1x16xf32>,
        %get3A_2568 = vector.shape_cast %get3A_2567 : vector<1x16xf32> to vector<16xf32>
        %get3A_2569 = arith.constant 33 : i32
        %get3A_2570 = arith.index_cast %get3A_2569 : i32 to index
        %get3A_2571 = arith.constant 16 : index
        %get3A_2572 = tpu.vector_load %arg8[%get3A_2570, %get3A_2571] {strides = array<i32>} : memref<56x64xf32, #tpu.memory_space<vmem>>, vector<1x16xf32>,
        %get3A_2573 = vector.shape_cast %get3A_2572 : vector<1x16xf32> to vector<16xf32>
        %add3A_2574 = arith.addf %get3A_2568, %get3A_2573 : vector<16xf32>
        %add3A_2575 = arith.constant 33 : i32
        %add3A_2576 = arith.addi %mul3A_37, %add3A_2575 : i32
        %swap3A_2577 = arith.index_cast %add3A_2576 : i32 to index
        %swap3A_2578 = arith.constant 16 : index
        %swap3A_2579 = tpu.vector_load %arg7[%swap3A_2577, %swap3A_2578] {strides = array<i32>} : memref<800x64xf32, #tpu.memory_space<vmem>>, vector<1x16xf32>,
        %swap3A_2580 = vector.shape_cast %swap3A_2579 : vector<1x16xf32> to vector<16xf32>
        %swap3A_2581 = vector.shape_cast %add3A_2574 : vector<16xf32> to vector<1x16xf32>
        tpu.vector_store %arg7[%swap3A_2577, %swap3A_2578], %swap3A_2581 {strides = array<i32>} : memref<800x64xf32, #tpu.memory_space<vmem>>, vector<1x16xf32>,
        %add3A_2582 = arith.constant 33 : i32
        %add3A_2583 = arith.addi %mul3A_37, %add3A_2582 : i32
        %get3A_2584 = arith.index_cast %add3A_2583 : i32 to index
        %get3A_2585 = arith.constant 32 : index
        %get3A_2586 = tpu.vector_load %arg7[%get3A_2584, %get3A_2585] {strides = array<i32>} : memref<800x64xf32, #tpu.memory_space<vmem>>, vector<1x16xf32>,
        %get3A_2587 = vector.shape_cast %get3A_2586 : vector<1x16xf32> to vector<16xf32>
        %get3A_2588 = arith.constant 33 : i32
        %get3A_2589 = arith.index_cast %get3A_2588 : i32 to index
        %get3A_2590 = arith.constant 32 : index
        %get3A_2591 = tpu.vector_load %arg8[%get3A_2589, %get3A_2590] {strides = array<i32>} : memref<56x64xf32, #tpu.memory_space<vmem>>, vector<1x16xf32>,
        %get3A_2592 = vector.shape_cast %get3A_2591 : vector<1x16xf32> to vector<16xf32>
        %add3A_2593 = arith.addf %get3A_2587, %get3A_2592 : vector<16xf32>
        %add3A_2594 = arith.constant 33 : i32
        %add3A_2595 = arith.addi %mul3A_37, %add3A_2594 : i32
        %swap3A_2596 = arith.index_cast %add3A_2595 : i32 to index
        %swap3A_2597 = arith.constant 32 : index
        %swap3A_2598 = tpu.vector_load %arg7[%swap3A_2596, %swap3A_2597] {strides = array<i32>} : memref<800x64xf32, #tpu.memory_space<vmem>>, vector<1x16xf32>,
        %swap3A_2599 = vector.shape_cast %swap3A_2598 : vector<1x16xf32> to vector<16xf32>
        %swap3A_2600 = vector.shape_cast %add3A_2593 : vector<16xf32> to vector<1x16xf32>
        tpu.vector_store %arg7[%swap3A_2596, %swap3A_2597], %swap3A_2600 {strides = array<i32>} : memref<800x64xf32, #tpu.memory_space<vmem>>, vector<1x16xf32>,
        %add3A_2601 = arith.constant 33 : i32
        %add3A_2602 = arith.addi %mul3A_37, %add3A_2601 : i32
        %get3A_2603 = arith.index_cast %add3A_2602 : i32 to index
        %get3A_2604 = arith.constant 48 : index
        %get3A_2605 = tpu.vector_load %arg7[%get3A_2603, %get3A_2604] {strides = array<i32>} : memref<800x64xf32, #tpu.memory_space<vmem>>, vector<1x16xf32>,
        %get3A_2606 = vector.shape_cast %get3A_2605 : vector<1x16xf32> to vector<16xf32>
        %get3A_2607 = arith.constant 33 : i32
        %get3A_2608 = arith.index_cast %get3A_2607 : i32 to index
        %get3A_2609 = arith.constant 48 : index
        %get3A_2610 = tpu.vector_load %arg8[%get3A_2608, %get3A_2609] {strides = array<i32>} : memref<56x64xf32, #tpu.memory_space<vmem>>, vector<1x16xf32>,
        %get3A_2611 = vector.shape_cast %get3A_2610 : vector<1x16xf32> to vector<16xf32>
        %add3A_2612 = arith.addf %get3A_2606, %get3A_2611 : vector<16xf32>
        %add3A_2613 = arith.constant 33 : i32
        %add3A_2614 = arith.addi %mul3A_37, %add3A_2613 : i32
        %swap3A_2615 = arith.index_cast %add3A_2614 : i32 to index
        %swap3A_2616 = arith.constant 48 : index
        %swap3A_2617 = tpu.vector_load %arg7[%swap3A_2615, %swap3A_2616] {strides = array<i32>} : memref<800x64xf32, #tpu.memory_space<vmem>>, vector<1x16xf32>,
        %swap3A_2618 = vector.shape_cast %swap3A_2617 : vector<1x16xf32> to vector<16xf32>
        %swap3A_2619 = vector.shape_cast %add3A_2612 : vector<16xf32> to vector<1x16xf32>
        tpu.vector_store %arg7[%swap3A_2615, %swap3A_2616], %swap3A_2619 {strides = array<i32>} : memref<800x64xf32, #tpu.memory_space<vmem>>, vector<1x16xf32>,
        %add3A_2620 = arith.constant 34 : i32
        %add3A_2621 = arith.addi %mul3A_37, %add3A_2620 : i32
        %get3A_2622 = arith.index_cast %add3A_2621 : i32 to index
        %get3A_2623 = arith.constant 0 : index
        %get3A_2624 = tpu.vector_load %arg7[%get3A_2622, %get3A_2623] {strides = array<i32>} : memref<800x64xf32, #tpu.memory_space<vmem>>, vector<1x16xf32>,
        %get3A_2625 = vector.shape_cast %get3A_2624 : vector<1x16xf32> to vector<16xf32>
        %get3A_2626 = arith.constant 34 : i32
        %get3A_2627 = arith.index_cast %get3A_2626 : i32 to index
        %get3A_2628 = arith.constant 0 : index
        %get3A_2629 = tpu.vector_load %arg8[%get3A_2627, %get3A_2628] {strides = array<i32>} : memref<56x64xf32, #tpu.memory_space<vmem>>, vector<1x16xf32>,
        %get3A_2630 = vector.shape_cast %get3A_2629 : vector<1x16xf32> to vector<16xf32>
        %add3A_2631 = arith.addf %get3A_2625, %get3A_2630 : vector<16xf32>
        %add3A_2632 = arith.constant 34 : i32
        %add3A_2633 = arith.addi %mul3A_37, %add3A_2632 : i32
        %swap3A_2634 = arith.index_cast %add3A_2633 : i32 to index
        %swap3A_2635 = arith.constant 0 : index
        %swap3A_2636 = tpu.vector_load %arg7[%swap3A_2634, %swap3A_2635] {strides = array<i32>} : memref<800x64xf32, #tpu.memory_space<vmem>>, vector<1x16xf32>,
        %swap3A_2637 = vector.shape_cast %swap3A_2636 : vector<1x16xf32> to vector<16xf32>
        %swap3A_2638 = vector.shape_cast %add3A_2631 : vector<16xf32> to vector<1x16xf32>
        tpu.vector_store %arg7[%swap3A_2634, %swap3A_2635], %swap3A_2638 {strides = array<i32>} : memref<800x64xf32, #tpu.memory_space<vmem>>, vector<1x16xf32>,
        %add3A_2639 = arith.constant 34 : i32
        %add3A_2640 = arith.addi %mul3A_37, %add3A_2639 : i32
        %get3A_2641 = arith.index_cast %add3A_2640 : i32 to index
        %get3A_2642 = arith.constant 16 : index
        %get3A_2643 = tpu.vector_load %arg7[%get3A_2641, %get3A_2642] {strides = array<i32>} : memref<800x64xf32, #tpu.memory_space<vmem>>, vector<1x16xf32>,
        %get3A_2644 = vector.shape_cast %get3A_2643 : vector<1x16xf32> to vector<16xf32>
        %get3A_2645 = arith.constant 34 : i32
        %get3A_2646 = arith.index_cast %get3A_2645 : i32 to index
        %get3A_2647 = arith.constant 16 : index
        %get3A_2648 = tpu.vector_load %arg8[%get3A_2646, %get3A_2647] {strides = array<i32>} : memref<56x64xf32, #tpu.memory_space<vmem>>, vector<1x16xf32>,
        %get3A_2649 = vector.shape_cast %get3A_2648 : vector<1x16xf32> to vector<16xf32>
        %add3A_2650 = arith.addf %get3A_2644, %get3A_2649 : vector<16xf32>
        %add3A_2651 = arith.constant 34 : i32
        %add3A_2652 = arith.addi %mul3A_37, %add3A_2651 : i32
        %swap3A_2653 = arith.index_cast %add3A_2652 : i32 to index
        %swap3A_2654 = arith.constant 16 : index
        %swap3A_2655 = tpu.vector_load %arg7[%swap3A_2653, %swap3A_2654] {strides = array<i32>} : memref<800x64xf32, #tpu.memory_space<vmem>>, vector<1x16xf32>,
        %swap3A_2656 = vector.shape_cast %swap3A_2655 : vector<1x16xf32> to vector<16xf32>
        %swap3A_2657 = vector.shape_cast %add3A_2650 : vector<16xf32> to vector<1x16xf32>
        tpu.vector_store %arg7[%swap3A_2653, %swap3A_2654], %swap3A_2657 {strides = array<i32>} : memref<800x64xf32, #tpu.memory_space<vmem>>, vector<1x16xf32>,
        %add3A_2658 = arith.constant 34 : i32
        %add3A_2659 = arith.addi %mul3A_37, %add3A_2658 : i32
        %get3A_2660 = arith.index_cast %add3A_2659 : i32 to index
        %get3A_2661 = arith.constant 32 : index
        %get3A_2662 = tpu.vector_load %arg7[%get3A_2660, %get3A_2661] {strides = array<i32>} : memref<800x64xf32, #tpu.memory_space<vmem>>, vector<1x16xf32>,
        %get3A_2663 = vector.shape_cast %get3A_2662 : vector<1x16xf32> to vector<16xf32>
        %get3A_2664 = arith.constant 34 : i32
        %get3A_2665 = arith.index_cast %get3A_2664 : i32 to index
        %get3A_2666 = arith.constant 32 : index
        %get3A_2667 = tpu.vector_load %arg8[%get3A_2665, %get3A_2666] {strides = array<i32>} : memref<56x64xf32, #tpu.memory_space<vmem>>, vector<1x16xf32>,
        %get3A_2668 = vector.shape_cast %get3A_2667 : vector<1x16xf32> to vector<16xf32>
        %add3A_2669 = arith.addf %get3A_2663, %get3A_2668 : vector<16xf32>
        %add3A_2670 = arith.constant 34 : i32
        %add3A_2671 = arith.addi %mul3A_37, %add3A_2670 : i32
        %swap3A_2672 = arith.index_cast %add3A_2671 : i32 to index
        %swap3A_2673 = arith.constant 32 : index
        %swap3A_2674 = tpu.vector_load %arg7[%swap3A_2672, %swap3A_2673] {strides = array<i32>} : memref<800x64xf32, #tpu.memory_space<vmem>>, vector<1x16xf32>,
        %swap3A_2675 = vector.shape_cast %swap3A_2674 : vector<1x16xf32> to vector<16xf32>
        %swap3A_2676 = vector.shape_cast %add3A_2669 : vector<16xf32> to vector<1x16xf32>
        tpu.vector_store %arg7[%swap3A_2672, %swap3A_2673], %swap3A_2676 {strides = array<i32>} : memref<800x64xf32, #tpu.memory_space<vmem>>, vector<1x16xf32>,
        %add3A_2677 = arith.constant 34 : i32
        %add3A_2678 = arith.addi %mul3A_37, %add3A_2677 : i32
        %get3A_2679 = arith.index_cast %add3A_2678 : i32 to index
        %get3A_2680 = arith.constant 48 : index
        %get3A_2681 = tpu.vector_load %arg7[%get3A_2679, %get3A_2680] {strides = array<i32>} : memref<800x64xf32, #tpu.memory_space<vmem>>, vector<1x16xf32>,
        %get3A_2682 = vector.shape_cast %get3A_2681 : vector<1x16xf32> to vector<16xf32>
        %get3A_2683 = arith.constant 34 : i32
        %get3A_2684 = arith.index_cast %get3A_2683 : i32 to index
        %get3A_2685 = arith.constant 48 : index
        %get3A_2686 = tpu.vector_load %arg8[%get3A_2684, %get3A_2685] {strides = array<i32>} : memref<56x64xf32, #tpu.memory_space<vmem>>, vector<1x16xf32>,
        %get3A_2687 = vector.shape_cast %get3A_2686 : vector<1x16xf32> to vector<16xf32>
        %add3A_2688 = arith.addf %get3A_2682, %get3A_2687 : vector<16xf32>
        %add3A_2689 = arith.constant 34 : i32
        %add3A_2690 = arith.addi %mul3A_37, %add3A_2689 : i32
        %swap3A_2691 = arith.index_cast %add3A_2690 : i32 to index
        %swap3A_2692 = arith.constant 48 : index
        %swap3A_2693 = tpu.vector_load %arg7[%swap3A_2691, %swap3A_2692] {strides = array<i32>} : memref<800x64xf32, #tpu.memory_space<vmem>>, vector<1x16xf32>,
        %swap3A_2694 = vector.shape_cast %swap3A_2693 : vector<1x16xf32> to vector<16xf32>
        %swap3A_2695 = vector.shape_cast %add3A_2688 : vector<16xf32> to vector<1x16xf32>
        tpu.vector_store %arg7[%swap3A_2691, %swap3A_2692], %swap3A_2695 {strides = array<i32>} : memref<800x64xf32, #tpu.memory_space<vmem>>, vector<1x16xf32>,
        %add3A_2696 = arith.constant 35 : i32
        %add3A_2697 = arith.addi %mul3A_37, %add3A_2696 : i32
        %get3A_2698 = arith.index_cast %add3A_2697 : i32 to index
        %get3A_2699 = arith.constant 0 : index
        %get3A_2700 = tpu.vector_load %arg7[%get3A_2698, %get3A_2699] {strides = array<i32>} : memref<800x64xf32, #tpu.memory_space<vmem>>, vector<1x16xf32>,
        %get3A_2701 = vector.shape_cast %get3A_2700 : vector<1x16xf32> to vector<16xf32>
        %get3A_2702 = arith.constant 35 : i32
        %get3A_2703 = arith.index_cast %get3A_2702 : i32 to index
        %get3A_2704 = arith.constant 0 : index
        %get3A_2705 = tpu.vector_load %arg8[%get3A_2703, %get3A_2704] {strides = array<i32>} : memref<56x64xf32, #tpu.memory_space<vmem>>, vector<1x16xf32>,
        %get3A_2706 = vector.shape_cast %get3A_2705 : vector<1x16xf32> to vector<16xf32>
        %add3A_2707 = arith.addf %get3A_2701, %get3A_2706 : vector<16xf32>
        %add3A_2708 = arith.constant 35 : i32
        %add3A_2709 = arith.addi %mul3A_37, %add3A_2708 : i32
        %swap3A_2710 = arith.index_cast %add3A_2709 : i32 to index
        %swap3A_2711 = arith.constant 0 : index
        %swap3A_2712 = tpu.vector_load %arg7[%swap3A_2710, %swap3A_2711] {strides = array<i32>} : memref<800x64xf32, #tpu.memory_space<vmem>>, vector<1x16xf32>,
        %swap3A_2713 = vector.shape_cast %swap3A_2712 : vector<1x16xf32> to vector<16xf32>
        %swap3A_2714 = vector.shape_cast %add3A_2707 : vector<16xf32> to vector<1x16xf32>
        tpu.vector_store %arg7[%swap3A_2710, %swap3A_2711], %swap3A_2714 {strides = array<i32>} : memref<800x64xf32, #tpu.memory_space<vmem>>, vector<1x16xf32>,
        %add3A_2715 = arith.constant 35 : i32
        %add3A_2716 = arith.addi %mul3A_37, %add3A_2715 : i32
        %get3A_2717 = arith.index_cast %add3A_2716 : i32 to index
        %get3A_2718 = arith.constant 16 : index
        %get3A_2719 = tpu.vector_load %arg7[%get3A_2717, %get3A_2718] {strides = array<i32>} : memref<800x64xf32, #tpu.memory_space<vmem>>, vector<1x16xf32>,
        %get3A_2720 = vector.shape_cast %get3A_2719 : vector<1x16xf32> to vector<16xf32>
        %get3A_2721 = arith.constant 35 : i32
        %get3A_2722 = arith.index_cast %get3A_2721 : i32 to index
        %get3A_2723 = arith.constant 16 : index
        %get3A_2724 = tpu.vector_load %arg8[%get3A_2722, %get3A_2723] {strides = array<i32>} : memref<56x64xf32, #tpu.memory_space<vmem>>, vector<1x16xf32>,
        %get3A_2725 = vector.shape_cast %get3A_2724 : vector<1x16xf32> to vector<16xf32>
        %add3A_2726 = arith.addf %get3A_2720, %get3A_2725 : vector<16xf32>
        %add3A_2727 = arith.constant 35 : i32
        %add3A_2728 = arith.addi %mul3A_37, %add3A_2727 : i32
        %swap3A_2729 = arith.index_cast %add3A_2728 : i32 to index
        %swap3A_2730 = arith.constant 16 : index
        %swap3A_2731 = tpu.vector_load %arg7[%swap3A_2729, %swap3A_2730] {strides = array<i32>} : memref<800x64xf32, #tpu.memory_space<vmem>>, vector<1x16xf32>,
        %swap3A_2732 = vector.shape_cast %swap3A_2731 : vector<1x16xf32> to vector<16xf32>
        %swap3A_2733 = vector.shape_cast %add3A_2726 : vector<16xf32> to vector<1x16xf32>
        tpu.vector_store %arg7[%swap3A_2729, %swap3A_2730], %swap3A_2733 {strides = array<i32>} : memref<800x64xf32, #tpu.memory_space<vmem>>, vector<1x16xf32>,
        %add3A_2734 = arith.constant 35 : i32
        %add3A_2735 = arith.addi %mul3A_37, %add3A_2734 : i32
        %get3A_2736 = arith.index_cast %add3A_2735 : i32 to index
        %get3A_2737 = arith.constant 32 : index
        %get3A_2738 = tpu.vector_load %arg7[%get3A_2736, %get3A_2737] {strides = array<i32>} : memref<800x64xf32, #tpu.memory_space<vmem>>, vector<1x16xf32>,
        %get3A_2739 = vector.shape_cast %get3A_2738 : vector<1x16xf32> to vector<16xf32>
        %get3A_2740 = arith.constant 35 : i32
        %get3A_2741 = arith.index_cast %get3A_2740 : i32 to index
        %get3A_2742 = arith.constant 32 : index
        %get3A_2743 = tpu.vector_load %arg8[%get3A_2741, %get3A_2742] {strides = array<i32>} : memref<56x64xf32, #tpu.memory_space<vmem>>, vector<1x16xf32>,
        %get3A_2744 = vector.shape_cast %get3A_2743 : vector<1x16xf32> to vector<16xf32>
        %add3A_2745 = arith.addf %get3A_2739, %get3A_2744 : vector<16xf32>
        %add3A_2746 = arith.constant 35 : i32
        %add3A_2747 = arith.addi %mul3A_37, %add3A_2746 : i32
        %swap3A_2748 = arith.index_cast %add3A_2747 : i32 to index
        %swap3A_2749 = arith.constant 32 : index
        %swap3A_2750 = tpu.vector_load %arg7[%swap3A_2748, %swap3A_2749] {strides = array<i32>} : memref<800x64xf32, #tpu.memory_space<vmem>>, vector<1x16xf32>,
        %swap3A_2751 = vector.shape_cast %swap3A_2750 : vector<1x16xf32> to vector<16xf32>
        %swap3A_2752 = vector.shape_cast %add3A_2745 : vector<16xf32> to vector<1x16xf32>
        tpu.vector_store %arg7[%swap3A_2748, %swap3A_2749], %swap3A_2752 {strides = array<i32>} : memref<800x64xf32, #tpu.memory_space<vmem>>, vector<1x16xf32>,
        %add3A_2753 = arith.constant 35 : i32
        %add3A_2754 = arith.addi %mul3A_37, %add3A_2753 : i32
        %get3A_2755 = arith.index_cast %add3A_2754 : i32 to index
        %get3A_2756 = arith.constant 48 : index
        %get3A_2757 = tpu.vector_load %arg7[%get3A_2755, %get3A_2756] {strides = array<i32>} : memref<800x64xf32, #tpu.memory_space<vmem>>, vector<1x16xf32>,
        %get3A_2758 = vector.shape_cast %get3A_2757 : vector<1x16xf32> to vector<16xf32>
        %get3A_2759 = arith.constant 35 : i32
        %get3A_2760 = arith.index_cast %get3A_2759 : i32 to index
        %get3A_2761 = arith.constant 48 : index
        %get3A_2762 = tpu.vector_load %arg8[%get3A_2760, %get3A_2761] {strides = array<i32>} : memref<56x64xf32, #tpu.memory_space<vmem>>, vector<1x16xf32>,
        %get3A_2763 = vector.shape_cast %get3A_2762 : vector<1x16xf32> to vector<16xf32>
        %add3A_2764 = arith.addf %get3A_2758, %get3A_2763 : vector<16xf32>
        %add3A_2765 = arith.constant 35 : i32
        %add3A_2766 = arith.addi %mul3A_37, %add3A_2765 : i32
        %swap3A_2767 = arith.index_cast %add3A_2766 : i32 to index
        %swap3A_2768 = arith.constant 48 : index
        %swap3A_2769 = tpu.vector_load %arg7[%swap3A_2767, %swap3A_2768] {strides = array<i32>} : memref<800x64xf32, #tpu.memory_space<vmem>>, vector<1x16xf32>,
        %swap3A_2770 = vector.shape_cast %swap3A_2769 : vector<1x16xf32> to vector<16xf32>
        %swap3A_2771 = vector.shape_cast %add3A_2764 : vector<16xf32> to vector<1x16xf32>
        tpu.vector_store %arg7[%swap3A_2767, %swap3A_2768], %swap3A_2771 {strides = array<i32>} : memref<800x64xf32, #tpu.memory_space<vmem>>, vector<1x16xf32>,
        %add3A_2772 = arith.constant 36 : i32
        %add3A_2773 = arith.addi %mul3A_37, %add3A_2772 : i32
        %get3A_2774 = arith.index_cast %add3A_2773 : i32 to index
        %get3A_2775 = arith.constant 0 : index
        %get3A_2776 = tpu.vector_load %arg7[%get3A_2774, %get3A_2775] {strides = array<i32>} : memref<800x64xf32, #tpu.memory_space<vmem>>, vector<1x16xf32>,
        %get3A_2777 = vector.shape_cast %get3A_2776 : vector<1x16xf32> to vector<16xf32>
        %get3A_2778 = arith.constant 36 : i32
        %get3A_2779 = arith.index_cast %get3A_2778 : i32 to index
        %get3A_2780 = arith.constant 0 : index
        %get3A_2781 = tpu.vector_load %arg8[%get3A_2779, %get3A_2780] {strides = array<i32>} : memref<56x64xf32, #tpu.memory_space<vmem>>, vector<1x16xf32>,
        %get3A_2782 = vector.shape_cast %get3A_2781 : vector<1x16xf32> to vector<16xf32>
        %add3A_2783 = arith.addf %get3A_2777, %get3A_2782 : vector<16xf32>
        %add3A_2784 = arith.constant 36 : i32
        %add3A_2785 = arith.addi %mul3A_37, %add3A_2784 : i32
        %swap3A_2786 = arith.index_cast %add3A_2785 : i32 to index
        %swap3A_2787 = arith.constant 0 : index
        %swap3A_2788 = tpu.vector_load %arg7[%swap3A_2786, %swap3A_2787] {strides = array<i32>} : memref<800x64xf32, #tpu.memory_space<vmem>>, vector<1x16xf32>,
        %swap3A_2789 = vector.shape_cast %swap3A_2788 : vector<1x16xf32> to vector<16xf32>
        %swap3A_2790 = vector.shape_cast %add3A_2783 : vector<16xf32> to vector<1x16xf32>
        tpu.vector_store %arg7[%swap3A_2786, %swap3A_2787], %swap3A_2790 {strides = array<i32>} : memref<800x64xf32, #tpu.memory_space<vmem>>, vector<1x16xf32>,
        %add3A_2791 = arith.constant 36 : i32
        %add3A_2792 = arith.addi %mul3A_37, %add3A_2791 : i32
        %get3A_2793 = arith.index_cast %add3A_2792 : i32 to index
        %get3A_2794 = arith.constant 16 : index
        %get3A_2795 = tpu.vector_load %arg7[%get3A_2793, %get3A_2794] {strides = array<i32>} : memref<800x64xf32, #tpu.memory_space<vmem>>, vector<1x16xf32>,
        %get3A_2796 = vector.shape_cast %get3A_2795 : vector<1x16xf32> to vector<16xf32>
        %get3A_2797 = arith.constant 36 : i32
        %get3A_2798 = arith.index_cast %get3A_2797 : i32 to index
        %get3A_2799 = arith.constant 16 : index
        %get3A_2800 = tpu.vector_load %arg8[%get3A_2798, %get3A_2799] {strides = array<i32>} : memref<56x64xf32, #tpu.memory_space<vmem>>, vector<1x16xf32>,
        %get3A_2801 = vector.shape_cast %get3A_2800 : vector<1x16xf32> to vector<16xf32>
        %add3A_2802 = arith.addf %get3A_2796, %get3A_2801 : vector<16xf32>
        %add3A_2803 = arith.constant 36 : i32
        %add3A_2804 = arith.addi %mul3A_37, %add3A_2803 : i32
        %swap3A_2805 = arith.index_cast %add3A_2804 : i32 to index
        %swap3A_2806 = arith.constant 16 : index
        %swap3A_2807 = tpu.vector_load %arg7[%swap3A_2805, %swap3A_2806] {strides = array<i32>} : memref<800x64xf32, #tpu.memory_space<vmem>>, vector<1x16xf32>,
        %swap3A_2808 = vector.shape_cast %swap3A_2807 : vector<1x16xf32> to vector<16xf32>
        %swap3A_2809 = vector.shape_cast %add3A_2802 : vector<16xf32> to vector<1x16xf32>
        tpu.vector_store %arg7[%swap3A_2805, %swap3A_2806], %swap3A_2809 {strides = array<i32>} : memref<800x64xf32, #tpu.memory_space<vmem>>, vector<1x16xf32>,
        %add3A_2810 = arith.constant 36 : i32
        %add3A_2811 = arith.addi %mul3A_37, %add3A_2810 : i32
        %get3A_2812 = arith.index_cast %add3A_2811 : i32 to index
        %get3A_2813 = arith.constant 32 : index
        %get3A_2814 = tpu.vector_load %arg7[%get3A_2812, %get3A_2813] {strides = array<i32>} : memref<800x64xf32, #tpu.memory_space<vmem>>, vector<1x16xf32>,
        %get3A_2815 = vector.shape_cast %get3A_2814 : vector<1x16xf32> to vector<16xf32>
        %get3A_2816 = arith.constant 36 : i32
        %get3A_2817 = arith.index_cast %get3A_2816 : i32 to index
        %get3A_2818 = arith.constant 32 : index
        %get3A_2819 = tpu.vector_load %arg8[%get3A_2817, %get3A_2818] {strides = array<i32>} : memref<56x64xf32, #tpu.memory_space<vmem>>, vector<1x16xf32>,
        %get3A_2820 = vector.shape_cast %get3A_2819 : vector<1x16xf32> to vector<16xf32>
        %add3A_2821 = arith.addf %get3A_2815, %get3A_2820 : vector<16xf32>
        %add3A_2822 = arith.constant 36 : i32
        %add3A_2823 = arith.addi %mul3A_37, %add3A_2822 : i32
        %swap3A_2824 = arith.index_cast %add3A_2823 : i32 to index
        %swap3A_2825 = arith.constant 32 : index
        %swap3A_2826 = tpu.vector_load %arg7[%swap3A_2824, %swap3A_2825] {strides = array<i32>} : memref<800x64xf32, #tpu.memory_space<vmem>>, vector<1x16xf32>,
        %swap3A_2827 = vector.shape_cast %swap3A_2826 : vector<1x16xf32> to vector<16xf32>
        %swap3A_2828 = vector.shape_cast %add3A_2821 : vector<16xf32> to vector<1x16xf32>
        tpu.vector_store %arg7[%swap3A_2824, %swap3A_2825], %swap3A_2828 {strides = array<i32>} : memref<800x64xf32, #tpu.memory_space<vmem>>, vector<1x16xf32>,
        %add3A_2829 = arith.constant 36 : i32
        %add3A_2830 = arith.addi %mul3A_37, %add3A_2829 : i32
        %get3A_2831 = arith.index_cast %add3A_2830 : i32 to index
        %get3A_2832 = arith.constant 48 : index
        %get3A_2833 = tpu.vector_load %arg7[%get3A_2831, %get3A_2832] {strides = array<i32>} : memref<800x64xf32, #tpu.memory_space<vmem>>, vector<1x16xf32>,
        %get3A_2834 = vector.shape_cast %get3A_2833 : vector<1x16xf32> to vector<16xf32>
        %get3A_2835 = arith.constant 36 : i32
        %get3A_2836 = arith.index_cast %get3A_2835 : i32 to index
        %get3A_2837 = arith.constant 48 : index
        %get3A_2838 = tpu.vector_load %arg8[%get3A_2836, %get3A_2837] {strides = array<i32>} : memref<56x64xf32, #tpu.memory_space<vmem>>, vector<1x16xf32>,
        %get3A_2839 = vector.shape_cast %get3A_2838 : vector<1x16xf32> to vector<16xf32>
        %add3A_2840 = arith.addf %get3A_2834, %get3A_2839 : vector<16xf32>
        %add3A_2841 = arith.constant 36 : i32
        %add3A_2842 = arith.addi %mul3A_37, %add3A_2841 : i32
        %swap3A_2843 = arith.index_cast %add3A_2842 : i32 to index
        %swap3A_2844 = arith.constant 48 : index
        %swap3A_2845 = tpu.vector_load %arg7[%swap3A_2843, %swap3A_2844] {strides = array<i32>} : memref<800x64xf32, #tpu.memory_space<vmem>>, vector<1x16xf32>,
        %swap3A_2846 = vector.shape_cast %swap3A_2845 : vector<1x16xf32> to vector<16xf32>
        %swap3A_2847 = vector.shape_cast %add3A_2840 : vector<16xf32> to vector<1x16xf32>
        tpu.vector_store %arg7[%swap3A_2843, %swap3A_2844], %swap3A_2847 {strides = array<i32>} : memref<800x64xf32, #tpu.memory_space<vmem>>, vector<1x16xf32>,
        %add3A_2848 = arith.constant 37 : i32
        %add3A_2849 = arith.addi %mul3A_37, %add3A_2848 : i32
        %get3A_2850 = arith.index_cast %add3A_2849 : i32 to index
        %get3A_2851 = arith.constant 0 : index
        %get3A_2852 = tpu.vector_load %arg7[%get3A_2850, %get3A_2851] {strides = array<i32>} : memref<800x64xf32, #tpu.memory_space<vmem>>, vector<1x16xf32>,
        %get3A_2853 = vector.shape_cast %get3A_2852 : vector<1x16xf32> to vector<16xf32>
        %get3A_2854 = arith.constant 37 : i32
        %get3A_2855 = arith.index_cast %get3A_2854 : i32 to index
        %get3A_2856 = arith.constant 0 : index
        %get3A_2857 = tpu.vector_load %arg8[%get3A_2855, %get3A_2856] {strides = array<i32>} : memref<56x64xf32, #tpu.memory_space<vmem>>, vector<1x16xf32>,
        %get3A_2858 = vector.shape_cast %get3A_2857 : vector<1x16xf32> to vector<16xf32>
        %add3A_2859 = arith.addf %get3A_2853, %get3A_2858 : vector<16xf32>
        %add3A_2860 = arith.constant 37 : i32
        %add3A_2861 = arith.addi %mul3A_37, %add3A_2860 : i32
        %swap3A_2862 = arith.index_cast %add3A_2861 : i32 to index
        %swap3A_2863 = arith.constant 0 : index
        %swap3A_2864 = tpu.vector_load %arg7[%swap3A_2862, %swap3A_2863] {strides = array<i32>} : memref<800x64xf32, #tpu.memory_space<vmem>>, vector<1x16xf32>,
        %swap3A_2865 = vector.shape_cast %swap3A_2864 : vector<1x16xf32> to vector<16xf32>
        %swap3A_2866 = vector.shape_cast %add3A_2859 : vector<16xf32> to vector<1x16xf32>
        tpu.vector_store %arg7[%swap3A_2862, %swap3A_2863], %swap3A_2866 {strides = array<i32>} : memref<800x64xf32, #tpu.memory_space<vmem>>, vector<1x16xf32>,
        %add3A_2867 = arith.constant 37 : i32
        %add3A_2868 = arith.addi %mul3A_37, %add3A_2867 : i32
        %get3A_2869 = arith.index_cast %add3A_2868 : i32 to index
        %get3A_2870 = arith.constant 16 : index
        %get3A_2871 = tpu.vector_load %arg7[%get3A_2869, %get3A_2870] {strides = array<i32>} : memref<800x64xf32, #tpu.memory_space<vmem>>, vector<1x16xf32>,
        %get3A_2872 = vector.shape_cast %get3A_2871 : vector<1x16xf32> to vector<16xf32>
        %get3A_2873 = arith.constant 37 : i32
        %get3A_2874 = arith.index_cast %get3A_2873 : i32 to index
        %get3A_2875 = arith.constant 16 : index
        %get3A_2876 = tpu.vector_load %arg8[%get3A_2874, %get3A_2875] {strides = array<i32>} : memref<56x64xf32, #tpu.memory_space<vmem>>, vector<1x16xf32>,
        %get3A_2877 = vector.shape_cast %get3A_2876 : vector<1x16xf32> to vector<16xf32>
        %add3A_2878 = arith.addf %get3A_2872, %get3A_2877 : vector<16xf32>
        %add3A_2879 = arith.constant 37 : i32
        %add3A_2880 = arith.addi %mul3A_37, %add3A_2879 : i32
        %swap3A_2881 = arith.index_cast %add3A_2880 : i32 to index
        %swap3A_2882 = arith.constant 16 : index
        %swap3A_2883 = tpu.vector_load %arg7[%swap3A_2881, %swap3A_2882] {strides = array<i32>} : memref<800x64xf32, #tpu.memory_space<vmem>>, vector<1x16xf32>,
        %swap3A_2884 = vector.shape_cast %swap3A_2883 : vector<1x16xf32> to vector<16xf32>
        %swap3A_2885 = vector.shape_cast %add3A_2878 : vector<16xf32> to vector<1x16xf32>
        tpu.vector_store %arg7[%swap3A_2881, %swap3A_2882], %swap3A_2885 {strides = array<i32>} : memref<800x64xf32, #tpu.memory_space<vmem>>, vector<1x16xf32>,
        %add3A_2886 = arith.constant 37 : i32
        %add3A_2887 = arith.addi %mul3A_37, %add3A_2886 : i32
        %get3A_2888 = arith.index_cast %add3A_2887 : i32 to index
        %get3A_2889 = arith.constant 32 : index
        %get3A_2890 = tpu.vector_load %arg7[%get3A_2888, %get3A_2889] {strides = array<i32>} : memref<800x64xf32, #tpu.memory_space<vmem>>, vector<1x16xf32>,
        %get3A_2891 = vector.shape_cast %get3A_2890 : vector<1x16xf32> to vector<16xf32>
        %get3A_2892 = arith.constant 37 : i32
        %get3A_2893 = arith.index_cast %get3A_2892 : i32 to index
        %get3A_2894 = arith.constant 32 : index
        %get3A_2895 = tpu.vector_load %arg8[%get3A_2893, %get3A_2894] {strides = array<i32>} : memref<56x64xf32, #tpu.memory_space<vmem>>, vector<1x16xf32>,
        %get3A_2896 = vector.shape_cast %get3A_2895 : vector<1x16xf32> to vector<16xf32>
        %add3A_2897 = arith.addf %get3A_2891, %get3A_2896 : vector<16xf32>
        %add3A_2898 = arith.constant 37 : i32
        %add3A_2899 = arith.addi %mul3A_37, %add3A_2898 : i32
        %swap3A_2900 = arith.index_cast %add3A_2899 : i32 to index
        %swap3A_2901 = arith.constant 32 : index
        %swap3A_2902 = tpu.vector_load %arg7[%swap3A_2900, %swap3A_2901] {strides = array<i32>} : memref<800x64xf32, #tpu.memory_space<vmem>>, vector<1x16xf32>,
        %swap3A_2903 = vector.shape_cast %swap3A_2902 : vector<1x16xf32> to vector<16xf32>
        %swap3A_2904 = vector.shape_cast %add3A_2897 : vector<16xf32> to vector<1x16xf32>
        tpu.vector_store %arg7[%swap3A_2900, %swap3A_2901], %swap3A_2904 {strides = array<i32>} : memref<800x64xf32, #tpu.memory_space<vmem>>, vector<1x16xf32>,
        %add3A_2905 = arith.constant 37 : i32
        %add3A_2906 = arith.addi %mul3A_37, %add3A_2905 : i32
        %get3A_2907 = arith.index_cast %add3A_2906 : i32 to index
        %get3A_2908 = arith.constant 48 : index
        %get3A_2909 = tpu.vector_load %arg7[%get3A_2907, %get3A_2908] {strides = array<i32>} : memref<800x64xf32, #tpu.memory_space<vmem>>, vector<1x16xf32>,
        %get3A_2910 = vector.shape_cast %get3A_2909 : vector<1x16xf32> to vector<16xf32>
        %get3A_2911 = arith.constant 37 : i32
        %get3A_2912 = arith.index_cast %get3A_2911 : i32 to index
        %get3A_2913 = arith.constant 48 : index
        %get3A_2914 = tpu.vector_load %arg8[%get3A_2912, %get3A_2913] {strides = array<i32>} : memref<56x64xf32, #tpu.memory_space<vmem>>, vector<1x16xf32>,
        %get3A_2915 = vector.shape_cast %get3A_2914 : vector<1x16xf32> to vector<16xf32>
        %add3A_2916 = arith.addf %get3A_2910, %get3A_2915 : vector<16xf32>
        %add3A_2917 = arith.constant 37 : i32
        %add3A_2918 = arith.addi %mul3A_37, %add3A_2917 : i32
        %swap3A_2919 = arith.index_cast %add3A_2918 : i32 to index
        %swap3A_2920 = arith.constant 48 : index
        %swap3A_2921 = tpu.vector_load %arg7[%swap3A_2919, %swap3A_2920] {strides = array<i32>} : memref<800x64xf32, #tpu.memory_space<vmem>>, vector<1x16xf32>,
        %swap3A_2922 = vector.shape_cast %swap3A_2921 : vector<1x16xf32> to vector<16xf32>
        %swap3A_2923 = vector.shape_cast %add3A_2916 : vector<16xf32> to vector<1x16xf32>
        tpu.vector_store %arg7[%swap3A_2919, %swap3A_2920], %swap3A_2923 {strides = array<i32>} : memref<800x64xf32, #tpu.memory_space<vmem>>, vector<1x16xf32>,
        %add3A_2924 = arith.constant 38 : i32
        %add3A_2925 = arith.addi %mul3A_37, %add3A_2924 : i32
        %get3A_2926 = arith.index_cast %add3A_2925 : i32 to index
        %get3A_2927 = arith.constant 0 : index
        %get3A_2928 = tpu.vector_load %arg7[%get3A_2926, %get3A_2927] {strides = array<i32>} : memref<800x64xf32, #tpu.memory_space<vmem>>, vector<1x16xf32>,
        %get3A_2929 = vector.shape_cast %get3A_2928 : vector<1x16xf32> to vector<16xf32>
        %get3A_2930 = arith.constant 38 : i32
        %get3A_2931 = arith.index_cast %get3A_2930 : i32 to index
        %get3A_2932 = arith.constant 0 : index
        %get3A_2933 = tpu.vector_load %arg8[%get3A_2931, %get3A_2932] {strides = array<i32>} : memref<56x64xf32, #tpu.memory_space<vmem>>, vector<1x16xf32>,
        %get3A_2934 = vector.shape_cast %get3A_2933 : vector<1x16xf32> to vector<16xf32>
        %add3A_2935 = arith.addf %get3A_2929, %get3A_2934 : vector<16xf32>
        %add3A_2936 = arith.constant 38 : i32
        %add3A_2937 = arith.addi %mul3A_37, %add3A_2936 : i32
        %swap3A_2938 = arith.index_cast %add3A_2937 : i32 to index
        %swap3A_2939 = arith.constant 0 : index
        %swap3A_2940 = tpu.vector_load %arg7[%swap3A_2938, %swap3A_2939] {strides = array<i32>} : memref<800x64xf32, #tpu.memory_space<vmem>>, vector<1x16xf32>,
        %swap3A_2941 = vector.shape_cast %swap3A_2940 : vector<1x16xf32> to vector<16xf32>
        %swap3A_2942 = vector.shape_cast %add3A_2935 : vector<16xf32> to vector<1x16xf32>
        tpu.vector_store %arg7[%swap3A_2938, %swap3A_2939], %swap3A_2942 {strides = array<i32>} : memref<800x64xf32, #tpu.memory_space<vmem>>, vector<1x16xf32>,
        %add3A_2943 = arith.constant 38 : i32
        %add3A_2944 = arith.addi %mul3A_37, %add3A_2943 : i32
        %get3A_2945 = arith.index_cast %add3A_2944 : i32 to index
        %get3A_2946 = arith.constant 16 : index
        %get3A_2947 = tpu.vector_load %arg7[%get3A_2945, %get3A_2946] {strides = array<i32>} : memref<800x64xf32, #tpu.memory_space<vmem>>, vector<1x16xf32>,
        %get3A_2948 = vector.shape_cast %get3A_2947 : vector<1x16xf32> to vector<16xf32>
        %get3A_2949 = arith.constant 38 : i32
        %get3A_2950 = arith.index_cast %get3A_2949 : i32 to index
        %get3A_2951 = arith.constant 16 : index
        %get3A_2952 = tpu.vector_load %arg8[%get3A_2950, %get3A_2951] {strides = array<i32>} : memref<56x64xf32, #tpu.memory_space<vmem>>, vector<1x16xf32>,
        %get3A_2953 = vector.shape_cast %get3A_2952 : vector<1x16xf32> to vector<16xf32>
        %add3A_2954 = arith.addf %get3A_2948, %get3A_2953 : vector<16xf32>
        %add3A_2955 = arith.constant 38 : i32
        %add3A_2956 = arith.addi %mul3A_37, %add3A_2955 : i32
        %swap3A_2957 = arith.index_cast %add3A_2956 : i32 to index
        %swap3A_2958 = arith.constant 16 : index
        %swap3A_2959 = tpu.vector_load %arg7[%swap3A_2957, %swap3A_2958] {strides = array<i32>} : memref<800x64xf32, #tpu.memory_space<vmem>>, vector<1x16xf32>,
        %swap3A_2960 = vector.shape_cast %swap3A_2959 : vector<1x16xf32> to vector<16xf32>
        %swap3A_2961 = vector.shape_cast %add3A_2954 : vector<16xf32> to vector<1x16xf32>
        tpu.vector_store %arg7[%swap3A_2957, %swap3A_2958], %swap3A_2961 {strides = array<i32>} : memref<800x64xf32, #tpu.memory_space<vmem>>, vector<1x16xf32>,
        %add3A_2962 = arith.constant 38 : i32
        %add3A_2963 = arith.addi %mul3A_37, %add3A_2962 : i32
        %get3A_2964 = arith.index_cast %add3A_2963 : i32 to index
        %get3A_2965 = arith.constant 32 : index
        %get3A_2966 = tpu.vector_load %arg7[%get3A_2964, %get3A_2965] {strides = array<i32>} : memref<800x64xf32, #tpu.memory_space<vmem>>, vector<1x16xf32>,
        %get3A_2967 = vector.shape_cast %get3A_2966 : vector<1x16xf32> to vector<16xf32>
        %get3A_2968 = arith.constant 38 : i32
        %get3A_2969 = arith.index_cast %get3A_2968 : i32 to index
        %get3A_2970 = arith.constant 32 : index
        %get3A_2971 = tpu.vector_load %arg8[%get3A_2969, %get3A_2970] {strides = array<i32>} : memref<56x64xf32, #tpu.memory_space<vmem>>, vector<1x16xf32>,
        %get3A_2972 = vector.shape_cast %get3A_2971 : vector<1x16xf32> to vector<16xf32>
        %add3A_2973 = arith.addf %get3A_2967, %get3A_2972 : vector<16xf32>
        %add3A_2974 = arith.constant 38 : i32
        %add3A_2975 = arith.addi %mul3A_37, %add3A_2974 : i32
        %swap3A_2976 = arith.index_cast %add3A_2975 : i32 to index
        %swap3A_2977 = arith.constant 32 : index
        %swap3A_2978 = tpu.vector_load %arg7[%swap3A_2976, %swap3A_2977] {strides = array<i32>} : memref<800x64xf32, #tpu.memory_space<vmem>>, vector<1x16xf32>,
        %swap3A_2979 = vector.shape_cast %swap3A_2978 : vector<1x16xf32> to vector<16xf32>
        %swap3A_2980 = vector.shape_cast %add3A_2973 : vector<16xf32> to vector<1x16xf32>
        tpu.vector_store %arg7[%swap3A_2976, %swap3A_2977], %swap3A_2980 {strides = array<i32>} : memref<800x64xf32, #tpu.memory_space<vmem>>, vector<1x16xf32>,
        %add3A_2981 = arith.constant 38 : i32
        %add3A_2982 = arith.addi %mul3A_37, %add3A_2981 : i32
        %get3A_2983 = arith.index_cast %add3A_2982 : i32 to index
        %get3A_2984 = arith.constant 48 : index
        %get3A_2985 = tpu.vector_load %arg7[%get3A_2983, %get3A_2984] {strides = array<i32>} : memref<800x64xf32, #tpu.memory_space<vmem>>, vector<1x16xf32>,
        %get3A_2986 = vector.shape_cast %get3A_2985 : vector<1x16xf32> to vector<16xf32>
        %get3A_2987 = arith.constant 38 : i32
        %get3A_2988 = arith.index_cast %get3A_2987 : i32 to index
        %get3A_2989 = arith.constant 48 : index
        %get3A_2990 = tpu.vector_load %arg8[%get3A_2988, %get3A_2989] {strides = array<i32>} : memref<56x64xf32, #tpu.memory_space<vmem>>, vector<1x16xf32>,
        %get3A_2991 = vector.shape_cast %get3A_2990 : vector<1x16xf32> to vector<16xf32>
        %add3A_2992 = arith.addf %get3A_2986, %get3A_2991 : vector<16xf32>
        %add3A_2993 = arith.constant 38 : i32
        %add3A_2994 = arith.addi %mul3A_37, %add3A_2993 : i32
        %swap3A_2995 = arith.index_cast %add3A_2994 : i32 to index
        %swap3A_2996 = arith.constant 48 : index
        %swap3A_2997 = tpu.vector_load %arg7[%swap3A_2995, %swap3A_2996] {strides = array<i32>} : memref<800x64xf32, #tpu.memory_space<vmem>>, vector<1x16xf32>,
        %swap3A_2998 = vector.shape_cast %swap3A_2997 : vector<1x16xf32> to vector<16xf32>
        %swap3A_2999 = vector.shape_cast %add3A_2992 : vector<16xf32> to vector<1x16xf32>
        tpu.vector_store %arg7[%swap3A_2995, %swap3A_2996], %swap3A_2999 {strides = array<i32>} : memref<800x64xf32, #tpu.memory_space<vmem>>, vector<1x16xf32>,
        %add3A_3000 = arith.constant 39 : i32
        %add3A_3001 = arith.addi %mul3A_37, %add3A_3000 : i32
        %get3A_3002 = arith.index_cast %add3A_3001 : i32 to index
        %get3A_3003 = arith.constant 0 : index
        %get3A_3004 = tpu.vector_load %arg7[%get3A_3002, %get3A_3003] {strides = array<i32>} : memref<800x64xf32, #tpu.memory_space<vmem>>, vector<1x16xf32>,
        %get3A_3005 = vector.shape_cast %get3A_3004 : vector<1x16xf32> to vector<16xf32>
        %get3A_3006 = arith.constant 39 : i32
        %get3A_3007 = arith.index_cast %get3A_3006 : i32 to index
        %get3A_3008 = arith.constant 0 : index
        %get3A_3009 = tpu.vector_load %arg8[%get3A_3007, %get3A_3008] {strides = array<i32>} : memref<56x64xf32, #tpu.memory_space<vmem>>, vector<1x16xf32>,
        %get3A_3010 = vector.shape_cast %get3A_3009 : vector<1x16xf32> to vector<16xf32>
        %add3A_3011 = arith.addf %get3A_3005, %get3A_3010 : vector<16xf32>
        %add3A_3012 = arith.constant 39 : i32
        %add3A_3013 = arith.addi %mul3A_37, %add3A_3012 : i32
        %swap3A_3014 = arith.index_cast %add3A_3013 : i32 to index
        %swap3A_3015 = arith.constant 0 : index
        %swap3A_3016 = tpu.vector_load %arg7[%swap3A_3014, %swap3A_3015] {strides = array<i32>} : memref<800x64xf32, #tpu.memory_space<vmem>>, vector<1x16xf32>,
        %swap3A_3017 = vector.shape_cast %swap3A_3016 : vector<1x16xf32> to vector<16xf32>
        %swap3A_3018 = vector.shape_cast %add3A_3011 : vector<16xf32> to vector<1x16xf32>
        tpu.vector_store %arg7[%swap3A_3014, %swap3A_3015], %swap3A_3018 {strides = array<i32>} : memref<800x64xf32, #tpu.memory_space<vmem>>, vector<1x16xf32>,
        %add3A_3019 = arith.constant 39 : i32
        %add3A_3020 = arith.addi %mul3A_37, %add3A_3019 : i32
        %get3A_3021 = arith.index_cast %add3A_3020 : i32 to index
        %get3A_3022 = arith.constant 16 : index
        %get3A_3023 = tpu.vector_load %arg7[%get3A_3021, %get3A_3022] {strides = array<i32>} : memref<800x64xf32, #tpu.memory_space<vmem>>, vector<1x16xf32>,
        %get3A_3024 = vector.shape_cast %get3A_3023 : vector<1x16xf32> to vector<16xf32>
        %get3A_3025 = arith.constant 39 : i32
        %get3A_3026 = arith.index_cast %get3A_3025 : i32 to index
        %get3A_3027 = arith.constant 16 : index
        %get3A_3028 = tpu.vector_load %arg8[%get3A_3026, %get3A_3027] {strides = array<i32>} : memref<56x64xf32, #tpu.memory_space<vmem>>, vector<1x16xf32>,
        %get3A_3029 = vector.shape_cast %get3A_3028 : vector<1x16xf32> to vector<16xf32>
        %add3A_3030 = arith.addf %get3A_3024, %get3A_3029 : vector<16xf32>
        %add3A_3031 = arith.constant 39 : i32
        %add3A_3032 = arith.addi %mul3A_37, %add3A_3031 : i32
        %swap3A_3033 = arith.index_cast %add3A_3032 : i32 to index
        %swap3A_3034 = arith.constant 16 : index
        %swap3A_3035 = tpu.vector_load %arg7[%swap3A_3033, %swap3A_3034] {strides = array<i32>} : memref<800x64xf32, #tpu.memory_space<vmem>>, vector<1x16xf32>,
        %swap3A_3036 = vector.shape_cast %swap3A_3035 : vector<1x16xf32> to vector<16xf32>
        %swap3A_3037 = vector.shape_cast %add3A_3030 : vector<16xf32> to vector<1x16xf32>
        tpu.vector_store %arg7[%swap3A_3033, %swap3A_3034], %swap3A_3037 {strides = array<i32>} : memref<800x64xf32, #tpu.memory_space<vmem>>, vector<1x16xf32>,
        %add3A_3038 = arith.constant 39 : i32
        %add3A_3039 = arith.addi %mul3A_37, %add3A_3038 : i32
        %get3A_3040 = arith.index_cast %add3A_3039 : i32 to index
        %get3A_3041 = arith.constant 32 : index
        %get3A_3042 = tpu.vector_load %arg7[%get3A_3040, %get3A_3041] {strides = array<i32>} : memref<800x64xf32, #tpu.memory_space<vmem>>, vector<1x16xf32>,
        %get3A_3043 = vector.shape_cast %get3A_3042 : vector<1x16xf32> to vector<16xf32>
        %get3A_3044 = arith.constant 39 : i32
        %get3A_3045 = arith.index_cast %get3A_3044 : i32 to index
        %get3A_3046 = arith.constant 32 : index
        %get3A_3047 = tpu.vector_load %arg8[%get3A_3045, %get3A_3046] {strides = array<i32>} : memref<56x64xf32, #tpu.memory_space<vmem>>, vector<1x16xf32>,
        %get3A_3048 = vector.shape_cast %get3A_3047 : vector<1x16xf32> to vector<16xf32>
        %add3A_3049 = arith.addf %get3A_3043, %get3A_3048 : vector<16xf32>
        %add3A_3050 = arith.constant 39 : i32
        %add3A_3051 = arith.addi %mul3A_37, %add3A_3050 : i32
        %swap3A_3052 = arith.index_cast %add3A_3051 : i32 to index
        %swap3A_3053 = arith.constant 32 : index
        %swap3A_3054 = tpu.vector_load %arg7[%swap3A_3052, %swap3A_3053] {strides = array<i32>} : memref<800x64xf32, #tpu.memory_space<vmem>>, vector<1x16xf32>,
        %swap3A_3055 = vector.shape_cast %swap3A_3054 : vector<1x16xf32> to vector<16xf32>
        %swap3A_3056 = vector.shape_cast %add3A_3049 : vector<16xf32> to vector<1x16xf32>
        tpu.vector_store %arg7[%swap3A_3052, %swap3A_3053], %swap3A_3056 {strides = array<i32>} : memref<800x64xf32, #tpu.memory_space<vmem>>, vector<1x16xf32>,
        %add3A_3057 = arith.constant 39 : i32
        %add3A_3058 = arith.addi %mul3A_37, %add3A_3057 : i32
        %get3A_3059 = arith.index_cast %add3A_3058 : i32 to index
        %get3A_3060 = arith.constant 48 : index
        %get3A_3061 = tpu.vector_load %arg7[%get3A_3059, %get3A_3060] {strides = array<i32>} : memref<800x64xf32, #tpu.memory_space<vmem>>, vector<1x16xf32>,
        %get3A_3062 = vector.shape_cast %get3A_3061 : vector<1x16xf32> to vector<16xf32>
        %get3A_3063 = arith.constant 39 : i32
        %get3A_3064 = arith.index_cast %get3A_3063 : i32 to index
        %get3A_3065 = arith.constant 48 : index
        %get3A_3066 = tpu.vector_load %arg8[%get3A_3064, %get3A_3065] {strides = array<i32>} : memref<56x64xf32, #tpu.memory_space<vmem>>, vector<1x16xf32>,
        %get3A_3067 = vector.shape_cast %get3A_3066 : vector<1x16xf32> to vector<16xf32>
        %add3A_3068 = arith.addf %get3A_3062, %get3A_3067 : vector<16xf32>
        %add3A_3069 = arith.constant 39 : i32
        %add3A_3070 = arith.addi %mul3A_37, %add3A_3069 : i32
        %swap3A_3071 = arith.index_cast %add3A_3070 : i32 to index
        %swap3A_3072 = arith.constant 48 : index
        %swap3A_3073 = tpu.vector_load %arg7[%swap3A_3071, %swap3A_3072] {strides = array<i32>} : memref<800x64xf32, #tpu.memory_space<vmem>>, vector<1x16xf32>,
        %swap3A_3074 = vector.shape_cast %swap3A_3073 : vector<1x16xf32> to vector<16xf32>
        %swap3A_3075 = vector.shape_cast %add3A_3068 : vector<16xf32> to vector<1x16xf32>
        tpu.vector_store %arg7[%swap3A_3071, %swap3A_3072], %swap3A_3075 {strides = array<i32>} : memref<800x64xf32, #tpu.memory_space<vmem>>, vector<1x16xf32>,
        %add3A_3076 = arith.constant 40 : i32
        %add3A_3077 = arith.addi %mul3A_37, %add3A_3076 : i32
        %get3A_3078 = arith.index_cast %add3A_3077 : i32 to index
        %get3A_3079 = arith.constant 0 : index
        %get3A_3080 = tpu.vector_load %arg7[%get3A_3078, %get3A_3079] {strides = array<i32>} : memref<800x64xf32, #tpu.memory_space<vmem>>, vector<1x16xf32>,
        %get3A_3081 = vector.shape_cast %get3A_3080 : vector<1x16xf32> to vector<16xf32>
        %get3A_3082 = arith.constant 40 : i32
        %get3A_3083 = arith.index_cast %get3A_3082 : i32 to index
        %get3A_3084 = arith.constant 0 : index
        %get3A_3085 = tpu.vector_load %arg8[%get3A_3083, %get3A_3084] {strides = array<i32>} : memref<56x64xf32, #tpu.memory_space<vmem>>, vector<1x16xf32>,
        %get3A_3086 = vector.shape_cast %get3A_3085 : vector<1x16xf32> to vector<16xf32>
        %add3A_3087 = arith.addf %get3A_3081, %get3A_3086 : vector<16xf32>
        %add3A_3088 = arith.constant 40 : i32
        %add3A_3089 = arith.addi %mul3A_37, %add3A_3088 : i32
        %swap3A_3090 = arith.index_cast %add3A_3089 : i32 to index
        %swap3A_3091 = arith.constant 0 : index
        %swap3A_3092 = tpu.vector_load %arg7[%swap3A_3090, %swap3A_3091] {strides = array<i32>} : memref<800x64xf32, #tpu.memory_space<vmem>>, vector<1x16xf32>,
        %swap3A_3093 = vector.shape_cast %swap3A_3092 : vector<1x16xf32> to vector<16xf32>
        %swap3A_3094 = vector.shape_cast %add3A_3087 : vector<16xf32> to vector<1x16xf32>
        tpu.vector_store %arg7[%swap3A_3090, %swap3A_3091], %swap3A_3094 {strides = array<i32>} : memref<800x64xf32, #tpu.memory_space<vmem>>, vector<1x16xf32>,
        %add3A_3095 = arith.constant 40 : i32
        %add3A_3096 = arith.addi %mul3A_37, %add3A_3095 : i32
        %get3A_3097 = arith.index_cast %add3A_3096 : i32 to index
        %get3A_3098 = arith.constant 16 : index
        %get3A_3099 = tpu.vector_load %arg7[%get3A_3097, %get3A_3098] {strides = array<i32>} : memref<800x64xf32, #tpu.memory_space<vmem>>, vector<1x16xf32>,
        %get3A_3100 = vector.shape_cast %get3A_3099 : vector<1x16xf32> to vector<16xf32>
        %get3A_3101 = arith.constant 40 : i32
        %get3A_3102 = arith.index_cast %get3A_3101 : i32 to index
        %get3A_3103 = arith.constant 16 : index
        %get3A_3104 = tpu.vector_load %arg8[%get3A_3102, %get3A_3103] {strides = array<i32>} : memref<56x64xf32, #tpu.memory_space<vmem>>, vector<1x16xf32>,
        %get3A_3105 = vector.shape_cast %get3A_3104 : vector<1x16xf32> to vector<16xf32>
        %add3A_3106 = arith.addf %get3A_3100, %get3A_3105 : vector<16xf32>
        %add3A_3107 = arith.constant 40 : i32
        %add3A_3108 = arith.addi %mul3A_37, %add3A_3107 : i32
        %swap3A_3109 = arith.index_cast %add3A_3108 : i32 to index
        %swap3A_3110 = arith.constant 16 : index
        %swap3A_3111 = tpu.vector_load %arg7[%swap3A_3109, %swap3A_3110] {strides = array<i32>} : memref<800x64xf32, #tpu.memory_space<vmem>>, vector<1x16xf32>,
        %swap3A_3112 = vector.shape_cast %swap3A_3111 : vector<1x16xf32> to vector<16xf32>
        %swap3A_3113 = vector.shape_cast %add3A_3106 : vector<16xf32> to vector<1x16xf32>
        tpu.vector_store %arg7[%swap3A_3109, %swap3A_3110], %swap3A_3113 {strides = array<i32>} : memref<800x64xf32, #tpu.memory_space<vmem>>, vector<1x16xf32>,
        %add3A_3114 = arith.constant 40 : i32
        %add3A_3115 = arith.addi %mul3A_37, %add3A_3114 : i32
        %get3A_3116 = arith.index_cast %add3A_3115 : i32 to index
        %get3A_3117 = arith.constant 32 : index
        %get3A_3118 = tpu.vector_load %arg7[%get3A_3116, %get3A_3117] {strides = array<i32>} : memref<800x64xf32, #tpu.memory_space<vmem>>, vector<1x16xf32>,
        %get3A_3119 = vector.shape_cast %get3A_3118 : vector<1x16xf32> to vector<16xf32>
        %get3A_3120 = arith.constant 40 : i32
        %get3A_3121 = arith.index_cast %get3A_3120 : i32 to index
        %get3A_3122 = arith.constant 32 : index
        %get3A_3123 = tpu.vector_load %arg8[%get3A_3121, %get3A_3122] {strides = array<i32>} : memref<56x64xf32, #tpu.memory_space<vmem>>, vector<1x16xf32>,
        %get3A_3124 = vector.shape_cast %get3A_3123 : vector<1x16xf32> to vector<16xf32>
        %add3A_3125 = arith.addf %get3A_3119, %get3A_3124 : vector<16xf32>
        %add3A_3126 = arith.constant 40 : i32
        %add3A_3127 = arith.addi %mul3A_37, %add3A_3126 : i32
        %swap3A_3128 = arith.index_cast %add3A_3127 : i32 to index
        %swap3A_3129 = arith.constant 32 : index
        %swap3A_3130 = tpu.vector_load %arg7[%swap3A_3128, %swap3A_3129] {strides = array<i32>} : memref<800x64xf32, #tpu.memory_space<vmem>>, vector<1x16xf32>,
        %swap3A_3131 = vector.shape_cast %swap3A_3130 : vector<1x16xf32> to vector<16xf32>
        %swap3A_3132 = vector.shape_cast %add3A_3125 : vector<16xf32> to vector<1x16xf32>
        tpu.vector_store %arg7[%swap3A_3128, %swap3A_3129], %swap3A_3132 {strides = array<i32>} : memref<800x64xf32, #tpu.memory_space<vmem>>, vector<1x16xf32>,
        %add3A_3133 = arith.constant 40 : i32
        %add3A_3134 = arith.addi %mul3A_37, %add3A_3133 : i32
        %get3A_3135 = arith.index_cast %add3A_3134 : i32 to index
        %get3A_3136 = arith.constant 48 : index
        %get3A_3137 = tpu.vector_load %arg7[%get3A_3135, %get3A_3136] {strides = array<i32>} : memref<800x64xf32, #tpu.memory_space<vmem>>, vector<1x16xf32>,
        %get3A_3138 = vector.shape_cast %get3A_3137 : vector<1x16xf32> to vector<16xf32>
        %get3A_3139 = arith.constant 40 : i32
        %get3A_3140 = arith.index_cast %get3A_3139 : i32 to index
        %get3A_3141 = arith.constant 48 : index
        %get3A_3142 = tpu.vector_load %arg8[%get3A_3140, %get3A_3141] {strides = array<i32>} : memref<56x64xf32, #tpu.memory_space<vmem>>, vector<1x16xf32>,
        %get3A_3143 = vector.shape_cast %get3A_3142 : vector<1x16xf32> to vector<16xf32>
        %add3A_3144 = arith.addf %get3A_3138, %get3A_3143 : vector<16xf32>
        %add3A_3145 = arith.constant 40 : i32
        %add3A_3146 = arith.addi %mul3A_37, %add3A_3145 : i32
        %swap3A_3147 = arith.index_cast %add3A_3146 : i32 to index
        %swap3A_3148 = arith.constant 48 : index
        %swap3A_3149 = tpu.vector_load %arg7[%swap3A_3147, %swap3A_3148] {strides = array<i32>} : memref<800x64xf32, #tpu.memory_space<vmem>>, vector<1x16xf32>,
        %swap3A_3150 = vector.shape_cast %swap3A_3149 : vector<1x16xf32> to vector<16xf32>
        %swap3A_3151 = vector.shape_cast %add3A_3144 : vector<16xf32> to vector<1x16xf32>
        tpu.vector_store %arg7[%swap3A_3147, %swap3A_3148], %swap3A_3151 {strides = array<i32>} : memref<800x64xf32, #tpu.memory_space<vmem>>, vector<1x16xf32>,
        %add3A_3152 = arith.constant 41 : i32
        %add3A_3153 = arith.addi %mul3A_37, %add3A_3152 : i32
        %get3A_3154 = arith.index_cast %add3A_3153 : i32 to index
        %get3A_3155 = arith.constant 0 : index
        %get3A_3156 = tpu.vector_load %arg7[%get3A_3154, %get3A_3155] {strides = array<i32>} : memref<800x64xf32, #tpu.memory_space<vmem>>, vector<1x16xf32>,
        %get3A_3157 = vector.shape_cast %get3A_3156 : vector<1x16xf32> to vector<16xf32>
        %get3A_3158 = arith.constant 41 : i32
        %get3A_3159 = arith.index_cast %get3A_3158 : i32 to index
        %get3A_3160 = arith.constant 0 : index
        %get3A_3161 = tpu.vector_load %arg8[%get3A_3159, %get3A_3160] {strides = array<i32>} : memref<56x64xf32, #tpu.memory_space<vmem>>, vector<1x16xf32>,
        %get3A_3162 = vector.shape_cast %get3A_3161 : vector<1x16xf32> to vector<16xf32>
        %add3A_3163 = arith.addf %get3A_3157, %get3A_3162 : vector<16xf32>
        %add3A_3164 = arith.constant 41 : i32
        %add3A_3165 = arith.addi %mul3A_37, %add3A_3164 : i32
        %swap3A_3166 = arith.index_cast %add3A_3165 : i32 to index
        %swap3A_3167 = arith.constant 0 : index
        %swap3A_3168 = tpu.vector_load %arg7[%swap3A_3166, %swap3A_3167] {strides = array<i32>} : memref<800x64xf32, #tpu.memory_space<vmem>>, vector<1x16xf32>,
        %swap3A_3169 = vector.shape_cast %swap3A_3168 : vector<1x16xf32> to vector<16xf32>
        %swap3A_3170 = vector.shape_cast %add3A_3163 : vector<16xf32> to vector<1x16xf32>
        tpu.vector_store %arg7[%swap3A_3166, %swap3A_3167], %swap3A_3170 {strides = array<i32>} : memref<800x64xf32, #tpu.memory_space<vmem>>, vector<1x16xf32>,
        %add3A_3171 = arith.constant 41 : i32
        %add3A_3172 = arith.addi %mul3A_37, %add3A_3171 : i32
        %get3A_3173 = arith.index_cast %add3A_3172 : i32 to index
        %get3A_3174 = arith.constant 16 : index
        %get3A_3175 = tpu.vector_load %arg7[%get3A_3173, %get3A_3174] {strides = array<i32>} : memref<800x64xf32, #tpu.memory_space<vmem>>, vector<1x16xf32>,
        %get3A_3176 = vector.shape_cast %get3A_3175 : vector<1x16xf32> to vector<16xf32>
        %get3A_3177 = arith.constant 41 : i32
        %get3A_3178 = arith.index_cast %get3A_3177 : i32 to index
        %get3A_3179 = arith.constant 16 : index
        %get3A_3180 = tpu.vector_load %arg8[%get3A_3178, %get3A_3179] {strides = array<i32>} : memref<56x64xf32, #tpu.memory_space<vmem>>, vector<1x16xf32>,
        %get3A_3181 = vector.shape_cast %get3A_3180 : vector<1x16xf32> to vector<16xf32>
        %add3A_3182 = arith.addf %get3A_3176, %get3A_3181 : vector<16xf32>
        %add3A_3183 = arith.constant 41 : i32
        %add3A_3184 = arith.addi %mul3A_37, %add3A_3183 : i32
        %swap3A_3185 = arith.index_cast %add3A_3184 : i32 to index
        %swap3A_3186 = arith.constant 16 : index
        %swap3A_3187 = tpu.vector_load %arg7[%swap3A_3185, %swap3A_3186] {strides = array<i32>} : memref<800x64xf32, #tpu.memory_space<vmem>>, vector<1x16xf32>,
        %swap3A_3188 = vector.shape_cast %swap3A_3187 : vector<1x16xf32> to vector<16xf32>
        %swap3A_3189 = vector.shape_cast %add3A_3182 : vector<16xf32> to vector<1x16xf32>
        tpu.vector_store %arg7[%swap3A_3185, %swap3A_3186], %swap3A_3189 {strides = array<i32>} : memref<800x64xf32, #tpu.memory_space<vmem>>, vector<1x16xf32>,
        %add3A_3190 = arith.constant 41 : i32
        %add3A_3191 = arith.addi %mul3A_37, %add3A_3190 : i32
        %get3A_3192 = arith.index_cast %add3A_3191 : i32 to index
        %get3A_3193 = arith.constant 32 : index
        %get3A_3194 = tpu.vector_load %arg7[%get3A_3192, %get3A_3193] {strides = array<i32>} : memref<800x64xf32, #tpu.memory_space<vmem>>, vector<1x16xf32>,
        %get3A_3195 = vector.shape_cast %get3A_3194 : vector<1x16xf32> to vector<16xf32>
        %get3A_3196 = arith.constant 41 : i32
        %get3A_3197 = arith.index_cast %get3A_3196 : i32 to index
        %get3A_3198 = arith.constant 32 : index
        %get3A_3199 = tpu.vector_load %arg8[%get3A_3197, %get3A_3198] {strides = array<i32>} : memref<56x64xf32, #tpu.memory_space<vmem>>, vector<1x16xf32>,
        %get3A_3200 = vector.shape_cast %get3A_3199 : vector<1x16xf32> to vector<16xf32>
        %add3A_3201 = arith.addf %get3A_3195, %get3A_3200 : vector<16xf32>
        %add3A_3202 = arith.constant 41 : i32
        %add3A_3203 = arith.addi %mul3A_37, %add3A_3202 : i32
        %swap3A_3204 = arith.index_cast %add3A_3203 : i32 to index
        %swap3A_3205 = arith.constant 32 : index
        %swap3A_3206 = tpu.vector_load %arg7[%swap3A_3204, %swap3A_3205] {strides = array<i32>} : memref<800x64xf32, #tpu.memory_space<vmem>>, vector<1x16xf32>,
        %swap3A_3207 = vector.shape_cast %swap3A_3206 : vector<1x16xf32> to vector<16xf32>
        %swap3A_3208 = vector.shape_cast %add3A_3201 : vector<16xf32> to vector<1x16xf32>
        tpu.vector_store %arg7[%swap3A_3204, %swap3A_3205], %swap3A_3208 {strides = array<i32>} : memref<800x64xf32, #tpu.memory_space<vmem>>, vector<1x16xf32>,
        %add3A_3209 = arith.constant 41 : i32
        %add3A_3210 = arith.addi %mul3A_37, %add3A_3209 : i32
        %get3A_3211 = arith.index_cast %add3A_3210 : i32 to index
        %get3A_3212 = arith.constant 48 : index
        %get3A_3213 = tpu.vector_load %arg7[%get3A_3211, %get3A_3212] {strides = array<i32>} : memref<800x64xf32, #tpu.memory_space<vmem>>, vector<1x16xf32>,
        %get3A_3214 = vector.shape_cast %get3A_3213 : vector<1x16xf32> to vector<16xf32>
        %get3A_3215 = arith.constant 41 : i32
        %get3A_3216 = arith.index_cast %get3A_3215 : i32 to index
        %get3A_3217 = arith.constant 48 : index
        %get3A_3218 = tpu.vector_load %arg8[%get3A_3216, %get3A_3217] {strides = array<i32>} : memref<56x64xf32, #tpu.memory_space<vmem>>, vector<1x16xf32>,
        %get3A_3219 = vector.shape_cast %get3A_3218 : vector<1x16xf32> to vector<16xf32>
        %add3A_3220 = arith.addf %get3A_3214, %get3A_3219 : vector<16xf32>
        %add3A_3221 = arith.constant 41 : i32
        %add3A_3222 = arith.addi %mul3A_37, %add3A_3221 : i32
        %swap3A_3223 = arith.index_cast %add3A_3222 : i32 to index
        %swap3A_3224 = arith.constant 48 : index
        %swap3A_3225 = tpu.vector_load %arg7[%swap3A_3223, %swap3A_3224] {strides = array<i32>} : memref<800x64xf32, #tpu.memory_space<vmem>>, vector<1x16xf32>,
        %swap3A_3226 = vector.shape_cast %swap3A_3225 : vector<1x16xf32> to vector<16xf32>
        %swap3A_3227 = vector.shape_cast %add3A_3220 : vector<16xf32> to vector<1x16xf32>
        tpu.vector_store %arg7[%swap3A_3223, %swap3A_3224], %swap3A_3227 {strides = array<i32>} : memref<800x64xf32, #tpu.memory_space<vmem>>, vector<1x16xf32>,
        %add3A_3228 = arith.constant 42 : i32
        %add3A_3229 = arith.addi %mul3A_37, %add3A_3228 : i32
        %get3A_3230 = arith.index_cast %add3A_3229 : i32 to index
        %get3A_3231 = arith.constant 0 : index
        %get3A_3232 = tpu.vector_load %arg7[%get3A_3230, %get3A_3231] {strides = array<i32>} : memref<800x64xf32, #tpu.memory_space<vmem>>, vector<1x16xf32>,
        %get3A_3233 = vector.shape_cast %get3A_3232 : vector<1x16xf32> to vector<16xf32>
        %get3A_3234 = arith.constant 42 : i32
        %get3A_3235 = arith.index_cast %get3A_3234 : i32 to index
        %get3A_3236 = arith.constant 0 : index
        %get3A_3237 = tpu.vector_load %arg8[%get3A_3235, %get3A_3236] {strides = array<i32>} : memref<56x64xf32, #tpu.memory_space<vmem>>, vector<1x16xf32>,
        %get3A_3238 = vector.shape_cast %get3A_3237 : vector<1x16xf32> to vector<16xf32>
        %add3A_3239 = arith.addf %get3A_3233, %get3A_3238 : vector<16xf32>
        %add3A_3240 = arith.constant 42 : i32
        %add3A_3241 = arith.addi %mul3A_37, %add3A_3240 : i32
        %swap3A_3242 = arith.index_cast %add3A_3241 : i32 to index
        %swap3A_3243 = arith.constant 0 : index
        %swap3A_3244 = tpu.vector_load %arg7[%swap3A_3242, %swap3A_3243] {strides = array<i32>} : memref<800x64xf32, #tpu.memory_space<vmem>>, vector<1x16xf32>,
        %swap3A_3245 = vector.shape_cast %swap3A_3244 : vector<1x16xf32> to vector<16xf32>
        %swap3A_3246 = vector.shape_cast %add3A_3239 : vector<16xf32> to vector<1x16xf32>
        tpu.vector_store %arg7[%swap3A_3242, %swap3A_3243], %swap3A_3246 {strides = array<i32>} : memref<800x64xf32, #tpu.memory_space<vmem>>, vector<1x16xf32>,
        %add3A_3247 = arith.constant 42 : i32
        %add3A_3248 = arith.addi %mul3A_37, %add3A_3247 : i32
        %get3A_3249 = arith.index_cast %add3A_3248 : i32 to index
        %get3A_3250 = arith.constant 16 : index
        %get3A_3251 = tpu.vector_load %arg7[%get3A_3249, %get3A_3250] {strides = array<i32>} : memref<800x64xf32, #tpu.memory_space<vmem>>, vector<1x16xf32>,
        %get3A_3252 = vector.shape_cast %get3A_3251 : vector<1x16xf32> to vector<16xf32>
        %get3A_3253 = arith.constant 42 : i32
        %get3A_3254 = arith.index_cast %get3A_3253 : i32 to index
        %get3A_3255 = arith.constant 16 : index
        %get3A_3256 = tpu.vector_load %arg8[%get3A_3254, %get3A_3255] {strides = array<i32>} : memref<56x64xf32, #tpu.memory_space<vmem>>, vector<1x16xf32>,
        %get3A_3257 = vector.shape_cast %get3A_3256 : vector<1x16xf32> to vector<16xf32>
        %add3A_3258 = arith.addf %get3A_3252, %get3A_3257 : vector<16xf32>
        %add3A_3259 = arith.constant 42 : i32
        %add3A_3260 = arith.addi %mul3A_37, %add3A_3259 : i32
        %swap3A_3261 = arith.index_cast %add3A_3260 : i32 to index
        %swap3A_3262 = arith.constant 16 : index
        %swap3A_3263 = tpu.vector_load %arg7[%swap3A_3261, %swap3A_3262] {strides = array<i32>} : memref<800x64xf32, #tpu.memory_space<vmem>>, vector<1x16xf32>,
        %swap3A_3264 = vector.shape_cast %swap3A_3263 : vector<1x16xf32> to vector<16xf32>
        %swap3A_3265 = vector.shape_cast %add3A_3258 : vector<16xf32> to vector<1x16xf32>
        tpu.vector_store %arg7[%swap3A_3261, %swap3A_3262], %swap3A_3265 {strides = array<i32>} : memref<800x64xf32, #tpu.memory_space<vmem>>, vector<1x16xf32>,
        %add3A_3266 = arith.constant 42 : i32
        %add3A_3267 = arith.addi %mul3A_37, %add3A_3266 : i32
        %get3A_3268 = arith.index_cast %add3A_3267 : i32 to index
        %get3A_3269 = arith.constant 32 : index
        %get3A_3270 = tpu.vector_load %arg7[%get3A_3268, %get3A_3269] {strides = array<i32>} : memref<800x64xf32, #tpu.memory_space<vmem>>, vector<1x16xf32>,
        %get3A_3271 = vector.shape_cast %get3A_3270 : vector<1x16xf32> to vector<16xf32>
        %get3A_3272 = arith.constant 42 : i32
        %get3A_3273 = arith.index_cast %get3A_3272 : i32 to index
        %get3A_3274 = arith.constant 32 : index
        %get3A_3275 = tpu.vector_load %arg8[%get3A_3273, %get3A_3274] {strides = array<i32>} : memref<56x64xf32, #tpu.memory_space<vmem>>, vector<1x16xf32>,
        %get3A_3276 = vector.shape_cast %get3A_3275 : vector<1x16xf32> to vector<16xf32>
        %add3A_3277 = arith.addf %get3A_3271, %get3A_3276 : vector<16xf32>
        %add3A_3278 = arith.constant 42 : i32
        %add3A_3279 = arith.addi %mul3A_37, %add3A_3278 : i32
        %swap3A_3280 = arith.index_cast %add3A_3279 : i32 to index
        %swap3A_3281 = arith.constant 32 : index
        %swap3A_3282 = tpu.vector_load %arg7[%swap3A_3280, %swap3A_3281] {strides = array<i32>} : memref<800x64xf32, #tpu.memory_space<vmem>>, vector<1x16xf32>,
        %swap3A_3283 = vector.shape_cast %swap3A_3282 : vector<1x16xf32> to vector<16xf32>
        %swap3A_3284 = vector.shape_cast %add3A_3277 : vector<16xf32> to vector<1x16xf32>
        tpu.vector_store %arg7[%swap3A_3280, %swap3A_3281], %swap3A_3284 {strides = array<i32>} : memref<800x64xf32, #tpu.memory_space<vmem>>, vector<1x16xf32>,
        %add3A_3285 = arith.constant 42 : i32
        %add3A_3286 = arith.addi %mul3A_37, %add3A_3285 : i32
        %get3A_3287 = arith.index_cast %add3A_3286 : i32 to index
        %get3A_3288 = arith.constant 48 : index
        %get3A_3289 = tpu.vector_load %arg7[%get3A_3287, %get3A_3288] {strides = array<i32>} : memref<800x64xf32, #tpu.memory_space<vmem>>, vector<1x16xf32>,
        %get3A_3290 = vector.shape_cast %get3A_3289 : vector<1x16xf32> to vector<16xf32>
        %get3A_3291 = arith.constant 42 : i32
        %get3A_3292 = arith.index_cast %get3A_3291 : i32 to index
        %get3A_3293 = arith.constant 48 : index
        %get3A_3294 = tpu.vector_load %arg8[%get3A_3292, %get3A_3293] {strides = array<i32>} : memref<56x64xf32, #tpu.memory_space<vmem>>, vector<1x16xf32>,
        %get3A_3295 = vector.shape_cast %get3A_3294 : vector<1x16xf32> to vector<16xf32>
        %add3A_3296 = arith.addf %get3A_3290, %get3A_3295 : vector<16xf32>
        %add3A_3297 = arith.constant 42 : i32
        %add3A_3298 = arith.addi %mul3A_37, %add3A_3297 : i32
        %swap3A_3299 = arith.index_cast %add3A_3298 : i32 to index
        %swap3A_3300 = arith.constant 48 : index
        %swap3A_3301 = tpu.vector_load %arg7[%swap3A_3299, %swap3A_3300] {strides = array<i32>} : memref<800x64xf32, #tpu.memory_space<vmem>>, vector<1x16xf32>,
        %swap3A_3302 = vector.shape_cast %swap3A_3301 : vector<1x16xf32> to vector<16xf32>
        %swap3A_3303 = vector.shape_cast %add3A_3296 : vector<16xf32> to vector<1x16xf32>
        tpu.vector_store %arg7[%swap3A_3299, %swap3A_3300], %swap3A_3303 {strides = array<i32>} : memref<800x64xf32, #tpu.memory_space<vmem>>, vector<1x16xf32>,
        %add3A_3304 = arith.constant 43 : i32
        %add3A_3305 = arith.addi %mul3A_37, %add3A_3304 : i32
        %get3A_3306 = arith.index_cast %add3A_3305 : i32 to index
        %get3A_3307 = arith.constant 0 : index
        %get3A_3308 = tpu.vector_load %arg7[%get3A_3306, %get3A_3307] {strides = array<i32>} : memref<800x64xf32, #tpu.memory_space<vmem>>, vector<1x16xf32>,
        %get3A_3309 = vector.shape_cast %get3A_3308 : vector<1x16xf32> to vector<16xf32>
        %get3A_3310 = arith.constant 43 : i32
        %get3A_3311 = arith.index_cast %get3A_3310 : i32 to index
        %get3A_3312 = arith.constant 0 : index
        %get3A_3313 = tpu.vector_load %arg8[%get3A_3311, %get3A_3312] {strides = array<i32>} : memref<56x64xf32, #tpu.memory_space<vmem>>, vector<1x16xf32>,
        %get3A_3314 = vector.shape_cast %get3A_3313 : vector<1x16xf32> to vector<16xf32>
        %add3A_3315 = arith.addf %get3A_3309, %get3A_3314 : vector<16xf32>
        %add3A_3316 = arith.constant 43 : i32
        %add3A_3317 = arith.addi %mul3A_37, %add3A_3316 : i32
        %swap3A_3318 = arith.index_cast %add3A_3317 : i32 to index
        %swap3A_3319 = arith.constant 0 : index
        %swap3A_3320 = tpu.vector_load %arg7[%swap3A_3318, %swap3A_3319] {strides = array<i32>} : memref<800x64xf32, #tpu.memory_space<vmem>>, vector<1x16xf32>,
        %swap3A_3321 = vector.shape_cast %swap3A_3320 : vector<1x16xf32> to vector<16xf32>
        %swap3A_3322 = vector.shape_cast %add3A_3315 : vector<16xf32> to vector<1x16xf32>
        tpu.vector_store %arg7[%swap3A_3318, %swap3A_3319], %swap3A_3322 {strides = array<i32>} : memref<800x64xf32, #tpu.memory_space<vmem>>, vector<1x16xf32>,
        %add3A_3323 = arith.constant 43 : i32
        %add3A_3324 = arith.addi %mul3A_37, %add3A_3323 : i32
        %get3A_3325 = arith.index_cast %add3A_3324 : i32 to index
        %get3A_3326 = arith.constant 16 : index
        %get3A_3327 = tpu.vector_load %arg7[%get3A_3325, %get3A_3326] {strides = array<i32>} : memref<800x64xf32, #tpu.memory_space<vmem>>, vector<1x16xf32>,
        %get3A_3328 = vector.shape_cast %get3A_3327 : vector<1x16xf32> to vector<16xf32>
        %get3A_3329 = arith.constant 43 : i32
        %get3A_3330 = arith.index_cast %get3A_3329 : i32 to index
        %get3A_3331 = arith.constant 16 : index
        %get3A_3332 = tpu.vector_load %arg8[%get3A_3330, %get3A_3331] {strides = array<i32>} : memref<56x64xf32, #tpu.memory_space<vmem>>, vector<1x16xf32>,
        %get3A_3333 = vector.shape_cast %get3A_3332 : vector<1x16xf32> to vector<16xf32>
        %add3A_3334 = arith.addf %get3A_3328, %get3A_3333 : vector<16xf32>
        %add3A_3335 = arith.constant 43 : i32
        %add3A_3336 = arith.addi %mul3A_37, %add3A_3335 : i32
        %swap3A_3337 = arith.index_cast %add3A_3336 : i32 to index
        %swap3A_3338 = arith.constant 16 : index
        %swap3A_3339 = tpu.vector_load %arg7[%swap3A_3337, %swap3A_3338] {strides = array<i32>} : memref<800x64xf32, #tpu.memory_space<vmem>>, vector<1x16xf32>,
        %swap3A_3340 = vector.shape_cast %swap3A_3339 : vector<1x16xf32> to vector<16xf32>
        %swap3A_3341 = vector.shape_cast %add3A_3334 : vector<16xf32> to vector<1x16xf32>
        tpu.vector_store %arg7[%swap3A_3337, %swap3A_3338], %swap3A_3341 {strides = array<i32>} : memref<800x64xf32, #tpu.memory_space<vmem>>, vector<1x16xf32>,
        %add3A_3342 = arith.constant 43 : i32
        %add3A_3343 = arith.addi %mul3A_37, %add3A_3342 : i32
        %get3A_3344 = arith.index_cast %add3A_3343 : i32 to index
        %get3A_3345 = arith.constant 32 : index
        %get3A_3346 = tpu.vector_load %arg7[%get3A_3344, %get3A_3345] {strides = array<i32>} : memref<800x64xf32, #tpu.memory_space<vmem>>, vector<1x16xf32>,
        %get3A_3347 = vector.shape_cast %get3A_3346 : vector<1x16xf32> to vector<16xf32>
        %get3A_3348 = arith.constant 43 : i32
        %get3A_3349 = arith.index_cast %get3A_3348 : i32 to index
        %get3A_3350 = arith.constant 32 : index
        %get3A_3351 = tpu.vector_load %arg8[%get3A_3349, %get3A_3350] {strides = array<i32>} : memref<56x64xf32, #tpu.memory_space<vmem>>, vector<1x16xf32>,
        %get3A_3352 = vector.shape_cast %get3A_3351 : vector<1x16xf32> to vector<16xf32>
        %add3A_3353 = arith.addf %get3A_3347, %get3A_3352 : vector<16xf32>
        %add3A_3354 = arith.constant 43 : i32
        %add3A_3355 = arith.addi %mul3A_37, %add3A_3354 : i32
        %swap3A_3356 = arith.index_cast %add3A_3355 : i32 to index
        %swap3A_3357 = arith.constant 32 : index
        %swap3A_3358 = tpu.vector_load %arg7[%swap3A_3356, %swap3A_3357] {strides = array<i32>} : memref<800x64xf32, #tpu.memory_space<vmem>>, vector<1x16xf32>,
        %swap3A_3359 = vector.shape_cast %swap3A_3358 : vector<1x16xf32> to vector<16xf32>
        %swap3A_3360 = vector.shape_cast %add3A_3353 : vector<16xf32> to vector<1x16xf32>
        tpu.vector_store %arg7[%swap3A_3356, %swap3A_3357], %swap3A_3360 {strides = array<i32>} : memref<800x64xf32, #tpu.memory_space<vmem>>, vector<1x16xf32>,
        %add3A_3361 = arith.constant 43 : i32
        %add3A_3362 = arith.addi %mul3A_37, %add3A_3361 : i32
        %get3A_3363 = arith.index_cast %add3A_3362 : i32 to index
        %get3A_3364 = arith.constant 48 : index
        %get3A_3365 = tpu.vector_load %arg7[%get3A_3363, %get3A_3364] {strides = array<i32>} : memref<800x64xf32, #tpu.memory_space<vmem>>, vector<1x16xf32>,
        %get3A_3366 = vector.shape_cast %get3A_3365 : vector<1x16xf32> to vector<16xf32>
        %get3A_3367 = arith.constant 43 : i32
        %get3A_3368 = arith.index_cast %get3A_3367 : i32 to index
        %get3A_3369 = arith.constant 48 : index
        %get3A_3370 = tpu.vector_load %arg8[%get3A_3368, %get3A_3369] {strides = array<i32>} : memref<56x64xf32, #tpu.memory_space<vmem>>, vector<1x16xf32>,
        %get3A_3371 = vector.shape_cast %get3A_3370 : vector<1x16xf32> to vector<16xf32>
        %add3A_3372 = arith.addf %get3A_3366, %get3A_3371 : vector<16xf32>
        %add3A_3373 = arith.constant 43 : i32
        %add3A_3374 = arith.addi %mul3A_37, %add3A_3373 : i32
        %swap3A_3375 = arith.index_cast %add3A_3374 : i32 to index
        %swap3A_3376 = arith.constant 48 : index
        %swap3A_3377 = tpu.vector_load %arg7[%swap3A_3375, %swap3A_3376] {strides = array<i32>} : memref<800x64xf32, #tpu.memory_space<vmem>>, vector<1x16xf32>,
        %swap3A_3378 = vector.shape_cast %swap3A_3377 : vector<1x16xf32> to vector<16xf32>
        %swap3A_3379 = vector.shape_cast %add3A_3372 : vector<16xf32> to vector<1x16xf32>
        tpu.vector_store %arg7[%swap3A_3375, %swap3A_3376], %swap3A_3379 {strides = array<i32>} : memref<800x64xf32, #tpu.memory_space<vmem>>, vector<1x16xf32>,
        %add3A_3380 = arith.constant 44 : i32
        %add3A_3381 = arith.addi %mul3A_37, %add3A_3380 : i32
        %get3A_3382 = arith.index_cast %add3A_3381 : i32 to index
        %get3A_3383 = arith.constant 0 : index
        %get3A_3384 = tpu.vector_load %arg7[%get3A_3382, %get3A_3383] {strides = array<i32>} : memref<800x64xf32, #tpu.memory_space<vmem>>, vector<1x16xf32>,
        %get3A_3385 = vector.shape_cast %get3A_3384 : vector<1x16xf32> to vector<16xf32>
        %get3A_3386 = arith.constant 44 : i32
        %get3A_3387 = arith.index_cast %get3A_3386 : i32 to index
        %get3A_3388 = arith.constant 0 : index
        %get3A_3389 = tpu.vector_load %arg8[%get3A_3387, %get3A_3388] {strides = array<i32>} : memref<56x64xf32, #tpu.memory_space<vmem>>, vector<1x16xf32>,
        %get3A_3390 = vector.shape_cast %get3A_3389 : vector<1x16xf32> to vector<16xf32>
        %add3A_3391 = arith.addf %get3A_3385, %get3A_3390 : vector<16xf32>
        %add3A_3392 = arith.constant 44 : i32
        %add3A_3393 = arith.addi %mul3A_37, %add3A_3392 : i32
        %swap3A_3394 = arith.index_cast %add3A_3393 : i32 to index
        %swap3A_3395 = arith.constant 0 : index
        %swap3A_3396 = tpu.vector_load %arg7[%swap3A_3394, %swap3A_3395] {strides = array<i32>} : memref<800x64xf32, #tpu.memory_space<vmem>>, vector<1x16xf32>,
        %swap3A_3397 = vector.shape_cast %swap3A_3396 : vector<1x16xf32> to vector<16xf32>
        %swap3A_3398 = vector.shape_cast %add3A_3391 : vector<16xf32> to vector<1x16xf32>
        tpu.vector_store %arg7[%swap3A_3394, %swap3A_3395], %swap3A_3398 {strides = array<i32>} : memref<800x64xf32, #tpu.memory_space<vmem>>, vector<1x16xf32>,
        %add3A_3399 = arith.constant 44 : i32
        %add3A_3400 = arith.addi %mul3A_37, %add3A_3399 : i32
        %get3A_3401 = arith.index_cast %add3A_3400 : i32 to index
        %get3A_3402 = arith.constant 16 : index
        %get3A_3403 = tpu.vector_load %arg7[%get3A_3401, %get3A_3402] {strides = array<i32>} : memref<800x64xf32, #tpu.memory_space<vmem>>, vector<1x16xf32>,
        %get3A_3404 = vector.shape_cast %get3A_3403 : vector<1x16xf32> to vector<16xf32>
        %get3A_3405 = arith.constant 44 : i32
        %get3A_3406 = arith.index_cast %get3A_3405 : i32 to index
        %get3A_3407 = arith.constant 16 : index
        %get3A_3408 = tpu.vector_load %arg8[%get3A_3406, %get3A_3407] {strides = array<i32>} : memref<56x64xf32, #tpu.memory_space<vmem>>, vector<1x16xf32>,
        %get3A_3409 = vector.shape_cast %get3A_3408 : vector<1x16xf32> to vector<16xf32>
        %add3A_3410 = arith.addf %get3A_3404, %get3A_3409 : vector<16xf32>
        %add3A_3411 = arith.constant 44 : i32
        %add3A_3412 = arith.addi %mul3A_37, %add3A_3411 : i32
        %swap3A_3413 = arith.index_cast %add3A_3412 : i32 to index
        %swap3A_3414 = arith.constant 16 : index
        %swap3A_3415 = tpu.vector_load %arg7[%swap3A_3413, %swap3A_3414] {strides = array<i32>} : memref<800x64xf32, #tpu.memory_space<vmem>>, vector<1x16xf32>,
        %swap3A_3416 = vector.shape_cast %swap3A_3415 : vector<1x16xf32> to vector<16xf32>
        %swap3A_3417 = vector.shape_cast %add3A_3410 : vector<16xf32> to vector<1x16xf32>
        tpu.vector_store %arg7[%swap3A_3413, %swap3A_3414], %swap3A_3417 {strides = array<i32>} : memref<800x64xf32, #tpu.memory_space<vmem>>, vector<1x16xf32>,
        %add3A_3418 = arith.constant 44 : i32
        %add3A_3419 = arith.addi %mul3A_37, %add3A_3418 : i32
        %get3A_3420 = arith.index_cast %add3A_3419 : i32 to index
        %get3A_3421 = arith.constant 32 : index
        %get3A_3422 = tpu.vector_load %arg7[%get3A_3420, %get3A_3421] {strides = array<i32>} : memref<800x64xf32, #tpu.memory_space<vmem>>, vector<1x16xf32>,
        %get3A_3423 = vector.shape_cast %get3A_3422 : vector<1x16xf32> to vector<16xf32>
        %get3A_3424 = arith.constant 44 : i32
        %get3A_3425 = arith.index_cast %get3A_3424 : i32 to index
        %get3A_3426 = arith.constant 32 : index
        %get3A_3427 = tpu.vector_load %arg8[%get3A_3425, %get3A_3426] {strides = array<i32>} : memref<56x64xf32, #tpu.memory_space<vmem>>, vector<1x16xf32>,
        %get3A_3428 = vector.shape_cast %get3A_3427 : vector<1x16xf32> to vector<16xf32>
        %add3A_3429 = arith.addf %get3A_3423, %get3A_3428 : vector<16xf32>
        %add3A_3430 = arith.constant 44 : i32
        %add3A_3431 = arith.addi %mul3A_37, %add3A_3430 : i32
        %swap3A_3432 = arith.index_cast %add3A_3431 : i32 to index
        %swap3A_3433 = arith.constant 32 : index
        %swap3A_3434 = tpu.vector_load %arg7[%swap3A_3432, %swap3A_3433] {strides = array<i32>} : memref<800x64xf32, #tpu.memory_space<vmem>>, vector<1x16xf32>,
        %swap3A_3435 = vector.shape_cast %swap3A_3434 : vector<1x16xf32> to vector<16xf32>
        %swap3A_3436 = vector.shape_cast %add3A_3429 : vector<16xf32> to vector<1x16xf32>
        tpu.vector_store %arg7[%swap3A_3432, %swap3A_3433], %swap3A_3436 {strides = array<i32>} : memref<800x64xf32, #tpu.memory_space<vmem>>, vector<1x16xf32>,
        %add3A_3437 = arith.constant 44 : i32
        %add3A_3438 = arith.addi %mul3A_37, %add3A_3437 : i32
        %get3A_3439 = arith.index_cast %add3A_3438 : i32 to index
        %get3A_3440 = arith.constant 48 : index
        %get3A_3441 = tpu.vector_load %arg7[%get3A_3439, %get3A_3440] {strides = array<i32>} : memref<800x64xf32, #tpu.memory_space<vmem>>, vector<1x16xf32>,
        %get3A_3442 = vector.shape_cast %get3A_3441 : vector<1x16xf32> to vector<16xf32>
        %get3A_3443 = arith.constant 44 : i32
        %get3A_3444 = arith.index_cast %get3A_3443 : i32 to index
        %get3A_3445 = arith.constant 48 : index
        %get3A_3446 = tpu.vector_load %arg8[%get3A_3444, %get3A_3445] {strides = array<i32>} : memref<56x64xf32, #tpu.memory_space<vmem>>, vector<1x16xf32>,
        %get3A_3447 = vector.shape_cast %get3A_3446 : vector<1x16xf32> to vector<16xf32>
        %add3A_3448 = arith.addf %get3A_3442, %get3A_3447 : vector<16xf32>
        %add3A_3449 = arith.constant 44 : i32
        %add3A_3450 = arith.addi %mul3A_37, %add3A_3449 : i32
        %swap3A_3451 = arith.index_cast %add3A_3450 : i32 to index
        %swap3A_3452 = arith.constant 48 : index
        %swap3A_3453 = tpu.vector_load %arg7[%swap3A_3451, %swap3A_3452] {strides = array<i32>} : memref<800x64xf32, #tpu.memory_space<vmem>>, vector<1x16xf32>,
        %swap3A_3454 = vector.shape_cast %swap3A_3453 : vector<1x16xf32> to vector<16xf32>
        %swap3A_3455 = vector.shape_cast %add3A_3448 : vector<16xf32> to vector<1x16xf32>
        tpu.vector_store %arg7[%swap3A_3451, %swap3A_3452], %swap3A_3455 {strides = array<i32>} : memref<800x64xf32, #tpu.memory_space<vmem>>, vector<1x16xf32>,
        %add3A_3456 = arith.constant 45 : i32
        %add3A_3457 = arith.addi %mul3A_37, %add3A_3456 : i32
        %get3A_3458 = arith.index_cast %add3A_3457 : i32 to index
        %get3A_3459 = arith.constant 0 : index
        %get3A_3460 = tpu.vector_load %arg7[%get3A_3458, %get3A_3459] {strides = array<i32>} : memref<800x64xf32, #tpu.memory_space<vmem>>, vector<1x16xf32>,
        %get3A_3461 = vector.shape_cast %get3A_3460 : vector<1x16xf32> to vector<16xf32>
        %get3A_3462 = arith.constant 45 : i32
        %get3A_3463 = arith.index_cast %get3A_3462 : i32 to index
        %get3A_3464 = arith.constant 0 : index
        %get3A_3465 = tpu.vector_load %arg8[%get3A_3463, %get3A_3464] {strides = array<i32>} : memref<56x64xf32, #tpu.memory_space<vmem>>, vector<1x16xf32>,
        %get3A_3466 = vector.shape_cast %get3A_3465 : vector<1x16xf32> to vector<16xf32>
        %add3A_3467 = arith.addf %get3A_3461, %get3A_3466 : vector<16xf32>
        %add3A_3468 = arith.constant 45 : i32
        %add3A_3469 = arith.addi %mul3A_37, %add3A_3468 : i32
        %swap3A_3470 = arith.index_cast %add3A_3469 : i32 to index
        %swap3A_3471 = arith.constant 0 : index
        %swap3A_3472 = tpu.vector_load %arg7[%swap3A_3470, %swap3A_3471] {strides = array<i32>} : memref<800x64xf32, #tpu.memory_space<vmem>>, vector<1x16xf32>,
        %swap3A_3473 = vector.shape_cast %swap3A_3472 : vector<1x16xf32> to vector<16xf32>
        %swap3A_3474 = vector.shape_cast %add3A_3467 : vector<16xf32> to vector<1x16xf32>
        tpu.vector_store %arg7[%swap3A_3470, %swap3A_3471], %swap3A_3474 {strides = array<i32>} : memref<800x64xf32, #tpu.memory_space<vmem>>, vector<1x16xf32>,
        %add3A_3475 = arith.constant 45 : i32
        %add3A_3476 = arith.addi %mul3A_37, %add3A_3475 : i32
        %get3A_3477 = arith.index_cast %add3A_3476 : i32 to index
        %get3A_3478 = arith.constant 16 : index
        %get3A_3479 = tpu.vector_load %arg7[%get3A_3477, %get3A_3478] {strides = array<i32>} : memref<800x64xf32, #tpu.memory_space<vmem>>, vector<1x16xf32>,
        %get3A_3480 = vector.shape_cast %get3A_3479 : vector<1x16xf32> to vector<16xf32>
        %get3A_3481 = arith.constant 45 : i32
        %get3A_3482 = arith.index_cast %get3A_3481 : i32 to index
        %get3A_3483 = arith.constant 16 : index
        %get3A_3484 = tpu.vector_load %arg8[%get3A_3482, %get3A_3483] {strides = array<i32>} : memref<56x64xf32, #tpu.memory_space<vmem>>, vector<1x16xf32>,
        %get3A_3485 = vector.shape_cast %get3A_3484 : vector<1x16xf32> to vector<16xf32>
        %add3A_3486 = arith.addf %get3A_3480, %get3A_3485 : vector<16xf32>
        %add3A_3487 = arith.constant 45 : i32
        %add3A_3488 = arith.addi %mul3A_37, %add3A_3487 : i32
        %swap3A_3489 = arith.index_cast %add3A_3488 : i32 to index
        %swap3A_3490 = arith.constant 16 : index
        %swap3A_3491 = tpu.vector_load %arg7[%swap3A_3489, %swap3A_3490] {strides = array<i32>} : memref<800x64xf32, #tpu.memory_space<vmem>>, vector<1x16xf32>,
        %swap3A_3492 = vector.shape_cast %swap3A_3491 : vector<1x16xf32> to vector<16xf32>
        %swap3A_3493 = vector.shape_cast %add3A_3486 : vector<16xf32> to vector<1x16xf32>
        tpu.vector_store %arg7[%swap3A_3489, %swap3A_3490], %swap3A_3493 {strides = array<i32>} : memref<800x64xf32, #tpu.memory_space<vmem>>, vector<1x16xf32>,
        %add3A_3494 = arith.constant 45 : i32
        %add3A_3495 = arith.addi %mul3A_37, %add3A_3494 : i32
        %get3A_3496 = arith.index_cast %add3A_3495 : i32 to index
        %get3A_3497 = arith.constant 32 : index
        %get3A_3498 = tpu.vector_load %arg7[%get3A_3496, %get3A_3497] {strides = array<i32>} : memref<800x64xf32, #tpu.memory_space<vmem>>, vector<1x16xf32>,
        %get3A_3499 = vector.shape_cast %get3A_3498 : vector<1x16xf32> to vector<16xf32>
        %get3A_3500 = arith.constant 45 : i32
        %get3A_3501 = arith.index_cast %get3A_3500 : i32 to index
        %get3A_3502 = arith.constant 32 : index
        %get3A_3503 = tpu.vector_load %arg8[%get3A_3501, %get3A_3502] {strides = array<i32>} : memref<56x64xf32, #tpu.memory_space<vmem>>, vector<1x16xf32>,
        %get3A_3504 = vector.shape_cast %get3A_3503 : vector<1x16xf32> to vector<16xf32>
        %add3A_3505 = arith.addf %get3A_3499, %get3A_3504 : vector<16xf32>
        %add3A_3506 = arith.constant 45 : i32
        %add3A_3507 = arith.addi %mul3A_37, %add3A_3506 : i32
        %swap3A_3508 = arith.index_cast %add3A_3507 : i32 to index
        %swap3A_3509 = arith.constant 32 : index
        %swap3A_3510 = tpu.vector_load %arg7[%swap3A_3508, %swap3A_3509] {strides = array<i32>} : memref<800x64xf32, #tpu.memory_space<vmem>>, vector<1x16xf32>,
        %swap3A_3511 = vector.shape_cast %swap3A_3510 : vector<1x16xf32> to vector<16xf32>
        %swap3A_3512 = vector.shape_cast %add3A_3505 : vector<16xf32> to vector<1x16xf32>
        tpu.vector_store %arg7[%swap3A_3508, %swap3A_3509], %swap3A_3512 {strides = array<i32>} : memref<800x64xf32, #tpu.memory_space<vmem>>, vector<1x16xf32>,
        %add3A_3513 = arith.constant 45 : i32
        %add3A_3514 = arith.addi %mul3A_37, %add3A_3513 : i32
        %get3A_3515 = arith.index_cast %add3A_3514 : i32 to index
        %get3A_3516 = arith.constant 48 : index
        %get3A_3517 = tpu.vector_load %arg7[%get3A_3515, %get3A_3516] {strides = array<i32>} : memref<800x64xf32, #tpu.memory_space<vmem>>, vector<1x16xf32>,
        %get3A_3518 = vector.shape_cast %get3A_3517 : vector<1x16xf32> to vector<16xf32>
        %get3A_3519 = arith.constant 45 : i32
        %get3A_3520 = arith.index_cast %get3A_3519 : i32 to index
        %get3A_3521 = arith.constant 48 : index
        %get3A_3522 = tpu.vector_load %arg8[%get3A_3520, %get3A_3521] {strides = array<i32>} : memref<56x64xf32, #tpu.memory_space<vmem>>, vector<1x16xf32>,
        %get3A_3523 = vector.shape_cast %get3A_3522 : vector<1x16xf32> to vector<16xf32>
        %add3A_3524 = arith.addf %get3A_3518, %get3A_3523 : vector<16xf32>
        %add3A_3525 = arith.constant 45 : i32
        %add3A_3526 = arith.addi %mul3A_37, %add3A_3525 : i32
        %swap3A_3527 = arith.index_cast %add3A_3526 : i32 to index
        %swap3A_3528 = arith.constant 48 : index
        %swap3A_3529 = tpu.vector_load %arg7[%swap3A_3527, %swap3A_3528] {strides = array<i32>} : memref<800x64xf32, #tpu.memory_space<vmem>>, vector<1x16xf32>,
        %swap3A_3530 = vector.shape_cast %swap3A_3529 : vector<1x16xf32> to vector<16xf32>
        %swap3A_3531 = vector.shape_cast %add3A_3524 : vector<16xf32> to vector<1x16xf32>
        tpu.vector_store %arg7[%swap3A_3527, %swap3A_3528], %swap3A_3531 {strides = array<i32>} : memref<800x64xf32, #tpu.memory_space<vmem>>, vector<1x16xf32>,
        %add3A_3532 = arith.constant 46 : i32
        %add3A_3533 = arith.addi %mul3A_37, %add3A_3532 : i32
        %get3A_3534 = arith.index_cast %add3A_3533 : i32 to index
        %get3A_3535 = arith.constant 0 : index
        %get3A_3536 = tpu.vector_load %arg7[%get3A_3534, %get3A_3535] {strides = array<i32>} : memref<800x64xf32, #tpu.memory_space<vmem>>, vector<1x16xf32>,
        %get3A_3537 = vector.shape_cast %get3A_3536 : vector<1x16xf32> to vector<16xf32>
        %get3A_3538 = arith.constant 46 : i32
        %get3A_3539 = arith.index_cast %get3A_3538 : i32 to index
        %get3A_3540 = arith.constant 0 : index
        %get3A_3541 = tpu.vector_load %arg8[%get3A_3539, %get3A_3540] {strides = array<i32>} : memref<56x64xf32, #tpu.memory_space<vmem>>, vector<1x16xf32>,
        %get3A_3542 = vector.shape_cast %get3A_3541 : vector<1x16xf32> to vector<16xf32>
        %add3A_3543 = arith.addf %get3A_3537, %get3A_3542 : vector<16xf32>
        %add3A_3544 = arith.constant 46 : i32
        %add3A_3545 = arith.addi %mul3A_37, %add3A_3544 : i32
        %swap3A_3546 = arith.index_cast %add3A_3545 : i32 to index
        %swap3A_3547 = arith.constant 0 : index
        %swap3A_3548 = tpu.vector_load %arg7[%swap3A_3546, %swap3A_3547] {strides = array<i32>} : memref<800x64xf32, #tpu.memory_space<vmem>>, vector<1x16xf32>,
        %swap3A_3549 = vector.shape_cast %swap3A_3548 : vector<1x16xf32> to vector<16xf32>
        %swap3A_3550 = vector.shape_cast %add3A_3543 : vector<16xf32> to vector<1x16xf32>
        tpu.vector_store %arg7[%swap3A_3546, %swap3A_3547], %swap3A_3550 {strides = array<i32>} : memref<800x64xf32, #tpu.memory_space<vmem>>, vector<1x16xf32>,
        %add3A_3551 = arith.constant 46 : i32
        %add3A_3552 = arith.addi %mul3A_37, %add3A_3551 : i32
        %get3A_3553 = arith.index_cast %add3A_3552 : i32 to index
        %get3A_3554 = arith.constant 16 : index
        %get3A_3555 = tpu.vector_load %arg7[%get3A_3553, %get3A_3554] {strides = array<i32>} : memref<800x64xf32, #tpu.memory_space<vmem>>, vector<1x16xf32>,
        %get3A_3556 = vector.shape_cast %get3A_3555 : vector<1x16xf32> to vector<16xf32>
        %get3A_3557 = arith.constant 46 : i32
        %get3A_3558 = arith.index_cast %get3A_3557 : i32 to index
        %get3A_3559 = arith.constant 16 : index
        %get3A_3560 = tpu.vector_load %arg8[%get3A_3558, %get3A_3559] {strides = array<i32>} : memref<56x64xf32, #tpu.memory_space<vmem>>, vector<1x16xf32>,
        %get3A_3561 = vector.shape_cast %get3A_3560 : vector<1x16xf32> to vector<16xf32>
        %add3A_3562 = arith.addf %get3A_3556, %get3A_3561 : vector<16xf32>
        %add3A_3563 = arith.constant 46 : i32
        %add3A_3564 = arith.addi %mul3A_37, %add3A_3563 : i32
        %swap3A_3565 = arith.index_cast %add3A_3564 : i32 to index
        %swap3A_3566 = arith.constant 16 : index
        %swap3A_3567 = tpu.vector_load %arg7[%swap3A_3565, %swap3A_3566] {strides = array<i32>} : memref<800x64xf32, #tpu.memory_space<vmem>>, vector<1x16xf32>,
        %swap3A_3568 = vector.shape_cast %swap3A_3567 : vector<1x16xf32> to vector<16xf32>
        %swap3A_3569 = vector.shape_cast %add3A_3562 : vector<16xf32> to vector<1x16xf32>
        tpu.vector_store %arg7[%swap3A_3565, %swap3A_3566], %swap3A_3569 {strides = array<i32>} : memref<800x64xf32, #tpu.memory_space<vmem>>, vector<1x16xf32>,
        %add3A_3570 = arith.constant 46 : i32
        %add3A_3571 = arith.addi %mul3A_37, %add3A_3570 : i32
        %get3A_3572 = arith.index_cast %add3A_3571 : i32 to index
        %get3A_3573 = arith.constant 32 : index
        %get3A_3574 = tpu.vector_load %arg7[%get3A_3572, %get3A_3573] {strides = array<i32>} : memref<800x64xf32, #tpu.memory_space<vmem>>, vector<1x16xf32>,
        %get3A_3575 = vector.shape_cast %get3A_3574 : vector<1x16xf32> to vector<16xf32>
        %get3A_3576 = arith.constant 46 : i32
        %get3A_3577 = arith.index_cast %get3A_3576 : i32 to index
        %get3A_3578 = arith.constant 32 : index
        %get3A_3579 = tpu.vector_load %arg8[%get3A_3577, %get3A_3578] {strides = array<i32>} : memref<56x64xf32, #tpu.memory_space<vmem>>, vector<1x16xf32>,
        %get3A_3580 = vector.shape_cast %get3A_3579 : vector<1x16xf32> to vector<16xf32>
        %add3A_3581 = arith.addf %get3A_3575, %get3A_3580 : vector<16xf32>
        %add3A_3582 = arith.constant 46 : i32
        %add3A_3583 = arith.addi %mul3A_37, %add3A_3582 : i32
        %swap3A_3584 = arith.index_cast %add3A_3583 : i32 to index
        %swap3A_3585 = arith.constant 32 : index
        %swap3A_3586 = tpu.vector_load %arg7[%swap3A_3584, %swap3A_3585] {strides = array<i32>} : memref<800x64xf32, #tpu.memory_space<vmem>>, vector<1x16xf32>,
        %swap3A_3587 = vector.shape_cast %swap3A_3586 : vector<1x16xf32> to vector<16xf32>
        %swap3A_3588 = vector.shape_cast %add3A_3581 : vector<16xf32> to vector<1x16xf32>
        tpu.vector_store %arg7[%swap3A_3584, %swap3A_3585], %swap3A_3588 {strides = array<i32>} : memref<800x64xf32, #tpu.memory_space<vmem>>, vector<1x16xf32>,
        %add3A_3589 = arith.constant 46 : i32
        %add3A_3590 = arith.addi %mul3A_37, %add3A_3589 : i32
        %get3A_3591 = arith.index_cast %add3A_3590 : i32 to index
        %get3A_3592 = arith.constant 48 : index
        %get3A_3593 = tpu.vector_load %arg7[%get3A_3591, %get3A_3592] {strides = array<i32>} : memref<800x64xf32, #tpu.memory_space<vmem>>, vector<1x16xf32>,
        %get3A_3594 = vector.shape_cast %get3A_3593 : vector<1x16xf32> to vector<16xf32>
        %get3A_3595 = arith.constant 46 : i32
        %get3A_3596 = arith.index_cast %get3A_3595 : i32 to index
        %get3A_3597 = arith.constant 48 : index
        %get3A_3598 = tpu.vector_load %arg8[%get3A_3596, %get3A_3597] {strides = array<i32>} : memref<56x64xf32, #tpu.memory_space<vmem>>, vector<1x16xf32>,
        %get3A_3599 = vector.shape_cast %get3A_3598 : vector<1x16xf32> to vector<16xf32>
        %add3A_3600 = arith.addf %get3A_3594, %get3A_3599 : vector<16xf32>
        %add3A_3601 = arith.constant 46 : i32
        %add3A_3602 = arith.addi %mul3A_37, %add3A_3601 : i32
        %swap3A_3603 = arith.index_cast %add3A_3602 : i32 to index
        %swap3A_3604 = arith.constant 48 : index
        %swap3A_3605 = tpu.vector_load %arg7[%swap3A_3603, %swap3A_3604] {strides = array<i32>} : memref<800x64xf32, #tpu.memory_space<vmem>>, vector<1x16xf32>,
        %swap3A_3606 = vector.shape_cast %swap3A_3605 : vector<1x16xf32> to vector<16xf32>
        %swap3A_3607 = vector.shape_cast %add3A_3600 : vector<16xf32> to vector<1x16xf32>
        tpu.vector_store %arg7[%swap3A_3603, %swap3A_3604], %swap3A_3607 {strides = array<i32>} : memref<800x64xf32, #tpu.memory_space<vmem>>, vector<1x16xf32>,
        %add3A_3608 = arith.constant 47 : i32
        %add3A_3609 = arith.addi %mul3A_37, %add3A_3608 : i32
        %get3A_3610 = arith.index_cast %add3A_3609 : i32 to index
        %get3A_3611 = arith.constant 0 : index
        %get3A_3612 = tpu.vector_load %arg7[%get3A_3610, %get3A_3611] {strides = array<i32>} : memref<800x64xf32, #tpu.memory_space<vmem>>, vector<1x16xf32>,
        %get3A_3613 = vector.shape_cast %get3A_3612 : vector<1x16xf32> to vector<16xf32>
        %get3A_3614 = arith.constant 47 : i32
        %get3A_3615 = arith.index_cast %get3A_3614 : i32 to index
        %get3A_3616 = arith.constant 0 : index
        %get3A_3617 = tpu.vector_load %arg8[%get3A_3615, %get3A_3616] {strides = array<i32>} : memref<56x64xf32, #tpu.memory_space<vmem>>, vector<1x16xf32>,
        %get3A_3618 = vector.shape_cast %get3A_3617 : vector<1x16xf32> to vector<16xf32>
        %add3A_3619 = arith.addf %get3A_3613, %get3A_3618 : vector<16xf32>
        %add3A_3620 = arith.constant 47 : i32
        %add3A_3621 = arith.addi %mul3A_37, %add3A_3620 : i32
        %swap3A_3622 = arith.index_cast %add3A_3621 : i32 to index
        %swap3A_3623 = arith.constant 0 : index
        %swap3A_3624 = tpu.vector_load %arg7[%swap3A_3622, %swap3A_3623] {strides = array<i32>} : memref<800x64xf32, #tpu.memory_space<vmem>>, vector<1x16xf32>,
        %swap3A_3625 = vector.shape_cast %swap3A_3624 : vector<1x16xf32> to vector<16xf32>
        %swap3A_3626 = vector.shape_cast %add3A_3619 : vector<16xf32> to vector<1x16xf32>
        tpu.vector_store %arg7[%swap3A_3622, %swap3A_3623], %swap3A_3626 {strides = array<i32>} : memref<800x64xf32, #tpu.memory_space<vmem>>, vector<1x16xf32>,
        %add3A_3627 = arith.constant 47 : i32
        %add3A_3628 = arith.addi %mul3A_37, %add3A_3627 : i32
        %get3A_3629 = arith.index_cast %add3A_3628 : i32 to index
        %get3A_3630 = arith.constant 16 : index
        %get3A_3631 = tpu.vector_load %arg7[%get3A_3629, %get3A_3630] {strides = array<i32>} : memref<800x64xf32, #tpu.memory_space<vmem>>, vector<1x16xf32>,
        %get3A_3632 = vector.shape_cast %get3A_3631 : vector<1x16xf32> to vector<16xf32>
        %get3A_3633 = arith.constant 47 : i32
        %get3A_3634 = arith.index_cast %get3A_3633 : i32 to index
        %get3A_3635 = arith.constant 16 : index
        %get3A_3636 = tpu.vector_load %arg8[%get3A_3634, %get3A_3635] {strides = array<i32>} : memref<56x64xf32, #tpu.memory_space<vmem>>, vector<1x16xf32>,
        %get3A_3637 = vector.shape_cast %get3A_3636 : vector<1x16xf32> to vector<16xf32>
        %add3A_3638 = arith.addf %get3A_3632, %get3A_3637 : vector<16xf32>
        %add3A_3639 = arith.constant 47 : i32
        %add3A_3640 = arith.addi %mul3A_37, %add3A_3639 : i32
        %swap3A_3641 = arith.index_cast %add3A_3640 : i32 to index
        %swap3A_3642 = arith.constant 16 : index
        %swap3A_3643 = tpu.vector_load %arg7[%swap3A_3641, %swap3A_3642] {strides = array<i32>} : memref<800x64xf32, #tpu.memory_space<vmem>>, vector<1x16xf32>,
        %swap3A_3644 = vector.shape_cast %swap3A_3643 : vector<1x16xf32> to vector<16xf32>
        %swap3A_3645 = vector.shape_cast %add3A_3638 : vector<16xf32> to vector<1x16xf32>
        tpu.vector_store %arg7[%swap3A_3641, %swap3A_3642], %swap3A_3645 {strides = array<i32>} : memref<800x64xf32, #tpu.memory_space<vmem>>, vector<1x16xf32>,
        %add3A_3646 = arith.constant 47 : i32
        %add3A_3647 = arith.addi %mul3A_37, %add3A_3646 : i32
        %get3A_3648 = arith.index_cast %add3A_3647 : i32 to index
        %get3A_3649 = arith.constant 32 : index
        %get3A_3650 = tpu.vector_load %arg7[%get3A_3648, %get3A_3649] {strides = array<i32>} : memref<800x64xf32, #tpu.memory_space<vmem>>, vector<1x16xf32>,
        %get3A_3651 = vector.shape_cast %get3A_3650 : vector<1x16xf32> to vector<16xf32>
        %get3A_3652 = arith.constant 47 : i32
        %get3A_3653 = arith.index_cast %get3A_3652 : i32 to index
        %get3A_3654 = arith.constant 32 : index
        %get3A_3655 = tpu.vector_load %arg8[%get3A_3653, %get3A_3654] {strides = array<i32>} : memref<56x64xf32, #tpu.memory_space<vmem>>, vector<1x16xf32>,
        %get3A_3656 = vector.shape_cast %get3A_3655 : vector<1x16xf32> to vector<16xf32>
        %add3A_3657 = arith.addf %get3A_3651, %get3A_3656 : vector<16xf32>
        %add3A_3658 = arith.constant 47 : i32
        %add3A_3659 = arith.addi %mul3A_37, %add3A_3658 : i32
        %swap3A_3660 = arith.index_cast %add3A_3659 : i32 to index
        %swap3A_3661 = arith.constant 32 : index
        %swap3A_3662 = tpu.vector_load %arg7[%swap3A_3660, %swap3A_3661] {strides = array<i32>} : memref<800x64xf32, #tpu.memory_space<vmem>>, vector<1x16xf32>,
        %swap3A_3663 = vector.shape_cast %swap3A_3662 : vector<1x16xf32> to vector<16xf32>
        %swap3A_3664 = vector.shape_cast %add3A_3657 : vector<16xf32> to vector<1x16xf32>
        tpu.vector_store %arg7[%swap3A_3660, %swap3A_3661], %swap3A_3664 {strides = array<i32>} : memref<800x64xf32, #tpu.memory_space<vmem>>, vector<1x16xf32>,
        %add3A_3665 = arith.constant 47 : i32
        %add3A_3666 = arith.addi %mul3A_37, %add3A_3665 : i32
        %get3A_3667 = arith.index_cast %add3A_3666 : i32 to index
        %get3A_3668 = arith.constant 48 : index
        %get3A_3669 = tpu.vector_load %arg7[%get3A_3667, %get3A_3668] {strides = array<i32>} : memref<800x64xf32, #tpu.memory_space<vmem>>, vector<1x16xf32>,
        %get3A_3670 = vector.shape_cast %get3A_3669 : vector<1x16xf32> to vector<16xf32>
        %get3A_3671 = arith.constant 47 : i32
        %get3A_3672 = arith.index_cast %get3A_3671 : i32 to index
        %get3A_3673 = arith.constant 48 : index
        %get3A_3674 = tpu.vector_load %arg8[%get3A_3672, %get3A_3673] {strides = array<i32>} : memref<56x64xf32, #tpu.memory_space<vmem>>, vector<1x16xf32>,
        %get3A_3675 = vector.shape_cast %get3A_3674 : vector<1x16xf32> to vector<16xf32>
        %add3A_3676 = arith.addf %get3A_3670, %get3A_3675 : vector<16xf32>
        %add3A_3677 = arith.constant 47 : i32
        %add3A_3678 = arith.addi %mul3A_37, %add3A_3677 : i32
        %swap3A_3679 = arith.index_cast %add3A_3678 : i32 to index
        %swap3A_3680 = arith.constant 48 : index
        %swap3A_3681 = tpu.vector_load %arg7[%swap3A_3679, %swap3A_3680] {strides = array<i32>} : memref<800x64xf32, #tpu.memory_space<vmem>>, vector<1x16xf32>,
        %swap3A_3682 = vector.shape_cast %swap3A_3681 : vector<1x16xf32> to vector<16xf32>
        %swap3A_3683 = vector.shape_cast %add3A_3676 : vector<16xf32> to vector<1x16xf32>
        tpu.vector_store %arg7[%swap3A_3679, %swap3A_3680], %swap3A_3683 {strides = array<i32>} : memref<800x64xf32, #tpu.memory_space<vmem>>, vector<1x16xf32>,
        %add3A_3684 = arith.constant 48 : i32
        %add3A_3685 = arith.addi %mul3A_37, %add3A_3684 : i32
        %get3A_3686 = arith.index_cast %add3A_3685 : i32 to index
        %get3A_3687 = arith.constant 0 : index
        %get3A_3688 = tpu.vector_load %arg7[%get3A_3686, %get3A_3687] {strides = array<i32>} : memref<800x64xf32, #tpu.memory_space<vmem>>, vector<1x16xf32>,
        %get3A_3689 = vector.shape_cast %get3A_3688 : vector<1x16xf32> to vector<16xf32>
        %get3A_3690 = arith.constant 48 : i32
        %get3A_3691 = arith.index_cast %get3A_3690 : i32 to index
        %get3A_3692 = arith.constant 0 : index
        %get3A_3693 = tpu.vector_load %arg8[%get3A_3691, %get3A_3692] {strides = array<i32>} : memref<56x64xf32, #tpu.memory_space<vmem>>, vector<1x16xf32>,
        %get3A_3694 = vector.shape_cast %get3A_3693 : vector<1x16xf32> to vector<16xf32>
        %add3A_3695 = arith.addf %get3A_3689, %get3A_3694 : vector<16xf32>
        %add3A_3696 = arith.constant 48 : i32
        %add3A_3697 = arith.addi %mul3A_37, %add3A_3696 : i32
        %swap3A_3698 = arith.index_cast %add3A_3697 : i32 to index
        %swap3A_3699 = arith.constant 0 : index
        %swap3A_3700 = tpu.vector_load %arg7[%swap3A_3698, %swap3A_3699] {strides = array<i32>} : memref<800x64xf32, #tpu.memory_space<vmem>>, vector<1x16xf32>,
        %swap3A_3701 = vector.shape_cast %swap3A_3700 : vector<1x16xf32> to vector<16xf32>
        %swap3A_3702 = vector.shape_cast %add3A_3695 : vector<16xf32> to vector<1x16xf32>
        tpu.vector_store %arg7[%swap3A_3698, %swap3A_3699], %swap3A_3702 {strides = array<i32>} : memref<800x64xf32, #tpu.memory_space<vmem>>, vector<1x16xf32>,
        %add3A_3703 = arith.constant 48 : i32
        %add3A_3704 = arith.addi %mul3A_37, %add3A_3703 : i32
        %get3A_3705 = arith.index_cast %add3A_3704 : i32 to index
        %get3A_3706 = arith.constant 16 : index
        %get3A_3707 = tpu.vector_load %arg7[%get3A_3705, %get3A_3706] {strides = array<i32>} : memref<800x64xf32, #tpu.memory_space<vmem>>, vector<1x16xf32>,
        %get3A_3708 = vector.shape_cast %get3A_3707 : vector<1x16xf32> to vector<16xf32>
        %get3A_3709 = arith.constant 48 : i32
        %get3A_3710 = arith.index_cast %get3A_3709 : i32 to index
        %get3A_3711 = arith.constant 16 : index
        %get3A_3712 = tpu.vector_load %arg8[%get3A_3710, %get3A_3711] {strides = array<i32>} : memref<56x64xf32, #tpu.memory_space<vmem>>, vector<1x16xf32>,
        %get3A_3713 = vector.shape_cast %get3A_3712 : vector<1x16xf32> to vector<16xf32>
        %add3A_3714 = arith.addf %get3A_3708, %get3A_3713 : vector<16xf32>
        %add3A_3715 = arith.constant 48 : i32
        %add3A_3716 = arith.addi %mul3A_37, %add3A_3715 : i32
        %swap3A_3717 = arith.index_cast %add3A_3716 : i32 to index
        %swap3A_3718 = arith.constant 16 : index
        %swap3A_3719 = tpu.vector_load %arg7[%swap3A_3717, %swap3A_3718] {strides = array<i32>} : memref<800x64xf32, #tpu.memory_space<vmem>>, vector<1x16xf32>,
        %swap3A_3720 = vector.shape_cast %swap3A_3719 : vector<1x16xf32> to vector<16xf32>
        %swap3A_3721 = vector.shape_cast %add3A_3714 : vector<16xf32> to vector<1x16xf32>
        tpu.vector_store %arg7[%swap3A_3717, %swap3A_3718], %swap3A_3721 {strides = array<i32>} : memref<800x64xf32, #tpu.memory_space<vmem>>, vector<1x16xf32>,
        %add3A_3722 = arith.constant 48 : i32
        %add3A_3723 = arith.addi %mul3A_37, %add3A_3722 : i32
        %get3A_3724 = arith.index_cast %add3A_3723 : i32 to index
        %get3A_3725 = arith.constant 32 : index
        %get3A_3726 = tpu.vector_load %arg7[%get3A_3724, %get3A_3725] {strides = array<i32>} : memref<800x64xf32, #tpu.memory_space<vmem>>, vector<1x16xf32>,
        %get3A_3727 = vector.shape_cast %get3A_3726 : vector<1x16xf32> to vector<16xf32>
        %get3A_3728 = arith.constant 48 : i32
        %get3A_3729 = arith.index_cast %get3A_3728 : i32 to index
        %get3A_3730 = arith.constant 32 : index
        %get3A_3731 = tpu.vector_load %arg8[%get3A_3729, %get3A_3730] {strides = array<i32>} : memref<56x64xf32, #tpu.memory_space<vmem>>, vector<1x16xf32>,
        %get3A_3732 = vector.shape_cast %get3A_3731 : vector<1x16xf32> to vector<16xf32>
        %add3A_3733 = arith.addf %get3A_3727, %get3A_3732 : vector<16xf32>
        %add3A_3734 = arith.constant 48 : i32
        %add3A_3735 = arith.addi %mul3A_37, %add3A_3734 : i32
        %swap3A_3736 = arith.index_cast %add3A_3735 : i32 to index
        %swap3A_3737 = arith.constant 32 : index
        %swap3A_3738 = tpu.vector_load %arg7[%swap3A_3736, %swap3A_3737] {strides = array<i32>} : memref<800x64xf32, #tpu.memory_space<vmem>>, vector<1x16xf32>,
        %swap3A_3739 = vector.shape_cast %swap3A_3738 : vector<1x16xf32> to vector<16xf32>
        %swap3A_3740 = vector.shape_cast %add3A_3733 : vector<16xf32> to vector<1x16xf32>
        tpu.vector_store %arg7[%swap3A_3736, %swap3A_3737], %swap3A_3740 {strides = array<i32>} : memref<800x64xf32, #tpu.memory_space<vmem>>, vector<1x16xf32>,
        %add3A_3741 = arith.constant 48 : i32
        %add3A_3742 = arith.addi %mul3A_37, %add3A_3741 : i32
        %get3A_3743 = arith.index_cast %add3A_3742 : i32 to index
        %get3A_3744 = arith.constant 48 : index
        %get3A_3745 = tpu.vector_load %arg7[%get3A_3743, %get3A_3744] {strides = array<i32>} : memref<800x64xf32, #tpu.memory_space<vmem>>, vector<1x16xf32>,
        %get3A_3746 = vector.shape_cast %get3A_3745 : vector<1x16xf32> to vector<16xf32>
        %get3A_3747 = arith.constant 48 : i32
        %get3A_3748 = arith.index_cast %get3A_3747 : i32 to index
        %get3A_3749 = arith.constant 48 : index
        %get3A_3750 = tpu.vector_load %arg8[%get3A_3748, %get3A_3749] {strides = array<i32>} : memref<56x64xf32, #tpu.memory_space<vmem>>, vector<1x16xf32>,
        %get3A_3751 = vector.shape_cast %get3A_3750 : vector<1x16xf32> to vector<16xf32>
        %add3A_3752 = arith.addf %get3A_3746, %get3A_3751 : vector<16xf32>
        %add3A_3753 = arith.constant 48 : i32
        %add3A_3754 = arith.addi %mul3A_37, %add3A_3753 : i32
        %swap3A_3755 = arith.index_cast %add3A_3754 : i32 to index
        %swap3A_3756 = arith.constant 48 : index
        %swap3A_3757 = tpu.vector_load %arg7[%swap3A_3755, %swap3A_3756] {strides = array<i32>} : memref<800x64xf32, #tpu.memory_space<vmem>>, vector<1x16xf32>,
        %swap3A_3758 = vector.shape_cast %swap3A_3757 : vector<1x16xf32> to vector<16xf32>
        %swap3A_3759 = vector.shape_cast %add3A_3752 : vector<16xf32> to vector<1x16xf32>
        tpu.vector_store %arg7[%swap3A_3755, %swap3A_3756], %swap3A_3759 {strides = array<i32>} : memref<800x64xf32, #tpu.memory_space<vmem>>, vector<1x16xf32>,
        %add3A_3760 = arith.constant 49 : i32
        %add3A_3761 = arith.addi %mul3A_37, %add3A_3760 : i32
        %get3A_3762 = arith.index_cast %add3A_3761 : i32 to index
        %get3A_3763 = arith.constant 0 : index
        %get3A_3764 = tpu.vector_load %arg7[%get3A_3762, %get3A_3763] {strides = array<i32>} : memref<800x64xf32, #tpu.memory_space<vmem>>, vector<1x16xf32>,
        %get3A_3765 = vector.shape_cast %get3A_3764 : vector<1x16xf32> to vector<16xf32>
        %get3A_3766 = arith.constant 49 : i32
        %get3A_3767 = arith.index_cast %get3A_3766 : i32 to index
        %get3A_3768 = arith.constant 0 : index
        %get3A_3769 = tpu.vector_load %arg8[%get3A_3767, %get3A_3768] {strides = array<i32>} : memref<56x64xf32, #tpu.memory_space<vmem>>, vector<1x16xf32>,
        %get3A_3770 = vector.shape_cast %get3A_3769 : vector<1x16xf32> to vector<16xf32>
        %add3A_3771 = arith.addf %get3A_3765, %get3A_3770 : vector<16xf32>
        %add3A_3772 = arith.constant 49 : i32
        %add3A_3773 = arith.addi %mul3A_37, %add3A_3772 : i32
        %swap3A_3774 = arith.index_cast %add3A_3773 : i32 to index
        %swap3A_3775 = arith.constant 0 : index
        %swap3A_3776 = tpu.vector_load %arg7[%swap3A_3774, %swap3A_3775] {strides = array<i32>} : memref<800x64xf32, #tpu.memory_space<vmem>>, vector<1x16xf32>,
        %swap3A_3777 = vector.shape_cast %swap3A_3776 : vector<1x16xf32> to vector<16xf32>
        %swap3A_3778 = vector.shape_cast %add3A_3771 : vector<16xf32> to vector<1x16xf32>
        tpu.vector_store %arg7[%swap3A_3774, %swap3A_3775], %swap3A_3778 {strides = array<i32>} : memref<800x64xf32, #tpu.memory_space<vmem>>, vector<1x16xf32>,
        %add3A_3779 = arith.constant 49 : i32
        %add3A_3780 = arith.addi %mul3A_37, %add3A_3779 : i32
        %get3A_3781 = arith.index_cast %add3A_3780 : i32 to index
        %get3A_3782 = arith.constant 16 : index
        %get3A_3783 = tpu.vector_load %arg7[%get3A_3781, %get3A_3782] {strides = array<i32>} : memref<800x64xf32, #tpu.memory_space<vmem>>, vector<1x16xf32>,
        %get3A_3784 = vector.shape_cast %get3A_3783 : vector<1x16xf32> to vector<16xf32>
        %get3A_3785 = arith.constant 49 : i32
        %get3A_3786 = arith.index_cast %get3A_3785 : i32 to index
        %get3A_3787 = arith.constant 16 : index
        %get3A_3788 = tpu.vector_load %arg8[%get3A_3786, %get3A_3787] {strides = array<i32>} : memref<56x64xf32, #tpu.memory_space<vmem>>, vector<1x16xf32>,
        %get3A_3789 = vector.shape_cast %get3A_3788 : vector<1x16xf32> to vector<16xf32>
        %add3A_3790 = arith.addf %get3A_3784, %get3A_3789 : vector<16xf32>
        %add3A_3791 = arith.constant 49 : i32
        %add3A_3792 = arith.addi %mul3A_37, %add3A_3791 : i32
        %swap3A_3793 = arith.index_cast %add3A_3792 : i32 to index
        %swap3A_3794 = arith.constant 16 : index
        %swap3A_3795 = tpu.vector_load %arg7[%swap3A_3793, %swap3A_3794] {strides = array<i32>} : memref<800x64xf32, #tpu.memory_space<vmem>>, vector<1x16xf32>,
        %swap3A_3796 = vector.shape_cast %swap3A_3795 : vector<1x16xf32> to vector<16xf32>
        %swap3A_3797 = vector.shape_cast %add3A_3790 : vector<16xf32> to vector<1x16xf32>
        tpu.vector_store %arg7[%swap3A_3793, %swap3A_3794], %swap3A_3797 {strides = array<i32>} : memref<800x64xf32, #tpu.memory_space<vmem>>, vector<1x16xf32>,
        %add3A_3798 = arith.constant 49 : i32
        %add3A_3799 = arith.addi %mul3A_37, %add3A_3798 : i32
        %get3A_3800 = arith.index_cast %add3A_3799 : i32 to index
        %get3A_3801 = arith.constant 32 : index
        %get3A_3802 = tpu.vector_load %arg7[%get3A_3800, %get3A_3801] {strides = array<i32>} : memref<800x64xf32, #tpu.memory_space<vmem>>, vector<1x16xf32>,
        %get3A_3803 = vector.shape_cast %get3A_3802 : vector<1x16xf32> to vector<16xf32>
        %get3A_3804 = arith.constant 49 : i32
        %get3A_3805 = arith.index_cast %get3A_3804 : i32 to index
        %get3A_3806 = arith.constant 32 : index
        %get3A_3807 = tpu.vector_load %arg8[%get3A_3805, %get3A_3806] {strides = array<i32>} : memref<56x64xf32, #tpu.memory_space<vmem>>, vector<1x16xf32>,
        %get3A_3808 = vector.shape_cast %get3A_3807 : vector<1x16xf32> to vector<16xf32>
        %add3A_3809 = arith.addf %get3A_3803, %get3A_3808 : vector<16xf32>
        %add3A_3810 = arith.constant 49 : i32
        %add3A_3811 = arith.addi %mul3A_37, %add3A_3810 : i32
        %swap3A_3812 = arith.index_cast %add3A_3811 : i32 to index
        %swap3A_3813 = arith.constant 32 : index
        %swap3A_3814 = tpu.vector_load %arg7[%swap3A_3812, %swap3A_3813] {strides = array<i32>} : memref<800x64xf32, #tpu.memory_space<vmem>>, vector<1x16xf32>,
        %swap3A_3815 = vector.shape_cast %swap3A_3814 : vector<1x16xf32> to vector<16xf32>
        %swap3A_3816 = vector.shape_cast %add3A_3809 : vector<16xf32> to vector<1x16xf32>
        tpu.vector_store %arg7[%swap3A_3812, %swap3A_3813], %swap3A_3816 {strides = array<i32>} : memref<800x64xf32, #tpu.memory_space<vmem>>, vector<1x16xf32>,
        %add3A_3817 = arith.constant 49 : i32
        %add3A_3818 = arith.addi %mul3A_37, %add3A_3817 : i32
        %get3A_3819 = arith.index_cast %add3A_3818 : i32 to index
        %get3A_3820 = arith.constant 48 : index
        %get3A_3821 = tpu.vector_load %arg7[%get3A_3819, %get3A_3820] {strides = array<i32>} : memref<800x64xf32, #tpu.memory_space<vmem>>, vector<1x16xf32>,
        %get3A_3822 = vector.shape_cast %get3A_3821 : vector<1x16xf32> to vector<16xf32>
        %get3A_3823 = arith.constant 49 : i32
        %get3A_3824 = arith.index_cast %get3A_3823 : i32 to index
        %get3A_3825 = arith.constant 48 : index
        %get3A_3826 = tpu.vector_load %arg8[%get3A_3824, %get3A_3825] {strides = array<i32>} : memref<56x64xf32, #tpu.memory_space<vmem>>, vector<1x16xf32>,
        %get3A_3827 = vector.shape_cast %get3A_3826 : vector<1x16xf32> to vector<16xf32>
        %add3A_3828 = arith.addf %get3A_3822, %get3A_3827 : vector<16xf32>
        %add3A_3829 = arith.constant 49 : i32
        %add3A_3830 = arith.addi %mul3A_37, %add3A_3829 : i32
        %swap3A_3831 = arith.index_cast %add3A_3830 : i32 to index
        %swap3A_3832 = arith.constant 48 : index
        %swap3A_3833 = tpu.vector_load %arg7[%swap3A_3831, %swap3A_3832] {strides = array<i32>} : memref<800x64xf32, #tpu.memory_space<vmem>>, vector<1x16xf32>,
        %swap3A_3834 = vector.shape_cast %swap3A_3833 : vector<1x16xf32> to vector<16xf32>
        %swap3A_3835 = vector.shape_cast %add3A_3828 : vector<16xf32> to vector<1x16xf32>
        tpu.vector_store %arg7[%swap3A_3831, %swap3A_3832], %swap3A_3835 {strides = array<i32>} : memref<800x64xf32, #tpu.memory_space<vmem>>, vector<1x16xf32>,
        %scan3A_3836 = arith.constant 0 : i32
        scf.yield %scan3A_3836 : i32
      }
      %scan3A_32 = arith.constant 16 : i32
      "tpu.region"() ({
        %run_scoped3A = tpu.sem_alloc : memref<!tpu.dma_semaphore, #tpu.memory_space<semaphore_mem>>
        %dma_start3A_34 = arith.constant 0 : i32
        %dma_start3A_35 = tpu.memref_slice %arg5[%add3A_21, %dma_start3A_34] : memref<204800x64xf32, #tpu.memory_space<hbm>> -> memref<800x64xf32, #tpu.memory_space<hbm>>
        %dma_start3A_36 = arith.constant 0 : i32
        %dma_start3A_37 = tpu.memref_slice %arg5[%add3A_21, %dma_start3A_36] : memref<204800x64xf32, #tpu.memory_space<hbm>> -> memref<800x64xf32, #tpu.memory_space<hbm>>
        tpu.enqueue_dma source(%arg7 : memref<800x64xf32, #tpu.memory_space<vmem>>) target(%dma_start3A_37 : memref<800x64xf32, #tpu.memory_space<hbm>>) target_semaphore(%run_scoped3A : memref<!tpu.dma_semaphore, #tpu.memory_space<semaphore_mem>>)
        %dma_wait3A_38 = arith.constant 0 : i32
        %dma_wait3A_39 = tpu.memref_slice %arg5[%add3A_21, %dma_wait3A_38] : memref<204800x64xf32, #tpu.memory_space<hbm>> -> memref<800x64xf32, #tpu.memory_space<hbm>>
        %dma_wait3A_40 = arith.constant 0 : i32
        %dma_wait3A_41 = tpu.memref_slice %arg5[%add3A_21, %dma_wait3A_40] : memref<204800x64xf32, #tpu.memory_space<hbm>> -> memref<800x64xf32, #tpu.memory_space<hbm>>
        tpu.wait_dma2 semaphore(%run_scoped3A : memref<!tpu.dma_semaphore, #tpu.memory_space<semaphore_mem>>) src(%arg7 : memref<800x64xf32, #tpu.memory_space<vmem>>) dst(%dma_wait3A_41 : memref<800x64xf32, #tpu.memory_space<hbm>>)
        tpu.yield
      }) : () -> ()
      %scan3A_33 = arith.constant 0 : i32
      scf.yield %scan3A_33 : i32
    }
    %scan3A_16 = arith.constant 8 : i32
    return
  }
}

</mosaic_0001>

<sc_bundles>
// kernel: _emb.3.cloned.1.call-start
scs
__scs_entry_jumppad:
0x0: {  	(pc) =	sbr.rel $0x88, $3  }
0x1: {  	(tag) =	ssettag $0x0;
	lr =	simm.s32 $0x1  }
0x2: {  	[smem:$0x3F9E] =	sst lr;
	_ =	strace $0xD0000000  }
0x3: {  	_ = 	snop  }
0x4: {  	_ = 	snop  }
0x5: {  	_ = 	snop  }
0x6: {  	_ = 	snop  }
0x7: {  	_ = 	snop  }
__scs_overlays_trampoline_lowered:
0x8: {  	[smem:$0x3FAD] =	sst s0  }
0x9: {  	[smem:$0x3FAE] =	sst s1  }
0xa: {  	[smem:$0x3FAF] =	sst s2  }
0xb: {  	[smem:$0x3FB0] =	sst s3  }
0xc: {  	[smem:$0x3FB1] =	sst s4  }
0xd: {  	[smem:$0x3FB2] =	sst s5  }
0xe: {  	[smem:$0x3FB3] =	sst s6  }
0xf: {  	[smem:$0x3FB4] =	sst s7  }
0x10: {  	[smem:$0x3FB5] =	sst s8  }
0x11: {  	[smem:$0x3FB6] =	sst s9;
	s0 =	simm.s32 @!p0 $0x0  }
0x12: {  	s1 =	sld [smem:$0x3F9C];
	s0 =	simm.s32 @p0 $0x1  }
0x13: {  	[smem:$0x3FB7] =	sst s0;
	s0 =	simm.s32 @!p1 $0x0  }
0x14: {  	s2 =	sld [smem:$0x3F9B];
	s0 =	simm.s32 @p1 $0x1  }
0x15: {  	[smem:$0x3FB8] =	sst s0;
	s0 =	simm.s32 @!p2 $0x0  }
0x16: {  	s3 =	sld [smem:$0x3FDB];
	s0 =	simm.s32 @p2 $0x1  }
0x17: {  	s4 =	simm.s32 $0x1BF5;
	[smem:$0x3FBA] =	sst s0  }
0x18: {  	s0 =	sld [smem:$0x3F9D];
	_ =	swait.ge [sflag:s4], $0x0  }
0x19: {  	s7 =	sld [smem:$0x3F9E]  }
0x1a: {  	s8 =	sadd.s32 $0xFFFFE003, lr  }
0x1b: {  	s9 =	sadd.s32 $0xFFFFFEF7, lr;
	s5 =	simm.s32 $0xFFFFFFFF;
	p2 =	slt.u32 s8, $0xFFFFF086  }
0x1c: {  	p1 =	slt.u32 s9, $0xF7A;
	s5 =	simm.s32 @!p2 $0x0  }
0x1d: {  	s5 =	simm.s32 @p1 $0x1;
	p0 =	seq.s32 s7, s2  }
0x1e: {  	s7 =	smul.u32 @!p0 $0xF7A, s2;
	p2 =	seq.s32 @!p0 s5, $0x0  }
0x1f: {  	s9 =	smul.u32 $0xF7A, s1;
	s8 =	simm.s32 @!p0 $0x1BF5;
	p2 =	por !p2, p0  }
0x20: {  	[sflag:s8] =	ssyncset.s32 @!p0 $0xFFFFF086;
	s6 =	sadd.s32 @!p0 s3, s7;
	s7 =	simm.s32 @!p0 $0x108  }
0x21: {  	s3 =	sadd.s32 s3, s9;
	s6 =	sadd.s32 @!p0 $0x88, s6;
	s7 =	simm.s32 @p2 $0x1082  }
0x22: {  	[simem:s7], [sflag:s8] =	dma.local @!p0 [hbm:s6], $0xF7A  }
0x23: {  	s9 =	sor.u32 $0xD0000000, s2;
	s6 =	simm.s32 $0x108;
	_ =	swait.ge @!p0 [sflag:s8], $0x0  }
0x24: {  	s3 =	sadd.s32 $0x88, s3;
	s6 =	simm.s32 @!p1 $0x1082;
	[sflag:s4] =	ssyncset.s32 $0xFFFFF086  }
0x25: {  	[simem:s6], [sflag:s4] =	dma.local [hbm:s3], $0xF7A  }
0x26: {  	[smem:$0x3F9E] =	sst s1;
	(tag) =	ssettag s2;
	_ =	strace s9  }
0x27: {  	s1 =	sld [smem:$0x3FAE]  }
0x28: {  	s2 =	sld [smem:$0x3FAF]  }
0x29: {  	s4 =	sld [smem:$0x3FB1]  }
0x2a: {  	p0 =	seq.s32 s5, $0x0;
	s5 =	sld [smem:$0x3FB2]  }
0x2b: {  	s6 =	sld [smem:$0x3FB3]  }
0x2c: {  	s7 =	sld [smem:$0x3FB4]  }
0x2d: {  	s3 =	simm.s32 $0x108;
	s8 =	sld [smem:$0x3FB5]  }
0x2e: {  	s3 =	simm.s32 @!p0 $0x1082;
	s9 =	sld [smem:$0x3FB6]  }
0x2f: {  	lr =	sadd.s32 s0, s3;
	s0 =	sld [smem:$0x3FAD]  }
0x30: {  	s3 =	sld [smem:$0x3FB0]  }
0x31: {  	[smem:$0x3FB9] =	sst s10  }
0x32: {  	s10 =	sld [smem:$0x3FB7];
	_ =	sdelay $0x3  }
0x33: {  	p0 =	seq.s32 s10, $0x1;
	s10 =	sld [smem:$0x3FB9];
	_ =	sdelay $0x3  }
0x34: {  	[smem:$0x3FB9] =	sst s10  }
0x35: {  	s10 =	sld [smem:$0x3FB8];
	_ =	sdelay $0x3  }
0x36: {  	p1 =	seq.s32 s10, $0x1;
	s10 =	sld [smem:$0x3FB9];
	_ =	sdelay $0x3  }
0x37: {  	[smem:$0x3FB9] =	sst s10  }
0x38: {  	s10 =	sld [smem:$0x3FBA]  }
0x39: {  	_ = 	snop;
	(pc) =	sbr.ind lr, $3  }
0x3a: {  	_ = 	snop  }
0x3b: {  	_ = 	snop  }
0x3c: {  	p2 =	seq.s32 s10, $0x1;
	s10 =	sld [smem:$0x3FB9]  }
0x3d: {  	_ =	shalt  }
0x3e: {  	_ =	shalt  }
0x3f: {  	_ =	shalt  }
0x40: {  	_ =	shalt  }
0x41: {  	_ =	shalt  }
0x42: {  	_ =	shalt  }
0x43: {  	_ =	shalt  }
0x44: {  	_ =	shalt  }
0x45: {  	_ =	shalt  }
0x46: {  	_ =	shalt  }
0x47: {  	_ =	shalt  }
0x48: {  	_ =	shalt  }
0x49: {  	_ =	shalt  }
0x4a: {  	_ =	shalt  }
0x4b: {  	_ =	shalt  }
0x4c: {  	_ =	shalt  }
0x4d: {  	_ =	shalt  }
0x4e: {  	_ =	shalt  }
0x4f: {  	_ =	shalt  }
0x50: {  	_ =	shalt  }
0x51: {  	_ =	shalt  }
0x52: {  	_ =	shalt  }
0x53: {  	_ =	shalt  }
0x54: {  	_ =	shalt  }
0x55: {  	_ =	shalt  }
0x56: {  	_ =	shalt  }
0x57: {  	_ =	shalt  }
0x58: {  	_ =	shalt  }
0x59: {  	_ =	shalt  }
0x5a: {  	_ =	shalt  }
0x5b: {  	_ =	shalt  }
0x5c: {  	_ =	shalt  }
0x5d: {  	_ =	shalt  }
0x5e: {  	_ =	shalt  }
0x5f: {  	_ =	shalt  }
0x60: {  	_ =	shalt  }
0x61: {  	_ =	shalt  }
0x62: {  	_ =	shalt  }
0x63: {  	_ =	shalt  }
0x64: {  	_ =	shalt  }
0x65: {  	_ =	shalt  }
0x66: {  	_ =	shalt  }
0x67: {  	_ =	shalt  }
0x68: {  	_ =	shalt  }
0x69: {  	_ =	shalt  }
0x6a: {  	_ =	shalt  }
0x6b: {  	_ =	shalt  }
0x6c: {  	_ =	shalt  }
0x6d: {  	_ =	shalt  }
0x6e: {  	_ =	shalt  }
0x6f: {  	_ =	shalt  }
0x70: {  	_ =	shalt  }
0x71: {  	_ =	shalt  }
0x72: {  	_ =	shalt  }
0x73: {  	_ =	shalt  }
0x74: {  	_ =	shalt  }
0x75: {  	_ =	shalt  }
0x76: {  	_ =	shalt  }
0x77: {  	_ =	shalt  }
0x78: {  	_ =	shalt  }
0x79: {  	_ =	shalt  }
0x7a: {  	_ =	shalt  }
0x7b: {  	_ =	shalt  }
0x7c: {  	_ =	shalt  }
0x7d: {  	_ =	shalt  }
0x7e: {  	_ =	shalt  }
0x7f: {  	_ =	shalt  }
0x80: {  	_ =	shalt  }
0x81: {  	_ =	shalt  }
0x82: {  	_ =	shalt  }
0x83: {  	_ =	shalt  }
0x84: {  	_ =	shalt  }
0x85: {  	_ =	shalt  }
0x86: {  	_ =	shalt  }
0x87: {  	_ =	shalt  }
.Lfunc_end0:
.L_simem_size_0:
called_computation.1_lowered:
.L_overlay_start_0:
0x88: {  	s2 =	sld [smem:$0x3FD9]  }
0x89: {  	s3 =	sld [smem:$0x3FFE];
	_ =	sdelay $0x1  }
0x8a: {  	s1 =	srdreg.scid  }
0x8b: {  	s0 =	sand.u32 $0x1, s1  }
0x8c: {  	s17 =	sshll.u32 s0, $0xA;
	s2 =	sadd.s32 s3, s2  }
0x8d: {  	s2 =	sadd.s32 s2, s17  }
0x8e: {  	[smem:$0x3FC5] =	sst s2  }
0x8f: {  	_ = 	snop  }
0x90: {  	s2 =	sld [smem:$0x3FC9]  }
0x91: {  	s18 =	sld [smem:$0x3FD0];
	(tm) =	ssettm $0x1  }
0x92: {  	s4 =	sld [smem:$0x3FFB];
	_ =	sdelay $0x3  }
0x93: {  	_ =	strace s4  }
0x94: {  	s4 =	sld [smem:$0x3FFC];
	_ =	sdelay $0x3  }
0x95: {  	_ =	strace s4  }
0x96: {  	s4 =	sld [smem:$0x3FFD];
	_ =	sdelay $0x3  }
0x97: {  	_ =	strace s4  }
0x98: {  	_ =	strace $0x8FFFFFFF  }
0x99: {  	s19 =	sld [smem:$0x3FDB];
	_ =	sdelay $0x1  }
0x9a: {  	s5 =	simm.s32 $_scs_section_size  }
0x9b: {  	s6 =	simm.s32 $_size__tile_overlayer_lowered;
	s7 =	simm.s32 $_tile_overlayer_lowered  }
0x9c: {  	s22 =	simm.s32 $0x1BFF;
	s21 =	sshll.u32 s7, $0x1;
	s4 =	sadd.s32 s5, s19  }
0x9d: {  	s8 =	simm.s32 $0x0;
	s20 =	sshll.u32 s6, $0x1;
	s6 =	sadd.s32 s21, s4  }
0x9e: {  	[timem:s8], [sflag:s22] =	dma.local [hbm:s6], s20  }
0x9f: {  	_ =	swait.ge [sflag:s22], s20  }
0xa0: {  	s5 =	ssub.s32 $0x0, s20;
	[sflag:s22] =	ssyncset.done $0x0  }
0xa1: {  	[sflag:s22] =	ssyncadd.s32 s5;
	_ =	sdelay $0x1  }
0xa2: {  	s23 =	simm.s32 $0x1B8B  }
0xa3: {  	_ =	swait.ge [sflag:s23], $0x1  }
0xa4: {  	[sflag:s23] =	ssyncset.done $0x0  }
0xa5: {  	s25 =	simm.s32 $0x1B8E;
	s24 =	sld [smem:$0x3FFE];
	[sflag:s23] =	ssyncadd.s32 $0xFFFFFFFF  }
0xa6: {  	s26 =	simm.s32 $execute0_lowered;
	[smem:$0x3FD2] =	sst s25  }
0xa7: {  	s6 =	sshll.u32 s26, $0x1;
	_ =	strace $0x80000046;
	[dreg:$0x1] =	wrdreg $0xFFFFFFFF  }
0xa8: {  	s28 =	simm.s32 $_size_execute0_lowered;
	s4 =	sadd.s32 s4, s6;
	[dreg:$0x0] =	wrdreg $0x0  }
0xa9: {  	s6 =	sshll.u32 s28, $0x1;
	[dreg:$0x2] =	wrdreg s4  }
0xaa: {  	[dreg:$0x3] =	wrdreg s6  }
0xab: {  	[dreg:$0x4] =	wrdreg $0xC0  }
0xac: {  	_ =	task [dreg:s8], $0x5FFFF  }
0xad: {  	[dreg:$0x1] =	wrdreg $0xFFFFFFFF  }
0xae: {  	[dreg:$0x0] =	wrdreg $0x60  }
0xaf: {  	[dreg:$0x2] =	wrdreg s2  }
0xb0: {  	[dreg:$0x3] =	wrdreg s24  }
0xb1: {  	[dreg:$0x4] =	wrdreg s18  }
0xb2: {  	[dreg:$0x5] =	wrdreg $0x9  }
0xb3: {  	_ =	task.clear_ibuf [dreg:s8], $0x6FFFF;
	_ =	strace $0x90000046  }
0xb4: {  	s29 =	simm.s32 $0x9;
	_ =	strace $0x80000048  }
0xb5: {  	_ =	swait.ge [sflag:s29], $0x1  }
0xb6: {  	[sflag:s29] =	ssyncadd.s32 $0xFFFFFFFF  }
0xb7: {  	_ =	strace $0x90000048  }
0xb8: {  	_ =	sfence  }
0xb9: {  	s30 =	sld [smem:$0x0];
	_ =	sdelay $0x2  }
0xba: {  	s31 =	sshll.u32 s1, $0xD;
	s1 =	sshrl.u32 s1, $0x2  }
0xbb: {  	s3 =	sand.u32 $0x4000, s31;
	s1 =	sadd.s32 s1, s30  }
0xbc: {  	s0 =	sor.u32 s3, s0;
	s1 =	sshll.u32 s1, $0x11  }
0xbd: {  	s0 =	sor.u32 s1, s0  }
0xbe: {  	s0 =	sadd.s32 $0x8F2B, s0  }
0xbf: {  	[sflag:s0] =	ssyncadd.remote.s32 $0x1  }
0xc0: {  	_ =	sfence.sel $0xFFFF  }
0xc1: {  	[dreg:$0x0] =	wrdreg $0xFFFFFFFF;
	(pc) =	sbr.abs _section_cstart, $3  }
0xc2: {  	[dreg:$0x1] =	wrdreg $0xFFFFFFFF  }
0xc3: {  	_ =	task.clear_ibuf [dreg:s8], $0x2FFFF;
	_ =	strace $0x9FFFFFFF  }
0xc4: {  	(tm) =	ssettm $0x7FFFFFFF  }
0xc5: {  	_ =	shalt  }
tec
execute0_lowered:
.L_overlay_start_1:
0x0: {  	(tag) =	ssettag $0x1  }
0x1: {  	s1 =	rddreg [dreg:$0x0]  }
0x2: {  	s6 =	rddreg [dreg:$0x1]  }
0x3: {  	s2 =	rddreg [dreg:$0x2]  }
0x4: {  	s0 =	rddreg [dreg:$0x3];
	s4 =	simm.s32 $0x0;
	s5 =	srdreg.scid  }
0x5: {  	s3 =	stileid.u32;
	s11 =	simm.s32 $0x320;
	s12 =	simm.s32 $0x1  }
0x6: {  	s13 =	simm.s32 $0x0;
	[smem:$0x7FF] =	sst s4;
	s7 =	sand.u32 $0x1, s5  }
0x7: {  	s9 =	sshll.u32 s3, $0x1;
	s5 =	sadd.s32 $0xF42E00, s6;
	s8 =	ssub.s32 $0x2, s7  }
0x8: {  	s6 =	sadd.s32 $0xA00, s6;
	_ =	strace $0x80000047;
	s10 =	sshrl.u32 s8, $0x1  }
0x9: {  	s7 =	sor.u32 s7, s9;
	s9 =	simm.s32 $0xCB20;
	s8 =	ssub.s32 s8, s10  }
0xa: {  	s7 =	smul.u32 $0x1900, s7;
	s10 =	simm.s32 $0x2;
	s8 =	smax.u32 s8, $0x1  }
.LBB2_1:
0xb: {  	[tilespmem:s9], [sflag:$0x2] =	stream.linear.gather [hbm4b:s6+s4], $0xE00, $0x38;
	[tilespmem:$0xD920] =	vst v63  }
0xc: {  	_ =	swait.ge [sflag:s10], $0xE00  }
0xd: {  	[sflag:s10] =	ssyncset.done $0x0  }
0xe: {  	s14 =	simm.s32 $0x0;
	[sflag:s10] =	ssyncadd.s32 $0xFFFFF200  }
0xf: {  	v0 =	vld [tilespmem:s14+$0xCB20]  }
0x10: {  	v2 =	vld [tilespmem:s14+$0xCB30]  }
0x11: {  	s15 =	simm.s32 $0x100;
	v1 =	vld [tilespmem:s14+$0xCB40]  }
.LBB2_2:
0x12: {  	p0 =	sne.s32 s15, $0x3100;
	v3 =	vld [tilespmem:s14+$0xCB50];
	_ =	sdelay $0x1  }
0x13: {  	v0 =	vmul.f32 $1.250000000e-01, v0  }
.Ltmp0:
0x14: {  	v2 =	vmul.f32 $1.250000000e-01, v2;
	(pc) =	sbr.rel @p0 .LBB2_2-.Ltmp0, $4  }
0x15: {  	s16 =	sshra.s32 s15, $0x2;
	[tilespmem:s14+$0xCB20] =	vst v0;
	v1 =	vmul.f32 $1.250000000e-01, v1  }
0x16: {  	v0 =	vld [tilespmem:s16+$0xCB20];
	[tilespmem:s14+$0xCB30] =	vst v2;
	v3 =	vmul.f32 $1.250000000e-01, v3  }
0x17: {  	v2 =	vld [tilespmem:s16+$0xCB30];
	[tilespmem:s14+$0xCB40] =	vst v1  }
0x18: {  	s15 =	sadd.s32 $0x100, s15;
	v1 =	vld [tilespmem:s16+$0xCB40];
	[tilespmem:s14+$0xCB50] =	vst v3;
	s14 =	smov.u32 s16  }
0x19: {  	v3 =	vld [tilespmem:s14+$0xCB50];
	_ =	sdelay $0x1  }
0x1a: {  	v0 =	vmul.f32 $1.250000000e-01, v0  }
0x1b: {  	v2 =	vmul.f32 $1.250000000e-01, v2  }
0x1c: {  	[tilespmem:s14+$0xCB20] =	vst v0;
	v62 =	vmul.f32 $1.250000000e-01, v1  }
0x1d: {  	[tilespmem:s14+$0xCB30] =	vst v2;
	v63 =	vmul.f32 $1.250000000e-01, v3  }
0x1e: {  	[tilespmem:s14+$0xCB40] =	vst v62  }
0x1f: {  	s15 =	simm.s32 $0x0;
	[tilespmem:s14+$0xCB50] =	vst v63;
	s14 =	simm.s32 $0x0  }
.LBB2_4:
0x20: {  	s16 =	smul.u32 $0x320, s15;
	_ =	sdelay $0x1  }
0x21: {  	s16 =	sadd.s32 s7, s16  }
0x22: {  	s17 =	sshrl.u32 s16, $0x3  }
0x23: {  	s17 =	sadd.s32 s1, s17  }
0x24: {  	[tilespmem:s14], [sflag:$0x2] =	stream.linear.gather [hbm4b:s17+s14], $0x320, $0x38;
	[tilespmem:$0xD920] =	vst v63  }
0x25: {  	_ =	swait.ge [sflag:s10], $0x320  }
0x26: {  	[sflag:s10] =	ssyncset.done $0x0  }
0x27: {  	[sflag:s10] =	ssyncadd.s32 $0xFFFFFCE0  }
0x28: {  	[tilespmem:s11], [sflag:$0x1] =	stream.indirect.gather [hbm4b:s5+s11], $0x40, s14, s11, $0xb8;
	[tilespmem:$0xD920] =	vst v63  }
0x29: {  	_ =	swait.ge [sflag:s12], $0xC800  }
0x2a: {  	[sflag:s12] =	ssyncset.done $0x0  }
0x2b: {  	s17 =	simm.s32 $0x0;
	[sflag:s12] =	ssyncadd.s32 $0xFFFF3800  }
.LBB2_5:
0x2c: {  	s18 =	smul.u32 $0x3200, s17;
	_ =	sdelay $0x1  }
0x2d: {  	v1 =	vld [tilespmem:$0xCB20];
	s18 =	sshra.s32 s18, $0x2  }
0x2e: {  	v0 =	vld [tilespmem:s18+$0x320];
	_ =	sdelay $0x4  }
0x2f: {  	v0 =	vadd.f32 v1, v0;
	_ =	sdelay $0x1  }
0x30: {  	v26 =	vld [tilespmem:s18+$0x330];
	[tilespmem:s18+$0x320] =	vst v0  }
0x31: {  	v27 =	vld [tilespmem:$0xCB30];
	_ =	sdelay $0x4  }
0x32: {  	v0 =	vadd.f32 v27, v26;
	_ =	sdelay $0x1  }
0x33: {  	v28 =	vld [tilespmem:s18+$0x340];
	[tilespmem:s18+$0x330] =	vst v0  }
0x34: {  	v29 =	vld [tilespmem:$0xCB40];
	_ =	sdelay $0x4  }
0x35: {  	v0 =	vadd.f32 v29, v28;
	_ =	sdelay $0x1  }
0x36: {  	v30 =	vld [tilespmem:s18+$0x350];
	[tilespmem:s18+$0x340] =	vst v0  }
0x37: {  	v31 =	vld [tilespmem:$0xCB50];
	_ =	sdelay $0x4  }
0x38: {  	v0 =	vadd.f32 v31, v30;
	_ =	sdelay $0x1  }
0x39: {  	v32 =	vld [tilespmem:s18+$0x360];
	[tilespmem:s18+$0x350] =	vst v0  }
0x3a: {  	v33 =	vld [tilespmem:$0xCB60];
	_ =	sdelay $0x4  }
0x3b: {  	v0 =	vadd.f32 v33, v32;
	_ =	sdelay $0x1  }
0x3c: {  	v34 =	vld [tilespmem:s18+$0x370];
	[tilespmem:s18+$0x360] =	vst v0  }
0x3d: {  	v35 =	vld [tilespmem:$0xCB70];
	_ =	sdelay $0x4  }
0x3e: {  	v0 =	vadd.f32 v35, v34;
	_ =	sdelay $0x1  }
0x3f: {  	v36 =	vld [tilespmem:s18+$0x380];
	[tilespmem:s18+$0x370] =	vst v0  }
0x40: {  	v37 =	vld [tilespmem:$0xCB80];
	_ =	sdelay $0x4  }
0x41: {  	v0 =	vadd.f32 v37, v36;
	_ =	sdelay $0x1  }
0x42: {  	v38 =	vld [tilespmem:s18+$0x390];
	[tilespmem:s18+$0x380] =	vst v0  }
0x43: {  	v39 =	vld [tilespmem:$0xCB90];
	_ =	sdelay $0x4  }
0x44: {  	v0 =	vadd.f32 v39, v38;
	_ =	sdelay $0x1  }
0x45: {  	v40 =	vld [tilespmem:s18+$0x3A0];
	[tilespmem:s18+$0x390] =	vst v0  }
0x46: {  	v41 =	vld [tilespmem:$0xCBA0];
	_ =	sdelay $0x4  }
0x47: {  	v0 =	vadd.f32 v41, v40;
	_ =	sdelay $0x1  }
0x48: {  	v42 =	vld [tilespmem:s18+$0x3B0];
	[tilespmem:s18+$0x3A0] =	vst v0  }
0x49: {  	v43 =	vld [tilespmem:$0xCBB0];
	_ =	sdelay $0x4  }
0x4a: {  	v0 =	vadd.f32 v43, v42;
	_ =	sdelay $0x1  }
0x4b: {  	v44 =	vld [tilespmem:s18+$0x3C0];
	[tilespmem:s18+$0x3B0] =	vst v0  }
0x4c: {  	v45 =	vld [tilespmem:$0xCBC0];
	_ =	sdelay $0x4  }
0x4d: {  	v0 =	vadd.f32 v45, v44;
	_ =	sdelay $0x1  }
0x4e: {  	v46 =	vld [tilespmem:s18+$0x3D0];
	[tilespmem:s18+$0x3C0] =	vst v0  }
0x4f: {  	v47 =	vld [tilespmem:$0xCBD0];
	_ =	sdelay $0x4  }
0x50: {  	v0 =	vadd.f32 v47, v46;
	_ =	sdelay $0x1  }
0x51: {  	v48 =	vld [tilespmem:s18+$0x3E0];
	[tilespmem:s18+$0x3D0] =	vst v0  }
0x52: {  	v49 =	vld [tilespmem:$0xCBE0];
	_ =	sdelay $0x4  }
0x53: {  	v0 =	vadd.f32 v49, v48;
	_ =	sdelay $0x1  }
0x54: {  	v50 =	vld [tilespmem:s18+$0x3F0];
	[tilespmem:s18+$0x3E0] =	vst v0  }
0x55: {  	v51 =	vld [tilespmem:$0xCBF0];
	_ =	sdelay $0x4  }
0x56: {  	v0 =	vadd.f32 v51, v50;
	_ =	sdelay $0x1  }
0x57: {  	v52 =	vld [tilespmem:s18+$0x400];
	[tilespmem:s18+$0x3F0] =	vst v0  }
0x58: {  	v53 =	vld [tilespmem:$0xCC00];
	_ =	sdelay $0x4  }
0x59: {  	v0 =	vadd.f32 v53, v52;
	_ =	sdelay $0x1  }
0x5a: {  	v54 =	vld [tilespmem:s18+$0x410];
	[tilespmem:s18+$0x400] =	vst v0  }
0x5b: {  	v55 =	vld [tilespmem:$0xCC10];
	_ =	sdelay $0x4  }
0x5c: {  	v0 =	vadd.f32 v55, v54;
	_ =	sdelay $0x1  }
0x5d: {  	v56 =	vld [tilespmem:s18+$0x420];
	[tilespmem:s18+$0x410] =	vst v0  }
0x5e: {  	v57 =	vld [tilespmem:$0xCC20];
	_ =	sdelay $0x4  }
0x5f: {  	v0 =	vadd.f32 v57, v56;
	_ =	sdelay $0x1  }
0x60: {  	v58 =	vld [tilespmem:s18+$0x430];
	[tilespmem:s18+$0x420] =	vst v0  }
0x61: {  	v59 =	vld [tilespmem:$0xCC30];
	_ =	sdelay $0x4  }
0x62: {  	v0 =	vadd.f32 v59, v58;
	_ =	sdelay $0x1  }
0x63: {  	v60 =	vld [tilespmem:s18+$0x440];
	[tilespmem:s18+$0x430] =	vst v0  }
0x64: {  	v61 =	vld [tilespmem:$0xCC40];
	_ =	sdelay $0x4  }
0x65: {  	v0 =	vadd.f32 v61, v60;
	_ =	sdelay $0x1  }
0x66: {  	v62 =	vld [tilespmem:s18+$0x450];
	[tilespmem:s18+$0x440] =	vst v0  }
0x67: {  	v63 =	vld [tilespmem:$0xCC50];
	_ =	sdelay $0x4  }
0x68: {  	v0 =	vadd.f32 v63, v62;
	_ =	sdelay $0x1  }
0x69: {  	v4 =	vld [tilespmem:s18+$0x460];
	[tilespmem:s18+$0x450] =	vst v0  }
0x6a: {  	v5 =	vld [tilespmem:$0xCC60];
	_ =	sdelay $0x4  }
0x6b: {  	v0 =	vadd.f32 v5, v4;
	_ =	sdelay $0x1  }
0x6c: {  	v6 =	vld [tilespmem:s18+$0x470];
	[tilespmem:s18+$0x460] =	vst v0  }
0x6d: {  	v7 =	vld [tilespmem:$0xCC70];
	_ =	sdelay $0x4  }
0x6e: {  	v0 =	vadd.f32 v7, v6;
	_ =	sdelay $0x1  }
0x6f: {  	v8 =	vld [tilespmem:s18+$0x480];
	[tilespmem:s18+$0x470] =	vst v0  }
0x70: {  	v9 =	vld [tilespmem:$0xCC80];
	_ =	sdelay $0x4  }
0x71: {  	v0 =	vadd.f32 v9, v8;
	_ =	sdelay $0x1  }
0x72: {  	v10 =	vld [tilespmem:s18+$0x490];
	[tilespmem:s18+$0x480] =	vst v0  }
0x73: {  	v11 =	vld [tilespmem:$0xCC90];
	_ =	sdelay $0x4  }
0x74: {  	v0 =	vadd.f32 v11, v10;
	_ =	sdelay $0x1  }
0x75: {  	v12 =	vld [tilespmem:s18+$0x4A0];
	[tilespmem:s18+$0x490] =	vst v0  }
0x76: {  	v13 =	vld [tilespmem:$0xCCA0];
	_ =	sdelay $0x4  }
0x77: {  	v0 =	vadd.f32 v13, v12;
	_ =	sdelay $0x1  }
0x78: {  	v14 =	vld [tilespmem:s18+$0x4B0];
	[tilespmem:s18+$0x4A0] =	vst v0  }
0x79: {  	v15 =	vld [tilespmem:$0xCCB0];
	_ =	sdelay $0x4  }
0x7a: {  	v0 =	vadd.f32 v15, v14;
	_ =	sdelay $0x1  }
0x7b: {  	v16 =	vld [tilespmem:s18+$0x4C0];
	[tilespmem:s18+$0x4B0] =	vst v0  }
0x7c: {  	v17 =	vld [tilespmem:$0xCCC0];
	_ =	sdelay $0x4  }
0x7d: {  	v0 =	vadd.f32 v17, v16;
	_ =	sdelay $0x1  }
0x7e: {  	v18 =	vld [tilespmem:s18+$0x4D0];
	[tilespmem:s18+$0x4C0] =	vst v0  }
0x7f: {  	v19 =	vld [tilespmem:$0xCCD0];
	_ =	sdelay $0x4  }
0x80: {  	v0 =	vadd.f32 v19, v18;
	_ =	sdelay $0x1  }
0x81: {  	v20 =	vld [tilespmem:s18+$0x4E0];
	[tilespmem:s18+$0x4D0] =	vst v0  }
0x82: {  	v21 =	vld [tilespmem:$0xCCE0];
	_ =	sdelay $0x4  }
0x83: {  	v0 =	vadd.f32 v21, v20;
	_ =	sdelay $0x1  }
0x84: {  	v22 =	vld [tilespmem:s18+$0x4F0];
	[tilespmem:s18+$0x4E0] =	vst v0  }
0x85: {  	v23 =	vld [tilespmem:$0xCCF0];
	_ =	sdelay $0x4  }
0x86: {  	v0 =	vadd.f32 v23, v22;
	_ =	sdelay $0x1  }
0x87: {  	v24 =	vld [tilespmem:s18+$0x500];
	[tilespmem:s18+$0x4F0] =	vst v0  }
0x88: {  	v25 =	vld [tilespmem:$0xCD00];
	_ =	sdelay $0x4  }
0x89: {  	v0 =	vadd.f32 v25, v24;
	_ =	sdelay $0x1  }
0x8a: {  	v26 =	vld [tilespmem:s18+$0x510];
	[tilespmem:s18+$0x500] =	vst v0  }
0x8b: {  	v27 =	vld [tilespmem:$0xCD10];
	_ =	sdelay $0x4  }
0x8c: {  	v0 =	vadd.f32 v27, v26;
	_ =	sdelay $0x1  }
0x8d: {  	v28 =	vld [tilespmem:s18+$0x520];
	[tilespmem:s18+$0x510] =	vst v0  }
0x8e: {  	v29 =	vld [tilespmem:$0xCD20];
	_ =	sdelay $0x4  }
0x8f: {  	v0 =	vadd.f32 v29, v28;
	_ =	sdelay $0x1  }
0x90: {  	v30 =	vld [tilespmem:s18+$0x530];
	[tilespmem:s18+$0x520] =	vst v0  }
0x91: {  	v31 =	vld [tilespmem:$0xCD30];
	_ =	sdelay $0x4  }
0x92: {  	v0 =	vadd.f32 v31, v30;
	_ =	sdelay $0x1  }
0x93: {  	v32 =	vld [tilespmem:s18+$0x540];
	[tilespmem:s18+$0x530] =	vst v0  }
0x94: {  	v33 =	vld [tilespmem:$0xCD40];
	_ =	sdelay $0x4  }
0x95: {  	v0 =	vadd.f32 v33, v32;
	_ =	sdelay $0x1  }
0x96: {  	v34 =	vld [tilespmem:s18+$0x550];
	[tilespmem:s18+$0x540] =	vst v0  }
0x97: {  	v35 =	vld [tilespmem:$0xCD50];
	_ =	sdelay $0x4  }
0x98: {  	v0 =	vadd.f32 v35, v34;
	_ =	sdelay $0x1  }
0x99: {  	v36 =	vld [tilespmem:s18+$0x560];
	[tilespmem:s18+$0x550] =	vst v0  }
0x9a: {  	v37 =	vld [tilespmem:$0xCD60];
	_ =	sdelay $0x4  }
0x9b: {  	v0 =	vadd.f32 v37, v36;
	_ =	sdelay $0x1  }
0x9c: {  	v38 =	vld [tilespmem:s18+$0x570];
	[tilespmem:s18+$0x560] =	vst v0  }
0x9d: {  	v39 =	vld [tilespmem:$0xCD70];
	_ =	sdelay $0x4  }
0x9e: {  	v0 =	vadd.f32 v39, v38;
	_ =	sdelay $0x1  }
0x9f: {  	v40 =	vld [tilespmem:s18+$0x580];
	[tilespmem:s18+$0x570] =	vst v0  }
0xa0: {  	v41 =	vld [tilespmem:$0xCD80];
	_ =	sdelay $0x4  }
0xa1: {  	v0 =	vadd.f32 v41, v40;
	_ =	sdelay $0x1  }
0xa2: {  	v42 =	vld [tilespmem:s18+$0x590];
	[tilespmem:s18+$0x580] =	vst v0  }
0xa3: {  	v43 =	vld [tilespmem:$0xCD90];
	_ =	sdelay $0x4  }
0xa4: {  	v0 =	vadd.f32 v43, v42;
	_ =	sdelay $0x1  }
0xa5: {  	v44 =	vld [tilespmem:s18+$0x5A0];
	[tilespmem:s18+$0x590] =	vst v0  }
0xa6: {  	v45 =	vld [tilespmem:$0xCDA0];
	_ =	sdelay $0x4  }
0xa7: {  	v0 =	vadd.f32 v45, v44;
	_ =	sdelay $0x1  }
0xa8: {  	v46 =	vld [tilespmem:s18+$0x5B0];
	[tilespmem:s18+$0x5A0] =	vst v0  }
0xa9: {  	v47 =	vld [tilespmem:$0xCDB0];
	_ =	sdelay $0x4  }
0xaa: {  	v0 =	vadd.f32 v47, v46;
	_ =	sdelay $0x1  }
0xab: {  	v48 =	vld [tilespmem:s18+$0x5C0];
	[tilespmem:s18+$0x5B0] =	vst v0  }
0xac: {  	v49 =	vld [tilespmem:$0xCDC0];
	_ =	sdelay $0x4  }
0xad: {  	v0 =	vadd.f32 v49, v48;
	_ =	sdelay $0x1  }
0xae: {  	v50 =	vld [tilespmem:s18+$0x5D0];
	[tilespmem:s18+$0x5C0] =	vst v0  }
0xaf: {  	v51 =	vld [tilespmem:$0xCDD0];
	_ =	sdelay $0x4  }
0xb0: {  	v0 =	vadd.f32 v51, v50;
	_ =	sdelay $0x1  }
0xb1: {  	v52 =	vld [tilespmem:s18+$0x5E0];
	[tilespmem:s18+$0x5D0] =	vst v0  }
0xb2: {  	v53 =	vld [tilespmem:$0xCDE0];
	_ =	sdelay $0x4  }
0xb3: {  	v0 =	vadd.f32 v53, v52;
	_ =	sdelay $0x1  }
0xb4: {  	v54 =	vld [tilespmem:s18+$0x5F0];
	[tilespmem:s18+$0x5E0] =	vst v0  }
0xb5: {  	v55 =	vld [tilespmem:$0xCDF0];
	_ =	sdelay $0x4  }
0xb6: {  	v0 =	vadd.f32 v55, v54;
	_ =	sdelay $0x1  }
0xb7: {  	v56 =	vld [tilespmem:s18+$0x600];
	[tilespmem:s18+$0x5F0] =	vst v0  }
0xb8: {  	v57 =	vld [tilespmem:$0xCE00];
	_ =	sdelay $0x4  }
0xb9: {  	v0 =	vadd.f32 v57, v56;
	_ =	sdelay $0x1  }
0xba: {  	v58 =	vld [tilespmem:s18+$0x610];
	[tilespmem:s18+$0x600] =	vst v0  }
0xbb: {  	v59 =	vld [tilespmem:$0xCE10];
	_ =	sdelay $0x4  }
0xbc: {  	v0 =	vadd.f32 v59, v58;
	_ =	sdelay $0x1  }
0xbd: {  	v60 =	vld [tilespmem:s18+$0x620];
	[tilespmem:s18+$0x610] =	vst v0  }
0xbe: {  	v61 =	vld [tilespmem:$0xCE20];
	_ =	sdelay $0x4  }
0xbf: {  	v0 =	vadd.f32 v61, v60;
	_ =	sdelay $0x1  }
0xc0: {  	v62 =	vld [tilespmem:s18+$0x630];
	[tilespmem:s18+$0x620] =	vst v0  }
0xc1: {  	v63 =	vld [tilespmem:$0xCE30];
	_ =	sdelay $0x4  }
0xc2: {  	v0 =	vadd.f32 v63, v62;
	_ =	sdelay $0x1  }
0xc3: {  	v4 =	vld [tilespmem:s18+$0x640];
	[tilespmem:s18+$0x630] =	vst v0  }
0xc4: {  	v5 =	vld [tilespmem:$0xCE40];
	_ =	sdelay $0x4  }
0xc5: {  	v0 =	vadd.f32 v5, v4;
	_ =	sdelay $0x1  }
0xc6: {  	v6 =	vld [tilespmem:s18+$0x650];
	[tilespmem:s18+$0x640] =	vst v0  }
0xc7: {  	v7 =	vld [tilespmem:$0xCE50];
	_ =	sdelay $0x4  }
0xc8: {  	v0 =	vadd.f32 v7, v6;
	_ =	sdelay $0x1  }
0xc9: {  	v8 =	vld [tilespmem:s18+$0x660];
	[tilespmem:s18+$0x650] =	vst v0  }
0xca: {  	v9 =	vld [tilespmem:$0xCE60];
	_ =	sdelay $0x4  }
0xcb: {  	v0 =	vadd.f32 v9, v8;
	_ =	sdelay $0x1  }
0xcc: {  	v10 =	vld [tilespmem:s18+$0x670];
	[tilespmem:s18+$0x660] =	vst v0  }
0xcd: {  	v11 =	vld [tilespmem:$0xCE70];
	_ =	sdelay $0x4  }
0xce: {  	v0 =	vadd.f32 v11, v10;
	_ =	sdelay $0x1  }
0xcf: {  	v12 =	vld [tilespmem:s18+$0x680];
	[tilespmem:s18+$0x670] =	vst v0  }
0xd0: {  	v13 =	vld [tilespmem:$0xCE80];
	_ =	sdelay $0x4  }
0xd1: {  	v0 =	vadd.f32 v13, v12;
	_ =	sdelay $0x1  }
0xd2: {  	v14 =	vld [tilespmem:s18+$0x690];
	[tilespmem:s18+$0x680] =	vst v0  }
0xd3: {  	v15 =	vld [tilespmem:$0xCE90];
	_ =	sdelay $0x4  }
0xd4: {  	v0 =	vadd.f32 v15, v14;
	_ =	sdelay $0x1  }
0xd5: {  	v16 =	vld [tilespmem:s18+$0x6A0];
	[tilespmem:s18+$0x690] =	vst v0  }
0xd6: {  	v17 =	vld [tilespmem:$0xCEA0];
	_ =	sdelay $0x4  }
0xd7: {  	v0 =	vadd.f32 v17, v16;
	_ =	sdelay $0x1  }
0xd8: {  	v18 =	vld [tilespmem:s18+$0x6B0];
	[tilespmem:s18+$0x6A0] =	vst v0  }
0xd9: {  	v19 =	vld [tilespmem:$0xCEB0];
	_ =	sdelay $0x4  }
0xda: {  	v0 =	vadd.f32 v19, v18;
	_ =	sdelay $0x1  }
0xdb: {  	v20 =	vld [tilespmem:s18+$0x6C0];
	[tilespmem:s18+$0x6B0] =	vst v0  }
0xdc: {  	v21 =	vld [tilespmem:$0xCEC0];
	_ =	sdelay $0x4  }
0xdd: {  	v0 =	vadd.f32 v21, v20;
	_ =	sdelay $0x1  }
0xde: {  	v22 =	vld [tilespmem:s18+$0x6D0];
	[tilespmem:s18+$0x6C0] =	vst v0  }
0xdf: {  	v23 =	vld [tilespmem:$0xCED0];
	_ =	sdelay $0x4  }
0xe0: {  	v0 =	vadd.f32 v23, v22;
	_ =	sdelay $0x1  }
0xe1: {  	v24 =	vld [tilespmem:s18+$0x6E0];
	[tilespmem:s18+$0x6D0] =	vst v0  }
0xe2: {  	v25 =	vld [tilespmem:$0xCEE0];
	_ =	sdelay $0x4  }
0xe3: {  	v0 =	vadd.f32 v25, v24;
	_ =	sdelay $0x1  }
0xe4: {  	v26 =	vld [tilespmem:s18+$0x6F0];
	[tilespmem:s18+$0x6E0] =	vst v0  }
0xe5: {  	v27 =	vld [tilespmem:$0xCEF0];
	_ =	sdelay $0x4  }
0xe6: {  	v0 =	vadd.f32 v27, v26;
	_ =	sdelay $0x1  }
0xe7: {  	v28 =	vld [tilespmem:s18+$0x700];
	[tilespmem:s18+$0x6F0] =	vst v0  }
0xe8: {  	v29 =	vld [tilespmem:$0xCF00];
	_ =	sdelay $0x4  }
0xe9: {  	v0 =	vadd.f32 v29, v28;
	_ =	sdelay $0x1  }
0xea: {  	v30 =	vld [tilespmem:s18+$0x710];
	[tilespmem:s18+$0x700] =	vst v0  }
0xeb: {  	v31 =	vld [tilespmem:$0xCF10];
	_ =	sdelay $0x4  }
0xec: {  	v0 =	vadd.f32 v31, v30;
	_ =	sdelay $0x1  }
0xed: {  	v32 =	vld [tilespmem:s18+$0x720];
	[tilespmem:s18+$0x710] =	vst v0  }
0xee: {  	v33 =	vld [tilespmem:$0xCF20];
	_ =	sdelay $0x4  }
0xef: {  	v0 =	vadd.f32 v33, v32;
	_ =	sdelay $0x1  }
0xf0: {  	v34 =	vld [tilespmem:s18+$0x730];
	[tilespmem:s18+$0x720] =	vst v0  }
0xf1: {  	v35 =	vld [tilespmem:$0xCF30];
	_ =	sdelay $0x4  }
0xf2: {  	v0 =	vadd.f32 v35, v34;
	_ =	sdelay $0x1  }
0xf3: {  	v36 =	vld [tilespmem:s18+$0x740];
	[tilespmem:s18+$0x730] =	vst v0  }
0xf4: {  	v37 =	vld [tilespmem:$0xCF40];
	_ =	sdelay $0x4  }
0xf5: {  	v0 =	vadd.f32 v37, v36;
	_ =	sdelay $0x1  }
0xf6: {  	v38 =	vld [tilespmem:s18+$0x750];
	[tilespmem:s18+$0x740] =	vst v0  }
0xf7: {  	v39 =	vld [tilespmem:$0xCF50];
	_ =	sdelay $0x4  }
0xf8: {  	v0 =	vadd.f32 v39, v38;
	_ =	sdelay $0x1  }
0xf9: {  	v40 =	vld [tilespmem:s18+$0x760];
	[tilespmem:s18+$0x750] =	vst v0  }
0xfa: {  	v41 =	vld [tilespmem:$0xCF60];
	_ =	sdelay $0x4  }
0xfb: {  	v0 =	vadd.f32 v41, v40;
	_ =	sdelay $0x1  }
0xfc: {  	v42 =	vld [tilespmem:s18+$0x770];
	[tilespmem:s18+$0x760] =	vst v0  }
0xfd: {  	v43 =	vld [tilespmem:$0xCF70];
	_ =	sdelay $0x4  }
0xfe: {  	v0 =	vadd.f32 v43, v42;
	_ =	sdelay $0x1  }
0xff: {  	v44 =	vld [tilespmem:s18+$0x780];
	[tilespmem:s18+$0x770] =	vst v0  }
0x100: {  	v45 =	vld [tilespmem:$0xCF80];
	_ =	sdelay $0x4  }
0x101: {  	v0 =	vadd.f32 v45, v44;
	_ =	sdelay $0x1  }
0x102: {  	v46 =	vld [tilespmem:s18+$0x790];
	[tilespmem:s18+$0x780] =	vst v0  }
0x103: {  	v47 =	vld [tilespmem:$0xCF90];
	_ =	sdelay $0x4  }
0x104: {  	v0 =	vadd.f32 v47, v46;
	_ =	sdelay $0x1  }
0x105: {  	v48 =	vld [tilespmem:s18+$0x7A0];
	[tilespmem:s18+$0x790] =	vst v0  }
0x106: {  	v49 =	vld [tilespmem:$0xCFA0];
	_ =	sdelay $0x4  }
0x107: {  	v0 =	vadd.f32 v49, v48;
	_ =	sdelay $0x1  }
0x108: {  	v50 =	vld [tilespmem:s18+$0x7B0];
	[tilespmem:s18+$0x7A0] =	vst v0  }
0x109: {  	v51 =	vld [tilespmem:$0xCFB0];
	_ =	sdelay $0x4  }
0x10a: {  	v0 =	vadd.f32 v51, v50;
	_ =	sdelay $0x1  }
0x10b: {  	v52 =	vld [tilespmem:s18+$0x7C0];
	[tilespmem:s18+$0x7B0] =	vst v0  }
0x10c: {  	v53 =	vld [tilespmem:$0xCFC0];
	_ =	sdelay $0x4  }
0x10d: {  	v0 =	vadd.f32 v53, v52;
	_ =	sdelay $0x1  }
0x10e: {  	v54 =	vld [tilespmem:s18+$0x7D0];
	[tilespmem:s18+$0x7C0] =	vst v0  }
0x10f: {  	v55 =	vld [tilespmem:$0xCFD0];
	_ =	sdelay $0x4  }
0x110: {  	v0 =	vadd.f32 v55, v54;
	_ =	sdelay $0x1  }
0x111: {  	v56 =	vld [tilespmem:s18+$0x7E0];
	[tilespmem:s18+$0x7D0] =	vst v0  }
0x112: {  	v57 =	vld [tilespmem:$0xCFE0];
	_ =	sdelay $0x4  }
0x113: {  	v0 =	vadd.f32 v57, v56;
	_ =	sdelay $0x1  }
0x114: {  	v58 =	vld [tilespmem:s18+$0x7F0];
	[tilespmem:s18+$0x7E0] =	vst v0  }
0x115: {  	v59 =	vld [tilespmem:$0xCFF0];
	_ =	sdelay $0x4  }
0x116: {  	v0 =	vadd.f32 v59, v58;
	_ =	sdelay $0x1  }
0x117: {  	v60 =	vld [tilespmem:s18+$0x800];
	[tilespmem:s18+$0x7F0] =	vst v0  }
0x118: {  	v61 =	vld [tilespmem:$0xD000];
	_ =	sdelay $0x4  }
0x119: {  	v0 =	vadd.f32 v61, v60;
	_ =	sdelay $0x1  }
0x11a: {  	v62 =	vld [tilespmem:s18+$0x810];
	[tilespmem:s18+$0x800] =	vst v0  }
0x11b: {  	v63 =	vld [tilespmem:$0xD010];
	_ =	sdelay $0x4  }
0x11c: {  	v0 =	vadd.f32 v63, v62;
	_ =	sdelay $0x1  }
0x11d: {  	v4 =	vld [tilespmem:s18+$0x820];
	[tilespmem:s18+$0x810] =	vst v0  }
0x11e: {  	v5 =	vld [tilespmem:$0xD020];
	_ =	sdelay $0x4  }
0x11f: {  	v0 =	vadd.f32 v5, v4;
	_ =	sdelay $0x1  }
0x120: {  	v6 =	vld [tilespmem:s18+$0x830];
	[tilespmem:s18+$0x820] =	vst v0  }
0x121: {  	v7 =	vld [tilespmem:$0xD030];
	_ =	sdelay $0x4  }
0x122: {  	v0 =	vadd.f32 v7, v6;
	_ =	sdelay $0x1  }
0x123: {  	v8 =	vld [tilespmem:s18+$0x840];
	[tilespmem:s18+$0x830] =	vst v0  }
0x124: {  	v9 =	vld [tilespmem:$0xD040];
	_ =	sdelay $0x4  }
0x125: {  	v0 =	vadd.f32 v9, v8;
	_ =	sdelay $0x1  }
0x126: {  	v10 =	vld [tilespmem:s18+$0x850];
	[tilespmem:s18+$0x840] =	vst v0  }
0x127: {  	v11 =	vld [tilespmem:$0xD050];
	_ =	sdelay $0x4  }
0x128: {  	v0 =	vadd.f32 v11, v10;
	_ =	sdelay $0x1  }
0x129: {  	v12 =	vld [tilespmem:s18+$0x860];
	[tilespmem:s18+$0x850] =	vst v0  }
0x12a: {  	v13 =	vld [tilespmem:$0xD060];
	_ =	sdelay $0x4  }
0x12b: {  	v0 =	vadd.f32 v13, v12;
	_ =	sdelay $0x1  }
0x12c: {  	v14 =	vld [tilespmem:s18+$0x870];
	[tilespmem:s18+$0x860] =	vst v0  }
0x12d: {  	v15 =	vld [tilespmem:$0xD070];
	_ =	sdelay $0x4  }
0x12e: {  	v0 =	vadd.f32 v15, v14;
	_ =	sdelay $0x1  }
0x12f: {  	v16 =	vld [tilespmem:s18+$0x880];
	[tilespmem:s18+$0x870] =	vst v0  }
0x130: {  	v17 =	vld [tilespmem:$0xD080];
	_ =	sdelay $0x4  }
0x131: {  	v0 =	vadd.f32 v17, v16;
	_ =	sdelay $0x1  }
0x132: {  	v18 =	vld [tilespmem:s18+$0x890];
	[tilespmem:s18+$0x880] =	vst v0  }
0x133: {  	v19 =	vld [tilespmem:$0xD090];
	_ =	sdelay $0x4  }
0x134: {  	v0 =	vadd.f32 v19, v18;
	_ =	sdelay $0x1  }
0x135: {  	v20 =	vld [tilespmem:s18+$0x8A0];
	[tilespmem:s18+$0x890] =	vst v0  }
0x136: {  	v21 =	vld [tilespmem:$0xD0A0];
	_ =	sdelay $0x4  }
0x137: {  	v0 =	vadd.f32 v21, v20;
	_ =	sdelay $0x1  }
0x138: {  	v22 =	vld [tilespmem:s18+$0x8B0];
	[tilespmem:s18+$0x8A0] =	vst v0  }
0x139: {  	v23 =	vld [tilespmem:$0xD0B0];
	_ =	sdelay $0x4  }
0x13a: {  	v0 =	vadd.f32 v23, v22;
	_ =	sdelay $0x1  }
0x13b: {  	v24 =	vld [tilespmem:s18+$0x8C0];
	[tilespmem:s18+$0x8B0] =	vst v0  }
0x13c: {  	v25 =	vld [tilespmem:$0xD0C0];
	_ =	sdelay $0x4  }
0x13d: {  	v0 =	vadd.f32 v25, v24;
	_ =	sdelay $0x1  }
0x13e: {  	v26 =	vld [tilespmem:s18+$0x8D0];
	[tilespmem:s18+$0x8C0] =	vst v0  }
0x13f: {  	v27 =	vld [tilespmem:$0xD0D0];
	_ =	sdelay $0x4  }
0x140: {  	v0 =	vadd.f32 v27, v26;
	_ =	sdelay $0x1  }
0x141: {  	v28 =	vld [tilespmem:s18+$0x8E0];
	[tilespmem:s18+$0x8D0] =	vst v0  }
0x142: {  	v29 =	vld [tilespmem:$0xD0E0];
	_ =	sdelay $0x4  }
0x143: {  	v0 =	vadd.f32 v29, v28;
	_ =	sdelay $0x1  }
0x144: {  	v30 =	vld [tilespmem:s18+$0x8F0];
	[tilespmem:s18+$0x8E0] =	vst v0  }
0x145: {  	v31 =	vld [tilespmem:$0xD0F0];
	_ =	sdelay $0x4  }
0x146: {  	v0 =	vadd.f32 v31, v30;
	_ =	sdelay $0x1  }
0x147: {  	v32 =	vld [tilespmem:s18+$0x900];
	[tilespmem:s18+$0x8F0] =	vst v0  }
0x148: {  	v33 =	vld [tilespmem:$0xD100];
	_ =	sdelay $0x4  }
0x149: {  	v0 =	vadd.f32 v33, v32;
	_ =	sdelay $0x1  }
0x14a: {  	v34 =	vld [tilespmem:s18+$0x910];
	[tilespmem:s18+$0x900] =	vst v0  }
0x14b: {  	v35 =	vld [tilespmem:$0xD110];
	_ =	sdelay $0x4  }
0x14c: {  	v0 =	vadd.f32 v35, v34;
	_ =	sdelay $0x1  }
0x14d: {  	v36 =	vld [tilespmem:s18+$0x920];
	[tilespmem:s18+$0x910] =	vst v0  }
0x14e: {  	v37 =	vld [tilespmem:$0xD120];
	_ =	sdelay $0x4  }
0x14f: {  	v0 =	vadd.f32 v37, v36;
	_ =	sdelay $0x1  }
0x150: {  	v38 =	vld [tilespmem:s18+$0x930];
	[tilespmem:s18+$0x920] =	vst v0  }
0x151: {  	v39 =	vld [tilespmem:$0xD130];
	_ =	sdelay $0x4  }
0x152: {  	v0 =	vadd.f32 v39, v38;
	_ =	sdelay $0x1  }
0x153: {  	v40 =	vld [tilespmem:s18+$0x940];
	[tilespmem:s18+$0x930] =	vst v0  }
0x154: {  	v41 =	vld [tilespmem:$0xD140];
	_ =	sdelay $0x4  }
0x155: {  	v0 =	vadd.f32 v41, v40;
	_ =	sdelay $0x1  }
0x156: {  	v42 =	vld [tilespmem:s18+$0x950];
	[tilespmem:s18+$0x940] =	vst v0  }
0x157: {  	v43 =	vld [tilespmem:$0xD150];
	_ =	sdelay $0x4  }
0x158: {  	v0 =	vadd.f32 v43, v42;
	_ =	sdelay $0x1  }
0x159: {  	v44 =	vld [tilespmem:s18+$0x960];
	[tilespmem:s18+$0x950] =	vst v0  }
0x15a: {  	v45 =	vld [tilespmem:$0xD160];
	_ =	sdelay $0x4  }
0x15b: {  	v0 =	vadd.f32 v45, v44;
	_ =	sdelay $0x1  }
0x15c: {  	v46 =	vld [tilespmem:s18+$0x970];
	[tilespmem:s18+$0x960] =	vst v0  }
0x15d: {  	v47 =	vld [tilespmem:$0xD170];
	_ =	sdelay $0x4  }
0x15e: {  	v0 =	vadd.f32 v47, v46;
	_ =	sdelay $0x1  }
0x15f: {  	v48 =	vld [tilespmem:s18+$0x980];
	[tilespmem:s18+$0x970] =	vst v0  }
0x160: {  	v49 =	vld [tilespmem:$0xD180];
	_ =	sdelay $0x4  }
0x161: {  	v0 =	vadd.f32 v49, v48;
	_ =	sdelay $0x1  }
0x162: {  	v50 =	vld [tilespmem:s18+$0x990];
	[tilespmem:s18+$0x980] =	vst v0  }
0x163: {  	v51 =	vld [tilespmem:$0xD190];
	_ =	sdelay $0x4  }
0x164: {  	v0 =	vadd.f32 v51, v50;
	_ =	sdelay $0x1  }
0x165: {  	v52 =	vld [tilespmem:s18+$0x9A0];
	[tilespmem:s18+$0x990] =	vst v0  }
0x166: {  	v53 =	vld [tilespmem:$0xD1A0];
	_ =	sdelay $0x4  }
0x167: {  	v0 =	vadd.f32 v53, v52;
	_ =	sdelay $0x1  }
0x168: {  	v54 =	vld [tilespmem:s18+$0x9B0];
	[tilespmem:s18+$0x9A0] =	vst v0  }
0x169: {  	v55 =	vld [tilespmem:$0xD1B0];
	_ =	sdelay $0x4  }
0x16a: {  	v0 =	vadd.f32 v55, v54;
	_ =	sdelay $0x1  }
0x16b: {  	v56 =	vld [tilespmem:s18+$0x9C0];
	[tilespmem:s18+$0x9B0] =	vst v0  }
0x16c: {  	v57 =	vld [tilespmem:$0xD1C0];
	_ =	sdelay $0x4  }
0x16d: {  	v0 =	vadd.f32 v57, v56;
	_ =	sdelay $0x1  }
0x16e: {  	v58 =	vld [tilespmem:s18+$0x9D0];
	[tilespmem:s18+$0x9C0] =	vst v0  }
0x16f: {  	v59 =	vld [tilespmem:$0xD1D0];
	_ =	sdelay $0x4  }
0x170: {  	v0 =	vadd.f32 v59, v58;
	_ =	sdelay $0x1  }
0x171: {  	v60 =	vld [tilespmem:s18+$0x9E0];
	[tilespmem:s18+$0x9D0] =	vst v0  }
0x172: {  	v61 =	vld [tilespmem:$0xD1E0];
	_ =	sdelay $0x4  }
0x173: {  	v0 =	vadd.f32 v61, v60;
	_ =	sdelay $0x1  }
0x174: {  	v62 =	vld [tilespmem:s18+$0x9F0];
	[tilespmem:s18+$0x9E0] =	vst v0  }
0x175: {  	v63 =	vld [tilespmem:$0xD1F0];
	_ =	sdelay $0x4  }
0x176: {  	v0 =	vadd.f32 v63, v62;
	_ =	sdelay $0x1  }
0x177: {  	v4 =	vld [tilespmem:s18+$0xA00];
	[tilespmem:s18+$0x9F0] =	vst v0  }
0x178: {  	v5 =	vld [tilespmem:$0xD200];
	_ =	sdelay $0x4  }
0x179: {  	v0 =	vadd.f32 v5, v4;
	_ =	sdelay $0x1  }
0x17a: {  	v6 =	vld [tilespmem:s18+$0xA10];
	[tilespmem:s18+$0xA00] =	vst v0  }
0x17b: {  	v7 =	vld [tilespmem:$0xD210];
	_ =	sdelay $0x4  }
0x17c: {  	v0 =	vadd.f32 v7, v6;
	_ =	sdelay $0x1  }
0x17d: {  	v8 =	vld [tilespmem:s18+$0xA20];
	[tilespmem:s18+$0xA10] =	vst v0  }
0x17e: {  	v9 =	vld [tilespmem:$0xD220];
	_ =	sdelay $0x4  }
0x17f: {  	v0 =	vadd.f32 v9, v8;
	_ =	sdelay $0x1  }
0x180: {  	v10 =	vld [tilespmem:s18+$0xA30];
	[tilespmem:s18+$0xA20] =	vst v0  }
0x181: {  	v11 =	vld [tilespmem:$0xD230];
	_ =	sdelay $0x4  }
0x182: {  	v0 =	vadd.f32 v11, v10;
	_ =	sdelay $0x1  }
0x183: {  	v12 =	vld [tilespmem:s18+$0xA40];
	[tilespmem:s18+$0xA30] =	vst v0  }
0x184: {  	v13 =	vld [tilespmem:$0xD240];
	_ =	sdelay $0x4  }
0x185: {  	v0 =	vadd.f32 v13, v12;
	_ =	sdelay $0x1  }
0x186: {  	v14 =	vld [tilespmem:s18+$0xA50];
	[tilespmem:s18+$0xA40] =	vst v0  }
0x187: {  	v15 =	vld [tilespmem:$0xD250];
	_ =	sdelay $0x4  }
0x188: {  	v0 =	vadd.f32 v15, v14;
	_ =	sdelay $0x1  }
0x189: {  	v16 =	vld [tilespmem:s18+$0xA60];
	[tilespmem:s18+$0xA50] =	vst v0  }
0x18a: {  	v17 =	vld [tilespmem:$0xD260];
	_ =	sdelay $0x4  }
0x18b: {  	v0 =	vadd.f32 v17, v16;
	_ =	sdelay $0x1  }
0x18c: {  	v18 =	vld [tilespmem:s18+$0xA70];
	[tilespmem:s18+$0xA60] =	vst v0  }
0x18d: {  	v19 =	vld [tilespmem:$0xD270];
	_ =	sdelay $0x4  }
0x18e: {  	v0 =	vadd.f32 v19, v18;
	_ =	sdelay $0x1  }
0x18f: {  	v20 =	vld [tilespmem:s18+$0xA80];
	[tilespmem:s18+$0xA70] =	vst v0  }
0x190: {  	v21 =	vld [tilespmem:$0xD280];
	_ =	sdelay $0x4  }
0x191: {  	v0 =	vadd.f32 v21, v20;
	_ =	sdelay $0x1  }
0x192: {  	v22 =	vld [tilespmem:s18+$0xA90];
	[tilespmem:s18+$0xA80] =	vst v0  }
0x193: {  	v23 =	vld [tilespmem:$0xD290];
	_ =	sdelay $0x4  }
0x194: {  	v0 =	vadd.f32 v23, v22;
	_ =	sdelay $0x1  }
0x195: {  	v24 =	vld [tilespmem:s18+$0xAA0];
	[tilespmem:s18+$0xA90] =	vst v0  }
0x196: {  	v25 =	vld [tilespmem:$0xD2A0];
	_ =	sdelay $0x4  }
0x197: {  	v0 =	vadd.f32 v25, v24;
	_ =	sdelay $0x1  }
0x198: {  	v26 =	vld [tilespmem:s18+$0xAB0];
	[tilespmem:s18+$0xAA0] =	vst v0  }
0x199: {  	v27 =	vld [tilespmem:$0xD2B0];
	_ =	sdelay $0x4  }
0x19a: {  	v0 =	vadd.f32 v27, v26;
	_ =	sdelay $0x1  }
0x19b: {  	v28 =	vld [tilespmem:s18+$0xAC0];
	[tilespmem:s18+$0xAB0] =	vst v0  }
0x19c: {  	v29 =	vld [tilespmem:$0xD2C0];
	_ =	sdelay $0x4  }
0x19d: {  	v0 =	vadd.f32 v29, v28;
	_ =	sdelay $0x1  }
0x19e: {  	v30 =	vld [tilespmem:s18+$0xAD0];
	[tilespmem:s18+$0xAC0] =	vst v0  }
0x19f: {  	v31 =	vld [tilespmem:$0xD2D0];
	_ =	sdelay $0x4  }
0x1a0: {  	v0 =	vadd.f32 v31, v30;
	_ =	sdelay $0x1  }
0x1a1: {  	v32 =	vld [tilespmem:s18+$0xAE0];
	[tilespmem:s18+$0xAD0] =	vst v0  }
0x1a2: {  	v33 =	vld [tilespmem:$0xD2E0];
	_ =	sdelay $0x4  }
0x1a3: {  	v0 =	vadd.f32 v33, v32;
	_ =	sdelay $0x1  }
0x1a4: {  	v34 =	vld [tilespmem:s18+$0xAF0];
	[tilespmem:s18+$0xAE0] =	vst v0  }
0x1a5: {  	v35 =	vld [tilespmem:$0xD2F0];
	_ =	sdelay $0x4  }
0x1a6: {  	v0 =	vadd.f32 v35, v34;
	_ =	sdelay $0x1  }
0x1a7: {  	v36 =	vld [tilespmem:s18+$0xB00];
	[tilespmem:s18+$0xAF0] =	vst v0  }
0x1a8: {  	v37 =	vld [tilespmem:$0xD300];
	_ =	sdelay $0x4  }
0x1a9: {  	v0 =	vadd.f32 v37, v36;
	_ =	sdelay $0x1  }
0x1aa: {  	v38 =	vld [tilespmem:s18+$0xB10];
	[tilespmem:s18+$0xB00] =	vst v0  }
0x1ab: {  	v39 =	vld [tilespmem:$0xD310];
	_ =	sdelay $0x4  }
0x1ac: {  	v0 =	vadd.f32 v39, v38;
	_ =	sdelay $0x1  }
0x1ad: {  	v40 =	vld [tilespmem:s18+$0xB20];
	[tilespmem:s18+$0xB10] =	vst v0  }
0x1ae: {  	v41 =	vld [tilespmem:$0xD320];
	_ =	sdelay $0x4  }
0x1af: {  	v0 =	vadd.f32 v41, v40;
	_ =	sdelay $0x1  }
0x1b0: {  	v42 =	vld [tilespmem:s18+$0xB30];
	[tilespmem:s18+$0xB20] =	vst v0  }
0x1b1: {  	v43 =	vld [tilespmem:$0xD330];
	_ =	sdelay $0x4  }
0x1b2: {  	v0 =	vadd.f32 v43, v42;
	_ =	sdelay $0x1  }
0x1b3: {  	v44 =	vld [tilespmem:s18+$0xB40];
	[tilespmem:s18+$0xB30] =	vst v0  }
0x1b4: {  	v45 =	vld [tilespmem:$0xD340];
	_ =	sdelay $0x4  }
0x1b5: {  	v0 =	vadd.f32 v45, v44;
	_ =	sdelay $0x1  }
0x1b6: {  	v46 =	vld [tilespmem:s18+$0xB50];
	[tilespmem:s18+$0xB40] =	vst v0  }
0x1b7: {  	v47 =	vld [tilespmem:$0xD350];
	_ =	sdelay $0x4  }
0x1b8: {  	v0 =	vadd.f32 v47, v46;
	_ =	sdelay $0x1  }
0x1b9: {  	v48 =	vld [tilespmem:s18+$0xB60];
	[tilespmem:s18+$0xB50] =	vst v0  }
0x1ba: {  	v49 =	vld [tilespmem:$0xD360];
	_ =	sdelay $0x4  }
0x1bb: {  	v0 =	vadd.f32 v49, v48;
	_ =	sdelay $0x1  }
0x1bc: {  	v50 =	vld [tilespmem:s18+$0xB70];
	[tilespmem:s18+$0xB60] =	vst v0  }
0x1bd: {  	v51 =	vld [tilespmem:$0xD370];
	_ =	sdelay $0x4  }
0x1be: {  	v0 =	vadd.f32 v51, v50;
	_ =	sdelay $0x1  }
0x1bf: {  	v52 =	vld [tilespmem:s18+$0xB80];
	[tilespmem:s18+$0xB70] =	vst v0  }
0x1c0: {  	v53 =	vld [tilespmem:$0xD380];
	_ =	sdelay $0x4  }
0x1c1: {  	v0 =	vadd.f32 v53, v52;
	_ =	sdelay $0x1  }
0x1c2: {  	v54 =	vld [tilespmem:s18+$0xB90];
	[tilespmem:s18+$0xB80] =	vst v0  }
0x1c3: {  	v55 =	vld [tilespmem:$0xD390];
	_ =	sdelay $0x4  }
0x1c4: {  	v0 =	vadd.f32 v55, v54;
	_ =	sdelay $0x1  }
0x1c5: {  	v56 =	vld [tilespmem:s18+$0xBA0];
	[tilespmem:s18+$0xB90] =	vst v0  }
0x1c6: {  	v57 =	vld [tilespmem:$0xD3A0];
	_ =	sdelay $0x4  }
0x1c7: {  	v0 =	vadd.f32 v57, v56;
	_ =	sdelay $0x1  }
0x1c8: {  	v58 =	vld [tilespmem:s18+$0xBB0];
	[tilespmem:s18+$0xBA0] =	vst v0  }
0x1c9: {  	v59 =	vld [tilespmem:$0xD3B0];
	_ =	sdelay $0x4  }
0x1ca: {  	v0 =	vadd.f32 v59, v58;
	_ =	sdelay $0x1  }
0x1cb: {  	v60 =	vld [tilespmem:s18+$0xBC0];
	[tilespmem:s18+$0xBB0] =	vst v0  }
0x1cc: {  	v61 =	vld [tilespmem:$0xD3C0];
	_ =	sdelay $0x4  }
0x1cd: {  	v0 =	vadd.f32 v61, v60;
	_ =	sdelay $0x1  }
0x1ce: {  	v62 =	vld [tilespmem:s18+$0xBD0];
	[tilespmem:s18+$0xBC0] =	vst v0  }
0x1cf: {  	v63 =	vld [tilespmem:$0xD3D0];
	_ =	sdelay $0x4  }
0x1d0: {  	v0 =	vadd.f32 v63, v62;
	_ =	sdelay $0x1  }
0x1d1: {  	v4 =	vld [tilespmem:s18+$0xBE0];
	[tilespmem:s18+$0xBD0] =	vst v0  }
0x1d2: {  	v5 =	vld [tilespmem:$0xD3E0];
	_ =	sdelay $0x4  }
0x1d3: {  	v0 =	vadd.f32 v5, v4;
	_ =	sdelay $0x1  }
0x1d4: {  	v6 =	vld [tilespmem:s18+$0xBF0];
	[tilespmem:s18+$0xBE0] =	vst v0  }
0x1d5: {  	v7 =	vld [tilespmem:$0xD3F0];
	_ =	sdelay $0x4  }
0x1d6: {  	v0 =	vadd.f32 v7, v6;
	_ =	sdelay $0x1  }
0x1d7: {  	v8 =	vld [tilespmem:s18+$0xC00];
	[tilespmem:s18+$0xBF0] =	vst v0  }
0x1d8: {  	v9 =	vld [tilespmem:$0xD400];
	_ =	sdelay $0x4  }
0x1d9: {  	v0 =	vadd.f32 v9, v8;
	_ =	sdelay $0x1  }
0x1da: {  	v10 =	vld [tilespmem:s18+$0xC10];
	[tilespmem:s18+$0xC00] =	vst v0  }
0x1db: {  	v11 =	vld [tilespmem:$0xD410];
	_ =	sdelay $0x4  }
0x1dc: {  	v0 =	vadd.f32 v11, v10;
	_ =	sdelay $0x1  }
0x1dd: {  	v12 =	vld [tilespmem:s18+$0xC20];
	[tilespmem:s18+$0xC10] =	vst v0  }
0x1de: {  	v13 =	vld [tilespmem:$0xD420];
	_ =	sdelay $0x4  }
0x1df: {  	v0 =	vadd.f32 v13, v12;
	_ =	sdelay $0x1  }
0x1e0: {  	v14 =	vld [tilespmem:s18+$0xC30];
	[tilespmem:s18+$0xC20] =	vst v0  }
0x1e1: {  	v15 =	vld [tilespmem:$0xD430];
	_ =	sdelay $0x4  }
0x1e2: {  	v0 =	vadd.f32 v15, v14;
	_ =	sdelay $0x1  }
0x1e3: {  	v16 =	vld [tilespmem:s18+$0xC40];
	[tilespmem:s18+$0xC30] =	vst v0  }
0x1e4: {  	v17 =	vld [tilespmem:$0xD440];
	_ =	sdelay $0x4  }
0x1e5: {  	v0 =	vadd.f32 v17, v16;
	_ =	sdelay $0x1  }
0x1e6: {  	v18 =	vld [tilespmem:s18+$0xC50];
	[tilespmem:s18+$0xC40] =	vst v0  }
0x1e7: {  	v19 =	vld [tilespmem:$0xD450];
	_ =	sdelay $0x4  }
0x1e8: {  	v0 =	vadd.f32 v19, v18;
	_ =	sdelay $0x1  }
0x1e9: {  	v20 =	vld [tilespmem:s18+$0xC60];
	[tilespmem:s18+$0xC50] =	vst v0  }
0x1ea: {  	v21 =	vld [tilespmem:$0xD460];
	_ =	sdelay $0x4  }
0x1eb: {  	v0 =	vadd.f32 v21, v20;
	_ =	sdelay $0x1  }
0x1ec: {  	v22 =	vld [tilespmem:s18+$0xC70];
	[tilespmem:s18+$0xC60] =	vst v0  }
0x1ed: {  	v23 =	vld [tilespmem:$0xD470];
	_ =	sdelay $0x4  }
0x1ee: {  	v0 =	vadd.f32 v23, v22;
	_ =	sdelay $0x1  }
0x1ef: {  	v24 =	vld [tilespmem:s18+$0xC80];
	[tilespmem:s18+$0xC70] =	vst v0  }
0x1f0: {  	v25 =	vld [tilespmem:$0xD480];
	_ =	sdelay $0x4  }
0x1f1: {  	v0 =	vadd.f32 v25, v24;
	_ =	sdelay $0x1  }
0x1f2: {  	v26 =	vld [tilespmem:s18+$0xC90];
	[tilespmem:s18+$0xC80] =	vst v0  }
0x1f3: {  	v27 =	vld [tilespmem:$0xD490];
	_ =	sdelay $0x4  }
0x1f4: {  	v0 =	vadd.f32 v27, v26;
	_ =	sdelay $0x1  }
0x1f5: {  	v28 =	vld [tilespmem:s18+$0xCA0];
	[tilespmem:s18+$0xC90] =	vst v0  }
0x1f6: {  	v29 =	vld [tilespmem:$0xD4A0];
	_ =	sdelay $0x4  }
0x1f7: {  	v0 =	vadd.f32 v29, v28;
	_ =	sdelay $0x1  }
0x1f8: {  	v30 =	vld [tilespmem:s18+$0xCB0];
	[tilespmem:s18+$0xCA0] =	vst v0  }
0x1f9: {  	v31 =	vld [tilespmem:$0xD4B0];
	_ =	sdelay $0x4  }
0x1fa: {  	v0 =	vadd.f32 v31, v30;
	_ =	sdelay $0x1  }
0x1fb: {  	v32 =	vld [tilespmem:s18+$0xCC0];
	[tilespmem:s18+$0xCB0] =	vst v0  }
0x1fc: {  	v33 =	vld [tilespmem:$0xD4C0];
	_ =	sdelay $0x4  }
0x1fd: {  	v0 =	vadd.f32 v33, v32;
	_ =	sdelay $0x1  }
0x1fe: {  	v34 =	vld [tilespmem:s18+$0xCD0];
	[tilespmem:s18+$0xCC0] =	vst v0  }
0x1ff: {  	v35 =	vld [tilespmem:$0xD4D0];
	_ =	sdelay $0x4  }
0x200: {  	v0 =	vadd.f32 v35, v34;
	_ =	sdelay $0x1  }
0x201: {  	v36 =	vld [tilespmem:s18+$0xCE0];
	[tilespmem:s18+$0xCD0] =	vst v0  }
0x202: {  	v37 =	vld [tilespmem:$0xD4E0];
	_ =	sdelay $0x4  }
0x203: {  	v0 =	vadd.f32 v37, v36;
	_ =	sdelay $0x1  }
0x204: {  	v38 =	vld [tilespmem:s18+$0xCF0];
	[tilespmem:s18+$0xCE0] =	vst v0  }
0x205: {  	v39 =	vld [tilespmem:$0xD4F0];
	_ =	sdelay $0x4  }
0x206: {  	v0 =	vadd.f32 v39, v38;
	_ =	sdelay $0x1  }
0x207: {  	v40 =	vld [tilespmem:s18+$0xD00];
	[tilespmem:s18+$0xCF0] =	vst v0  }
0x208: {  	v41 =	vld [tilespmem:$0xD500];
	_ =	sdelay $0x4  }
0x209: {  	v0 =	vadd.f32 v41, v40;
	_ =	sdelay $0x1  }
0x20a: {  	v42 =	vld [tilespmem:s18+$0xD10];
	[tilespmem:s18+$0xD00] =	vst v0  }
0x20b: {  	v43 =	vld [tilespmem:$0xD510];
	_ =	sdelay $0x4  }
0x20c: {  	v0 =	vadd.f32 v43, v42;
	_ =	sdelay $0x1  }
0x20d: {  	v44 =	vld [tilespmem:s18+$0xD20];
	[tilespmem:s18+$0xD10] =	vst v0  }
0x20e: {  	v45 =	vld [tilespmem:$0xD520];
	_ =	sdelay $0x4  }
0x20f: {  	v0 =	vadd.f32 v45, v44;
	_ =	sdelay $0x1  }
0x210: {  	v46 =	vld [tilespmem:s18+$0xD30];
	[tilespmem:s18+$0xD20] =	vst v0  }
0x211: {  	v47 =	vld [tilespmem:$0xD530];
	_ =	sdelay $0x4  }
0x212: {  	v0 =	vadd.f32 v47, v46;
	_ =	sdelay $0x1  }
0x213: {  	v48 =	vld [tilespmem:s18+$0xD40];
	[tilespmem:s18+$0xD30] =	vst v0  }
0x214: {  	v49 =	vld [tilespmem:$0xD540];
	_ =	sdelay $0x4  }
0x215: {  	v0 =	vadd.f32 v49, v48;
	_ =	sdelay $0x1  }
0x216: {  	v50 =	vld [tilespmem:s18+$0xD50];
	[tilespmem:s18+$0xD40] =	vst v0  }
0x217: {  	v51 =	vld [tilespmem:$0xD550];
	_ =	sdelay $0x4  }
0x218: {  	v0 =	vadd.f32 v51, v50;
	_ =	sdelay $0x1  }
0x219: {  	v52 =	vld [tilespmem:s18+$0xD60];
	[tilespmem:s18+$0xD50] =	vst v0  }
0x21a: {  	v53 =	vld [tilespmem:$0xD560];
	_ =	sdelay $0x4  }
0x21b: {  	v0 =	vadd.f32 v53, v52;
	_ =	sdelay $0x1  }
0x21c: {  	v54 =	vld [tilespmem:s18+$0xD70];
	[tilespmem:s18+$0xD60] =	vst v0  }
0x21d: {  	v55 =	vld [tilespmem:$0xD570];
	_ =	sdelay $0x4  }
0x21e: {  	v0 =	vadd.f32 v55, v54;
	_ =	sdelay $0x1  }
0x21f: {  	v56 =	vld [tilespmem:s18+$0xD80];
	[tilespmem:s18+$0xD70] =	vst v0  }
0x220: {  	v57 =	vld [tilespmem:$0xD580];
	_ =	sdelay $0x4  }
0x221: {  	v0 =	vadd.f32 v57, v56;
	_ =	sdelay $0x1  }
0x222: {  	v58 =	vld [tilespmem:s18+$0xD90];
	[tilespmem:s18+$0xD80] =	vst v0  }
0x223: {  	v59 =	vld [tilespmem:$0xD590];
	_ =	sdelay $0x4  }
0x224: {  	v0 =	vadd.f32 v59, v58;
	_ =	sdelay $0x1  }
0x225: {  	v60 =	vld [tilespmem:s18+$0xDA0];
	[tilespmem:s18+$0xD90] =	vst v0  }
0x226: {  	v61 =	vld [tilespmem:$0xD5A0];
	_ =	sdelay $0x4  }
0x227: {  	v0 =	vadd.f32 v61, v60;
	_ =	sdelay $0x1  }
0x228: {  	v62 =	vld [tilespmem:s18+$0xDB0];
	[tilespmem:s18+$0xDA0] =	vst v0  }
0x229: {  	v63 =	vld [tilespmem:$0xD5B0];
	_ =	sdelay $0x4  }
0x22a: {  	v0 =	vadd.f32 v63, v62;
	_ =	sdelay $0x1  }
0x22b: {  	v4 =	vld [tilespmem:s18+$0xDC0];
	[tilespmem:s18+$0xDB0] =	vst v0  }
0x22c: {  	v5 =	vld [tilespmem:$0xD5C0];
	_ =	sdelay $0x4  }
0x22d: {  	v0 =	vadd.f32 v5, v4;
	_ =	sdelay $0x1  }
0x22e: {  	v6 =	vld [tilespmem:s18+$0xDD0];
	[tilespmem:s18+$0xDC0] =	vst v0  }
0x22f: {  	v7 =	vld [tilespmem:$0xD5D0];
	_ =	sdelay $0x4  }
0x230: {  	v0 =	vadd.f32 v7, v6;
	_ =	sdelay $0x1  }
0x231: {  	v8 =	vld [tilespmem:s18+$0xDE0];
	[tilespmem:s18+$0xDD0] =	vst v0  }
0x232: {  	v9 =	vld [tilespmem:$0xD5E0];
	_ =	sdelay $0x4  }
0x233: {  	v0 =	vadd.f32 v9, v8;
	_ =	sdelay $0x1  }
0x234: {  	v10 =	vld [tilespmem:s18+$0xDF0];
	[tilespmem:s18+$0xDE0] =	vst v0  }
0x235: {  	v11 =	vld [tilespmem:$0xD5F0];
	_ =	sdelay $0x4  }
0x236: {  	v0 =	vadd.f32 v11, v10;
	_ =	sdelay $0x1  }
0x237: {  	v12 =	vld [tilespmem:s18+$0xE00];
	[tilespmem:s18+$0xDF0] =	vst v0  }
0x238: {  	v13 =	vld [tilespmem:$0xD600];
	_ =	sdelay $0x4  }
0x239: {  	v0 =	vadd.f32 v13, v12;
	_ =	sdelay $0x1  }
0x23a: {  	v14 =	vld [tilespmem:s18+$0xE10];
	[tilespmem:s18+$0xE00] =	vst v0  }
0x23b: {  	v15 =	vld [tilespmem:$0xD610];
	_ =	sdelay $0x4  }
0x23c: {  	v0 =	vadd.f32 v15, v14;
	_ =	sdelay $0x1  }
0x23d: {  	v16 =	vld [tilespmem:s18+$0xE20];
	[tilespmem:s18+$0xE10] =	vst v0  }
0x23e: {  	v17 =	vld [tilespmem:$0xD620];
	_ =	sdelay $0x4  }
0x23f: {  	v0 =	vadd.f32 v17, v16;
	_ =	sdelay $0x1  }
0x240: {  	v18 =	vld [tilespmem:s18+$0xE30];
	[tilespmem:s18+$0xE20] =	vst v0  }
0x241: {  	v19 =	vld [tilespmem:$0xD630];
	_ =	sdelay $0x4  }
0x242: {  	v0 =	vadd.f32 v19, v18;
	_ =	sdelay $0x1  }
0x243: {  	v20 =	vld [tilespmem:s18+$0xE40];
	[tilespmem:s18+$0xE30] =	vst v0  }
0x244: {  	v21 =	vld [tilespmem:$0xD640];
	_ =	sdelay $0x4  }
0x245: {  	v0 =	vadd.f32 v21, v20;
	_ =	sdelay $0x1  }
0x246: {  	v22 =	vld [tilespmem:s18+$0xE50];
	[tilespmem:s18+$0xE40] =	vst v0  }
0x247: {  	v23 =	vld [tilespmem:$0xD650];
	_ =	sdelay $0x4  }
0x248: {  	v0 =	vadd.f32 v23, v22;
	_ =	sdelay $0x1  }
0x249: {  	v24 =	vld [tilespmem:s18+$0xE60];
	[tilespmem:s18+$0xE50] =	vst v0  }
0x24a: {  	v25 =	vld [tilespmem:$0xD660];
	_ =	sdelay $0x4  }
0x24b: {  	v0 =	vadd.f32 v25, v24;
	_ =	sdelay $0x1  }
0x24c: {  	v26 =	vld [tilespmem:s18+$0xE70];
	[tilespmem:s18+$0xE60] =	vst v0  }
0x24d: {  	v27 =	vld [tilespmem:$0xD670];
	_ =	sdelay $0x4  }
0x24e: {  	v0 =	vadd.f32 v27, v26;
	_ =	sdelay $0x1  }
0x24f: {  	v28 =	vld [tilespmem:s18+$0xE80];
	[tilespmem:s18+$0xE70] =	vst v0  }
0x250: {  	v29 =	vld [tilespmem:$0xD680];
	_ =	sdelay $0x4  }
0x251: {  	v0 =	vadd.f32 v29, v28;
	_ =	sdelay $0x1  }
0x252: {  	v30 =	vld [tilespmem:s18+$0xE90];
	[tilespmem:s18+$0xE80] =	vst v0  }
0x253: {  	v31 =	vld [tilespmem:$0xD690];
	_ =	sdelay $0x4  }
0x254: {  	v0 =	vadd.f32 v31, v30;
	_ =	sdelay $0x1  }
0x255: {  	v32 =	vld [tilespmem:s18+$0xEA0];
	[tilespmem:s18+$0xE90] =	vst v0  }
0x256: {  	v33 =	vld [tilespmem:$0xD6A0];
	_ =	sdelay $0x4  }
0x257: {  	v0 =	vadd.f32 v33, v32;
	_ =	sdelay $0x1  }
0x258: {  	v34 =	vld [tilespmem:s18+$0xEB0];
	[tilespmem:s18+$0xEA0] =	vst v0  }
0x259: {  	v35 =	vld [tilespmem:$0xD6B0];
	_ =	sdelay $0x4  }
0x25a: {  	v0 =	vadd.f32 v35, v34;
	_ =	sdelay $0x1  }
0x25b: {  	v36 =	vld [tilespmem:s18+$0xEC0];
	[tilespmem:s18+$0xEB0] =	vst v0  }
0x25c: {  	v37 =	vld [tilespmem:$0xD6C0];
	_ =	sdelay $0x4  }
0x25d: {  	v0 =	vadd.f32 v37, v36;
	_ =	sdelay $0x1  }
0x25e: {  	v38 =	vld [tilespmem:s18+$0xED0];
	[tilespmem:s18+$0xEC0] =	vst v0  }
0x25f: {  	v39 =	vld [tilespmem:$0xD6D0];
	_ =	sdelay $0x4  }
0x260: {  	v0 =	vadd.f32 v39, v38;
	_ =	sdelay $0x1  }
0x261: {  	v40 =	vld [tilespmem:s18+$0xEE0];
	[tilespmem:s18+$0xED0] =	vst v0  }
0x262: {  	v41 =	vld [tilespmem:$0xD6E0];
	_ =	sdelay $0x4  }
0x263: {  	v0 =	vadd.f32 v41, v40;
	_ =	sdelay $0x1  }
0x264: {  	v42 =	vld [tilespmem:s18+$0xEF0];
	[tilespmem:s18+$0xEE0] =	vst v0  }
0x265: {  	v43 =	vld [tilespmem:$0xD6F0];
	_ =	sdelay $0x4  }
0x266: {  	v0 =	vadd.f32 v43, v42;
	_ =	sdelay $0x1  }
0x267: {  	v44 =	vld [tilespmem:s18+$0xF00];
	[tilespmem:s18+$0xEF0] =	vst v0  }
0x268: {  	v45 =	vld [tilespmem:$0xD700];
	_ =	sdelay $0x4  }
0x269: {  	v0 =	vadd.f32 v45, v44;
	_ =	sdelay $0x1  }
0x26a: {  	v46 =	vld [tilespmem:s18+$0xF10];
	[tilespmem:s18+$0xF00] =	vst v0  }
0x26b: {  	v47 =	vld [tilespmem:$0xD710];
	_ =	sdelay $0x4  }
0x26c: {  	v0 =	vadd.f32 v47, v46;
	_ =	sdelay $0x1  }
0x26d: {  	v48 =	vld [tilespmem:s18+$0xF20];
	[tilespmem:s18+$0xF10] =	vst v0  }
0x26e: {  	v49 =	vld [tilespmem:$0xD720];
	_ =	sdelay $0x4  }
0x26f: {  	v0 =	vadd.f32 v49, v48;
	_ =	sdelay $0x1  }
0x270: {  	v50 =	vld [tilespmem:s18+$0xF30];
	[tilespmem:s18+$0xF20] =	vst v0  }
0x271: {  	v51 =	vld [tilespmem:$0xD730];
	_ =	sdelay $0x4  }
0x272: {  	v0 =	vadd.f32 v51, v50;
	_ =	sdelay $0x1  }
0x273: {  	v52 =	vld [tilespmem:s18+$0xF40];
	[tilespmem:s18+$0xF30] =	vst v0  }
0x274: {  	v53 =	vld [tilespmem:$0xD740];
	_ =	sdelay $0x4  }
0x275: {  	v0 =	vadd.f32 v53, v52;
	_ =	sdelay $0x1  }
0x276: {  	v54 =	vld [tilespmem:s18+$0xF50];
	[tilespmem:s18+$0xF40] =	vst v0  }
0x277: {  	v55 =	vld [tilespmem:$0xD750];
	_ =	sdelay $0x4  }
0x278: {  	v0 =	vadd.f32 v55, v54;
	_ =	sdelay $0x1  }
0x279: {  	v56 =	vld [tilespmem:s18+$0xF60];
	[tilespmem:s18+$0xF50] =	vst v0  }
0x27a: {  	v57 =	vld [tilespmem:$0xD760];
	_ =	sdelay $0x4  }
0x27b: {  	v0 =	vadd.f32 v57, v56;
	_ =	sdelay $0x1  }
0x27c: {  	v58 =	vld [tilespmem:s18+$0xF70];
	[tilespmem:s18+$0xF60] =	vst v0  }
0x27d: {  	v59 =	vld [tilespmem:$0xD770];
	_ =	sdelay $0x4  }
0x27e: {  	v0 =	vadd.f32 v59, v58;
	_ =	sdelay $0x1  }
0x27f: {  	v60 =	vld [tilespmem:s18+$0xF80];
	[tilespmem:s18+$0xF70] =	vst v0  }
0x280: {  	v61 =	vld [tilespmem:$0xD780];
	_ =	sdelay $0x4  }
0x281: {  	v0 =	vadd.f32 v61, v60;
	_ =	sdelay $0x1  }
0x282: {  	v62 =	vld [tilespmem:s18+$0xF90];
	[tilespmem:s18+$0xF80] =	vst v0  }
0x283: {  	v63 =	vld [tilespmem:$0xD790];
	_ =	sdelay $0x1  }
0x284: {  	p0 =	sne.s32 s17, $0xF  }
.Ltmp1:
0x285: {  	_ = 	snop;
	(pc) =	sbr.rel @p0 .LBB2_5-.Ltmp1, $3  }
0x286: {  	_ = 	snop  }
0x287: {  	v0 =	vadd.f32 v63, v62;
	_ =	sdelay $0x1  }
0x288: {  	s17 =	sadd.s32 $0x1, s17;
	[tilespmem:s18+$0xF90] =	vst v0  }
0x289: {  	s15 =	sadd.s32 $0x1, s15  }
0x28a: {  	s16 =	sshll.u32 s16, $0x3;
	p0 =	sne.s32 s15, $0x8  }
.Ltmp2:
0x28b: {  	s16 =	sadd.s32 s2, s16;
	(pc) =	sbr.rel @p0 .LBB2_4-.Ltmp2, $4  }
0x28c: {  	[hbm4b:s16+s4] =	stream.linear.scatter [tilespmem:s11], [sflag:$0x2], $0xC800, $0x38;
	[tilespmem:$0xD920] =	vst v63  }
0x28d: {  	_ =	swait.ge [sflag:s10], $0xC800  }
0x28e: {  	[sflag:s10] =	ssyncset.done $0x0  }
0x28f: {  	[sflag:s10] =	ssyncadd.s32 $0xFFFF3800  }
0x290: {  	s13 =	sadd.s32 $0x1, s13  }
0x291: {  	p0 =	sne.s32 s13, s8  }
.Ltmp3:
0x292: {  	_ = 	snop;
	(pc) =	sbr.rel @p0 .LBB2_1-.Ltmp3, $1  }
0x293: {  	_ =	sdelay $0x3  }
0x294: {  	_ =	sfence.sel $0x180000  }
0x295: {  	[bflag:$0x0] =	sbarrier.arrive $0xFFFF  }
0x296: {  	p0 =	sne.s32 s3, $0x0;
	_ =	strace $0x90000047  }
0x297: {  	s0 =	sadd.s32 @!p0 $0x100000, s0;
	[bflag:$0x2] =	sbarrier.arrive $0xFFFF  }
0x298: {  	[sflag:s0] =	ssyncadd.tile.s32 @!p0 $0x1;
	_ =	shalt  }
.Lfunc_end2:
_tile_overlayer_lowered:
.L_overlay_start_2:
0x299: {  	(tag) =	ssettag $0x2  }
0x29a: {  	s0 =	rddreg [dreg:$0x0];
	s2 =	stileid.u32  }
0x29b: {  	s1 =	rddreg [dreg:$0x1];
	p0 =	sne.s32 s2, $0x0  }
0x29c: {  	s3 =	rddreg [dreg:$0x2];
	[bflag:$0x3] =	sbarrier.arrive $0xFFFF;
	s2 =	simm.s32 @!p0 $0x1C02  }
0x29d: {  	[timem:s3], [sflag:s2] =	dma.local @!p0 [hbm:s0], s1  }
0x29e: {  	s0 =	simm.s32 @!p0 $0x2  }
0x29f: {  	_ =	swait.ge @!p0 [sflag:s0], s1  }
0x2a0: {  	s1 =	ssub.s32 @!p0 $0x0, s1;
	[sflag:s0] =	ssyncset.done @!p0 $0x0  }
0x2a1: {  	[sflag:s0] =	ssyncadd.s32 @!p0 s1  }
0x2a2: {  	[bflag:$0x3] =	sbarrier.arrive $0xFFFF  }
0x2a3: {  	_ =	shalt  }

// kernel: sparse-core-data-format-call.cloned.1.call-start
scs
called_computation_lowered:
.L_overlay_start_0:
0x0: {  	s2 =	sld [smem:$0x3FD9]  }
0x1: {  	s3 =	sld [smem:$0x3FFE];
	_ =	sdelay $0x1  }
0x2: {  	s1 =	srdreg.scid  }
0x3: {  	s0 =	sand.u32 $0x1, s1  }
0x4: {  	s18 =	sshll.u32 s0, $0xA;
	s2 =	sadd.s32 s3, s2  }
0x5: {  	s2 =	sadd.s32 s2, s18  }
0x6: {  	[smem:$0x3FC5] =	sst s2  }
0x7: {  	_ = 	snop  }
0x8: {  	s2 =	sld [smem:$0x3FD0];
	(tm) =	ssettm $0x1  }
0x9: {  	s19 =	sld [smem:$0x3FFB];
	_ =	sdelay $0x3  }
0xa: {  	_ =	strace s19  }
0xb: {  	s3 =	sld [smem:$0x3FFC];
	_ =	sdelay $0x3  }
0xc: {  	_ =	strace s3  }
0xd: {  	s3 =	sld [smem:$0x3FFD];
	_ =	sdelay $0x3  }
0xe: {  	_ =	strace s3  }
0xf: {  	_ =	strace $0x8FFFFFFF  }
0x10: {  	s20 =	sld [smem:$0x3FDB];
	_ =	sdelay $0x1  }
0x11: {  	s4 =	simm.s32 $_scs_section_size  }
0x12: {  	s5 =	simm.s32 $_size__tile_overlayer_lowered;
	s6 =	simm.s32 $_tile_overlayer_lowered  }
0x13: {  	s23 =	simm.s32 $0x1BFF;
	s22 =	sshll.u32 s6, $0x1;
	s3 =	sadd.s32 s4, s20  }
0x14: {  	s7 =	simm.s32 $0x0;
	s21 =	sshll.u32 s5, $0x1;
	s5 =	sadd.s32 s22, s3  }
0x15: {  	[timem:s7], [sflag:s23] =	dma.local [hbm:s5], s21  }
0x16: {  	_ =	swait.ge [sflag:s23], s21  }
0x17: {  	s4 =	ssub.s32 $0x0, s21;
	[sflag:s23] =	ssyncset.done $0x0  }
0x18: {  	[sflag:s23] =	ssyncadd.s32 s4;
	_ =	sdelay $0x1  }
0x19: {  	s24 =	simm.s32 $0x1B8B  }
0x1a: {  	_ =	swait.ge [sflag:s24], $0x1  }
0x1b: {  	[sflag:s24] =	ssyncset.done $0x0  }
0x1c: {  	s26 =	simm.s32 $0x1B8E;
	s25 =	sld [smem:$0x3FFE];
	[sflag:s24] =	ssyncadd.s32 $0xFFFFFFFF  }
0x1d: {  	s27 =	simm.s32 $execute0_lowered;
	[smem:$0x3FD2] =	sst s26  }
0x1e: {  	s5 =	sshll.u32 s27, $0x1;
	_ =	strace $0x80000049;
	[dreg:$0x1] =	wrdreg $0xFFFFFFFF  }
0x1f: {  	s28 =	simm.s32 $_size_execute0_lowered;
	s3 =	sadd.s32 s3, s5;
	[dreg:$0x0] =	wrdreg $0x0  }
0x20: {  	s5 =	sshll.u32 s28, $0x1;
	[dreg:$0x2] =	wrdreg s3  }
0x21: {  	[dreg:$0x3] =	wrdreg s5  }
0x22: {  	[dreg:$0x4] =	wrdreg $0xC0  }
0x23: {  	_ =	task [dreg:s7], $0x5FFFF  }
0x24: {  	[dreg:$0x1] =	wrdreg $0xFFFFFFFF  }
0x25: {  	[dreg:$0x0] =	wrdreg $0x60  }
0x26: {  	[dreg:$0x2] =	wrdreg s25  }
0x27: {  	[dreg:$0x3] =	wrdreg s2  }
0x28: {  	[dreg:$0x4] =	wrdreg $0x9  }
0x29: {  	_ =	task.clear_ibuf [dreg:s7], $0x5FFFF;
	_ =	strace $0x90000049  }
0x2a: {  	s29 =	simm.s32 $0x9;
	_ =	strace $0x8000004B  }
0x2b: {  	_ =	swait.ge [sflag:s29], $0x1  }
0x2c: {  	[sflag:s29] =	ssyncadd.s32 $0xFFFFFFFF  }
0x2d: {  	_ =	strace $0x9000004B  }
0x2e: {  	_ =	sfence  }
0x2f: {  	s30 =	sld [smem:$0x0];
	_ =	sdelay $0x2  }
0x30: {  	s31 =	sshll.u32 s1, $0xD;
	s1 =	sshrl.u32 s1, $0x2  }
0x31: {  	s3 =	sand.u32 $0x4000, s31;
	s1 =	sadd.s32 s1, s30  }
0x32: {  	s0 =	sor.u32 s3, s0;
	s1 =	sshll.u32 s1, $0x11  }
0x33: {  	s0 =	sor.u32 s1, s0  }
0x34: {  	s0 =	sadd.s32 $0x8F2B, s0  }
0x35: {  	[sflag:s0] =	ssyncadd.remote.s32 $0x1  }
0x36: {  	_ =	sfence.sel $0xFFFF  }
0x37: {  	[dreg:$0x0] =	wrdreg $0xFFFFFFFF;
	(pc) =	sbr.abs _section_cstart, $3  }
0x38: {  	[dreg:$0x1] =	wrdreg $0xFFFFFFFF  }
0x39: {  	_ =	task.clear_ibuf [dreg:s7], $0x2FFFF;
	_ =	strace $0x9FFFFFFF  }
0x3a: {  	(tm) =	ssettm $0x7FFFFFFF  }
0x3b: {  	_ =	shalt  }
tec
execute0_lowered:
.L_overlay_start_1:
0x0: {  	(tag) =	ssettag $0x1  }
0x1: {  	s0 =	srdreg.scid  }
0x2: {  	s1 =	sshll.u32 s0, $0x4  }
0x3: {  	s4 =	rddreg [dreg:$0x0];
	s0 =	stileid.u32;
	s1 =	sand.u32 $0x10, s1  }
0x4: {  	s2 =	rddreg [dreg:$0x1];
	s7 =	simm.s32 $0x1;
	s1 =	sor.u32 s0, s1  }
0x5: {  	s8 =	simm.s32 $0x2;
	s11 =	simm.s32 $0x0;
	s3 =	sshll.u32 s1, $0x7  }
0x6: {  	s10 =	simm.s32 $0x0;
	s4 =	sadd.s32 $0xA00, s4;
	s6 =	ssub.s32 $0x32000, s3  }
.Ltmp0:
0x7: {  	s1 =	rddreg [dreg:$0x2];
	s5 =	sand.u32 $0xF80, s6;
	(pc) =	sbr.rel .LBB1_1-.Ltmp0, $4  }
0x8: {  	_ =	strace $0x8000004A;
	s9 =	smov.u32 s3;
	p0 =	sne.s32 s5, $0x0  }
0x9: {  	s6 =	sshrl.u32 s6, $0xC;
	s5 =	simm.s32 $0x1;
	s7 =	simm.s32 @!p0 $0x0  }
0xa: {  	[sflag:s5] =	ssyncpa.u1 $0x0;
	p0 =	por $0x0, $0x0;
	s6 =	sadd.s32 s7, s6  }
0xb: {  	[sflag:s8] =	ssyncpa.u1 $0x0;
	s8 =	simm.s32 $0x190000;
	s7 =	sadd.s32 $0x1, s6  }
.LBB1_4:
0xc: {  	s14 =	sshll.u32 s11, $0x3  }
0xd: {  	s30 =	sand.u32 $0x7F, s11;
	s15 =	sand.u32 $0xFFFFFC00, s14  }
0xe: {  	s11 =	sor.u32 s30, s15  }
0xf: {  	s15 =	smulhi.u32 $0x51EB851F, s11  }
0x10: {  	s14 =	smulhi.u32 $0x51EB851F, s14  }
0x11: {  	s15 =	sshrl.u32 s15, $0x10  }
0x12: {  	s14 =	sshrl.u32 s14, $0x10;
	s15 =	smul.u32 $0x32000, s15  }
0x13: {  	s14 =	sand.u32 $0x3F, s14  }
0x14: {  	s14 =	smul.u32 $0x6400, s14;
	s11 =	ssub.s32 s11, s15  }
0x15: {  	[tilespmem:s13+$0x810 ss:$0x81] =	vst.msk $0xffff, v2;
	s15 =	sand.u32 $0x7, s11  }
0x16: {  	[tilespmem:s13+$0x1020 ss:$0x81] =	vst.msk $0xffff, v0;
	s14 =	sadd.s32 s2, s14;
	s11 =	sshrl.u32 s11, $0x3;
	s15 =	sshll.u32 s15, $0x12  }
0x17: {  	[tilespmem:s13+$0x0 ss:$0x81] =	vst.msk $0xffff, v1;
	s11 =	sadd.s32 s11, s14;
	s31 =	sor.u32 $0x400, s15  }
0x18: {  	[hbm4b:s11+s31] =	stream.strided.scatter [tilespmem:s12], [sflag:$0x2], $0x2000, s8, s31, $0x20;
	[tilespmem:$0x8080] =	vst v63  }
.LBB1_5:
0x19: {  	s13 =	sadd.s32 $0x1000, s9  }
0x1a: {  	p2 =	sgt.s32 s13, $0x31FFF  }
0x1b: {  	s13 =	smov.u32 @p2 s3;
	p2 =	sne.s32 s10, s7  }
.Ltmp1:
0x1c: {  	p1 =	slt.u32 s10, $0x2;
	(pc) =	sbr.rel @!p2 .LBB1_6-.Ltmp1, $4  }
0x1d: {  	s12 =	simm.s32 @!p1 $0x2  }
0x1e: {  	s14 =	sadd.s32 $0x1, s10;
	_ =	swait.ge @!p1 [sflag:s12], $0x2000  }
0x1f: {  	s11 =	smov.u32 s9;
	p0 =	por !p0, !p0;
	[sflag:s12] =	ssyncset.done @!p1 $0x0  }
0x20: {  	s10 =	smov.u32 s14;
	s9 =	smov.u32 s13;
	[sflag:s12] =	ssyncadd.s32 @!p1 $0xFFFFE000  }
.LBB1_1:
0x21: {  	p1 =	sge.u32 s10, s6  }
0x22: {  	s12 =	sand.u32 @!p1 $0x1FFFFFF, s9  }
0x23: {  	s13 =	smulhi.u32 @!p1 $0x147AE15, s12;
	_ =	sdelay $0x1  }
0x24: {  	s13 =	sshrl.u32 @!p1 s13, $0xA  }
0x25: {  	s13 =	smul.u32 @!p1 $0x32000, s13;
	_ =	sdelay $0x1  }
0x26: {  	s31 =	sadd.s32 $0xFFFFFFFF, s10;
	s14 =	sxor.u32 @!p1 $0xFFFFFFFF, s10;
	s12 =	ssub.s32 @!p1 s12, s13  }
0x27: {  	s15 =	simm.s32 @!p1 $0x80;
	s14 =	sshll.u32 @!p1 s14, $0xD;
	s12 =	sshll.u32 @!p1 s12, $0x4  }
0x28: {  	s13 =	sand.u32 @!p1 $0x2000, s14;
	s14 =	simm.s32 @!p1 $0x40;
	s12 =	sadd.s32 @!p1 s4, s12  }
0x29: {  	[tilespmem:s13], [sflag:$0x1] =	stream.strided.gather @!p1 [hbm4b:s12+s14], $0x2000, s15, s14, $0x38;
	[tilespmem:$0x8080] =	vst v63  }
0x2a: {  	p1 =	sge.u32 s31, s6  }
.Ltmp2:
0x2b: {  	_ = 	snop;
	(pc) =	sbr.rel @p1 .LBB1_5-.Ltmp2, $1  }
0x2c: {  	_ =	sdelay $0x3  }
0x2d: {  	s12 =	simm.s32 $0x1  }
0x2e: {  	_ =	swait.ge [sflag:s5], $0x2000;
	s12 =	simm.s32 @!p0 $0x0  }
0x2f: {  	[sflag:s5] =	ssyncset.done $0x0;
	s13 =	sshll.u32 s12, $0xD  }
0x30: {  	[sflag:s5] =	ssyncadd.s32 $0xFFFFE000;
	s16 =	sor.u32 $0x20, s13  }
0x31: {  	s12 =	smul.u32 $0x8100, s12;
	v3 =	vld [tilespmem:s16+$0x10]  }
0x32: {  	s30 =	sand.u32 $0x1, s10;
	v2 =	vld [tilespmem:s16+$0xFFFFFFF0]  }
0x33: {  	s13 =	smul.u32 $0x8100, s30;
	s12 =	sshrl.u32 s12, $0x2;
	v0 =	vld [tilespmem:s16+$0x0]  }
0x34: {  	v1 =	vld [tilespmem:s16+$0xFFFFFFE0];
	s14 =	sor.u32 $0x4000, s12  }
0x35: {  	s31 =	sshrl.u32 s13, $0x2;
	s13 =	sadd.s32 $0x0, s14  }
0x36: {  	s15 =	simm.s32 $0x4;
	s16 =	sadd.s32 $0x40, s16;
	s12 =	sor.u32 $0x4000, s31;
	[tilespmem:s13+$0x1830 ss:$0x81] =	vst.msk $0xffff, v3  }
.LBB1_3:
0x37: {  	v3 =	vld [tilespmem:s16+$0x10];
	p1 =	sne.s32 s15, $0x1FC;
	[tilespmem:s13+$0x810 ss:$0x81] =	vst.msk $0xffff, v2;
	s17 =	smov.u32 s15;
	s15 =	sadd.s32 $0x4, s15  }
.Ltmp3:
0x38: {  	v2 =	vld [tilespmem:s16+$0xFFFFFFF0];
	[tilespmem:s13+$0x1020 ss:$0x81] =	vst.msk $0xffff, v0;
	(pc) =	sbr.rel @p1 .LBB1_3-.Ltmp3, $4  }
0x39: {  	v0 =	vld [tilespmem:s16+$0x0];
	[tilespmem:s13+$0x0 ss:$0x81] =	vst.msk $0xffff, v1  }
0x3a: {  	s13 =	sshra.s32 s17, $0x2;
	v1 =	vld [tilespmem:s16+$0xFFFFFFE0]  }
0x3b: {  	s13 =	sadd.s32 s13, s14  }
0x3c: {  	s16 =	sadd.s32 $0x40, s16;
	[tilespmem:s13+$0x1830 ss:$0x81] =	vst.msk $0xffff, v3  }
.Ltmp4:
0x3d: {  	_ = 	snop;
	(pc) =	sbr.rel .LBB1_4-.Ltmp4, $1  }
0x3e: {  	_ =	sdelay $0x3  }
.LBB1_6:
0x3f: {  	_ =	sfence.sel $0x180000  }
0x40: {  	s2 =	simm.s32 $0x1;
	[bflag:$0x0] =	sbarrier.arrive $0xFFFF  }
0x41: {  	s31 =	simm.s32 $0x2;
	[sflag:s2] =	ssyncpa.u1 $0x1  }
0x42: {  	[sflag:s31] =	ssyncpa.u1 $0x1  }
0x43: {  	p0 =	sne.s32 s0, $0x0;
	_ =	strace $0x9000004A  }
0x44: {  	s0 =	sadd.s32 @!p0 $0x100000, s1;
	[bflag:$0x2] =	sbarrier.arrive $0xFFFF  }
0x45: {  	[sflag:s0] =	ssyncadd.tile.s32 @!p0 $0x1;
	_ =	shalt  }
.Lfunc_end1:
_tile_overlayer_lowered:
.L_overlay_start_2:
0x46: {  	(tag) =	ssettag $0x2  }
0x47: {  	s0 =	rddreg [dreg:$0x0];
	s2 =	stileid.u32  }
0x48: {  	s1 =	rddreg [dreg:$0x1];
	p0 =	sne.s32 s2, $0x0  }
0x49: {  	s3 =	rddreg [dreg:$0x2];
	[bflag:$0x3] =	sbarrier.arrive $0xFFFF;
	s2 =	simm.s32 @!p0 $0x1C01  }
0x4a: {  	[timem:s3], [sflag:s2] =	dma.local @!p0 [hbm:s0], s1  }
0x4b: {  	s0 =	simm.s32 @!p0 $0x1  }
0x4c: {  	_ =	swait.ge @!p0 [sflag:s0], s1  }
0x4d: {  	s1 =	ssub.s32 @!p0 $0x0, s1;
	[sflag:s0] =	ssyncset.done @!p0 $0x0  }
0x4e: {  	[sflag:s0] =	ssyncadd.s32 @!p0 s1  }
0x4f: {  	[bflag:$0x3] =	sbarrier.arrive $0xFFFF  }
0x50: {  	_ =	shalt  }

</sc_bundles>
